<compile_context>
chip_gen: v7x
topology: tpu7x:2x2x1
jax: 0.10.2.dev20260603
libtpu: 0.0.44.dev20260713+nightly
codegen_flags: <defaults>
</compile_context>

<pallas_src>
import functools

import jax
import jax.numpy as jnp
from jax import lax
from jax.experimental import pallas as pl
from jax.experimental.pallas import tpu as pltpu
from jax.experimental.pallas import tpu_sc as plsc

N = 10000
E = 320000
H = 128
HC = H // 2
OUT = 64

NC = 2
NS = 16
NW = NC * NS
CHUNK = 256
BANKC = 8
NB = 10
CPW = NB * BANKC
NG = CPW
E_PAD = CPW * NS * CHUNK

EMB_CHUNK = 64
EMB_CPT = -(-N // (NS * EMB_CHUNK))
N_PAD = EMB_CPT * NS * EMB_CHUNK
AGG_ROWS = N + 112
AGG_PER_TILE = AGG_ROWS // NS
DEG_LEN = 10112
DEG_PER_TILE = DEG_LEN // NS


def _mesh():
    return plsc.VectorSubcoreMesh(
        core_axis_name="c", subcore_axis_name="s", num_cores=NC, num_subcores=NS
    )


_SC_PARAMS = pltpu.CompilerParams(use_tc_tiling_on_sc=False)


def _sc_l0_body(key_hbm, val_hbm, kidx_h, vidx_h, src_h, dst_h,
                zagg_h, zdeg_h, ones_h,
                h0c_h, aggp_h, degp_h,
                kidx_v, vidx_v, kbuf, vbuf, hbuf,
                sidxb, didxb, ones_v, ebufs, agg_sh, deg_sh,
                sem_e, sem_h, sem_i, sem_g, sem_s, sem_d):
    c = lax.axis_index("c")
    s = lax.axis_index("s")

    zbase = s * AGG_PER_TILE
    pltpu.sync_copy(zagg_h, agg_sh.at[pl.ds(zbase, AGG_PER_TILE)])
    dzbase = s * DEG_PER_TILE
    pltpu.sync_copy(zdeg_h, deg_sh.at[pl.ds(dzbase, DEG_PER_TILE)])
    pltpu.sync_copy(ones_h, ones_v)

    pltpu.sync_copy(kidx_h.at[pl.ds(s * EMB_CPT, EMB_CPT)], kidx_v)
    pltpu.sync_copy(vidx_h.at[pl.ds(s * EMB_CPT, EMB_CPT)], vidx_v)
    col0 = c * HC

    def fire_emb(t, slot):
        pltpu.async_copy(key_hbm.at[kidx_v.at[t]], kbuf.at[slot], sem_e)
        pltpu.async_copy(val_hbm.at[vidx_v.at[t]], vbuf.at[slot], sem_e)

    fire_emb(0, 0)
    for t in range(EMB_CPT):
        slot = t % 2
        for _ in range(2):
            pltpu.make_async_copy(key_hbm.at[pl.ds(0, EMB_CHUNK)],
                                  kbuf.at[slot], sem_e).wait()
        if t + 1 < EMB_CPT:
            fire_emb(t + 1, 1 - slot)
        if t >= 2:
            pltpu.make_async_copy(hbuf.at[slot],
                                  h0c_h.at[0, pl.ds(0, EMB_CHUNK)],
                                  sem_h).wait()

        def row_body(r, carry):
            for j in range(HC // 16):
                off = col0 + j * 16
                k16 = kbuf[slot, r, pl.ds(off, 16)]
                v16 = vbuf[slot, r, pl.ds(off, 16)]
                hbuf[slot, r, pl.ds(j * 16, 16)] = jnp.maximum(k16 + v16, 0.0)
            return carry

        lax.fori_loop(0, EMB_CHUNK, row_body, 0)
        base = (s * EMB_CPT + t) * EMB_CHUNK
        pltpu.async_copy(hbuf.at[slot], h0c_h.at[c, pl.ds(base, EMB_CHUNK)],
                         sem_h)
    for slot in range(2):
        pltpu.make_async_copy(hbuf.at[slot],
                              h0c_h.at[0, pl.ds(0, EMB_CHUNK)], sem_h).wait()
    plsc.subcore_barrier()

    yc = h0c_h.at[c]

    def fire_idx(b):
        slot = lax.rem(b, 2)
        pltpu.async_copy(src_h.at[pl.ds(s * CPW + b * BANKC, BANKC)],
                         sidxb.at[slot], sem_i)
        pltpu.async_copy(dst_h.at[pl.ds(s * CPW + b * BANKC, BANKC)],
                         didxb.at[slot], sem_i)

    def drain_idx():
        pltpu.make_async_copy(src_h.at[pl.ds(0, BANKC)], sidxb.at[0],
                              sem_i).wait()
        pltpu.make_async_copy(dst_h.at[pl.ds(0, BANKC)], didxb.at[0],
                              sem_i).wait()

    def fire_gather(slot, k, bank):
        pltpu.async_copy(yc.at[sidxb.at[slot, k]], ebufs.at[bank], sem_g)

    def drain_buf(bank, sem):
        pltpu.make_async_copy(yc.at[pl.ds(0, CHUNK)], ebufs.at[bank],
                              sem).wait()

    fire_idx(0)
    drain_idx()
    fire_gather(0, 0, 0)

    def bank_body(b, carry):
        bslot = lax.rem(b, 2)

        for k in range(BANKC):
            g = b * BANKC + k
            p = lax.rem(g, 2)
            drain_buf(p, sem_g)

            @pl.when(g > 0)
            def _():
                drain_buf(1 - p, sem_s)

            if k == 1:
                @pl.when(b + 1 < NB)
                def _():
                    fire_idx(b + 1)

            if k == BANKC - 1:
                @pl.when(b + 1 < NB)
                def _():
                    drain_idx()
                    fire_gather(1 - bslot, 0, 1 - p)
            else:
                fire_gather(bslot, k + 1, 1 - p)

            pltpu.async_copy(ebufs.at[p], agg_sh.at[didxb.at[bslot, k]],
                             sem_s, add=True)
            pltpu.async_copy(ones_v, deg_sh.at[didxb.at[bslot, k]],
                             sem_d, add=True)
        return carry

    lax.fori_loop(0, NB, bank_body, 0)
    drain_buf(lax.rem(NG - 1, 2), sem_s)
    for _ in range(NB):
        pltpu.make_async_copy(dst_h.at[pl.ds(0, BANKC)], didxb.at[0],
                              sem_d).wait()
    plsc.subcore_barrier()

    pltpu.sync_copy(agg_sh.at[pl.ds(zbase, AGG_PER_TILE)],
                    aggp_h.at[c, pl.ds(zbase, AGG_PER_TILE)])
    pltpu.sync_copy(deg_sh.at[pl.ds(dzbase, DEG_PER_TILE)],
                    degp_h.at[c, pl.ds(dzbase, DEG_PER_TILE)])


@jax.jit
def _sc_l0(key_emb, val_emb, kidx, vidx, src2, dst2, zagg, zdeg, ones):
    kern = pl.kernel(
        _sc_l0_body,
        out_type=(
            jax.ShapeDtypeStruct((NC, N_PAD, HC), jnp.float32),
            jax.ShapeDtypeStruct((NC, AGG_ROWS, HC), jnp.float32),
            jax.ShapeDtypeStruct((NC, DEG_LEN), jnp.float32),
        ),
        mesh=_mesh(),
        scratch_types=[
            pltpu.VMEM((EMB_CPT, EMB_CHUNK), jnp.int32),
            pltpu.VMEM((EMB_CPT, EMB_CHUNK), jnp.int32),
            pltpu.VMEM((2, EMB_CHUNK, H), jnp.float32),
            pltpu.VMEM((2, EMB_CHUNK, H), jnp.float32),
            pltpu.VMEM((2, EMB_CHUNK, HC), jnp.float32),
            pltpu.VMEM((2, BANKC, CHUNK), jnp.int32),
            pltpu.VMEM((2, BANKC, CHUNK), jnp.int32),
            pltpu.VMEM((CHUNK,), jnp.float32),
            pltpu.VMEM((2, CHUNK, HC), jnp.float32),
            pltpu.VMEM_SHARED((AGG_ROWS, HC), jnp.float32),
            pltpu.VMEM_SHARED((DEG_LEN,), jnp.float32),
            pltpu.SemaphoreType.DMA,
            pltpu.SemaphoreType.DMA,
            pltpu.SemaphoreType.DMA,
            pltpu.SemaphoreType.DMA,
            pltpu.SemaphoreType.DMA,
            pltpu.SemaphoreType.DMA,
        ],
        compiler_params=_SC_PARAMS,
    )
    return kern(key_emb, val_emb, kidx, vidx, src2, dst2, zagg, zdeg, ones)


def _sc_spmm_body(y_hbm, src_h, dst_h, zagg_h, aggp_h,
                  sidx_v, didx_v, bufs, agg_sh, sem_g, sem_s):
    c = lax.axis_index("c")
    s = lax.axis_index("s")

    zbase = s * AGG_PER_TILE
    pltpu.sync_copy(zagg_h, agg_sh.at[pl.ds(zbase, AGG_PER_TILE)])

    pltpu.sync_copy(src_h.at[pl.ds(s * CPW, CPW)], sidx_v)
    pltpu.sync_copy(dst_h.at[pl.ds(s * CPW, CPW)], didx_v)

    yc = y_hbm.at[c]

    def fire_gather(g, bank):
        pltpu.async_copy(yc.at[sidx_v.at[g]], bufs.at[bank], sem_g)

    def drain(bank, sem):
        pltpu.make_async_copy(yc.at[pl.ds(0, CHUNK)], bufs.at[bank],
                              sem).wait()

    fire_gather(0, 0)
    plsc.subcore_barrier()

    def body(g, carry):
        p = lax.rem(g, 2)
        drain(p, sem_g)

        @pl.when(g > 0)
        def _():
            drain(1 - p, sem_s)

        @pl.when(g + 1 < NG)
        def _():
            fire_gather(g + 1, 1 - p)

        pltpu.async_copy(bufs.at[p], agg_sh.at[didx_v.at[g]], sem_s, add=True)
        return carry

    lax.fori_loop(0, NG, body, 0)
    drain(lax.rem(NG - 1, 2), sem_s)
    plsc.subcore_barrier()

    pltpu.sync_copy(agg_sh.at[pl.ds(zbase, AGG_PER_TILE)],
                    aggp_h.at[c, pl.ds(zbase, AGG_PER_TILE)])


@jax.jit
def _sc_spmm(y, src2, dst2, zagg):
    kern = pl.kernel(
        _sc_spmm_body,
        out_type=jax.ShapeDtypeStruct((NC, AGG_ROWS, HC), jnp.float32),
        mesh=_mesh(),
        scratch_types=[
            pltpu.VMEM((CPW, CHUNK), jnp.int32),
            pltpu.VMEM((CPW, CHUNK), jnp.int32),
            pltpu.VMEM((2, CHUNK, HC), jnp.float32),
            pltpu.VMEM_SHARED((AGG_ROWS, HC), jnp.float32),
            pltpu.SemaphoreType.DMA,
            pltpu.SemaphoreType.DMA,
        ],
        compiler_params=_SC_PARAMS,
    )
    return kern(y, src2, dst2, zagg)


ROWS_BLK = 2000


def _tc_b_body(h0a_ref, h0b_ref, a0_ref, a1_ref, d_ref,
               ws0_ref, wn0_ref, ws1_ref, wn1_ref, s_ref, y_ref):
    scale = 1.0 / jnp.maximum(d_ref[0], 1.0)
    h0 = jnp.concatenate([h0a_ref[0], h0b_ref[0]], axis=1)
    mean = jnp.concatenate([a0_ref[0], a1_ref[0]], axis=1) * scale
    h1 = (jnp.dot(h0, ws0_ref[...], preferred_element_type=jnp.float32)
          + jnp.dot(mean, wn0_ref[...], preferred_element_type=jnp.float32))
    s_ref[...] = jnp.dot(h1, ws1_ref[...], preferred_element_type=jnp.float32)
    y = jnp.dot(h1, wn1_ref[...], preferred_element_type=jnp.float32)
    y_ref[0] = y[:, :HC]
    y_ref[1] = y[:, HC:]


@jax.jit
def _tc_b(h0c, aggp, degp, ws0, wn0, ws1, wn1):
    grid = (N // ROWS_BLK,)
    blk = pl.BlockSpec((ROWS_BLK, H), lambda i: (i, 0))
    h0a = pl.BlockSpec((1, ROWS_BLK, HC), lambda i: (0, i, 0))
    h0b = pl.BlockSpec((1, ROWS_BLK, HC), lambda i: (1, i, 0))
    a0blk = pl.BlockSpec((1, ROWS_BLK, HC), lambda i: (0, i, 0))
    a1blk = pl.BlockSpec((1, ROWS_BLK, HC), lambda i: (1, i, 0))
    dblk = pl.BlockSpec((1, ROWS_BLK, 1), lambda i: (0, i, 0))
    wblk = pl.BlockSpec((H, H), lambda i: (0, 0))
    yblk = pl.BlockSpec((NC, ROWS_BLK, HC), lambda i: (0, i, 0))
    return pl.pallas_call(
        _tc_b_body,
        grid=grid,
        in_specs=[h0a, h0b, a0blk, a1blk, dblk, wblk, wblk, wblk, wblk],
        out_specs=[blk, yblk],
        out_shape=[
            jax.ShapeDtypeStruct((N, H), jnp.float32),
            jax.ShapeDtypeStruct((NC, N, HC), jnp.float32),
        ],
    )(h0c, h0c, aggp, aggp, degp, ws0, wn0, ws1, wn1)


def _tc_d_body(s1_ref, a0_ref, a1_ref, d_ref, wc_ref, o_ref):
    scale = 1.0 / jnp.maximum(d_ref[0], 1.0)
    agg = jnp.concatenate([a0_ref[0], a1_ref[0]], axis=1)
    h = s1_ref[...] + agg * scale
    o_ref[...] = jnp.dot(h, wc_ref[...], preferred_element_type=jnp.float32)


@jax.jit
def _tc_d(s1, aggp, degp, wc):
    grid = (N // ROWS_BLK,)
    blk = pl.BlockSpec((ROWS_BLK, H), lambda i: (i, 0))
    a0blk = pl.BlockSpec((1, ROWS_BLK, HC), lambda i: (0, i, 0))
    a1blk = pl.BlockSpec((1, ROWS_BLK, HC), lambda i: (1, i, 0))
    dblk = pl.BlockSpec((1, ROWS_BLK, 1), lambda i: (0, i, 0))
    wblk = pl.BlockSpec((H, OUT), lambda i: (0, 0))
    oblk = pl.BlockSpec((ROWS_BLK, OUT), lambda i: (i, 0))
    return pl.pallas_call(
        _tc_d_body,
        grid=grid,
        in_specs=[blk, a0blk, a1blk, dblk, wblk],
        out_specs=oblk,
        out_shape=jax.ShapeDtypeStruct((N, OUT), jnp.float32),
    )(s1, aggp, aggp, degp, wc)


def kernel(feats, edge_index, key_emb, val_emb, W_self0, W_neigh0, W_self1,
           W_neigh1, W_cls):
    kidx = jnp.pad(feats[:, 0], (0, N_PAD - N)).reshape(-1, EMB_CHUNK)
    vidx = jnp.pad(feats[:, 1], (0, N_PAD - N)).reshape(-1, EMB_CHUNK)
    pad_iota = jnp.arange(E_PAD - E, dtype=jnp.int32)
    src2 = jnp.concatenate([edge_index[0], pad_iota * 41 % N]).reshape(
        -1, CHUNK)
    pad_dst = N + pad_iota % 112
    dst2 = jnp.concatenate([edge_index[1], pad_dst]).reshape(-1, CHUNK)
    zdeg = jnp.zeros((DEG_PER_TILE,), jnp.float32)
    zagg = jnp.zeros((AGG_PER_TILE, HC), jnp.float32)
    ones = jnp.ones((CHUNK,), jnp.float32)

    h0c, aggp0, degp = _sc_l0(key_emb, val_emb, kidx, vidx, src2, dst2,
                              zagg, zdeg, ones)
    degp3 = degp[:1].reshape(1, DEG_LEN, 1)
    s1, y1 = _tc_b(h0c, aggp0, degp3, W_self0, W_neigh0, W_self1, W_neigh1)
    aggp1 = _sc_spmm(y1, src2, dst2, zagg)
    out = _tc_d(s1, aggp1, degp3, W_cls)
    return out

# --- scband reference (transcript-rebuilt; emitter-appended) ---
"""Pipeline reference for scband-sagemodel-30434138259919 (READ-ONLY COPY).

The authoritative reference and input builder live on the scoring server;
editing this copy changes nothing except your own understanding.
"""

import jax, jax.numpy as jnp
import numpy as np

N = 10000
E = 320000
VOCAB = 100001
H = 128
OUT = 64

def setup_inputs(seed: int = 0):
    key = jax.random.key(seed)
    ks = jax.random.split(key, 9)
    feats = jax.random.randint(ks[0], (N, 2), 0, VOCAB, dtype=jnp.int32)
    edge_index = jax.random.randint(ks[1], (2, E), 0, N, dtype=jnp.int32)
    s = 0.02
    key_emb = jax.random.normal(ks[2], (VOCAB, H), dtype=jnp.float32) * s
    val_emb = jax.random.normal(ks[3], (VOCAB, H), dtype=jnp.float32) * s
    W_self0 = jax.random.normal(ks[4], (H, H), dtype=jnp.float32) * s
    W_neigh0 = jax.random.normal(ks[5], (H, H), dtype=jnp.float32) * s
    W_self1 = jax.random.normal(ks[6], (H, H), dtype=jnp.float32) * s
    W_neigh1 = jax.random.normal(ks[7], (H, H), dtype=jnp.float32) * s
    W_cls = jax.random.normal(ks[8], (H, OUT), dtype=jnp.float32) * s
    return {"feats": feats, "edge_index": edge_index, "key_emb": key_emb, "val_emb": val_emb, "W_self0": W_self0, "W_neigh0": W_neigh0, "W_self1": W_self1, "W_neigh1": W_neigh1, "W_cls": W_cls}

def _sage_layer(x, src, dst, W_self, W_neigh):
    # DGL SAGEConv with 'mean' aggregator, bias=False:
    # out = x @ W_self + mean_{j in N_in(i)}(x_j) @ W_neigh
    msg = x[src]
    agg = jax.ops.segment_sum(msg, dst, num_segments=N)
    deg = jax.ops.segment_sum(jnp.ones((src.shape[0],), x.dtype), dst, num_segments=N)
    mean = agg / jnp.maximum(deg, 1.0)[:, None]
    return x @ W_self + mean @ W_neigh

def reference(feats, edge_index, key_emb, val_emb, W_self0, W_neigh0, W_self1, W_neigh1, W_cls):
    h = key_emb[feats[:, 0]] + val_emb[feats[:, 1]]
    h = jax.nn.relu(h)
    src = edge_index[0]
    dst = edge_index[1]
    h = _sage_layer(h, src, dst, W_self0, W_neigh0)
    # dropout p=0 -> identity
    h = _sage_layer(h, src, dst, W_self1, W_neigh1)
    out = h @ W_cls
    return out

if __name__ == "__main__":
    import jax
    _d = setup_inputs()
    print(jax.jit(kernel)(*tuple(_d.values())))

</pallas_src>

<mosaic_0001>
#map = affine_map<(d0, d1) -> (0, 0)>
#map1 = affine_map<(d0, d1) -> (0)>
#map2 = affine_map<(d0, d1) -> (0, 0, 0)>
module attributes {stable_mosaic.version = 14 : i64} {
  func.func @_sc_l0_body(%arg0: i32, %arg1: i32, %arg2: memref<100001x128xf32, #tpu.memory_space<hbm>>, %arg3: memref<100001x128xf32, #tpu.memory_space<hbm>>, %arg4: memref<160x64xi32, #tpu.memory_space<hbm>>, %arg5: memref<160x64xi32, #tpu.memory_space<hbm>>, %arg6: memref<1280x256xi32, #tpu.memory_space<hbm>>, %arg7: memref<1280x256xi32, #tpu.memory_space<hbm>>, %arg8: memref<632x64xf32, #tpu.memory_space<hbm>>, %arg9: memref<632xf32, #tpu.memory_space<hbm>>, %arg10: memref<256xf32, #tpu.memory_space<hbm>>, %arg11: memref<2x10240x64xf32, #tpu.memory_space<hbm>>, %arg12: memref<2x10112x64xf32, #tpu.memory_space<hbm>>, %arg13: memref<2x10112xf32, #tpu.memory_space<hbm>>, %arg14: memref<10x64xi32, #tpu.memory_space<vmem>>, %arg15: memref<10x64xi32, #tpu.memory_space<vmem>>, %arg16: memref<2x64x128xf32, #tpu.memory_space<vmem>>, %arg17: memref<2x64x128xf32, #tpu.memory_space<vmem>>, %arg18: memref<2x64x64xf32, #tpu.memory_space<vmem>>, %arg19: memref<2x8x256xi32, #tpu.memory_space<vmem>>, %arg20: memref<2x8x256xi32, #tpu.memory_space<vmem>>, %arg21: memref<256xf32, #tpu.memory_space<vmem>>, %arg22: memref<2x256x64xf32, #tpu.memory_space<vmem>>, %arg23: memref<10112x64xf32, #tpu.memory_space<vmem_shared>>, %arg24: memref<10112xf32, #tpu.memory_space<vmem_shared>>, %arg25: memref<!tpu.dma_semaphore, #tpu.memory_space<semaphore_mem>>, %arg26: memref<!tpu.dma_semaphore, #tpu.memory_space<semaphore_mem>>, %arg27: memref<!tpu.dma_semaphore, #tpu.memory_space<semaphore_mem>>, %arg28: memref<!tpu.dma_semaphore, #tpu.memory_space<semaphore_mem>>, %arg29: memref<!tpu.dma_semaphore, #tpu.memory_space<semaphore_mem>>, %arg30: memref<!tpu.dma_semaphore, #tpu.memory_space<semaphore_mem>>) attributes {dimension_semantics = [#tpu.dimension_semantics<core_parallel>, #tpu.dimension_semantics<subcore_parallel>], iteration_bounds = array<i64: 2, 16>, scalar_prefetch = 0 : i64, scratch_operands = 17 : i64, tpu.core_type = #tpu.core_type<sc_vector_subcore>, window_params = [{transform_indices = #map}, {transform_indices = #map}, {transform_indices = #map}, {transform_indices = #map}, {transform_indices = #map}, {transform_indices = #map}, {transform_indices = #map}, {transform_indices = #map1}, {transform_indices = #map1}, {transform_indices = #map2}, {transform_indices = #map2}, {transform_indices = #map}]} {
    %mul3A = arith.constant 632 : i32
    %mul3A_0 = arith.muli %arg1, %mul3A : i32
    "tpu.region"() ({
      %run_scoped3A = tpu.sem_alloc : memref<!tpu.dma_semaphore, #tpu.memory_space<semaphore_mem>>
      %dma_start3A_1258 = arith.constant 0 : i32
      %dma_start3A_1259 = tpu.memref_slice %arg23[%mul3A_0, %dma_start3A_1258] : memref<10112x64xf32, #tpu.memory_space<vmem_shared>> -> memref<632x64xf32, #tpu.memory_space<vmem_shared>>
      tpu.enqueue_dma source(%arg8 : memref<632x64xf32, #tpu.memory_space<hbm>>) target(%dma_start3A_1259 : memref<632x64xf32, #tpu.memory_space<vmem_shared>>) target_semaphore(%run_scoped3A : memref<!tpu.dma_semaphore, #tpu.memory_space<semaphore_mem>>)
      %dma_wait3A_1260 = arith.constant 0 : i32
      %dma_wait3A_1261 = tpu.memref_slice %arg23[%mul3A_0, %dma_wait3A_1260] : memref<10112x64xf32, #tpu.memory_space<vmem_shared>> -> memref<632x64xf32, #tpu.memory_space<vmem_shared>>
      tpu.wait_dma2 semaphore(%run_scoped3A : memref<!tpu.dma_semaphore, #tpu.memory_space<semaphore_mem>>) src(%arg8 : memref<632x64xf32, #tpu.memory_space<hbm>>) dst(%dma_wait3A_1261 : memref<632x64xf32, #tpu.memory_space<vmem_shared>>)
      tpu.yield
    }) : () -> ()
    %mul3A_1 = arith.constant 632 : i32
    %mul3A_2 = arith.muli %arg1, %mul3A_1 : i32
    "tpu.region"() ({
      %run_scoped3A = tpu.sem_alloc : memref<!tpu.dma_semaphore, #tpu.memory_space<semaphore_mem>>
      %dma_start3A_1258 = tpu.memref_slice %arg24[%mul3A_2] : memref<10112xf32, #tpu.memory_space<vmem_shared>> -> memref<632xf32, #tpu.memory_space<vmem_shared>>
      tpu.enqueue_dma source(%arg9 : memref<632xf32, #tpu.memory_space<hbm>>) target(%dma_start3A_1258 : memref<632xf32, #tpu.memory_space<vmem_shared>>) target_semaphore(%run_scoped3A : memref<!tpu.dma_semaphore, #tpu.memory_space<semaphore_mem>>)
      %dma_wait3A_1259 = tpu.memref_slice %arg24[%mul3A_2] : memref<10112xf32, #tpu.memory_space<vmem_shared>> -> memref<632xf32, #tpu.memory_space<vmem_shared>>
      tpu.wait_dma2 semaphore(%run_scoped3A : memref<!tpu.dma_semaphore, #tpu.memory_space<semaphore_mem>>) src(%arg9 : memref<632xf32, #tpu.memory_space<hbm>>) dst(%dma_wait3A_1259 : memref<632xf32, #tpu.memory_space<vmem_shared>>)
      tpu.yield
    }) : () -> ()
    "tpu.region"() ({
      %run_scoped3A = tpu.sem_alloc : memref<!tpu.dma_semaphore, #tpu.memory_space<semaphore_mem>>
      tpu.enqueue_dma source(%arg10 : memref<256xf32, #tpu.memory_space<hbm>>) target(%arg21 : memref<256xf32, #tpu.memory_space<vmem>>) target_semaphore(%run_scoped3A : memref<!tpu.dma_semaphore, #tpu.memory_space<semaphore_mem>>)
      tpu.wait_dma2 semaphore(%run_scoped3A : memref<!tpu.dma_semaphore, #tpu.memory_space<semaphore_mem>>) src(%arg10 : memref<256xf32, #tpu.memory_space<hbm>>) dst(%arg21 : memref<256xf32, #tpu.memory_space<vmem>>)
      tpu.yield
    }) : () -> ()
    %mul3A_3 = arith.constant 10 : i32
    %mul3A_4 = arith.muli %arg1, %mul3A_3 : i32
    "tpu.region"() ({
      %run_scoped3A = tpu.sem_alloc : memref<!tpu.dma_semaphore, #tpu.memory_space<semaphore_mem>>
      %dma_start3A_1258 = arith.constant 0 : i32
      %dma_start3A_1259 = tpu.memref_slice %arg4[%mul3A_4, %dma_start3A_1258] : memref<160x64xi32, #tpu.memory_space<hbm>> -> memref<10x64xi32, #tpu.memory_space<hbm>>
      %dma_start3A_1260 = arith.constant 0 : i32
      %dma_start3A_1261 = tpu.memref_slice %arg4[%mul3A_4, %dma_start3A_1260] : memref<160x64xi32, #tpu.memory_space<hbm>> -> memref<10x64xi32, #tpu.memory_space<hbm>>
      tpu.enqueue_dma source(%dma_start3A_1261 : memref<10x64xi32, #tpu.memory_space<hbm>>) target(%arg14 : memref<10x64xi32, #tpu.memory_space<vmem>>) target_semaphore(%run_scoped3A : memref<!tpu.dma_semaphore, #tpu.memory_space<semaphore_mem>>)
      %dma_wait3A_1262 = arith.constant 0 : i32
      %dma_wait3A_1263 = tpu.memref_slice %arg4[%mul3A_4, %dma_wait3A_1262] : memref<160x64xi32, #tpu.memory_space<hbm>> -> memref<10x64xi32, #tpu.memory_space<hbm>>
      %dma_wait3A_1264 = arith.constant 0 : i32
      %dma_wait3A_1265 = tpu.memref_slice %arg4[%mul3A_4, %dma_wait3A_1264] : memref<160x64xi32, #tpu.memory_space<hbm>> -> memref<10x64xi32, #tpu.memory_space<hbm>>
      tpu.wait_dma2 semaphore(%run_scoped3A : memref<!tpu.dma_semaphore, #tpu.memory_space<semaphore_mem>>) src(%dma_wait3A_1265 : memref<10x64xi32, #tpu.memory_space<hbm>>) dst(%arg14 : memref<10x64xi32, #tpu.memory_space<vmem>>)
      tpu.yield
    }) : () -> ()
    %mul3A_5 = arith.constant 10 : i32
    %mul3A_6 = arith.muli %arg1, %mul3A_5 : i32
    "tpu.region"() ({
      %run_scoped3A = tpu.sem_alloc : memref<!tpu.dma_semaphore, #tpu.memory_space<semaphore_mem>>
      %dma_start3A_1258 = arith.constant 0 : i32
      %dma_start3A_1259 = tpu.memref_slice %arg5[%mul3A_6, %dma_start3A_1258] : memref<160x64xi32, #tpu.memory_space<hbm>> -> memref<10x64xi32, #tpu.memory_space<hbm>>
      %dma_start3A_1260 = arith.constant 0 : i32
      %dma_start3A_1261 = tpu.memref_slice %arg5[%mul3A_6, %dma_start3A_1260] : memref<160x64xi32, #tpu.memory_space<hbm>> -> memref<10x64xi32, #tpu.memory_space<hbm>>
      tpu.enqueue_dma source(%dma_start3A_1261 : memref<10x64xi32, #tpu.memory_space<hbm>>) target(%arg15 : memref<10x64xi32, #tpu.memory_space<vmem>>) target_semaphore(%run_scoped3A : memref<!tpu.dma_semaphore, #tpu.memory_space<semaphore_mem>>)
      %dma_wait3A_1262 = arith.constant 0 : i32
      %dma_wait3A_1263 = tpu.memref_slice %arg5[%mul3A_6, %dma_wait3A_1262] : memref<160x64xi32, #tpu.memory_space<hbm>> -> memref<10x64xi32, #tpu.memory_space<hbm>>
      %dma_wait3A_1264 = arith.constant 0 : i32
      %dma_wait3A_1265 = tpu.memref_slice %arg5[%mul3A_6, %dma_wait3A_1264] : memref<160x64xi32, #tpu.memory_space<hbm>> -> memref<10x64xi32, #tpu.memory_space<hbm>>
      tpu.wait_dma2 semaphore(%run_scoped3A : memref<!tpu.dma_semaphore, #tpu.memory_space<semaphore_mem>>) src(%dma_wait3A_1265 : memref<10x64xi32, #tpu.memory_space<hbm>>) dst(%arg15 : memref<10x64xi32, #tpu.memory_space<vmem>>)
      tpu.yield
    }) : () -> ()
    %mul3A_7 = arith.constant 64 : i32
    %mul3A_8 = arith.muli %arg0, %mul3A_7 : i32
    %dma_start3A = arith.constant 0 : i32
    %dma_start3A_9 = arith.constant 0 : i32
    %dma_start3A_10 = arith.constant 0 : i32
    %dma_start3A_11 = arith.constant 0 : i32
    %dma_start3A_12 = tpu.memref_slice %arg16[%dma_start3A_9, %dma_start3A_10, %dma_start3A_11] : memref<2x64x128xf32, #tpu.memory_space<vmem>> -> memref<1x64x128xf32, #tpu.memory_space<vmem>>
    %dma_start3A_13 = tpu.memref_squeeze %dma_start3A_12 : memref<1x64x128xf32, #tpu.memory_space<vmem>> -> memref<64x128xf32, #tpu.memory_space<vmem>>
    %dma_start3A_14 = arith.constant 0 : i32
    %dma_start3A_15 = tpu.memref_slice %arg14[%dma_start3A, %dma_start3A_14] : memref<10x64xi32, #tpu.memory_space<vmem>> -> memref<1x64xi32, #tpu.memory_space<vmem>>
    %dma_start3A_16 = tpu.memref_squeeze %dma_start3A_15 : memref<1x64xi32, #tpu.memory_space<vmem>> -> memref<64xi32, #tpu.memory_space<vmem>>
    %dma_start3A_17 = arith.constant 0 : i32
    %dma_start3A_18 = arith.constant 0 : i32
    %dma_start3A_19 = tpu.memref_slice %arg2[%dma_start3A_17, %dma_start3A_18] : memref<100001x128xf32, #tpu.memory_space<hbm>> -> memref<100001x128xf32, #tpu.memory_space<hbm>>
    tpu.enqueue_indirect_dma source(%dma_start3A_19 : memref<100001x128xf32, #tpu.memory_space<hbm>>) target(%dma_start3A_13 : memref<64x128xf32, #tpu.memory_space<vmem>>) offsets(%dma_start3A_16 : memref<64xi32, #tpu.memory_space<vmem>>) semaphore(%arg25 : memref<!tpu.dma_semaphore, #tpu.memory_space<semaphore_mem>>)
    %dma_start3A_20 = arith.constant 0 : i32
    %dma_start3A_21 = arith.constant 0 : i32
    %dma_start3A_22 = arith.constant 0 : i32
    %dma_start3A_23 = arith.constant 0 : i32
    %dma_start3A_24 = tpu.memref_slice %arg17[%dma_start3A_21, %dma_start3A_22, %dma_start3A_23] : memref<2x64x128xf32, #tpu.memory_space<vmem>> -> memref<1x64x128xf32, #tpu.memory_space<vmem>>
    %dma_start3A_25 = tpu.memref_squeeze %dma_start3A_24 : memref<1x64x128xf32, #tpu.memory_space<vmem>> -> memref<64x128xf32, #tpu.memory_space<vmem>>
    %dma_start3A_26 = arith.constant 0 : i32
    %dma_start3A_27 = tpu.memref_slice %arg15[%dma_start3A_20, %dma_start3A_26] : memref<10x64xi32, #tpu.memory_space<vmem>> -> memref<1x64xi32, #tpu.memory_space<vmem>>
    %dma_start3A_28 = tpu.memref_squeeze %dma_start3A_27 : memref<1x64xi32, #tpu.memory_space<vmem>> -> memref<64xi32, #tpu.memory_space<vmem>>
    %dma_start3A_29 = arith.constant 0 : i32
    %dma_start3A_30 = arith.constant 0 : i32
    %dma_start3A_31 = tpu.memref_slice %arg3[%dma_start3A_29, %dma_start3A_30] : memref<100001x128xf32, #tpu.memory_space<hbm>> -> memref<100001x128xf32, #tpu.memory_space<hbm>>
    tpu.enqueue_indirect_dma source(%dma_start3A_31 : memref<100001x128xf32, #tpu.memory_space<hbm>>) target(%dma_start3A_25 : memref<64x128xf32, #tpu.memory_space<vmem>>) offsets(%dma_start3A_28 : memref<64xi32, #tpu.memory_space<vmem>>) semaphore(%arg25 : memref<!tpu.dma_semaphore, #tpu.memory_space<semaphore_mem>>)
    %dma_wait3A = arith.constant 0 : i32
    %dma_wait3A_32 = arith.constant 0 : i32
    %dma_wait3A_33 = arith.constant 0 : i32
    %dma_wait3A_34 = tpu.memref_slice %arg16[%dma_wait3A, %dma_wait3A_32, %dma_wait3A_33] : memref<2x64x128xf32, #tpu.memory_space<vmem>> -> memref<1x64x128xf32, #tpu.memory_space<vmem>>
    %dma_wait3A_35 = tpu.memref_squeeze %dma_wait3A_34 : memref<1x64x128xf32, #tpu.memory_space<vmem>> -> memref<64x128xf32, #tpu.memory_space<vmem>>
    %dma_wait3A_36 = arith.constant 0 : i32
    %dma_wait3A_37 = arith.constant 0 : i32
    %dma_wait3A_38 = tpu.memref_slice %arg2[%dma_wait3A_36, %dma_wait3A_37] : memref<100001x128xf32, #tpu.memory_space<hbm>> -> memref<64x128xf32, #tpu.memory_space<hbm>>
    %dma_wait3A_39 = arith.constant 0 : i32
    %dma_wait3A_40 = arith.constant 0 : i32
    %dma_wait3A_41 = tpu.memref_slice %arg16[%dma_wait3A, %dma_wait3A_39, %dma_wait3A_40] : memref<2x64x128xf32, #tpu.memory_space<vmem>> -> memref<1x64x128xf32, #tpu.memory_space<vmem>>
    %dma_wait3A_42 = tpu.memref_squeeze %dma_wait3A_41 : memref<1x64x128xf32, #tpu.memory_space<vmem>> -> memref<64x128xf32, #tpu.memory_space<vmem>>
    %dma_wait3A_43 = arith.constant 0 : i32
    %dma_wait3A_44 = arith.constant 0 : i32
    %dma_wait3A_45 = tpu.memref_slice %arg2[%dma_wait3A_43, %dma_wait3A_44] : memref<100001x128xf32, #tpu.memory_space<hbm>> -> memref<64x128xf32, #tpu.memory_space<hbm>>
    tpu.wait_dma2 semaphore(%arg25 : memref<!tpu.dma_semaphore, #tpu.memory_space<semaphore_mem>>) src(%dma_wait3A_45 : memref<64x128xf32, #tpu.memory_space<hbm>>) dst(%dma_wait3A_42 : memref<64x128xf32, #tpu.memory_space<vmem>>)
    %dma_wait3A_46 = arith.constant 0 : i32
    %dma_wait3A_47 = arith.constant 0 : i32
    %dma_wait3A_48 = arith.constant 0 : i32
    %dma_wait3A_49 = tpu.memref_slice %arg16[%dma_wait3A_46, %dma_wait3A_47, %dma_wait3A_48] : memref<2x64x128xf32, #tpu.memory_space<vmem>> -> memref<1x64x128xf32, #tpu.memory_space<vmem>>
    %dma_wait3A_50 = tpu.memref_squeeze %dma_wait3A_49 : memref<1x64x128xf32, #tpu.memory_space<vmem>> -> memref<64x128xf32, #tpu.memory_space<vmem>>
    %dma_wait3A_51 = arith.constant 0 : i32
    %dma_wait3A_52 = arith.constant 0 : i32
    %dma_wait3A_53 = tpu.memref_slice %arg2[%dma_wait3A_51, %dma_wait3A_52] : memref<100001x128xf32, #tpu.memory_space<hbm>> -> memref<64x128xf32, #tpu.memory_space<hbm>>
    %dma_wait3A_54 = arith.constant 0 : i32
    %dma_wait3A_55 = arith.constant 0 : i32
    %dma_wait3A_56 = tpu.memref_slice %arg16[%dma_wait3A_46, %dma_wait3A_54, %dma_wait3A_55] : memref<2x64x128xf32, #tpu.memory_space<vmem>> -> memref<1x64x128xf32, #tpu.memory_space<vmem>>
    %dma_wait3A_57 = tpu.memref_squeeze %dma_wait3A_56 : memref<1x64x128xf32, #tpu.memory_space<vmem>> -> memref<64x128xf32, #tpu.memory_space<vmem>>
    %dma_wait3A_58 = arith.constant 0 : i32
    %dma_wait3A_59 = arith.constant 0 : i32
    %dma_wait3A_60 = tpu.memref_slice %arg2[%dma_wait3A_58, %dma_wait3A_59] : memref<100001x128xf32, #tpu.memory_space<hbm>> -> memref<64x128xf32, #tpu.memory_space<hbm>>
    tpu.wait_dma2 semaphore(%arg25 : memref<!tpu.dma_semaphore, #tpu.memory_space<semaphore_mem>>) src(%dma_wait3A_60 : memref<64x128xf32, #tpu.memory_space<hbm>>) dst(%dma_wait3A_57 : memref<64x128xf32, #tpu.memory_space<vmem>>)
    %dma_start3A_61 = arith.constant 1 : i32
    %dma_start3A_62 = arith.constant 1 : i32
    %dma_start3A_63 = arith.constant 0 : i32
    %dma_start3A_64 = arith.constant 0 : i32
    %dma_start3A_65 = tpu.memref_slice %arg16[%dma_start3A_62, %dma_start3A_63, %dma_start3A_64] : memref<2x64x128xf32, #tpu.memory_space<vmem>> -> memref<1x64x128xf32, #tpu.memory_space<vmem>>
    %dma_start3A_66 = tpu.memref_squeeze %dma_start3A_65 : memref<1x64x128xf32, #tpu.memory_space<vmem>> -> memref<64x128xf32, #tpu.memory_space<vmem>>
    %dma_start3A_67 = arith.constant 0 : i32
    %dma_start3A_68 = tpu.memref_slice %arg14[%dma_start3A_61, %dma_start3A_67] : memref<10x64xi32, #tpu.memory_space<vmem>> -> memref<1x64xi32, #tpu.memory_space<vmem>>
    %dma_start3A_69 = tpu.memref_squeeze %dma_start3A_68 : memref<1x64xi32, #tpu.memory_space<vmem>> -> memref<64xi32, #tpu.memory_space<vmem>>
    %dma_start3A_70 = arith.constant 0 : i32
    %dma_start3A_71 = arith.constant 0 : i32
    %dma_start3A_72 = tpu.memref_slice %arg2[%dma_start3A_70, %dma_start3A_71] : memref<100001x128xf32, #tpu.memory_space<hbm>> -> memref<100001x128xf32, #tpu.memory_space<hbm>>
    tpu.enqueue_indirect_dma source(%dma_start3A_72 : memref<100001x128xf32, #tpu.memory_space<hbm>>) target(%dma_start3A_66 : memref<64x128xf32, #tpu.memory_space<vmem>>) offsets(%dma_start3A_69 : memref<64xi32, #tpu.memory_space<vmem>>) semaphore(%arg25 : memref<!tpu.dma_semaphore, #tpu.memory_space<semaphore_mem>>)
    %dma_start3A_73 = arith.constant 1 : i32
    %dma_start3A_74 = arith.constant 1 : i32
    %dma_start3A_75 = arith.constant 0 : i32
    %dma_start3A_76 = arith.constant 0 : i32
    %dma_start3A_77 = tpu.memref_slice %arg17[%dma_start3A_74, %dma_start3A_75, %dma_start3A_76] : memref<2x64x128xf32, #tpu.memory_space<vmem>> -> memref<1x64x128xf32, #tpu.memory_space<vmem>>
    %dma_start3A_78 = tpu.memref_squeeze %dma_start3A_77 : memref<1x64x128xf32, #tpu.memory_space<vmem>> -> memref<64x128xf32, #tpu.memory_space<vmem>>
    %dma_start3A_79 = arith.constant 0 : i32
    %dma_start3A_80 = tpu.memref_slice %arg15[%dma_start3A_73, %dma_start3A_79] : memref<10x64xi32, #tpu.memory_space<vmem>> -> memref<1x64xi32, #tpu.memory_space<vmem>>
    %dma_start3A_81 = tpu.memref_squeeze %dma_start3A_80 : memref<1x64xi32, #tpu.memory_space<vmem>> -> memref<64xi32, #tpu.memory_space<vmem>>
    %dma_start3A_82 = arith.constant 0 : i32
    %dma_start3A_83 = arith.constant 0 : i32
    %dma_start3A_84 = tpu.memref_slice %arg3[%dma_start3A_82, %dma_start3A_83] : memref<100001x128xf32, #tpu.memory_space<hbm>> -> memref<100001x128xf32, #tpu.memory_space<hbm>>
    tpu.enqueue_indirect_dma source(%dma_start3A_84 : memref<100001x128xf32, #tpu.memory_space<hbm>>) target(%dma_start3A_78 : memref<64x128xf32, #tpu.memory_space<vmem>>) offsets(%dma_start3A_81 : memref<64xi32, #tpu.memory_space<vmem>>) semaphore(%arg25 : memref<!tpu.dma_semaphore, #tpu.memory_space<semaphore_mem>>)
    %scan3A = arith.constant 0 : i32
    %scan3A_85 = arith.constant 0 : i32
    %scan3A_86 = arith.constant 64 : i32
    %scan3A_87 = arith.addi %scan3A_85, %scan3A_86 : i32
    %scan3A_88 = arith.constant 1 : i32
    scf.for %scan3A_1258 = %scan3A_85 to %scan3A_87 step %scan3A_88  : i32 {
      %add3A_1259 = arith.constant 0 : i32
      %add3A_1260 = arith.addi %mul3A_8, %add3A_1259 : i32
      %get3A = arith.constant 0 : i32
      %get3A_1261 = arith.index_cast %get3A : i32 to index
      %get3A_1262 = arith.index_cast %scan3A_1258 : i32 to index
      %get3A_1263 = arith.index_cast %add3A_1260 : i32 to index
      %get3A_1264 = tpu.vector_load %arg16[%get3A_1261, %get3A_1262, %get3A_1263] {strides = array<i32>} : memref<2x64x128xf32, #tpu.memory_space<vmem>>, vector<1x1x16xf32>,
      %get3A_1265 = vector.shape_cast %get3A_1264 : vector<1x1x16xf32> to vector<16xf32>
      %get3A_1266 = arith.constant 0 : i32
      %get3A_1267 = arith.index_cast %get3A_1266 : i32 to index
      %get3A_1268 = arith.index_cast %scan3A_1258 : i32 to index
      %get3A_1269 = arith.index_cast %add3A_1260 : i32 to index
      %get3A_1270 = tpu.vector_load %arg17[%get3A_1267, %get3A_1268, %get3A_1269] {strides = array<i32>} : memref<2x64x128xf32, #tpu.memory_space<vmem>>, vector<1x1x16xf32>,
      %get3A_1271 = vector.shape_cast %get3A_1270 : vector<1x1x16xf32> to vector<16xf32>
      %add3A_1272 = arith.addf %get3A_1265, %get3A_1271 : vector<16xf32>
      %max3A = arith.constant 0.000000e+00 : f32
      %max3A_1273 = vector.broadcast %max3A : f32 to vector<16xf32>
      %max3A_1274 = arith.maximumf %add3A_1272, %max3A_1273 : vector<16xf32>
      %swap3A = arith.constant 0 : i32
      %swap3A_1275 = arith.index_cast %swap3A : i32 to index
      %swap3A_1276 = arith.index_cast %scan3A_1258 : i32 to index
      %swap3A_1277 = arith.constant 0 : index
      %swap3A_1278 = tpu.vector_load %arg18[%swap3A_1275, %swap3A_1276, %swap3A_1277] {strides = array<i32>} : memref<2x64x64xf32, #tpu.memory_space<vmem>>, vector<1x1x16xf32>,
      %swap3A_1279 = vector.shape_cast %swap3A_1278 : vector<1x1x16xf32> to vector<16xf32>
      %swap3A_1280 = vector.shape_cast %max3A_1274 : vector<16xf32> to vector<1x1x16xf32>
      tpu.vector_store %arg18[%swap3A_1275, %swap3A_1276, %swap3A_1277], %swap3A_1280 {strides = array<i32>} : memref<2x64x64xf32, #tpu.memory_space<vmem>>, vector<1x1x16xf32>,
      %add3A_1281 = arith.constant 16 : i32
      %add3A_1282 = arith.addi %mul3A_8, %add3A_1281 : i32
      %get3A_1283 = arith.constant 0 : i32
      %get3A_1284 = arith.index_cast %get3A_1283 : i32 to index
      %get3A_1285 = arith.index_cast %scan3A_1258 : i32 to index
      %get3A_1286 = arith.index_cast %add3A_1282 : i32 to index
      %get3A_1287 = tpu.vector_load %arg16[%get3A_1284, %get3A_1285, %get3A_1286] {strides = array<i32>} : memref<2x64x128xf32, #tpu.memory_space<vmem>>, vector<1x1x16xf32>,
      %get3A_1288 = vector.shape_cast %get3A_1287 : vector<1x1x16xf32> to vector<16xf32>
      %get3A_1289 = arith.constant 0 : i32
      %get3A_1290 = arith.index_cast %get3A_1289 : i32 to index
      %get3A_1291 = arith.index_cast %scan3A_1258 : i32 to index
      %get3A_1292 = arith.index_cast %add3A_1282 : i32 to index
      %get3A_1293 = tpu.vector_load %arg17[%get3A_1290, %get3A_1291, %get3A_1292] {strides = array<i32>} : memref<2x64x128xf32, #tpu.memory_space<vmem>>, vector<1x1x16xf32>,
      %get3A_1294 = vector.shape_cast %get3A_1293 : vector<1x1x16xf32> to vector<16xf32>
      %add3A_1295 = arith.addf %get3A_1288, %get3A_1294 : vector<16xf32>
      %max3A_1296 = arith.constant 0.000000e+00 : f32
      %max3A_1297 = vector.broadcast %max3A_1296 : f32 to vector<16xf32>
      %max3A_1298 = arith.maximumf %add3A_1295, %max3A_1297 : vector<16xf32>
      %swap3A_1299 = arith.constant 0 : i32
      %swap3A_1300 = arith.index_cast %swap3A_1299 : i32 to index
      %swap3A_1301 = arith.index_cast %scan3A_1258 : i32 to index
      %swap3A_1302 = arith.constant 16 : index
      %swap3A_1303 = tpu.vector_load %arg18[%swap3A_1300, %swap3A_1301, %swap3A_1302] {strides = array<i32>} : memref<2x64x64xf32, #tpu.memory_space<vmem>>, vector<1x1x16xf32>,
      %swap3A_1304 = vector.shape_cast %swap3A_1303 : vector<1x1x16xf32> to vector<16xf32>
      %swap3A_1305 = vector.shape_cast %max3A_1298 : vector<16xf32> to vector<1x1x16xf32>
      tpu.vector_store %arg18[%swap3A_1300, %swap3A_1301, %swap3A_1302], %swap3A_1305 {strides = array<i32>} : memref<2x64x64xf32, #tpu.memory_space<vmem>>, vector<1x1x16xf32>,
      %add3A_1306 = arith.constant 32 : i32
      %add3A_1307 = arith.addi %mul3A_8, %add3A_1306 : i32
      %get3A_1308 = arith.constant 0 : i32
      %get3A_1309 = arith.index_cast %get3A_1308 : i32 to index
      %get3A_1310 = arith.index_cast %scan3A_1258 : i32 to index
      %get3A_1311 = arith.index_cast %add3A_1307 : i32 to index
      %get3A_1312 = tpu.vector_load %arg16[%get3A_1309, %get3A_1310, %get3A_1311] {strides = array<i32>} : memref<2x64x128xf32, #tpu.memory_space<vmem>>, vector<1x1x16xf32>,
      %get3A_1313 = vector.shape_cast %get3A_1312 : vector<1x1x16xf32> to vector<16xf32>
      %get3A_1314 = arith.constant 0 : i32
      %get3A_1315 = arith.index_cast %get3A_1314 : i32 to index
      %get3A_1316 = arith.index_cast %scan3A_1258 : i32 to index
      %get3A_1317 = arith.index_cast %add3A_1307 : i32 to index
      %get3A_1318 = tpu.vector_load %arg17[%get3A_1315, %get3A_1316, %get3A_1317] {strides = array<i32>} : memref<2x64x128xf32, #tpu.memory_space<vmem>>, vector<1x1x16xf32>,
      %get3A_1319 = vector.shape_cast %get3A_1318 : vector<1x1x16xf32> to vector<16xf32>
      %add3A_1320 = arith.addf %get3A_1313, %get3A_1319 : vector<16xf32>
      %max3A_1321 = arith.constant 0.000000e+00 : f32
      %max3A_1322 = vector.broadcast %max3A_1321 : f32 to vector<16xf32>
      %max3A_1323 = arith.maximumf %add3A_1320, %max3A_1322 : vector<16xf32>
      %swap3A_1324 = arith.constant 0 : i32
      %swap3A_1325 = arith.index_cast %swap3A_1324 : i32 to index
      %swap3A_1326 = arith.index_cast %scan3A_1258 : i32 to index
      %swap3A_1327 = arith.constant 32 : index
      %swap3A_1328 = tpu.vector_load %arg18[%swap3A_1325, %swap3A_1326, %swap3A_1327] {strides = array<i32>} : memref<2x64x64xf32, #tpu.memory_space<vmem>>, vector<1x1x16xf32>,
      %swap3A_1329 = vector.shape_cast %swap3A_1328 : vector<1x1x16xf32> to vector<16xf32>
      %swap3A_1330 = vector.shape_cast %max3A_1323 : vector<16xf32> to vector<1x1x16xf32>
      tpu.vector_store %arg18[%swap3A_1325, %swap3A_1326, %swap3A_1327], %swap3A_1330 {strides = array<i32>} : memref<2x64x64xf32, #tpu.memory_space<vmem>>, vector<1x1x16xf32>,
      %add3A_1331 = arith.constant 48 : i32
      %add3A_1332 = arith.addi %mul3A_8, %add3A_1331 : i32
      %get3A_1333 = arith.constant 0 : i32
      %get3A_1334 = arith.index_cast %get3A_1333 : i32 to index
      %get3A_1335 = arith.index_cast %scan3A_1258 : i32 to index
      %get3A_1336 = arith.index_cast %add3A_1332 : i32 to index
      %get3A_1337 = tpu.vector_load %arg16[%get3A_1334, %get3A_1335, %get3A_1336] {strides = array<i32>} : memref<2x64x128xf32, #tpu.memory_space<vmem>>, vector<1x1x16xf32>,
      %get3A_1338 = vector.shape_cast %get3A_1337 : vector<1x1x16xf32> to vector<16xf32>
      %get3A_1339 = arith.constant 0 : i32
      %get3A_1340 = arith.index_cast %get3A_1339 : i32 to index
      %get3A_1341 = arith.index_cast %scan3A_1258 : i32 to index
      %get3A_1342 = arith.index_cast %add3A_1332 : i32 to index
      %get3A_1343 = tpu.vector_load %arg17[%get3A_1340, %get3A_1341, %get3A_1342] {strides = array<i32>} : memref<2x64x128xf32, #tpu.memory_space<vmem>>, vector<1x1x16xf32>,
      %get3A_1344 = vector.shape_cast %get3A_1343 : vector<1x1x16xf32> to vector<16xf32>
      %add3A_1345 = arith.addf %get3A_1338, %get3A_1344 : vector<16xf32>
      %max3A_1346 = arith.constant 0.000000e+00 : f32
      %max3A_1347 = vector.broadcast %max3A_1346 : f32 to vector<16xf32>
      %max3A_1348 = arith.maximumf %add3A_1345, %max3A_1347 : vector<16xf32>
      %swap3A_1349 = arith.constant 0 : i32
      %swap3A_1350 = arith.index_cast %swap3A_1349 : i32 to index
      %swap3A_1351 = arith.index_cast %scan3A_1258 : i32 to index
      %swap3A_1352 = arith.constant 48 : index
      %swap3A_1353 = tpu.vector_load %arg18[%swap3A_1350, %swap3A_1351, %swap3A_1352] {strides = array<i32>} : memref<2x64x64xf32, #tpu.memory_space<vmem>>, vector<1x1x16xf32>,
      %swap3A_1354 = vector.shape_cast %swap3A_1353 : vector<1x1x16xf32> to vector<16xf32>
      %swap3A_1355 = vector.shape_cast %max3A_1348 : vector<16xf32> to vector<1x1x16xf32>
      tpu.vector_store %arg18[%swap3A_1350, %swap3A_1351, %swap3A_1352], %swap3A_1355 {strides = array<i32>} : memref<2x64x64xf32, #tpu.memory_space<vmem>>, vector<1x1x16xf32>,
    }
    %scan3A_89 = arith.constant 64 : i32
    %mul3A_90 = arith.constant 10 : i32
    %mul3A_91 = arith.muli %arg1, %mul3A_90 : i32
    %add3A = arith.constant 0 : i32
    %add3A_92 = arith.addi %mul3A_91, %add3A : i32
    %mul3A_93 = arith.constant 64 : i32
    %mul3A_94 = arith.muli %add3A_92, %mul3A_93 : i32
    %dma_start3A_95 = arith.constant 0 : i32
    %dma_start3A_96 = arith.constant 0 : i32
    %dma_start3A_97 = arith.constant 0 : i32
    %dma_start3A_98 = tpu.memref_slice %arg18[%dma_start3A_95, %dma_start3A_96, %dma_start3A_97] : memref<2x64x64xf32, #tpu.memory_space<vmem>> -> memref<1x64x64xf32, #tpu.memory_space<vmem>>
    %dma_start3A_99 = tpu.memref_squeeze %dma_start3A_98 : memref<1x64x64xf32, #tpu.memory_space<vmem>> -> memref<64x64xf32, #tpu.memory_space<vmem>>
    %dma_start3A_100 = arith.constant 0 : i32
    %dma_start3A_101 = tpu.memref_slice %arg11[%arg0, %mul3A_94, %dma_start3A_100] : memref<2x10240x64xf32, #tpu.memory_space<hbm>> -> memref<1x64x64xf32, #tpu.memory_space<hbm>>
    %dma_start3A_102 = tpu.memref_squeeze %dma_start3A_101 : memref<1x64x64xf32, #tpu.memory_space<hbm>> -> memref<64x64xf32, #tpu.memory_space<hbm>>
    %dma_start3A_103 = arith.constant 0 : i32
    %dma_start3A_104 = tpu.memref_slice %arg11[%arg0, %mul3A_94, %dma_start3A_103] : memref<2x10240x64xf32, #tpu.memory_space<hbm>> -> memref<1x64x64xf32, #tpu.memory_space<hbm>>
    %dma_start3A_105 = tpu.memref_squeeze %dma_start3A_104 : memref<1x64x64xf32, #tpu.memory_space<hbm>> -> memref<64x64xf32, #tpu.memory_space<hbm>>
    %dma_start3A_106 = arith.constant 0 : i32
    %dma_start3A_107 = arith.constant 0 : i32
    %dma_start3A_108 = tpu.memref_slice %arg18[%dma_start3A_95, %dma_start3A_106, %dma_start3A_107] : memref<2x64x64xf32, #tpu.memory_space<vmem>> -> memref<1x64x64xf32, #tpu.memory_space<vmem>>
    %dma_start3A_109 = tpu.memref_squeeze %dma_start3A_108 : memref<1x64x64xf32, #tpu.memory_space<vmem>> -> memref<64x64xf32, #tpu.memory_space<vmem>>
    tpu.enqueue_dma source(%dma_start3A_109 : memref<64x64xf32, #tpu.memory_space<vmem>>) target(%dma_start3A_105 : memref<64x64xf32, #tpu.memory_space<hbm>>) target_semaphore(%arg26 : memref<!tpu.dma_semaphore, #tpu.memory_space<semaphore_mem>>)
    %dma_wait3A_110 = arith.constant 1 : i32
    %dma_wait3A_111 = arith.constant 0 : i32
    %dma_wait3A_112 = arith.constant 0 : i32
    %dma_wait3A_113 = tpu.memref_slice %arg16[%dma_wait3A_110, %dma_wait3A_111, %dma_wait3A_112] : memref<2x64x128xf32, #tpu.memory_space<vmem>> -> memref<1x64x128xf32, #tpu.memory_space<vmem>>
    %dma_wait3A_114 = tpu.memref_squeeze %dma_wait3A_113 : memref<1x64x128xf32, #tpu.memory_space<vmem>> -> memref<64x128xf32, #tpu.memory_space<vmem>>
    %dma_wait3A_115 = arith.constant 0 : i32
    %dma_wait3A_116 = arith.constant 0 : i32
    %dma_wait3A_117 = tpu.memref_slice %arg2[%dma_wait3A_115, %dma_wait3A_116] : memref<100001x128xf32, #tpu.memory_space<hbm>> -> memref<64x128xf32, #tpu.memory_space<hbm>>
    %dma_wait3A_118 = arith.constant 0 : i32
    %dma_wait3A_119 = arith.constant 0 : i32
    %dma_wait3A_120 = tpu.memref_slice %arg16[%dma_wait3A_110, %dma_wait3A_118, %dma_wait3A_119] : memref<2x64x128xf32, #tpu.memory_space<vmem>> -> memref<1x64x128xf32, #tpu.memory_space<vmem>>
    %dma_wait3A_121 = tpu.memref_squeeze %dma_wait3A_120 : memref<1x64x128xf32, #tpu.memory_space<vmem>> -> memref<64x128xf32, #tpu.memory_space<vmem>>
    %dma_wait3A_122 = arith.constant 0 : i32
    %dma_wait3A_123 = arith.constant 0 : i32
    %dma_wait3A_124 = tpu.memref_slice %arg2[%dma_wait3A_122, %dma_wait3A_123] : memref<100001x128xf32, #tpu.memory_space<hbm>> -> memref<64x128xf32, #tpu.memory_space<hbm>>
    tpu.wait_dma2 semaphore(%arg25 : memref<!tpu.dma_semaphore, #tpu.memory_space<semaphore_mem>>) src(%dma_wait3A_124 : memref<64x128xf32, #tpu.memory_space<hbm>>) dst(%dma_wait3A_121 : memref<64x128xf32, #tpu.memory_space<vmem>>)
    %dma_wait3A_125 = arith.constant 1 : i32
    %dma_wait3A_126 = arith.constant 0 : i32
    %dma_wait3A_127 = arith.constant 0 : i32
    %dma_wait3A_128 = tpu.memref_slice %arg16[%dma_wait3A_125, %dma_wait3A_126, %dma_wait3A_127] : memref<2x64x128xf32, #tpu.memory_space<vmem>> -> memref<1x64x128xf32, #tpu.memory_space<vmem>>
    %dma_wait3A_129 = tpu.memref_squeeze %dma_wait3A_128 : memref<1x64x128xf32, #tpu.memory_space<vmem>> -> memref<64x128xf32, #tpu.memory_space<vmem>>
    %dma_wait3A_130 = arith.constant 0 : i32
    %dma_wait3A_131 = arith.constant 0 : i32
    %dma_wait3A_132 = tpu.memref_slice %arg2[%dma_wait3A_130, %dma_wait3A_131] : memref<100001x128xf32, #tpu.memory_space<hbm>> -> memref<64x128xf32, #tpu.memory_space<hbm>>
    %dma_wait3A_133 = arith.constant 0 : i32
    %dma_wait3A_134 = arith.constant 0 : i32
    %dma_wait3A_135 = tpu.memref_slice %arg16[%dma_wait3A_125, %dma_wait3A_133, %dma_wait3A_134] : memref<2x64x128xf32, #tpu.memory_space<vmem>> -> memref<1x64x128xf32, #tpu.memory_space<vmem>>
    %dma_wait3A_136 = tpu.memref_squeeze %dma_wait3A_135 : memref<1x64x128xf32, #tpu.memory_space<vmem>> -> memref<64x128xf32, #tpu.memory_space<vmem>>
    %dma_wait3A_137 = arith.constant 0 : i32
    %dma_wait3A_138 = arith.constant 0 : i32
    %dma_wait3A_139 = tpu.memref_slice %arg2[%dma_wait3A_137, %dma_wait3A_138] : memref<100001x128xf32, #tpu.memory_space<hbm>> -> memref<64x128xf32, #tpu.memory_space<hbm>>
    tpu.wait_dma2 semaphore(%arg25 : memref<!tpu.dma_semaphore, #tpu.memory_space<semaphore_mem>>) src(%dma_wait3A_139 : memref<64x128xf32, #tpu.memory_space<hbm>>) dst(%dma_wait3A_136 : memref<64x128xf32, #tpu.memory_space<vmem>>)
    %dma_start3A_140 = arith.constant 2 : i32
    %dma_start3A_141 = arith.constant 0 : i32
    %dma_start3A_142 = arith.constant 0 : i32
    %dma_start3A_143 = arith.constant 0 : i32
    %dma_start3A_144 = tpu.memref_slice %arg16[%dma_start3A_141, %dma_start3A_142, %dma_start3A_143] : memref<2x64x128xf32, #tpu.memory_space<vmem>> -> memref<1x64x128xf32, #tpu.memory_space<vmem>>
    %dma_start3A_145 = tpu.memref_squeeze %dma_start3A_144 : memref<1x64x128xf32, #tpu.memory_space<vmem>> -> memref<64x128xf32, #tpu.memory_space<vmem>>
    %dma_start3A_146 = arith.constant 0 : i32
    %dma_start3A_147 = tpu.memref_slice %arg14[%dma_start3A_140, %dma_start3A_146] : memref<10x64xi32, #tpu.memory_space<vmem>> -> memref<1x64xi32, #tpu.memory_space<vmem>>
    %dma_start3A_148 = tpu.memref_squeeze %dma_start3A_147 : memref<1x64xi32, #tpu.memory_space<vmem>> -> memref<64xi32, #tpu.memory_space<vmem>>
    %dma_start3A_149 = arith.constant 0 : i32
    %dma_start3A_150 = arith.constant 0 : i32
    %dma_start3A_151 = tpu.memref_slice %arg2[%dma_start3A_149, %dma_start3A_150] : memref<100001x128xf32, #tpu.memory_space<hbm>> -> memref<100001x128xf32, #tpu.memory_space<hbm>>
    tpu.enqueue_indirect_dma source(%dma_start3A_151 : memref<100001x128xf32, #tpu.memory_space<hbm>>) target(%dma_start3A_145 : memref<64x128xf32, #tpu.memory_space<vmem>>) offsets(%dma_start3A_148 : memref<64xi32, #tpu.memory_space<vmem>>) semaphore(%arg25 : memref<!tpu.dma_semaphore, #tpu.memory_space<semaphore_mem>>)
    %dma_start3A_152 = arith.constant 2 : i32
    %dma_start3A_153 = arith.constant 0 : i32
    %dma_start3A_154 = arith.constant 0 : i32
    %dma_start3A_155 = arith.constant 0 : i32
    %dma_start3A_156 = tpu.memref_slice %arg17[%dma_start3A_153, %dma_start3A_154, %dma_start3A_155] : memref<2x64x128xf32, #tpu.memory_space<vmem>> -> memref<1x64x128xf32, #tpu.memory_space<vmem>>
    %dma_start3A_157 = tpu.memref_squeeze %dma_start3A_156 : memref<1x64x128xf32, #tpu.memory_space<vmem>> -> memref<64x128xf32, #tpu.memory_space<vmem>>
    %dma_start3A_158 = arith.constant 0 : i32
    %dma_start3A_159 = tpu.memref_slice %arg15[%dma_start3A_152, %dma_start3A_158] : memref<10x64xi32, #tpu.memory_space<vmem>> -> memref<1x64xi32, #tpu.memory_space<vmem>>
    %dma_start3A_160 = tpu.memref_squeeze %dma_start3A_159 : memref<1x64xi32, #tpu.memory_space<vmem>> -> memref<64xi32, #tpu.memory_space<vmem>>
    %dma_start3A_161 = arith.constant 0 : i32
    %dma_start3A_162 = arith.constant 0 : i32
    %dma_start3A_163 = tpu.memref_slice %arg3[%dma_start3A_161, %dma_start3A_162] : memref<100001x128xf32, #tpu.memory_space<hbm>> -> memref<100001x128xf32, #tpu.memory_space<hbm>>
    tpu.enqueue_indirect_dma source(%dma_start3A_163 : memref<100001x128xf32, #tpu.memory_space<hbm>>) target(%dma_start3A_157 : memref<64x128xf32, #tpu.memory_space<vmem>>) offsets(%dma_start3A_160 : memref<64xi32, #tpu.memory_space<vmem>>) semaphore(%arg25 : memref<!tpu.dma_semaphore, #tpu.memory_space<semaphore_mem>>)
    %scan3A_164 = arith.constant 0 : i32
    %scan3A_165 = arith.constant 0 : i32
    %scan3A_166 = arith.constant 64 : i32
    %scan3A_167 = arith.addi %scan3A_165, %scan3A_166 : i32
    %scan3A_168 = arith.constant 1 : i32
    scf.for %scan3A_1258 = %scan3A_165 to %scan3A_167 step %scan3A_168  : i32 {
      %add3A_1259 = arith.constant 0 : i32
      %add3A_1260 = arith.addi %mul3A_8, %add3A_1259 : i32
      %get3A = arith.constant 1 : i32
      %get3A_1261 = arith.index_cast %get3A : i32 to index
      %get3A_1262 = arith.index_cast %scan3A_1258 : i32 to index
      %get3A_1263 = arith.index_cast %add3A_1260 : i32 to index
      %get3A_1264 = tpu.vector_load %arg16[%get3A_1261, %get3A_1262, %get3A_1263] {strides = array<i32>} : memref<2x64x128xf32, #tpu.memory_space<vmem>>, vector<1x1x16xf32>,
      %get3A_1265 = vector.shape_cast %get3A_1264 : vector<1x1x16xf32> to vector<16xf32>
      %get3A_1266 = arith.constant 1 : i32
      %get3A_1267 = arith.index_cast %get3A_1266 : i32 to index
      %get3A_1268 = arith.index_cast %scan3A_1258 : i32 to index
      %get3A_1269 = arith.index_cast %add3A_1260 : i32 to index
      %get3A_1270 = tpu.vector_load %arg17[%get3A_1267, %get3A_1268, %get3A_1269] {strides = array<i32>} : memref<2x64x128xf32, #tpu.memory_space<vmem>>, vector<1x1x16xf32>,
      %get3A_1271 = vector.shape_cast %get3A_1270 : vector<1x1x16xf32> to vector<16xf32>
      %add3A_1272 = arith.addf %get3A_1265, %get3A_1271 : vector<16xf32>
      %max3A = arith.constant 0.000000e+00 : f32
      %max3A_1273 = vector.broadcast %max3A : f32 to vector<16xf32>
      %max3A_1274 = arith.maximumf %add3A_1272, %max3A_1273 : vector<16xf32>
      %swap3A = arith.constant 1 : i32
      %swap3A_1275 = arith.index_cast %swap3A : i32 to index
      %swap3A_1276 = arith.index_cast %scan3A_1258 : i32 to index
      %swap3A_1277 = arith.constant 0 : index
      %swap3A_1278 = tpu.vector_load %arg18[%swap3A_1275, %swap3A_1276, %swap3A_1277] {strides = array<i32>} : memref<2x64x64xf32, #tpu.memory_space<vmem>>, vector<1x1x16xf32>,
      %swap3A_1279 = vector.shape_cast %swap3A_1278 : vector<1x1x16xf32> to vector<16xf32>
      %swap3A_1280 = vector.shape_cast %max3A_1274 : vector<16xf32> to vector<1x1x16xf32>
      tpu.vector_store %arg18[%swap3A_1275, %swap3A_1276, %swap3A_1277], %swap3A_1280 {strides = array<i32>} : memref<2x64x64xf32, #tpu.memory_space<vmem>>, vector<1x1x16xf32>,
      %add3A_1281 = arith.constant 16 : i32
      %add3A_1282 = arith.addi %mul3A_8, %add3A_1281 : i32
      %get3A_1283 = arith.constant 1 : i32
      %get3A_1284 = arith.index_cast %get3A_1283 : i32 to index
      %get3A_1285 = arith.index_cast %scan3A_1258 : i32 to index
      %get3A_1286 = arith.index_cast %add3A_1282 : i32 to index
      %get3A_1287 = tpu.vector_load %arg16[%get3A_1284, %get3A_1285, %get3A_1286] {strides = array<i32>} : memref<2x64x128xf32, #tpu.memory_space<vmem>>, vector<1x1x16xf32>,
      %get3A_1288 = vector.shape_cast %get3A_1287 : vector<1x1x16xf32> to vector<16xf32>
      %get3A_1289 = arith.constant 1 : i32
      %get3A_1290 = arith.index_cast %get3A_1289 : i32 to index
      %get3A_1291 = arith.index_cast %scan3A_1258 : i32 to index
      %get3A_1292 = arith.index_cast %add3A_1282 : i32 to index
      %get3A_1293 = tpu.vector_load %arg17[%get3A_1290, %get3A_1291, %get3A_1292] {strides = array<i32>} : memref<2x64x128xf32, #tpu.memory_space<vmem>>, vector<1x1x16xf32>,
      %get3A_1294 = vector.shape_cast %get3A_1293 : vector<1x1x16xf32> to vector<16xf32>
      %add3A_1295 = arith.addf %get3A_1288, %get3A_1294 : vector<16xf32>
      %max3A_1296 = arith.constant 0.000000e+00 : f32
      %max3A_1297 = vector.broadcast %max3A_1296 : f32 to vector<16xf32>
      %max3A_1298 = arith.maximumf %add3A_1295, %max3A_1297 : vector<16xf32>
      %swap3A_1299 = arith.constant 1 : i32
      %swap3A_1300 = arith.index_cast %swap3A_1299 : i32 to index
      %swap3A_1301 = arith.index_cast %scan3A_1258 : i32 to index
      %swap3A_1302 = arith.constant 16 : index
      %swap3A_1303 = tpu.vector_load %arg18[%swap3A_1300, %swap3A_1301, %swap3A_1302] {strides = array<i32>} : memref<2x64x64xf32, #tpu.memory_space<vmem>>, vector<1x1x16xf32>,
      %swap3A_1304 = vector.shape_cast %swap3A_1303 : vector<1x1x16xf32> to vector<16xf32>
      %swap3A_1305 = vector.shape_cast %max3A_1298 : vector<16xf32> to vector<1x1x16xf32>
      tpu.vector_store %arg18[%swap3A_1300, %swap3A_1301, %swap3A_1302], %swap3A_1305 {strides = array<i32>} : memref<2x64x64xf32, #tpu.memory_space<vmem>>, vector<1x1x16xf32>,
      %add3A_1306 = arith.constant 32 : i32
      %add3A_1307 = arith.addi %mul3A_8, %add3A_1306 : i32
      %get3A_1308 = arith.constant 1 : i32
      %get3A_1309 = arith.index_cast %get3A_1308 : i32 to index
      %get3A_1310 = arith.index_cast %scan3A_1258 : i32 to index
      %get3A_1311 = arith.index_cast %add3A_1307 : i32 to index
      %get3A_1312 = tpu.vector_load %arg16[%get3A_1309, %get3A_1310, %get3A_1311] {strides = array<i32>} : memref<2x64x128xf32, #tpu.memory_space<vmem>>, vector<1x1x16xf32>,
      %get3A_1313 = vector.shape_cast %get3A_1312 : vector<1x1x16xf32> to vector<16xf32>
      %get3A_1314 = arith.constant 1 : i32
      %get3A_1315 = arith.index_cast %get3A_1314 : i32 to index
      %get3A_1316 = arith.index_cast %scan3A_1258 : i32 to index
      %get3A_1317 = arith.index_cast %add3A_1307 : i32 to index
      %get3A_1318 = tpu.vector_load %arg17[%get3A_1315, %get3A_1316, %get3A_1317] {strides = array<i32>} : memref<2x64x128xf32, #tpu.memory_space<vmem>>, vector<1x1x16xf32>,
      %get3A_1319 = vector.shape_cast %get3A_1318 : vector<1x1x16xf32> to vector<16xf32>
      %add3A_1320 = arith.addf %get3A_1313, %get3A_1319 : vector<16xf32>
      %max3A_1321 = arith.constant 0.000000e+00 : f32
      %max3A_1322 = vector.broadcast %max3A_1321 : f32 to vector<16xf32>
      %max3A_1323 = arith.maximumf %add3A_1320, %max3A_1322 : vector<16xf32>
      %swap3A_1324 = arith.constant 1 : i32
      %swap3A_1325 = arith.index_cast %swap3A_1324 : i32 to index
      %swap3A_1326 = arith.index_cast %scan3A_1258 : i32 to index
      %swap3A_1327 = arith.constant 32 : index
      %swap3A_1328 = tpu.vector_load %arg18[%swap3A_1325, %swap3A_1326, %swap3A_1327] {strides = array<i32>} : memref<2x64x64xf32, #tpu.memory_space<vmem>>, vector<1x1x16xf32>,
      %swap3A_1329 = vector.shape_cast %swap3A_1328 : vector<1x1x16xf32> to vector<16xf32>
      %swap3A_1330 = vector.shape_cast %max3A_1323 : vector<16xf32> to vector<1x1x16xf32>
      tpu.vector_store %arg18[%swap3A_1325, %swap3A_1326, %swap3A_1327], %swap3A_1330 {strides = array<i32>} : memref<2x64x64xf32, #tpu.memory_space<vmem>>, vector<1x1x16xf32>,
      %add3A_1331 = arith.constant 48 : i32
      %add3A_1332 = arith.addi %mul3A_8, %add3A_1331 : i32
      %get3A_1333 = arith.constant 1 : i32
      %get3A_1334 = arith.index_cast %get3A_1333 : i32 to index
      %get3A_1335 = arith.index_cast %scan3A_1258 : i32 to index
      %get3A_1336 = arith.index_cast %add3A_1332 : i32 to index
      %get3A_1337 = tpu.vector_load %arg16[%get3A_1334, %get3A_1335, %get3A_1336] {strides = array<i32>} : memref<2x64x128xf32, #tpu.memory_space<vmem>>, vector<1x1x16xf32>,
      %get3A_1338 = vector.shape_cast %get3A_1337 : vector<1x1x16xf32> to vector<16xf32>
      %get3A_1339 = arith.constant 1 : i32
      %get3A_1340 = arith.index_cast %get3A_1339 : i32 to index
      %get3A_1341 = arith.index_cast %scan3A_1258 : i32 to index
      %get3A_1342 = arith.index_cast %add3A_1332 : i32 to index
      %get3A_1343 = tpu.vector_load %arg17[%get3A_1340, %get3A_1341, %get3A_1342] {strides = array<i32>} : memref<2x64x128xf32, #tpu.memory_space<vmem>>, vector<1x1x16xf32>,
      %get3A_1344 = vector.shape_cast %get3A_1343 : vector<1x1x16xf32> to vector<16xf32>
      %add3A_1345 = arith.addf %get3A_1338, %get3A_1344 : vector<16xf32>
      %max3A_1346 = arith.constant 0.000000e+00 : f32
      %max3A_1347 = vector.broadcast %max3A_1346 : f32 to vector<16xf32>
      %max3A_1348 = arith.maximumf %add3A_1345, %max3A_1347 : vector<16xf32>
      %swap3A_1349 = arith.constant 1 : i32
      %swap3A_1350 = arith.index_cast %swap3A_1349 : i32 to index
      %swap3A_1351 = arith.index_cast %scan3A_1258 : i32 to index
      %swap3A_1352 = arith.constant 48 : index
      %swap3A_1353 = tpu.vector_load %arg18[%swap3A_1350, %swap3A_1351, %swap3A_1352] {strides = array<i32>} : memref<2x64x64xf32, #tpu.memory_space<vmem>>, vector<1x1x16xf32>,
      %swap3A_1354 = vector.shape_cast %swap3A_1353 : vector<1x1x16xf32> to vector<16xf32>
      %swap3A_1355 = vector.shape_cast %max3A_1348 : vector<16xf32> to vector<1x1x16xf32>
      tpu.vector_store %arg18[%swap3A_1350, %swap3A_1351, %swap3A_1352], %swap3A_1355 {strides = array<i32>} : memref<2x64x64xf32, #tpu.memory_space<vmem>>, vector<1x1x16xf32>,
    }
    %scan3A_169 = arith.constant 64 : i32
    %mul3A_170 = arith.constant 10 : i32
    %mul3A_171 = arith.muli %arg1, %mul3A_170 : i32
    %add3A_172 = arith.constant 1 : i32
    %add3A_173 = arith.addi %mul3A_171, %add3A_172 : i32
    %mul3A_174 = arith.constant 64 : i32
    %mul3A_175 = arith.muli %add3A_173, %mul3A_174 : i32
    %dma_start3A_176 = arith.constant 1 : i32
    %dma_start3A_177 = arith.constant 0 : i32
    %dma_start3A_178 = arith.constant 0 : i32
    %dma_start3A_179 = tpu.memref_slice %arg18[%dma_start3A_176, %dma_start3A_177, %dma_start3A_178] : memref<2x64x64xf32, #tpu.memory_space<vmem>> -> memref<1x64x64xf32, #tpu.memory_space<vmem>>
    %dma_start3A_180 = tpu.memref_squeeze %dma_start3A_179 : memref<1x64x64xf32, #tpu.memory_space<vmem>> -> memref<64x64xf32, #tpu.memory_space<vmem>>
    %dma_start3A_181 = arith.constant 0 : i32
    %dma_start3A_182 = tpu.memref_slice %arg11[%arg0, %mul3A_175, %dma_start3A_181] : memref<2x10240x64xf32, #tpu.memory_space<hbm>> -> memref<1x64x64xf32, #tpu.memory_space<hbm>>
    %dma_start3A_183 = tpu.memref_squeeze %dma_start3A_182 : memref<1x64x64xf32, #tpu.memory_space<hbm>> -> memref<64x64xf32, #tpu.memory_space<hbm>>
    %dma_start3A_184 = arith.constant 0 : i32
    %dma_start3A_185 = tpu.memref_slice %arg11[%arg0, %mul3A_175, %dma_start3A_184] : memref<2x10240x64xf32, #tpu.memory_space<hbm>> -> memref<1x64x64xf32, #tpu.memory_space<hbm>>
    %dma_start3A_186 = tpu.memref_squeeze %dma_start3A_185 : memref<1x64x64xf32, #tpu.memory_space<hbm>> -> memref<64x64xf32, #tpu.memory_space<hbm>>
    %dma_start3A_187 = arith.constant 0 : i32
    %dma_start3A_188 = arith.constant 0 : i32
    %dma_start3A_189 = tpu.memref_slice %arg18[%dma_start3A_176, %dma_start3A_187, %dma_start3A_188] : memref<2x64x64xf32, #tpu.memory_space<vmem>> -> memref<1x64x64xf32, #tpu.memory_space<vmem>>
    %dma_start3A_190 = tpu.memref_squeeze %dma_start3A_189 : memref<1x64x64xf32, #tpu.memory_space<vmem>> -> memref<64x64xf32, #tpu.memory_space<vmem>>
    tpu.enqueue_dma source(%dma_start3A_190 : memref<64x64xf32, #tpu.memory_space<vmem>>) target(%dma_start3A_186 : memref<64x64xf32, #tpu.memory_space<hbm>>) target_semaphore(%arg26 : memref<!tpu.dma_semaphore, #tpu.memory_space<semaphore_mem>>)
    %dma_wait3A_191 = arith.constant 0 : i32
    %dma_wait3A_192 = arith.constant 0 : i32
    %dma_wait3A_193 = arith.constant 0 : i32
    %dma_wait3A_194 = tpu.memref_slice %arg16[%dma_wait3A_191, %dma_wait3A_192, %dma_wait3A_193] : memref<2x64x128xf32, #tpu.memory_space<vmem>> -> memref<1x64x128xf32, #tpu.memory_space<vmem>>
    %dma_wait3A_195 = tpu.memref_squeeze %dma_wait3A_194 : memref<1x64x128xf32, #tpu.memory_space<vmem>> -> memref<64x128xf32, #tpu.memory_space<vmem>>
    %dma_wait3A_196 = arith.constant 0 : i32
    %dma_wait3A_197 = arith.constant 0 : i32
    %dma_wait3A_198 = tpu.memref_slice %arg2[%dma_wait3A_196, %dma_wait3A_197] : memref<100001x128xf32, #tpu.memory_space<hbm>> -> memref<64x128xf32, #tpu.memory_space<hbm>>
    %dma_wait3A_199 = arith.constant 0 : i32
    %dma_wait3A_200 = arith.constant 0 : i32
    %dma_wait3A_201 = tpu.memref_slice %arg16[%dma_wait3A_191, %dma_wait3A_199, %dma_wait3A_200] : memref<2x64x128xf32, #tpu.memory_space<vmem>> -> memref<1x64x128xf32, #tpu.memory_space<vmem>>
    %dma_wait3A_202 = tpu.memref_squeeze %dma_wait3A_201 : memref<1x64x128xf32, #tpu.memory_space<vmem>> -> memref<64x128xf32, #tpu.memory_space<vmem>>
    %dma_wait3A_203 = arith.constant 0 : i32
    %dma_wait3A_204 = arith.constant 0 : i32
    %dma_wait3A_205 = tpu.memref_slice %arg2[%dma_wait3A_203, %dma_wait3A_204] : memref<100001x128xf32, #tpu.memory_space<hbm>> -> memref<64x128xf32, #tpu.memory_space<hbm>>
    tpu.wait_dma2 semaphore(%arg25 : memref<!tpu.dma_semaphore, #tpu.memory_space<semaphore_mem>>) src(%dma_wait3A_205 : memref<64x128xf32, #tpu.memory_space<hbm>>) dst(%dma_wait3A_202 : memref<64x128xf32, #tpu.memory_space<vmem>>)
    %dma_wait3A_206 = arith.constant 0 : i32
    %dma_wait3A_207 = arith.constant 0 : i32
    %dma_wait3A_208 = arith.constant 0 : i32
    %dma_wait3A_209 = tpu.memref_slice %arg16[%dma_wait3A_206, %dma_wait3A_207, %dma_wait3A_208] : memref<2x64x128xf32, #tpu.memory_space<vmem>> -> memref<1x64x128xf32, #tpu.memory_space<vmem>>
    %dma_wait3A_210 = tpu.memref_squeeze %dma_wait3A_209 : memref<1x64x128xf32, #tpu.memory_space<vmem>> -> memref<64x128xf32, #tpu.memory_space<vmem>>
    %dma_wait3A_211 = arith.constant 0 : i32
    %dma_wait3A_212 = arith.constant 0 : i32
    %dma_wait3A_213 = tpu.memref_slice %arg2[%dma_wait3A_211, %dma_wait3A_212] : memref<100001x128xf32, #tpu.memory_space<hbm>> -> memref<64x128xf32, #tpu.memory_space<hbm>>
    %dma_wait3A_214 = arith.constant 0 : i32
    %dma_wait3A_215 = arith.constant 0 : i32
    %dma_wait3A_216 = tpu.memref_slice %arg16[%dma_wait3A_206, %dma_wait3A_214, %dma_wait3A_215] : memref<2x64x128xf32, #tpu.memory_space<vmem>> -> memref<1x64x128xf32, #tpu.memory_space<vmem>>
    %dma_wait3A_217 = tpu.memref_squeeze %dma_wait3A_216 : memref<1x64x128xf32, #tpu.memory_space<vmem>> -> memref<64x128xf32, #tpu.memory_space<vmem>>
    %dma_wait3A_218 = arith.constant 0 : i32
    %dma_wait3A_219 = arith.constant 0 : i32
    %dma_wait3A_220 = tpu.memref_slice %arg2[%dma_wait3A_218, %dma_wait3A_219] : memref<100001x128xf32, #tpu.memory_space<hbm>> -> memref<64x128xf32, #tpu.memory_space<hbm>>
    tpu.wait_dma2 semaphore(%arg25 : memref<!tpu.dma_semaphore, #tpu.memory_space<semaphore_mem>>) src(%dma_wait3A_220 : memref<64x128xf32, #tpu.memory_space<hbm>>) dst(%dma_wait3A_217 : memref<64x128xf32, #tpu.memory_space<vmem>>)
    %dma_start3A_221 = arith.constant 3 : i32
    %dma_start3A_222 = arith.constant 1 : i32
    %dma_start3A_223 = arith.constant 0 : i32
    %dma_start3A_224 = arith.constant 0 : i32
    %dma_start3A_225 = tpu.memref_slice %arg16[%dma_start3A_222, %dma_start3A_223, %dma_start3A_224] : memref<2x64x128xf32, #tpu.memory_space<vmem>> -> memref<1x64x128xf32, #tpu.memory_space<vmem>>
    %dma_start3A_226 = tpu.memref_squeeze %dma_start3A_225 : memref<1x64x128xf32, #tpu.memory_space<vmem>> -> memref<64x128xf32, #tpu.memory_space<vmem>>
    %dma_start3A_227 = arith.constant 0 : i32
    %dma_start3A_228 = tpu.memref_slice %arg14[%dma_start3A_221, %dma_start3A_227] : memref<10x64xi32, #tpu.memory_space<vmem>> -> memref<1x64xi32, #tpu.memory_space<vmem>>
    %dma_start3A_229 = tpu.memref_squeeze %dma_start3A_228 : memref<1x64xi32, #tpu.memory_space<vmem>> -> memref<64xi32, #tpu.memory_space<vmem>>
    %dma_start3A_230 = arith.constant 0 : i32
    %dma_start3A_231 = arith.constant 0 : i32
    %dma_start3A_232 = tpu.memref_slice %arg2[%dma_start3A_230, %dma_start3A_231] : memref<100001x128xf32, #tpu.memory_space<hbm>> -> memref<100001x128xf32, #tpu.memory_space<hbm>>
    tpu.enqueue_indirect_dma source(%dma_start3A_232 : memref<100001x128xf32, #tpu.memory_space<hbm>>) target(%dma_start3A_226 : memref<64x128xf32, #tpu.memory_space<vmem>>) offsets(%dma_start3A_229 : memref<64xi32, #tpu.memory_space<vmem>>) semaphore(%arg25 : memref<!tpu.dma_semaphore, #tpu.memory_space<semaphore_mem>>)
    %dma_start3A_233 = arith.constant 3 : i32
    %dma_start3A_234 = arith.constant 1 : i32
    %dma_start3A_235 = arith.constant 0 : i32
    %dma_start3A_236 = arith.constant 0 : i32
    %dma_start3A_237 = tpu.memref_slice %arg17[%dma_start3A_234, %dma_start3A_235, %dma_start3A_236] : memref<2x64x128xf32, #tpu.memory_space<vmem>> -> memref<1x64x128xf32, #tpu.memory_space<vmem>>
    %dma_start3A_238 = tpu.memref_squeeze %dma_start3A_237 : memref<1x64x128xf32, #tpu.memory_space<vmem>> -> memref<64x128xf32, #tpu.memory_space<vmem>>
    %dma_start3A_239 = arith.constant 0 : i32
    %dma_start3A_240 = tpu.memref_slice %arg15[%dma_start3A_233, %dma_start3A_239] : memref<10x64xi32, #tpu.memory_space<vmem>> -> memref<1x64xi32, #tpu.memory_space<vmem>>
    %dma_start3A_241 = tpu.memref_squeeze %dma_start3A_240 : memref<1x64xi32, #tpu.memory_space<vmem>> -> memref<64xi32, #tpu.memory_space<vmem>>
    %dma_start3A_242 = arith.constant 0 : i32
    %dma_start3A_243 = arith.constant 0 : i32
    %dma_start3A_244 = tpu.memref_slice %arg3[%dma_start3A_242, %dma_start3A_243] : memref<100001x128xf32, #tpu.memory_space<hbm>> -> memref<100001x128xf32, #tpu.memory_space<hbm>>
    tpu.enqueue_indirect_dma source(%dma_start3A_244 : memref<100001x128xf32, #tpu.memory_space<hbm>>) target(%dma_start3A_238 : memref<64x128xf32, #tpu.memory_space<vmem>>) offsets(%dma_start3A_241 : memref<64xi32, #tpu.memory_space<vmem>>) semaphore(%arg25 : memref<!tpu.dma_semaphore, #tpu.memory_space<semaphore_mem>>)
    %dma_wait3A_245 = arith.constant 0 : i32
    %dma_wait3A_246 = arith.constant 0 : i32
    %dma_wait3A_247 = arith.constant 0 : i32
    %dma_wait3A_248 = arith.constant 0 : i32
    %dma_wait3A_249 = tpu.memref_slice %arg18[%dma_wait3A_245, %dma_wait3A_247, %dma_wait3A_248] : memref<2x64x64xf32, #tpu.memory_space<vmem>> -> memref<1x64x64xf32, #tpu.memory_space<vmem>>
    %dma_wait3A_250 = tpu.memref_squeeze %dma_wait3A_249 : memref<1x64x64xf32, #tpu.memory_space<vmem>> -> memref<64x64xf32, #tpu.memory_space<vmem>>
    %dma_wait3A_251 = arith.constant 0 : i32
    %dma_wait3A_252 = arith.constant 0 : i32
    %dma_wait3A_253 = tpu.memref_slice %arg11[%dma_wait3A_246, %dma_wait3A_251, %dma_wait3A_252] : memref<2x10240x64xf32, #tpu.memory_space<hbm>> -> memref<1x64x64xf32, #tpu.memory_space<hbm>>
    %dma_wait3A_254 = tpu.memref_squeeze %dma_wait3A_253 : memref<1x64x64xf32, #tpu.memory_space<hbm>> -> memref<64x64xf32, #tpu.memory_space<hbm>>
    %dma_wait3A_255 = arith.constant 0 : i32
    %dma_wait3A_256 = arith.constant 0 : i32
    %dma_wait3A_257 = tpu.memref_slice %arg11[%dma_wait3A_246, %dma_wait3A_255, %dma_wait3A_256] : memref<2x10240x64xf32, #tpu.memory_space<hbm>> -> memref<1x64x64xf32, #tpu.memory_space<hbm>>
    %dma_wait3A_258 = tpu.memref_squeeze %dma_wait3A_257 : memref<1x64x64xf32, #tpu.memory_space<hbm>> -> memref<64x64xf32, #tpu.memory_space<hbm>>
    %dma_wait3A_259 = arith.constant 0 : i32
    %dma_wait3A_260 = arith.constant 0 : i32
    %dma_wait3A_261 = tpu.memref_slice %arg18[%dma_wait3A_245, %dma_wait3A_259, %dma_wait3A_260] : memref<2x64x64xf32, #tpu.memory_space<vmem>> -> memref<1x64x64xf32, #tpu.memory_space<vmem>>
    %dma_wait3A_262 = tpu.memref_squeeze %dma_wait3A_261 : memref<1x64x64xf32, #tpu.memory_space<vmem>> -> memref<64x64xf32, #tpu.memory_space<vmem>>
    tpu.wait_dma2 semaphore(%arg26 : memref<!tpu.dma_semaphore, #tpu.memory_space<semaphore_mem>>) src(%dma_wait3A_262 : memref<64x64xf32, #tpu.memory_space<vmem>>) dst(%dma_wait3A_258 : memref<64x64xf32, #tpu.memory_space<hbm>>)
    %scan3A_263 = arith.constant 0 : i32
    %scan3A_264 = arith.constant 0 : i32
    %scan3A_265 = arith.constant 64 : i32
    %scan3A_266 = arith.addi %scan3A_264, %scan3A_265 : i32
    %scan3A_267 = arith.constant 1 : i32
    scf.for %scan3A_1258 = %scan3A_264 to %scan3A_266 step %scan3A_267  : i32 {
      %add3A_1259 = arith.constant 0 : i32
      %add3A_1260 = arith.addi %mul3A_8, %add3A_1259 : i32
      %get3A = arith.constant 0 : i32
      %get3A_1261 = arith.index_cast %get3A : i32 to index
      %get3A_1262 = arith.index_cast %scan3A_1258 : i32 to index
      %get3A_1263 = arith.index_cast %add3A_1260 : i32 to index
      %get3A_1264 = tpu.vector_load %arg16[%get3A_1261, %get3A_1262, %get3A_1263] {strides = array<i32>} : memref<2x64x128xf32, #tpu.memory_space<vmem>>, vector<1x1x16xf32>,
      %get3A_1265 = vector.shape_cast %get3A_1264 : vector<1x1x16xf32> to vector<16xf32>
      %get3A_1266 = arith.constant 0 : i32
      %get3A_1267 = arith.index_cast %get3A_1266 : i32 to index
      %get3A_1268 = arith.index_cast %scan3A_1258 : i32 to index
      %get3A_1269 = arith.index_cast %add3A_1260 : i32 to index
      %get3A_1270 = tpu.vector_load %arg17[%get3A_1267, %get3A_1268, %get3A_1269] {strides = array<i32>} : memref<2x64x128xf32, #tpu.memory_space<vmem>>, vector<1x1x16xf32>,
      %get3A_1271 = vector.shape_cast %get3A_1270 : vector<1x1x16xf32> to vector<16xf32>
      %add3A_1272 = arith.addf %get3A_1265, %get3A_1271 : vector<16xf32>
      %max3A = arith.constant 0.000000e+00 : f32
      %max3A_1273 = vector.broadcast %max3A : f32 to vector<16xf32>
      %max3A_1274 = arith.maximumf %add3A_1272, %max3A_1273 : vector<16xf32>
      %swap3A = arith.constant 0 : i32
      %swap3A_1275 = arith.index_cast %swap3A : i32 to index
      %swap3A_1276 = arith.index_cast %scan3A_1258 : i32 to index
      %swap3A_1277 = arith.constant 0 : index
      %swap3A_1278 = tpu.vector_load %arg18[%swap3A_1275, %swap3A_1276, %swap3A_1277] {strides = array<i32>} : memref<2x64x64xf32, #tpu.memory_space<vmem>>, vector<1x1x16xf32>,
      %swap3A_1279 = vector.shape_cast %swap3A_1278 : vector<1x1x16xf32> to vector<16xf32>
      %swap3A_1280 = vector.shape_cast %max3A_1274 : vector<16xf32> to vector<1x1x16xf32>
      tpu.vector_store %arg18[%swap3A_1275, %swap3A_1276, %swap3A_1277], %swap3A_1280 {strides = array<i32>} : memref<2x64x64xf32, #tpu.memory_space<vmem>>, vector<1x1x16xf32>,
      %add3A_1281 = arith.constant 16 : i32
      %add3A_1282 = arith.addi %mul3A_8, %add3A_1281 : i32
      %get3A_1283 = arith.constant 0 : i32
      %get3A_1284 = arith.index_cast %get3A_1283 : i32 to index
      %get3A_1285 = arith.index_cast %scan3A_1258 : i32 to index
      %get3A_1286 = arith.index_cast %add3A_1282 : i32 to index
      %get3A_1287 = tpu.vector_load %arg16[%get3A_1284, %get3A_1285, %get3A_1286] {strides = array<i32>} : memref<2x64x128xf32, #tpu.memory_space<vmem>>, vector<1x1x16xf32>,
      %get3A_1288 = vector.shape_cast %get3A_1287 : vector<1x1x16xf32> to vector<16xf32>
      %get3A_1289 = arith.constant 0 : i32
      %get3A_1290 = arith.index_cast %get3A_1289 : i32 to index
      %get3A_1291 = arith.index_cast %scan3A_1258 : i32 to index
      %get3A_1292 = arith.index_cast %add3A_1282 : i32 to index
      %get3A_1293 = tpu.vector_load %arg17[%get3A_1290, %get3A_1291, %get3A_1292] {strides = array<i32>} : memref<2x64x128xf32, #tpu.memory_space<vmem>>, vector<1x1x16xf32>,
      %get3A_1294 = vector.shape_cast %get3A_1293 : vector<1x1x16xf32> to vector<16xf32>
      %add3A_1295 = arith.addf %get3A_1288, %get3A_1294 : vector<16xf32>
      %max3A_1296 = arith.constant 0.000000e+00 : f32
      %max3A_1297 = vector.broadcast %max3A_1296 : f32 to vector<16xf32>
      %max3A_1298 = arith.maximumf %add3A_1295, %max3A_1297 : vector<16xf32>
      %swap3A_1299 = arith.constant 0 : i32
      %swap3A_1300 = arith.index_cast %swap3A_1299 : i32 to index
      %swap3A_1301 = arith.index_cast %scan3A_1258 : i32 to index
      %swap3A_1302 = arith.constant 16 : index
      %swap3A_1303 = tpu.vector_load %arg18[%swap3A_1300, %swap3A_1301, %swap3A_1302] {strides = array<i32>} : memref<2x64x64xf32, #tpu.memory_space<vmem>>, vector<1x1x16xf32>,
      %swap3A_1304 = vector.shape_cast %swap3A_1303 : vector<1x1x16xf32> to vector<16xf32>
      %swap3A_1305 = vector.shape_cast %max3A_1298 : vector<16xf32> to vector<1x1x16xf32>
      tpu.vector_store %arg18[%swap3A_1300, %swap3A_1301, %swap3A_1302], %swap3A_1305 {strides = array<i32>} : memref<2x64x64xf32, #tpu.memory_space<vmem>>, vector<1x1x16xf32>,
      %add3A_1306 = arith.constant 32 : i32
      %add3A_1307 = arith.addi %mul3A_8, %add3A_1306 : i32
      %get3A_1308 = arith.constant 0 : i32
      %get3A_1309 = arith.index_cast %get3A_1308 : i32 to index
      %get3A_1310 = arith.index_cast %scan3A_1258 : i32 to index
      %get3A_1311 = arith.index_cast %add3A_1307 : i32 to index
      %get3A_1312 = tpu.vector_load %arg16[%get3A_1309, %get3A_1310, %get3A_1311] {strides = array<i32>} : memref<2x64x128xf32, #tpu.memory_space<vmem>>, vector<1x1x16xf32>,
      %get3A_1313 = vector.shape_cast %get3A_1312 : vector<1x1x16xf32> to vector<16xf32>
      %get3A_1314 = arith.constant 0 : i32
      %get3A_1315 = arith.index_cast %get3A_1314 : i32 to index
      %get3A_1316 = arith.index_cast %scan3A_1258 : i32 to index
      %get3A_1317 = arith.index_cast %add3A_1307 : i32 to index
      %get3A_1318 = tpu.vector_load %arg17[%get3A_1315, %get3A_1316, %get3A_1317] {strides = array<i32>} : memref<2x64x128xf32, #tpu.memory_space<vmem>>, vector<1x1x16xf32>,
      %get3A_1319 = vector.shape_cast %get3A_1318 : vector<1x1x16xf32> to vector<16xf32>
      %add3A_1320 = arith.addf %get3A_1313, %get3A_1319 : vector<16xf32>
      %max3A_1321 = arith.constant 0.000000e+00 : f32
      %max3A_1322 = vector.broadcast %max3A_1321 : f32 to vector<16xf32>
      %max3A_1323 = arith.maximumf %add3A_1320, %max3A_1322 : vector<16xf32>
      %swap3A_1324 = arith.constant 0 : i32
      %swap3A_1325 = arith.index_cast %swap3A_1324 : i32 to index
      %swap3A_1326 = arith.index_cast %scan3A_1258 : i32 to index
      %swap3A_1327 = arith.constant 32 : index
      %swap3A_1328 = tpu.vector_load %arg18[%swap3A_1325, %swap3A_1326, %swap3A_1327] {strides = array<i32>} : memref<2x64x64xf32, #tpu.memory_space<vmem>>, vector<1x1x16xf32>,
      %swap3A_1329 = vector.shape_cast %swap3A_1328 : vector<1x1x16xf32> to vector<16xf32>
      %swap3A_1330 = vector.shape_cast %max3A_1323 : vector<16xf32> to vector<1x1x16xf32>
      tpu.vector_store %arg18[%swap3A_1325, %swap3A_1326, %swap3A_1327], %swap3A_1330 {strides = array<i32>} : memref<2x64x64xf32, #tpu.memory_space<vmem>>, vector<1x1x16xf32>,
      %add3A_1331 = arith.constant 48 : i32
      %add3A_1332 = arith.addi %mul3A_8, %add3A_1331 : i32
      %get3A_1333 = arith.constant 0 : i32
      %get3A_1334 = arith.index_cast %get3A_1333 : i32 to index
      %get3A_1335 = arith.index_cast %scan3A_1258 : i32 to index
      %get3A_1336 = arith.index_cast %add3A_1332 : i32 to index
      %get3A_1337 = tpu.vector_load %arg16[%get3A_1334, %get3A_1335, %get3A_1336] {strides = array<i32>} : memref<2x64x128xf32, #tpu.memory_space<vmem>>, vector<1x1x16xf32>,
      %get3A_1338 = vector.shape_cast %get3A_1337 : vector<1x1x16xf32> to vector<16xf32>
      %get3A_1339 = arith.constant 0 : i32
      %get3A_1340 = arith.index_cast %get3A_1339 : i32 to index
      %get3A_1341 = arith.index_cast %scan3A_1258 : i32 to index
      %get3A_1342 = arith.index_cast %add3A_1332 : i32 to index
      %get3A_1343 = tpu.vector_load %arg17[%get3A_1340, %get3A_1341, %get3A_1342] {strides = array<i32>} : memref<2x64x128xf32, #tpu.memory_space<vmem>>, vector<1x1x16xf32>,
      %get3A_1344 = vector.shape_cast %get3A_1343 : vector<1x1x16xf32> to vector<16xf32>
      %add3A_1345 = arith.addf %get3A_1338, %get3A_1344 : vector<16xf32>
      %max3A_1346 = arith.constant 0.000000e+00 : f32
      %max3A_1347 = vector.broadcast %max3A_1346 : f32 to vector<16xf32>
      %max3A_1348 = arith.maximumf %add3A_1345, %max3A_1347 : vector<16xf32>
      %swap3A_1349 = arith.constant 0 : i32
      %swap3A_1350 = arith.index_cast %swap3A_1349 : i32 to index
      %swap3A_1351 = arith.index_cast %scan3A_1258 : i32 to index
      %swap3A_1352 = arith.constant 48 : index
      %swap3A_1353 = tpu.vector_load %arg18[%swap3A_1350, %swap3A_1351, %swap3A_1352] {strides = array<i32>} : memref<2x64x64xf32, #tpu.memory_space<vmem>>, vector<1x1x16xf32>,
      %swap3A_1354 = vector.shape_cast %swap3A_1353 : vector<1x1x16xf32> to vector<16xf32>
      %swap3A_1355 = vector.shape_cast %max3A_1348 : vector<16xf32> to vector<1x1x16xf32>
      tpu.vector_store %arg18[%swap3A_1350, %swap3A_1351, %swap3A_1352], %swap3A_1355 {strides = array<i32>} : memref<2x64x64xf32, #tpu.memory_space<vmem>>, vector<1x1x16xf32>,
    }
    %scan3A_268 = arith.constant 64 : i32
    %mul3A_269 = arith.constant 10 : i32
    %mul3A_270 = arith.muli %arg1, %mul3A_269 : i32
    %add3A_271 = arith.constant 2 : i32
    %add3A_272 = arith.addi %mul3A_270, %add3A_271 : i32
    %mul3A_273 = arith.constant 64 : i32
    %mul3A_274 = arith.muli %add3A_272, %mul3A_273 : i32
    %dma_start3A_275 = arith.constant 0 : i32
    %dma_start3A_276 = arith.constant 0 : i32
    %dma_start3A_277 = arith.constant 0 : i32
    %dma_start3A_278 = tpu.memref_slice %arg18[%dma_start3A_275, %dma_start3A_276, %dma_start3A_277] : memref<2x64x64xf32, #tpu.memory_space<vmem>> -> memref<1x64x64xf32, #tpu.memory_space<vmem>>
    %dma_start3A_279 = tpu.memref_squeeze %dma_start3A_278 : memref<1x64x64xf32, #tpu.memory_space<vmem>> -> memref<64x64xf32, #tpu.memory_space<vmem>>
    %dma_start3A_280 = arith.constant 0 : i32
    %dma_start3A_281 = tpu.memref_slice %arg11[%arg0, %mul3A_274, %dma_start3A_280] : memref<2x10240x64xf32, #tpu.memory_space<hbm>> -> memref<1x64x64xf32, #tpu.memory_space<hbm>>
    %dma_start3A_282 = tpu.memref_squeeze %dma_start3A_281 : memref<1x64x64xf32, #tpu.memory_space<hbm>> -> memref<64x64xf32, #tpu.memory_space<hbm>>
    %dma_start3A_283 = arith.constant 0 : i32
    %dma_start3A_284 = tpu.memref_slice %arg11[%arg0, %mul3A_274, %dma_start3A_283] : memref<2x10240x64xf32, #tpu.memory_space<hbm>> -> memref<1x64x64xf32, #tpu.memory_space<hbm>>
    %dma_start3A_285 = tpu.memref_squeeze %dma_start3A_284 : memref<1x64x64xf32, #tpu.memory_space<hbm>> -> memref<64x64xf32, #tpu.memory_space<hbm>>
    %dma_start3A_286 = arith.constant 0 : i32
    %dma_start3A_287 = arith.constant 0 : i32
    %dma_start3A_288 = tpu.memref_slice %arg18[%dma_start3A_275, %dma_start3A_286, %dma_start3A_287] : memref<2x64x64xf32, #tpu.memory_space<vmem>> -> memref<1x64x64xf32, #tpu.memory_space<vmem>>
    %dma_start3A_289 = tpu.memref_squeeze %dma_start3A_288 : memref<1x64x64xf32, #tpu.memory_space<vmem>> -> memref<64x64xf32, #tpu.memory_space<vmem>>
    tpu.enqueue_dma source(%dma_start3A_289 : memref<64x64xf32, #tpu.memory_space<vmem>>) target(%dma_start3A_285 : memref<64x64xf32, #tpu.memory_space<hbm>>) target_semaphore(%arg26 : memref<!tpu.dma_semaphore, #tpu.memory_space<semaphore_mem>>)
    %dma_wait3A_290 = arith.constant 1 : i32
    %dma_wait3A_291 = arith.constant 0 : i32
    %dma_wait3A_292 = arith.constant 0 : i32
    %dma_wait3A_293 = tpu.memref_slice %arg16[%dma_wait3A_290, %dma_wait3A_291, %dma_wait3A_292] : memref<2x64x128xf32, #tpu.memory_space<vmem>> -> memref<1x64x128xf32, #tpu.memory_space<vmem>>
    %dma_wait3A_294 = tpu.memref_squeeze %dma_wait3A_293 : memref<1x64x128xf32, #tpu.memory_space<vmem>> -> memref<64x128xf32, #tpu.memory_space<vmem>>
    %dma_wait3A_295 = arith.constant 0 : i32
    %dma_wait3A_296 = arith.constant 0 : i32
    %dma_wait3A_297 = tpu.memref_slice %arg2[%dma_wait3A_295, %dma_wait3A_296] : memref<100001x128xf32, #tpu.memory_space<hbm>> -> memref<64x128xf32, #tpu.memory_space<hbm>>
    %dma_wait3A_298 = arith.constant 0 : i32
    %dma_wait3A_299 = arith.constant 0 : i32
    %dma_wait3A_300 = tpu.memref_slice %arg16[%dma_wait3A_290, %dma_wait3A_298, %dma_wait3A_299] : memref<2x64x128xf32, #tpu.memory_space<vmem>> -> memref<1x64x128xf32, #tpu.memory_space<vmem>>
    %dma_wait3A_301 = tpu.memref_squeeze %dma_wait3A_300 : memref<1x64x128xf32, #tpu.memory_space<vmem>> -> memref<64x128xf32, #tpu.memory_space<vmem>>
    %dma_wait3A_302 = arith.constant 0 : i32
    %dma_wait3A_303 = arith.constant 0 : i32
    %dma_wait3A_304 = tpu.memref_slice %arg2[%dma_wait3A_302, %dma_wait3A_303] : memref<100001x128xf32, #tpu.memory_space<hbm>> -> memref<64x128xf32, #tpu.memory_space<hbm>>
    tpu.wait_dma2 semaphore(%arg25 : memref<!tpu.dma_semaphore, #tpu.memory_space<semaphore_mem>>) src(%dma_wait3A_304 : memref<64x128xf32, #tpu.memory_space<hbm>>) dst(%dma_wait3A_301 : memref<64x128xf32, #tpu.memory_space<vmem>>)
    %dma_wait3A_305 = arith.constant 1 : i32
    %dma_wait3A_306 = arith.constant 0 : i32
    %dma_wait3A_307 = arith.constant 0 : i32
    %dma_wait3A_308 = tpu.memref_slice %arg16[%dma_wait3A_305, %dma_wait3A_306, %dma_wait3A_307] : memref<2x64x128xf32, #tpu.memory_space<vmem>> -> memref<1x64x128xf32, #tpu.memory_space<vmem>>
    %dma_wait3A_309 = tpu.memref_squeeze %dma_wait3A_308 : memref<1x64x128xf32, #tpu.memory_space<vmem>> -> memref<64x128xf32, #tpu.memory_space<vmem>>
    %dma_wait3A_310 = arith.constant 0 : i32
    %dma_wait3A_311 = arith.constant 0 : i32
    %dma_wait3A_312 = tpu.memref_slice %arg2[%dma_wait3A_310, %dma_wait3A_311] : memref<100001x128xf32, #tpu.memory_space<hbm>> -> memref<64x128xf32, #tpu.memory_space<hbm>>
    %dma_wait3A_313 = arith.constant 0 : i32
    %dma_wait3A_314 = arith.constant 0 : i32
    %dma_wait3A_315 = tpu.memref_slice %arg16[%dma_wait3A_305, %dma_wait3A_313, %dma_wait3A_314] : memref<2x64x128xf32, #tpu.memory_space<vmem>> -> memref<1x64x128xf32, #tpu.memory_space<vmem>>
    %dma_wait3A_316 = tpu.memref_squeeze %dma_wait3A_315 : memref<1x64x128xf32, #tpu.memory_space<vmem>> -> memref<64x128xf32, #tpu.memory_space<vmem>>
    %dma_wait3A_317 = arith.constant 0 : i32
    %dma_wait3A_318 = arith.constant 0 : i32
    %dma_wait3A_319 = tpu.memref_slice %arg2[%dma_wait3A_317, %dma_wait3A_318] : memref<100001x128xf32, #tpu.memory_space<hbm>> -> memref<64x128xf32, #tpu.memory_space<hbm>>
    tpu.wait_dma2 semaphore(%arg25 : memref<!tpu.dma_semaphore, #tpu.memory_space<semaphore_mem>>) src(%dma_wait3A_319 : memref<64x128xf32, #tpu.memory_space<hbm>>) dst(%dma_wait3A_316 : memref<64x128xf32, #tpu.memory_space<vmem>>)
    %dma_start3A_320 = arith.constant 4 : i32
    %dma_start3A_321 = arith.constant 0 : i32
    %dma_start3A_322 = arith.constant 0 : i32
    %dma_start3A_323 = arith.constant 0 : i32
    %dma_start3A_324 = tpu.memref_slice %arg16[%dma_start3A_321, %dma_start3A_322, %dma_start3A_323] : memref<2x64x128xf32, #tpu.memory_space<vmem>> -> memref<1x64x128xf32, #tpu.memory_space<vmem>>
    %dma_start3A_325 = tpu.memref_squeeze %dma_start3A_324 : memref<1x64x128xf32, #tpu.memory_space<vmem>> -> memref<64x128xf32, #tpu.memory_space<vmem>>
    %dma_start3A_326 = arith.constant 0 : i32
    %dma_start3A_327 = tpu.memref_slice %arg14[%dma_start3A_320, %dma_start3A_326] : memref<10x64xi32, #tpu.memory_space<vmem>> -> memref<1x64xi32, #tpu.memory_space<vmem>>
    %dma_start3A_328 = tpu.memref_squeeze %dma_start3A_327 : memref<1x64xi32, #tpu.memory_space<vmem>> -> memref<64xi32, #tpu.memory_space<vmem>>
    %dma_start3A_329 = arith.constant 0 : i32
    %dma_start3A_330 = arith.constant 0 : i32
    %dma_start3A_331 = tpu.memref_slice %arg2[%dma_start3A_329, %dma_start3A_330] : memref<100001x128xf32, #tpu.memory_space<hbm>> -> memref<100001x128xf32, #tpu.memory_space<hbm>>
    tpu.enqueue_indirect_dma source(%dma_start3A_331 : memref<100001x128xf32, #tpu.memory_space<hbm>>) target(%dma_start3A_325 : memref<64x128xf32, #tpu.memory_space<vmem>>) offsets(%dma_start3A_328 : memref<64xi32, #tpu.memory_space<vmem>>) semaphore(%arg25 : memref<!tpu.dma_semaphore, #tpu.memory_space<semaphore_mem>>)
    %dma_start3A_332 = arith.constant 4 : i32
    %dma_start3A_333 = arith.constant 0 : i32
    %dma_start3A_334 = arith.constant 0 : i32
    %dma_start3A_335 = arith.constant 0 : i32
    %dma_start3A_336 = tpu.memref_slice %arg17[%dma_start3A_333, %dma_start3A_334, %dma_start3A_335] : memref<2x64x128xf32, #tpu.memory_space<vmem>> -> memref<1x64x128xf32, #tpu.memory_space<vmem>>
    %dma_start3A_337 = tpu.memref_squeeze %dma_start3A_336 : memref<1x64x128xf32, #tpu.memory_space<vmem>> -> memref<64x128xf32, #tpu.memory_space<vmem>>
    %dma_start3A_338 = arith.constant 0 : i32
    %dma_start3A_339 = tpu.memref_slice %arg15[%dma_start3A_332, %dma_start3A_338] : memref<10x64xi32, #tpu.memory_space<vmem>> -> memref<1x64xi32, #tpu.memory_space<vmem>>
    %dma_start3A_340 = tpu.memref_squeeze %dma_start3A_339 : memref<1x64xi32, #tpu.memory_space<vmem>> -> memref<64xi32, #tpu.memory_space<vmem>>
    %dma_start3A_341 = arith.constant 0 : i32
    %dma_start3A_342 = arith.constant 0 : i32
    %dma_start3A_343 = tpu.memref_slice %arg3[%dma_start3A_341, %dma_start3A_342] : memref<100001x128xf32, #tpu.memory_space<hbm>> -> memref<100001x128xf32, #tpu.memory_space<hbm>>
    tpu.enqueue_indirect_dma source(%dma_start3A_343 : memref<100001x128xf32, #tpu.memory_space<hbm>>) target(%dma_start3A_337 : memref<64x128xf32, #tpu.memory_space<vmem>>) offsets(%dma_start3A_340 : memref<64xi32, #tpu.memory_space<vmem>>) semaphore(%arg25 : memref<!tpu.dma_semaphore, #tpu.memory_space<semaphore_mem>>)
    %dma_wait3A_344 = arith.constant 1 : i32
    %dma_wait3A_345 = arith.constant 0 : i32
    %dma_wait3A_346 = arith.constant 0 : i32
    %dma_wait3A_347 = arith.constant 0 : i32
    %dma_wait3A_348 = tpu.memref_slice %arg18[%dma_wait3A_344, %dma_wait3A_346, %dma_wait3A_347] : memref<2x64x64xf32, #tpu.memory_space<vmem>> -> memref<1x64x64xf32, #tpu.memory_space<vmem>>
    %dma_wait3A_349 = tpu.memref_squeeze %dma_wait3A_348 : memref<1x64x64xf32, #tpu.memory_space<vmem>> -> memref<64x64xf32, #tpu.memory_space<vmem>>
    %dma_wait3A_350 = arith.constant 0 : i32
    %dma_wait3A_351 = arith.constant 0 : i32
    %dma_wait3A_352 = tpu.memref_slice %arg11[%dma_wait3A_345, %dma_wait3A_350, %dma_wait3A_351] : memref<2x10240x64xf32, #tpu.memory_space<hbm>> -> memref<1x64x64xf32, #tpu.memory_space<hbm>>
    %dma_wait3A_353 = tpu.memref_squeeze %dma_wait3A_352 : memref<1x64x64xf32, #tpu.memory_space<hbm>> -> memref<64x64xf32, #tpu.memory_space<hbm>>
    %dma_wait3A_354 = arith.constant 0 : i32
    %dma_wait3A_355 = arith.constant 0 : i32
    %dma_wait3A_356 = tpu.memref_slice %arg11[%dma_wait3A_345, %dma_wait3A_354, %dma_wait3A_355] : memref<2x10240x64xf32, #tpu.memory_space<hbm>> -> memref<1x64x64xf32, #tpu.memory_space<hbm>>
    %dma_wait3A_357 = tpu.memref_squeeze %dma_wait3A_356 : memref<1x64x64xf32, #tpu.memory_space<hbm>> -> memref<64x64xf32, #tpu.memory_space<hbm>>
    %dma_wait3A_358 = arith.constant 0 : i32
    %dma_wait3A_359 = arith.constant 0 : i32
    %dma_wait3A_360 = tpu.memref_slice %arg18[%dma_wait3A_344, %dma_wait3A_358, %dma_wait3A_359] : memref<2x64x64xf32, #tpu.memory_space<vmem>> -> memref<1x64x64xf32, #tpu.memory_space<vmem>>
    %dma_wait3A_361 = tpu.memref_squeeze %dma_wait3A_360 : memref<1x64x64xf32, #tpu.memory_space<vmem>> -> memref<64x64xf32, #tpu.memory_space<vmem>>
    tpu.wait_dma2 semaphore(%arg26 : memref<!tpu.dma_semaphore, #tpu.memory_space<semaphore_mem>>) src(%dma_wait3A_361 : memref<64x64xf32, #tpu.memory_space<vmem>>) dst(%dma_wait3A_357 : memref<64x64xf32, #tpu.memory_space<hbm>>)
    %scan3A_362 = arith.constant 0 : i32
    %scan3A_363 = arith.constant 0 : i32
    %scan3A_364 = arith.constant 64 : i32
    %scan3A_365 = arith.addi %scan3A_363, %scan3A_364 : i32
    %scan3A_366 = arith.constant 1 : i32
    scf.for %scan3A_1258 = %scan3A_363 to %scan3A_365 step %scan3A_366  : i32 {
      %add3A_1259 = arith.constant 0 : i32
      %add3A_1260 = arith.addi %mul3A_8, %add3A_1259 : i32
      %get3A = arith.constant 1 : i32
      %get3A_1261 = arith.index_cast %get3A : i32 to index
      %get3A_1262 = arith.index_cast %scan3A_1258 : i32 to index
      %get3A_1263 = arith.index_cast %add3A_1260 : i32 to index
      %get3A_1264 = tpu.vector_load %arg16[%get3A_1261, %get3A_1262, %get3A_1263] {strides = array<i32>} : memref<2x64x128xf32, #tpu.memory_space<vmem>>, vector<1x1x16xf32>,
      %get3A_1265 = vector.shape_cast %get3A_1264 : vector<1x1x16xf32> to vector<16xf32>
      %get3A_1266 = arith.constant 1 : i32
      %get3A_1267 = arith.index_cast %get3A_1266 : i32 to index
      %get3A_1268 = arith.index_cast %scan3A_1258 : i32 to index
      %get3A_1269 = arith.index_cast %add3A_1260 : i32 to index
      %get3A_1270 = tpu.vector_load %arg17[%get3A_1267, %get3A_1268, %get3A_1269] {strides = array<i32>} : memref<2x64x128xf32, #tpu.memory_space<vmem>>, vector<1x1x16xf32>,
      %get3A_1271 = vector.shape_cast %get3A_1270 : vector<1x1x16xf32> to vector<16xf32>
      %add3A_1272 = arith.addf %get3A_1265, %get3A_1271 : vector<16xf32>
      %max3A = arith.constant 0.000000e+00 : f32
      %max3A_1273 = vector.broadcast %max3A : f32 to vector<16xf32>
      %max3A_1274 = arith.maximumf %add3A_1272, %max3A_1273 : vector<16xf32>
      %swap3A = arith.constant 1 : i32
      %swap3A_1275 = arith.index_cast %swap3A : i32 to index
      %swap3A_1276 = arith.index_cast %scan3A_1258 : i32 to index
      %swap3A_1277 = arith.constant 0 : index
      %swap3A_1278 = tpu.vector_load %arg18[%swap3A_1275, %swap3A_1276, %swap3A_1277] {strides = array<i32>} : memref<2x64x64xf32, #tpu.memory_space<vmem>>, vector<1x1x16xf32>,
      %swap3A_1279 = vector.shape_cast %swap3A_1278 : vector<1x1x16xf32> to vector<16xf32>
      %swap3A_1280 = vector.shape_cast %max3A_1274 : vector<16xf32> to vector<1x1x16xf32>
      tpu.vector_store %arg18[%swap3A_1275, %swap3A_1276, %swap3A_1277], %swap3A_1280 {strides = array<i32>} : memref<2x64x64xf32, #tpu.memory_space<vmem>>, vector<1x1x16xf32>,
      %add3A_1281 = arith.constant 16 : i32
      %add3A_1282 = arith.addi %mul3A_8, %add3A_1281 : i32
      %get3A_1283 = arith.constant 1 : i32
      %get3A_1284 = arith.index_cast %get3A_1283 : i32 to index
      %get3A_1285 = arith.index_cast %scan3A_1258 : i32 to index
      %get3A_1286 = arith.index_cast %add3A_1282 : i32 to index
      %get3A_1287 = tpu.vector_load %arg16[%get3A_1284, %get3A_1285, %get3A_1286] {strides = array<i32>} : memref<2x64x128xf32, #tpu.memory_space<vmem>>, vector<1x1x16xf32>,
      %get3A_1288 = vector.shape_cast %get3A_1287 : vector<1x1x16xf32> to vector<16xf32>
      %get3A_1289 = arith.constant 1 : i32
      %get3A_1290 = arith.index_cast %get3A_1289 : i32 to index
      %get3A_1291 = arith.index_cast %scan3A_1258 : i32 to index
      %get3A_1292 = arith.index_cast %add3A_1282 : i32 to index
      %get3A_1293 = tpu.vector_load %arg17[%get3A_1290, %get3A_1291, %get3A_1292] {strides = array<i32>} : memref<2x64x128xf32, #tpu.memory_space<vmem>>, vector<1x1x16xf32>,
      %get3A_1294 = vector.shape_cast %get3A_1293 : vector<1x1x16xf32> to vector<16xf32>
      %add3A_1295 = arith.addf %get3A_1288, %get3A_1294 : vector<16xf32>
      %max3A_1296 = arith.constant 0.000000e+00 : f32
      %max3A_1297 = vector.broadcast %max3A_1296 : f32 to vector<16xf32>
      %max3A_1298 = arith.maximumf %add3A_1295, %max3A_1297 : vector<16xf32>
      %swap3A_1299 = arith.constant 1 : i32
      %swap3A_1300 = arith.index_cast %swap3A_1299 : i32 to index
      %swap3A_1301 = arith.index_cast %scan3A_1258 : i32 to index
      %swap3A_1302 = arith.constant 16 : index
      %swap3A_1303 = tpu.vector_load %arg18[%swap3A_1300, %swap3A_1301, %swap3A_1302] {strides = array<i32>} : memref<2x64x64xf32, #tpu.memory_space<vmem>>, vector<1x1x16xf32>,
      %swap3A_1304 = vector.shape_cast %swap3A_1303 : vector<1x1x16xf32> to vector<16xf32>
      %swap3A_1305 = vector.shape_cast %max3A_1298 : vector<16xf32> to vector<1x1x16xf32>
      tpu.vector_store %arg18[%swap3A_1300, %swap3A_1301, %swap3A_1302], %swap3A_1305 {strides = array<i32>} : memref<2x64x64xf32, #tpu.memory_space<vmem>>, vector<1x1x16xf32>,
      %add3A_1306 = arith.constant 32 : i32
      %add3A_1307 = arith.addi %mul3A_8, %add3A_1306 : i32
      %get3A_1308 = arith.constant 1 : i32
      %get3A_1309 = arith.index_cast %get3A_1308 : i32 to index
      %get3A_1310 = arith.index_cast %scan3A_1258 : i32 to index
      %get3A_1311 = arith.index_cast %add3A_1307 : i32 to index
      %get3A_1312 = tpu.vector_load %arg16[%get3A_1309, %get3A_1310, %get3A_1311] {strides = array<i32>} : memref<2x64x128xf32, #tpu.memory_space<vmem>>, vector<1x1x16xf32>,
      %get3A_1313 = vector.shape_cast %get3A_1312 : vector<1x1x16xf32> to vector<16xf32>
      %get3A_1314 = arith.constant 1 : i32
      %get3A_1315 = arith.index_cast %get3A_1314 : i32 to index
      %get3A_1316 = arith.index_cast %scan3A_1258 : i32 to index
      %get3A_1317 = arith.index_cast %add3A_1307 : i32 to index
      %get3A_1318 = tpu.vector_load %arg17[%get3A_1315, %get3A_1316, %get3A_1317] {strides = array<i32>} : memref<2x64x128xf32, #tpu.memory_space<vmem>>, vector<1x1x16xf32>,
      %get3A_1319 = vector.shape_cast %get3A_1318 : vector<1x1x16xf32> to vector<16xf32>
      %add3A_1320 = arith.addf %get3A_1313, %get3A_1319 : vector<16xf32>
      %max3A_1321 = arith.constant 0.000000e+00 : f32
      %max3A_1322 = vector.broadcast %max3A_1321 : f32 to vector<16xf32>
      %max3A_1323 = arith.maximumf %add3A_1320, %max3A_1322 : vector<16xf32>
      %swap3A_1324 = arith.constant 1 : i32
      %swap3A_1325 = arith.index_cast %swap3A_1324 : i32 to index
      %swap3A_1326 = arith.index_cast %scan3A_1258 : i32 to index
      %swap3A_1327 = arith.constant 32 : index
      %swap3A_1328 = tpu.vector_load %arg18[%swap3A_1325, %swap3A_1326, %swap3A_1327] {strides = array<i32>} : memref<2x64x64xf32, #tpu.memory_space<vmem>>, vector<1x1x16xf32>,
      %swap3A_1329 = vector.shape_cast %swap3A_1328 : vector<1x1x16xf32> to vector<16xf32>
      %swap3A_1330 = vector.shape_cast %max3A_1323 : vector<16xf32> to vector<1x1x16xf32>
      tpu.vector_store %arg18[%swap3A_1325, %swap3A_1326, %swap3A_1327], %swap3A_1330 {strides = array<i32>} : memref<2x64x64xf32, #tpu.memory_space<vmem>>, vector<1x1x16xf32>,
      %add3A_1331 = arith.constant 48 : i32
      %add3A_1332 = arith.addi %mul3A_8, %add3A_1331 : i32
      %get3A_1333 = arith.constant 1 : i32
      %get3A_1334 = arith.index_cast %get3A_1333 : i32 to index
      %get3A_1335 = arith.index_cast %scan3A_1258 : i32 to index
      %get3A_1336 = arith.index_cast %add3A_1332 : i32 to index
      %get3A_1337 = tpu.vector_load %arg16[%get3A_1334, %get3A_1335, %get3A_1336] {strides = array<i32>} : memref<2x64x128xf32, #tpu.memory_space<vmem>>, vector<1x1x16xf32>,
      %get3A_1338 = vector.shape_cast %get3A_1337 : vector<1x1x16xf32> to vector<16xf32>
      %get3A_1339 = arith.constant 1 : i32
      %get3A_1340 = arith.index_cast %get3A_1339 : i32 to index
      %get3A_1341 = arith.index_cast %scan3A_1258 : i32 to index
      %get3A_1342 = arith.index_cast %add3A_1332 : i32 to index
      %get3A_1343 = tpu.vector_load %arg17[%get3A_1340, %get3A_1341, %get3A_1342] {strides = array<i32>} : memref<2x64x128xf32, #tpu.memory_space<vmem>>, vector<1x1x16xf32>,
      %get3A_1344 = vector.shape_cast %get3A_1343 : vector<1x1x16xf32> to vector<16xf32>
      %add3A_1345 = arith.addf %get3A_1338, %get3A_1344 : vector<16xf32>
      %max3A_1346 = arith.constant 0.000000e+00 : f32
      %max3A_1347 = vector.broadcast %max3A_1346 : f32 to vector<16xf32>
      %max3A_1348 = arith.maximumf %add3A_1345, %max3A_1347 : vector<16xf32>
      %swap3A_1349 = arith.constant 1 : i32
      %swap3A_1350 = arith.index_cast %swap3A_1349 : i32 to index
      %swap3A_1351 = arith.index_cast %scan3A_1258 : i32 to index
      %swap3A_1352 = arith.constant 48 : index
      %swap3A_1353 = tpu.vector_load %arg18[%swap3A_1350, %swap3A_1351, %swap3A_1352] {strides = array<i32>} : memref<2x64x64xf32, #tpu.memory_space<vmem>>, vector<1x1x16xf32>,
      %swap3A_1354 = vector.shape_cast %swap3A_1353 : vector<1x1x16xf32> to vector<16xf32>
      %swap3A_1355 = vector.shape_cast %max3A_1348 : vector<16xf32> to vector<1x1x16xf32>
      tpu.vector_store %arg18[%swap3A_1350, %swap3A_1351, %swap3A_1352], %swap3A_1355 {strides = array<i32>} : memref<2x64x64xf32, #tpu.memory_space<vmem>>, vector<1x1x16xf32>,
    }
    %scan3A_367 = arith.constant 64 : i32
    %mul3A_368 = arith.constant 10 : i32
    %mul3A_369 = arith.muli %arg1, %mul3A_368 : i32
    %add3A_370 = arith.constant 3 : i32
    %add3A_371 = arith.addi %mul3A_369, %add3A_370 : i32
    %mul3A_372 = arith.constant 64 : i32
    %mul3A_373 = arith.muli %add3A_371, %mul3A_372 : i32
    %dma_start3A_374 = arith.constant 1 : i32
    %dma_start3A_375 = arith.constant 0 : i32
    %dma_start3A_376 = arith.constant 0 : i32
    %dma_start3A_377 = tpu.memref_slice %arg18[%dma_start3A_374, %dma_start3A_375, %dma_start3A_376] : memref<2x64x64xf32, #tpu.memory_space<vmem>> -> memref<1x64x64xf32, #tpu.memory_space<vmem>>
    %dma_start3A_378 = tpu.memref_squeeze %dma_start3A_377 : memref<1x64x64xf32, #tpu.memory_space<vmem>> -> memref<64x64xf32, #tpu.memory_space<vmem>>
    %dma_start3A_379 = arith.constant 0 : i32
    %dma_start3A_380 = tpu.memref_slice %arg11[%arg0, %mul3A_373, %dma_start3A_379] : memref<2x10240x64xf32, #tpu.memory_space<hbm>> -> memref<1x64x64xf32, #tpu.memory_space<hbm>>
    %dma_start3A_381 = tpu.memref_squeeze %dma_start3A_380 : memref<1x64x64xf32, #tpu.memory_space<hbm>> -> memref<64x64xf32, #tpu.memory_space<hbm>>
    %dma_start3A_382 = arith.constant 0 : i32
    %dma_start3A_383 = tpu.memref_slice %arg11[%arg0, %mul3A_373, %dma_start3A_382] : memref<2x10240x64xf32, #tpu.memory_space<hbm>> -> memref<1x64x64xf32, #tpu.memory_space<hbm>>
    %dma_start3A_384 = tpu.memref_squeeze %dma_start3A_383 : memref<1x64x64xf32, #tpu.memory_space<hbm>> -> memref<64x64xf32, #tpu.memory_space<hbm>>
    %dma_start3A_385 = arith.constant 0 : i32
    %dma_start3A_386 = arith.constant 0 : i32
    %dma_start3A_387 = tpu.memref_slice %arg18[%dma_start3A_374, %dma_start3A_385, %dma_start3A_386] : memref<2x64x64xf32, #tpu.memory_space<vmem>> -> memref<1x64x64xf32, #tpu.memory_space<vmem>>
    %dma_start3A_388 = tpu.memref_squeeze %dma_start3A_387 : memref<1x64x64xf32, #tpu.memory_space<vmem>> -> memref<64x64xf32, #tpu.memory_space<vmem>>
    tpu.enqueue_dma source(%dma_start3A_388 : memref<64x64xf32, #tpu.memory_space<vmem>>) target(%dma_start3A_384 : memref<64x64xf32, #tpu.memory_space<hbm>>) target_semaphore(%arg26 : memref<!tpu.dma_semaphore, #tpu.memory_space<semaphore_mem>>)
    %dma_wait3A_389 = arith.constant 0 : i32
    %dma_wait3A_390 = arith.constant 0 : i32
    %dma_wait3A_391 = arith.constant 0 : i32
    %dma_wait3A_392 = tpu.memref_slice %arg16[%dma_wait3A_389, %dma_wait3A_390, %dma_wait3A_391] : memref<2x64x128xf32, #tpu.memory_space<vmem>> -> memref<1x64x128xf32, #tpu.memory_space<vmem>>
    %dma_wait3A_393 = tpu.memref_squeeze %dma_wait3A_392 : memref<1x64x128xf32, #tpu.memory_space<vmem>> -> memref<64x128xf32, #tpu.memory_space<vmem>>
    %dma_wait3A_394 = arith.constant 0 : i32
    %dma_wait3A_395 = arith.constant 0 : i32
    %dma_wait3A_396 = tpu.memref_slice %arg2[%dma_wait3A_394, %dma_wait3A_395] : memref<100001x128xf32, #tpu.memory_space<hbm>> -> memref<64x128xf32, #tpu.memory_space<hbm>>
    %dma_wait3A_397 = arith.constant 0 : i32
    %dma_wait3A_398 = arith.constant 0 : i32
    %dma_wait3A_399 = tpu.memref_slice %arg16[%dma_wait3A_389, %dma_wait3A_397, %dma_wait3A_398] : memref<2x64x128xf32, #tpu.memory_space<vmem>> -> memref<1x64x128xf32, #tpu.memory_space<vmem>>
    %dma_wait3A_400 = tpu.memref_squeeze %dma_wait3A_399 : memref<1x64x128xf32, #tpu.memory_space<vmem>> -> memref<64x128xf32, #tpu.memory_space<vmem>>
    %dma_wait3A_401 = arith.constant 0 : i32
    %dma_wait3A_402 = arith.constant 0 : i32
    %dma_wait3A_403 = tpu.memref_slice %arg2[%dma_wait3A_401, %dma_wait3A_402] : memref<100001x128xf32, #tpu.memory_space<hbm>> -> memref<64x128xf32, #tpu.memory_space<hbm>>
    tpu.wait_dma2 semaphore(%arg25 : memref<!tpu.dma_semaphore, #tpu.memory_space<semaphore_mem>>) src(%dma_wait3A_403 : memref<64x128xf32, #tpu.memory_space<hbm>>) dst(%dma_wait3A_400 : memref<64x128xf32, #tpu.memory_space<vmem>>)
    %dma_wait3A_404 = arith.constant 0 : i32
    %dma_wait3A_405 = arith.constant 0 : i32
    %dma_wait3A_406 = arith.constant 0 : i32
    %dma_wait3A_407 = tpu.memref_slice %arg16[%dma_wait3A_404, %dma_wait3A_405, %dma_wait3A_406] : memref<2x64x128xf32, #tpu.memory_space<vmem>> -> memref<1x64x128xf32, #tpu.memory_space<vmem>>
    %dma_wait3A_408 = tpu.memref_squeeze %dma_wait3A_407 : memref<1x64x128xf32, #tpu.memory_space<vmem>> -> memref<64x128xf32, #tpu.memory_space<vmem>>
    %dma_wait3A_409 = arith.constant 0 : i32
    %dma_wait3A_410 = arith.constant 0 : i32
    %dma_wait3A_411 = tpu.memref_slice %arg2[%dma_wait3A_409, %dma_wait3A_410] : memref<100001x128xf32, #tpu.memory_space<hbm>> -> memref<64x128xf32, #tpu.memory_space<hbm>>
    %dma_wait3A_412 = arith.constant 0 : i32
    %dma_wait3A_413 = arith.constant 0 : i32
    %dma_wait3A_414 = tpu.memref_slice %arg16[%dma_wait3A_404, %dma_wait3A_412, %dma_wait3A_413] : memref<2x64x128xf32, #tpu.memory_space<vmem>> -> memref<1x64x128xf32, #tpu.memory_space<vmem>>
    %dma_wait3A_415 = tpu.memref_squeeze %dma_wait3A_414 : memref<1x64x128xf32, #tpu.memory_space<vmem>> -> memref<64x128xf32, #tpu.memory_space<vmem>>
    %dma_wait3A_416 = arith.constant 0 : i32
    %dma_wait3A_417 = arith.constant 0 : i32
    %dma_wait3A_418 = tpu.memref_slice %arg2[%dma_wait3A_416, %dma_wait3A_417] : memref<100001x128xf32, #tpu.memory_space<hbm>> -> memref<64x128xf32, #tpu.memory_space<hbm>>
    tpu.wait_dma2 semaphore(%arg25 : memref<!tpu.dma_semaphore, #tpu.memory_space<semaphore_mem>>) src(%dma_wait3A_418 : memref<64x128xf32, #tpu.memory_space<hbm>>) dst(%dma_wait3A_415 : memref<64x128xf32, #tpu.memory_space<vmem>>)
    %dma_start3A_419 = arith.constant 5 : i32
    %dma_start3A_420 = arith.constant 1 : i32
    %dma_start3A_421 = arith.constant 0 : i32
    %dma_start3A_422 = arith.constant 0 : i32
    %dma_start3A_423 = tpu.memref_slice %arg16[%dma_start3A_420, %dma_start3A_421, %dma_start3A_422] : memref<2x64x128xf32, #tpu.memory_space<vmem>> -> memref<1x64x128xf32, #tpu.memory_space<vmem>>
    %dma_start3A_424 = tpu.memref_squeeze %dma_start3A_423 : memref<1x64x128xf32, #tpu.memory_space<vmem>> -> memref<64x128xf32, #tpu.memory_space<vmem>>
    %dma_start3A_425 = arith.constant 0 : i32
    %dma_start3A_426 = tpu.memref_slice %arg14[%dma_start3A_419, %dma_start3A_425] : memref<10x64xi32, #tpu.memory_space<vmem>> -> memref<1x64xi32, #tpu.memory_space<vmem>>
    %dma_start3A_427 = tpu.memref_squeeze %dma_start3A_426 : memref<1x64xi32, #tpu.memory_space<vmem>> -> memref<64xi32, #tpu.memory_space<vmem>>
    %dma_start3A_428 = arith.constant 0 : i32
    %dma_start3A_429 = arith.constant 0 : i32
    %dma_start3A_430 = tpu.memref_slice %arg2[%dma_start3A_428, %dma_start3A_429] : memref<100001x128xf32, #tpu.memory_space<hbm>> -> memref<100001x128xf32, #tpu.memory_space<hbm>>
    tpu.enqueue_indirect_dma source(%dma_start3A_430 : memref<100001x128xf32, #tpu.memory_space<hbm>>) target(%dma_start3A_424 : memref<64x128xf32, #tpu.memory_space<vmem>>) offsets(%dma_start3A_427 : memref<64xi32, #tpu.memory_space<vmem>>) semaphore(%arg25 : memref<!tpu.dma_semaphore, #tpu.memory_space<semaphore_mem>>)
    %dma_start3A_431 = arith.constant 5 : i32
    %dma_start3A_432 = arith.constant 1 : i32
    %dma_start3A_433 = arith.constant 0 : i32
    %dma_start3A_434 = arith.constant 0 : i32
    %dma_start3A_435 = tpu.memref_slice %arg17[%dma_start3A_432, %dma_start3A_433, %dma_start3A_434] : memref<2x64x128xf32, #tpu.memory_space<vmem>> -> memref<1x64x128xf32, #tpu.memory_space<vmem>>
    %dma_start3A_436 = tpu.memref_squeeze %dma_start3A_435 : memref<1x64x128xf32, #tpu.memory_space<vmem>> -> memref<64x128xf32, #tpu.memory_space<vmem>>
    %dma_start3A_437 = arith.constant 0 : i32
    %dma_start3A_438 = tpu.memref_slice %arg15[%dma_start3A_431, %dma_start3A_437] : memref<10x64xi32, #tpu.memory_space<vmem>> -> memref<1x64xi32, #tpu.memory_space<vmem>>
    %dma_start3A_439 = tpu.memref_squeeze %dma_start3A_438 : memref<1x64xi32, #tpu.memory_space<vmem>> -> memref<64xi32, #tpu.memory_space<vmem>>
    %dma_start3A_440 = arith.constant 0 : i32
    %dma_start3A_441 = arith.constant 0 : i32
    %dma_start3A_442 = tpu.memref_slice %arg3[%dma_start3A_440, %dma_start3A_441] : memref<100001x128xf32, #tpu.memory_space<hbm>> -> memref<100001x128xf32, #tpu.memory_space<hbm>>
    tpu.enqueue_indirect_dma source(%dma_start3A_442 : memref<100001x128xf32, #tpu.memory_space<hbm>>) target(%dma_start3A_436 : memref<64x128xf32, #tpu.memory_space<vmem>>) offsets(%dma_start3A_439 : memref<64xi32, #tpu.memory_space<vmem>>) semaphore(%arg25 : memref<!tpu.dma_semaphore, #tpu.memory_space<semaphore_mem>>)
    %dma_wait3A_443 = arith.constant 0 : i32
    %dma_wait3A_444 = arith.constant 0 : i32
    %dma_wait3A_445 = arith.constant 0 : i32
    %dma_wait3A_446 = arith.constant 0 : i32
    %dma_wait3A_447 = tpu.memref_slice %arg18[%dma_wait3A_443, %dma_wait3A_445, %dma_wait3A_446] : memref<2x64x64xf32, #tpu.memory_space<vmem>> -> memref<1x64x64xf32, #tpu.memory_space<vmem>>
    %dma_wait3A_448 = tpu.memref_squeeze %dma_wait3A_447 : memref<1x64x64xf32, #tpu.memory_space<vmem>> -> memref<64x64xf32, #tpu.memory_space<vmem>>
    %dma_wait3A_449 = arith.constant 0 : i32
    %dma_wait3A_450 = arith.constant 0 : i32
    %dma_wait3A_451 = tpu.memref_slice %arg11[%dma_wait3A_444, %dma_wait3A_449, %dma_wait3A_450] : memref<2x10240x64xf32, #tpu.memory_space<hbm>> -> memref<1x64x64xf32, #tpu.memory_space<hbm>>
    %dma_wait3A_452 = tpu.memref_squeeze %dma_wait3A_451 : memref<1x64x64xf32, #tpu.memory_space<hbm>> -> memref<64x64xf32, #tpu.memory_space<hbm>>
    %dma_wait3A_453 = arith.constant 0 : i32
    %dma_wait3A_454 = arith.constant 0 : i32
    %dma_wait3A_455 = tpu.memref_slice %arg11[%dma_wait3A_444, %dma_wait3A_453, %dma_wait3A_454] : memref<2x10240x64xf32, #tpu.memory_space<hbm>> -> memref<1x64x64xf32, #tpu.memory_space<hbm>>
    %dma_wait3A_456 = tpu.memref_squeeze %dma_wait3A_455 : memref<1x64x64xf32, #tpu.memory_space<hbm>> -> memref<64x64xf32, #tpu.memory_space<hbm>>
    %dma_wait3A_457 = arith.constant 0 : i32
    %dma_wait3A_458 = arith.constant 0 : i32
    %dma_wait3A_459 = tpu.memref_slice %arg18[%dma_wait3A_443, %dma_wait3A_457, %dma_wait3A_458] : memref<2x64x64xf32, #tpu.memory_space<vmem>> -> memref<1x64x64xf32, #tpu.memory_space<vmem>>
    %dma_wait3A_460 = tpu.memref_squeeze %dma_wait3A_459 : memref<1x64x64xf32, #tpu.memory_space<vmem>> -> memref<64x64xf32, #tpu.memory_space<vmem>>
    tpu.wait_dma2 semaphore(%arg26 : memref<!tpu.dma_semaphore, #tpu.memory_space<semaphore_mem>>) src(%dma_wait3A_460 : memref<64x64xf32, #tpu.memory_space<vmem>>) dst(%dma_wait3A_456 : memref<64x64xf32, #tpu.memory_space<hbm>>)
    %scan3A_461 = arith.constant 0 : i32
    %scan3A_462 = arith.constant 0 : i32
    %scan3A_463 = arith.constant 64 : i32
    %scan3A_464 = arith.addi %scan3A_462, %scan3A_463 : i32
    %scan3A_465 = arith.constant 1 : i32
    scf.for %scan3A_1258 = %scan3A_462 to %scan3A_464 step %scan3A_465  : i32 {
      %add3A_1259 = arith.constant 0 : i32
      %add3A_1260 = arith.addi %mul3A_8, %add3A_1259 : i32
      %get3A = arith.constant 0 : i32
      %get3A_1261 = arith.index_cast %get3A : i32 to index
      %get3A_1262 = arith.index_cast %scan3A_1258 : i32 to index
      %get3A_1263 = arith.index_cast %add3A_1260 : i32 to index
      %get3A_1264 = tpu.vector_load %arg16[%get3A_1261, %get3A_1262, %get3A_1263] {strides = array<i32>} : memref<2x64x128xf32, #tpu.memory_space<vmem>>, vector<1x1x16xf32>,
      %get3A_1265 = vector.shape_cast %get3A_1264 : vector<1x1x16xf32> to vector<16xf32>
      %get3A_1266 = arith.constant 0 : i32
      %get3A_1267 = arith.index_cast %get3A_1266 : i32 to index
      %get3A_1268 = arith.index_cast %scan3A_1258 : i32 to index
      %get3A_1269 = arith.index_cast %add3A_1260 : i32 to index
      %get3A_1270 = tpu.vector_load %arg17[%get3A_1267, %get3A_1268, %get3A_1269] {strides = array<i32>} : memref<2x64x128xf32, #tpu.memory_space<vmem>>, vector<1x1x16xf32>,
      %get3A_1271 = vector.shape_cast %get3A_1270 : vector<1x1x16xf32> to vector<16xf32>
      %add3A_1272 = arith.addf %get3A_1265, %get3A_1271 : vector<16xf32>
      %max3A = arith.constant 0.000000e+00 : f32
      %max3A_1273 = vector.broadcast %max3A : f32 to vector<16xf32>
      %max3A_1274 = arith.maximumf %add3A_1272, %max3A_1273 : vector<16xf32>
      %swap3A = arith.constant 0 : i32
      %swap3A_1275 = arith.index_cast %swap3A : i32 to index
      %swap3A_1276 = arith.index_cast %scan3A_1258 : i32 to index
      %swap3A_1277 = arith.constant 0 : index
      %swap3A_1278 = tpu.vector_load %arg18[%swap3A_1275, %swap3A_1276, %swap3A_1277] {strides = array<i32>} : memref<2x64x64xf32, #tpu.memory_space<vmem>>, vector<1x1x16xf32>,
      %swap3A_1279 = vector.shape_cast %swap3A_1278 : vector<1x1x16xf32> to vector<16xf32>
      %swap3A_1280 = vector.shape_cast %max3A_1274 : vector<16xf32> to vector<1x1x16xf32>
      tpu.vector_store %arg18[%swap3A_1275, %swap3A_1276, %swap3A_1277], %swap3A_1280 {strides = array<i32>} : memref<2x64x64xf32, #tpu.memory_space<vmem>>, vector<1x1x16xf32>,
      %add3A_1281 = arith.constant 16 : i32
      %add3A_1282 = arith.addi %mul3A_8, %add3A_1281 : i32
      %get3A_1283 = arith.constant 0 : i32
      %get3A_1284 = arith.index_cast %get3A_1283 : i32 to index
      %get3A_1285 = arith.index_cast %scan3A_1258 : i32 to index
      %get3A_1286 = arith.index_cast %add3A_1282 : i32 to index
      %get3A_1287 = tpu.vector_load %arg16[%get3A_1284, %get3A_1285, %get3A_1286] {strides = array<i32>} : memref<2x64x128xf32, #tpu.memory_space<vmem>>, vector<1x1x16xf32>,
      %get3A_1288 = vector.shape_cast %get3A_1287 : vector<1x1x16xf32> to vector<16xf32>
      %get3A_1289 = arith.constant 0 : i32
      %get3A_1290 = arith.index_cast %get3A_1289 : i32 to index
      %get3A_1291 = arith.index_cast %scan3A_1258 : i32 to index
      %get3A_1292 = arith.index_cast %add3A_1282 : i32 to index
      %get3A_1293 = tpu.vector_load %arg17[%get3A_1290, %get3A_1291, %get3A_1292] {strides = array<i32>} : memref<2x64x128xf32, #tpu.memory_space<vmem>>, vector<1x1x16xf32>,
      %get3A_1294 = vector.shape_cast %get3A_1293 : vector<1x1x16xf32> to vector<16xf32>
      %add3A_1295 = arith.addf %get3A_1288, %get3A_1294 : vector<16xf32>
      %max3A_1296 = arith.constant 0.000000e+00 : f32
      %max3A_1297 = vector.broadcast %max3A_1296 : f32 to vector<16xf32>
      %max3A_1298 = arith.maximumf %add3A_1295, %max3A_1297 : vector<16xf32>
      %swap3A_1299 = arith.constant 0 : i32
      %swap3A_1300 = arith.index_cast %swap3A_1299 : i32 to index
      %swap3A_1301 = arith.index_cast %scan3A_1258 : i32 to index
      %swap3A_1302 = arith.constant 16 : index
      %swap3A_1303 = tpu.vector_load %arg18[%swap3A_1300, %swap3A_1301, %swap3A_1302] {strides = array<i32>} : memref<2x64x64xf32, #tpu.memory_space<vmem>>, vector<1x1x16xf32>,
      %swap3A_1304 = vector.shape_cast %swap3A_1303 : vector<1x1x16xf32> to vector<16xf32>
      %swap3A_1305 = vector.shape_cast %max3A_1298 : vector<16xf32> to vector<1x1x16xf32>
      tpu.vector_store %arg18[%swap3A_1300, %swap3A_1301, %swap3A_1302], %swap3A_1305 {strides = array<i32>} : memref<2x64x64xf32, #tpu.memory_space<vmem>>, vector<1x1x16xf32>,
      %add3A_1306 = arith.constant 32 : i32
      %add3A_1307 = arith.addi %mul3A_8, %add3A_1306 : i32
      %get3A_1308 = arith.constant 0 : i32
      %get3A_1309 = arith.index_cast %get3A_1308 : i32 to index
      %get3A_1310 = arith.index_cast %scan3A_1258 : i32 to index
      %get3A_1311 = arith.index_cast %add3A_1307 : i32 to index
      %get3A_1312 = tpu.vector_load %arg16[%get3A_1309, %get3A_1310, %get3A_1311] {strides = array<i32>} : memref<2x64x128xf32, #tpu.memory_space<vmem>>, vector<1x1x16xf32>,
      %get3A_1313 = vector.shape_cast %get3A_1312 : vector<1x1x16xf32> to vector<16xf32>
      %get3A_1314 = arith.constant 0 : i32
      %get3A_1315 = arith.index_cast %get3A_1314 : i32 to index
      %get3A_1316 = arith.index_cast %scan3A_1258 : i32 to index
      %get3A_1317 = arith.index_cast %add3A_1307 : i32 to index
      %get3A_1318 = tpu.vector_load %arg17[%get3A_1315, %get3A_1316, %get3A_1317] {strides = array<i32>} : memref<2x64x128xf32, #tpu.memory_space<vmem>>, vector<1x1x16xf32>,
      %get3A_1319 = vector.shape_cast %get3A_1318 : vector<1x1x16xf32> to vector<16xf32>
      %add3A_1320 = arith.addf %get3A_1313, %get3A_1319 : vector<16xf32>
      %max3A_1321 = arith.constant 0.000000e+00 : f32
      %max3A_1322 = vector.broadcast %max3A_1321 : f32 to vector<16xf32>
      %max3A_1323 = arith.maximumf %add3A_1320, %max3A_1322 : vector<16xf32>
      %swap3A_1324 = arith.constant 0 : i32
      %swap3A_1325 = arith.index_cast %swap3A_1324 : i32 to index
      %swap3A_1326 = arith.index_cast %scan3A_1258 : i32 to index
      %swap3A_1327 = arith.constant 32 : index
      %swap3A_1328 = tpu.vector_load %arg18[%swap3A_1325, %swap3A_1326, %swap3A_1327] {strides = array<i32>} : memref<2x64x64xf32, #tpu.memory_space<vmem>>, vector<1x1x16xf32>,
      %swap3A_1329 = vector.shape_cast %swap3A_1328 : vector<1x1x16xf32> to vector<16xf32>
      %swap3A_1330 = vector.shape_cast %max3A_1323 : vector<16xf32> to vector<1x1x16xf32>
      tpu.vector_store %arg18[%swap3A_1325, %swap3A_1326, %swap3A_1327], %swap3A_1330 {strides = array<i32>} : memref<2x64x64xf32, #tpu.memory_space<vmem>>, vector<1x1x16xf32>,
      %add3A_1331 = arith.constant 48 : i32
      %add3A_1332 = arith.addi %mul3A_8, %add3A_1331 : i32
      %get3A_1333 = arith.constant 0 : i32
      %get3A_1334 = arith.index_cast %get3A_1333 : i32 to index
      %get3A_1335 = arith.index_cast %scan3A_1258 : i32 to index
      %get3A_1336 = arith.index_cast %add3A_1332 : i32 to index
      %get3A_1337 = tpu.vector_load %arg16[%get3A_1334, %get3A_1335, %get3A_1336] {strides = array<i32>} : memref<2x64x128xf32, #tpu.memory_space<vmem>>, vector<1x1x16xf32>,
      %get3A_1338 = vector.shape_cast %get3A_1337 : vector<1x1x16xf32> to vector<16xf32>
      %get3A_1339 = arith.constant 0 : i32
      %get3A_1340 = arith.index_cast %get3A_1339 : i32 to index
      %get3A_1341 = arith.index_cast %scan3A_1258 : i32 to index
      %get3A_1342 = arith.index_cast %add3A_1332 : i32 to index
      %get3A_1343 = tpu.vector_load %arg17[%get3A_1340, %get3A_1341, %get3A_1342] {strides = array<i32>} : memref<2x64x128xf32, #tpu.memory_space<vmem>>, vector<1x1x16xf32>,
      %get3A_1344 = vector.shape_cast %get3A_1343 : vector<1x1x16xf32> to vector<16xf32>
      %add3A_1345 = arith.addf %get3A_1338, %get3A_1344 : vector<16xf32>
      %max3A_1346 = arith.constant 0.000000e+00 : f32
      %max3A_1347 = vector.broadcast %max3A_1346 : f32 to vector<16xf32>
      %max3A_1348 = arith.maximumf %add3A_1345, %max3A_1347 : vector<16xf32>
      %swap3A_1349 = arith.constant 0 : i32
      %swap3A_1350 = arith.index_cast %swap3A_1349 : i32 to index
      %swap3A_1351 = arith.index_cast %scan3A_1258 : i32 to index
      %swap3A_1352 = arith.constant 48 : index
      %swap3A_1353 = tpu.vector_load %arg18[%swap3A_1350, %swap3A_1351, %swap3A_1352] {strides = array<i32>} : memref<2x64x64xf32, #tpu.memory_space<vmem>>, vector<1x1x16xf32>,
      %swap3A_1354 = vector.shape_cast %swap3A_1353 : vector<1x1x16xf32> to vector<16xf32>
      %swap3A_1355 = vector.shape_cast %max3A_1348 : vector<16xf32> to vector<1x1x16xf32>
      tpu.vector_store %arg18[%swap3A_1350, %swap3A_1351, %swap3A_1352], %swap3A_1355 {strides = array<i32>} : memref<2x64x64xf32, #tpu.memory_space<vmem>>, vector<1x1x16xf32>,
    }
    %scan3A_466 = arith.constant 64 : i32
    %mul3A_467 = arith.constant 10 : i32
    %mul3A_468 = arith.muli %arg1, %mul3A_467 : i32
    %add3A_469 = arith.constant 4 : i32
    %add3A_470 = arith.addi %mul3A_468, %add3A_469 : i32
    %mul3A_471 = arith.constant 64 : i32
    %mul3A_472 = arith.muli %add3A_470, %mul3A_471 : i32
    %dma_start3A_473 = arith.constant 0 : i32
    %dma_start3A_474 = arith.constant 0 : i32
    %dma_start3A_475 = arith.constant 0 : i32
    %dma_start3A_476 = tpu.memref_slice %arg18[%dma_start3A_473, %dma_start3A_474, %dma_start3A_475] : memref<2x64x64xf32, #tpu.memory_space<vmem>> -> memref<1x64x64xf32, #tpu.memory_space<vmem>>
    %dma_start3A_477 = tpu.memref_squeeze %dma_start3A_476 : memref<1x64x64xf32, #tpu.memory_space<vmem>> -> memref<64x64xf32, #tpu.memory_space<vmem>>
    %dma_start3A_478 = arith.constant 0 : i32
    %dma_start3A_479 = tpu.memref_slice %arg11[%arg0, %mul3A_472, %dma_start3A_478] : memref<2x10240x64xf32, #tpu.memory_space<hbm>> -> memref<1x64x64xf32, #tpu.memory_space<hbm>>
    %dma_start3A_480 = tpu.memref_squeeze %dma_start3A_479 : memref<1x64x64xf32, #tpu.memory_space<hbm>> -> memref<64x64xf32, #tpu.memory_space<hbm>>
    %dma_start3A_481 = arith.constant 0 : i32
    %dma_start3A_482 = tpu.memref_slice %arg11[%arg0, %mul3A_472, %dma_start3A_481] : memref<2x10240x64xf32, #tpu.memory_space<hbm>> -> memref<1x64x64xf32, #tpu.memory_space<hbm>>
    %dma_start3A_483 = tpu.memref_squeeze %dma_start3A_482 : memref<1x64x64xf32, #tpu.memory_space<hbm>> -> memref<64x64xf32, #tpu.memory_space<hbm>>
    %dma_start3A_484 = arith.constant 0 : i32
    %dma_start3A_485 = arith.constant 0 : i32
    %dma_start3A_486 = tpu.memref_slice %arg18[%dma_start3A_473, %dma_start3A_484, %dma_start3A_485] : memref<2x64x64xf32, #tpu.memory_space<vmem>> -> memref<1x64x64xf32, #tpu.memory_space<vmem>>
    %dma_start3A_487 = tpu.memref_squeeze %dma_start3A_486 : memref<1x64x64xf32, #tpu.memory_space<vmem>> -> memref<64x64xf32, #tpu.memory_space<vmem>>
    tpu.enqueue_dma source(%dma_start3A_487 : memref<64x64xf32, #tpu.memory_space<vmem>>) target(%dma_start3A_483 : memref<64x64xf32, #tpu.memory_space<hbm>>) target_semaphore(%arg26 : memref<!tpu.dma_semaphore, #tpu.memory_space<semaphore_mem>>)
    %dma_wait3A_488 = arith.constant 1 : i32
    %dma_wait3A_489 = arith.constant 0 : i32
    %dma_wait3A_490 = arith.constant 0 : i32
    %dma_wait3A_491 = tpu.memref_slice %arg16[%dma_wait3A_488, %dma_wait3A_489, %dma_wait3A_490] : memref<2x64x128xf32, #tpu.memory_space<vmem>> -> memref<1x64x128xf32, #tpu.memory_space<vmem>>
    %dma_wait3A_492 = tpu.memref_squeeze %dma_wait3A_491 : memref<1x64x128xf32, #tpu.memory_space<vmem>> -> memref<64x128xf32, #tpu.memory_space<vmem>>
    %dma_wait3A_493 = arith.constant 0 : i32
    %dma_wait3A_494 = arith.constant 0 : i32
    %dma_wait3A_495 = tpu.memref_slice %arg2[%dma_wait3A_493, %dma_wait3A_494] : memref<100001x128xf32, #tpu.memory_space<hbm>> -> memref<64x128xf32, #tpu.memory_space<hbm>>
    %dma_wait3A_496 = arith.constant 0 : i32
    %dma_wait3A_497 = arith.constant 0 : i32
    %dma_wait3A_498 = tpu.memref_slice %arg16[%dma_wait3A_488, %dma_wait3A_496, %dma_wait3A_497] : memref<2x64x128xf32, #tpu.memory_space<vmem>> -> memref<1x64x128xf32, #tpu.memory_space<vmem>>
    %dma_wait3A_499 = tpu.memref_squeeze %dma_wait3A_498 : memref<1x64x128xf32, #tpu.memory_space<vmem>> -> memref<64x128xf32, #tpu.memory_space<vmem>>
    %dma_wait3A_500 = arith.constant 0 : i32
    %dma_wait3A_501 = arith.constant 0 : i32
    %dma_wait3A_502 = tpu.memref_slice %arg2[%dma_wait3A_500, %dma_wait3A_501] : memref<100001x128xf32, #tpu.memory_space<hbm>> -> memref<64x128xf32, #tpu.memory_space<hbm>>
    tpu.wait_dma2 semaphore(%arg25 : memref<!tpu.dma_semaphore, #tpu.memory_space<semaphore_mem>>) src(%dma_wait3A_502 : memref<64x128xf32, #tpu.memory_space<hbm>>) dst(%dma_wait3A_499 : memref<64x128xf32, #tpu.memory_space<vmem>>)
    %dma_wait3A_503 = arith.constant 1 : i32
    %dma_wait3A_504 = arith.constant 0 : i32
    %dma_wait3A_505 = arith.constant 0 : i32
    %dma_wait3A_506 = tpu.memref_slice %arg16[%dma_wait3A_503, %dma_wait3A_504, %dma_wait3A_505] : memref<2x64x128xf32, #tpu.memory_space<vmem>> -> memref<1x64x128xf32, #tpu.memory_space<vmem>>
    %dma_wait3A_507 = tpu.memref_squeeze %dma_wait3A_506 : memref<1x64x128xf32, #tpu.memory_space<vmem>> -> memref<64x128xf32, #tpu.memory_space<vmem>>
    %dma_wait3A_508 = arith.constant 0 : i32
    %dma_wait3A_509 = arith.constant 0 : i32
    %dma_wait3A_510 = tpu.memref_slice %arg2[%dma_wait3A_508, %dma_wait3A_509] : memref<100001x128xf32, #tpu.memory_space<hbm>> -> memref<64x128xf32, #tpu.memory_space<hbm>>
    %dma_wait3A_511 = arith.constant 0 : i32
    %dma_wait3A_512 = arith.constant 0 : i32
    %dma_wait3A_513 = tpu.memref_slice %arg16[%dma_wait3A_503, %dma_wait3A_511, %dma_wait3A_512] : memref<2x64x128xf32, #tpu.memory_space<vmem>> -> memref<1x64x128xf32, #tpu.memory_space<vmem>>
    %dma_wait3A_514 = tpu.memref_squeeze %dma_wait3A_513 : memref<1x64x128xf32, #tpu.memory_space<vmem>> -> memref<64x128xf32, #tpu.memory_space<vmem>>
    %dma_wait3A_515 = arith.constant 0 : i32
    %dma_wait3A_516 = arith.constant 0 : i32
    %dma_wait3A_517 = tpu.memref_slice %arg2[%dma_wait3A_515, %dma_wait3A_516] : memref<100001x128xf32, #tpu.memory_space<hbm>> -> memref<64x128xf32, #tpu.memory_space<hbm>>
    tpu.wait_dma2 semaphore(%arg25 : memref<!tpu.dma_semaphore, #tpu.memory_space<semaphore_mem>>) src(%dma_wait3A_517 : memref<64x128xf32, #tpu.memory_space<hbm>>) dst(%dma_wait3A_514 : memref<64x128xf32, #tpu.memory_space<vmem>>)
    %dma_start3A_518 = arith.constant 6 : i32
    %dma_start3A_519 = arith.constant 0 : i32
    %dma_start3A_520 = arith.constant 0 : i32
    %dma_start3A_521 = arith.constant 0 : i32
    %dma_start3A_522 = tpu.memref_slice %arg16[%dma_start3A_519, %dma_start3A_520, %dma_start3A_521] : memref<2x64x128xf32, #tpu.memory_space<vmem>> -> memref<1x64x128xf32, #tpu.memory_space<vmem>>
    %dma_start3A_523 = tpu.memref_squeeze %dma_start3A_522 : memref<1x64x128xf32, #tpu.memory_space<vmem>> -> memref<64x128xf32, #tpu.memory_space<vmem>>
    %dma_start3A_524 = arith.constant 0 : i32
    %dma_start3A_525 = tpu.memref_slice %arg14[%dma_start3A_518, %dma_start3A_524] : memref<10x64xi32, #tpu.memory_space<vmem>> -> memref<1x64xi32, #tpu.memory_space<vmem>>
    %dma_start3A_526 = tpu.memref_squeeze %dma_start3A_525 : memref<1x64xi32, #tpu.memory_space<vmem>> -> memref<64xi32, #tpu.memory_space<vmem>>
    %dma_start3A_527 = arith.constant 0 : i32
    %dma_start3A_528 = arith.constant 0 : i32
    %dma_start3A_529 = tpu.memref_slice %arg2[%dma_start3A_527, %dma_start3A_528] : memref<100001x128xf32, #tpu.memory_space<hbm>> -> memref<100001x128xf32, #tpu.memory_space<hbm>>
    tpu.enqueue_indirect_dma source(%dma_start3A_529 : memref<100001x128xf32, #tpu.memory_space<hbm>>) target(%dma_start3A_523 : memref<64x128xf32, #tpu.memory_space<vmem>>) offsets(%dma_start3A_526 : memref<64xi32, #tpu.memory_space<vmem>>) semaphore(%arg25 : memref<!tpu.dma_semaphore, #tpu.memory_space<semaphore_mem>>)
    %dma_start3A_530 = arith.constant 6 : i32
    %dma_start3A_531 = arith.constant 0 : i32
    %dma_start3A_532 = arith.constant 0 : i32
    %dma_start3A_533 = arith.constant 0 : i32
    %dma_start3A_534 = tpu.memref_slice %arg17[%dma_start3A_531, %dma_start3A_532, %dma_start3A_533] : memref<2x64x128xf32, #tpu.memory_space<vmem>> -> memref<1x64x128xf32, #tpu.memory_space<vmem>>
    %dma_start3A_535 = tpu.memref_squeeze %dma_start3A_534 : memref<1x64x128xf32, #tpu.memory_space<vmem>> -> memref<64x128xf32, #tpu.memory_space<vmem>>
    %dma_start3A_536 = arith.constant 0 : i32
    %dma_start3A_537 = tpu.memref_slice %arg15[%dma_start3A_530, %dma_start3A_536] : memref<10x64xi32, #tpu.memory_space<vmem>> -> memref<1x64xi32, #tpu.memory_space<vmem>>
    %dma_start3A_538 = tpu.memref_squeeze %dma_start3A_537 : memref<1x64xi32, #tpu.memory_space<vmem>> -> memref<64xi32, #tpu.memory_space<vmem>>
    %dma_start3A_539 = arith.constant 0 : i32
    %dma_start3A_540 = arith.constant 0 : i32
    %dma_start3A_541 = tpu.memref_slice %arg3[%dma_start3A_539, %dma_start3A_540] : memref<100001x128xf32, #tpu.memory_space<hbm>> -> memref<100001x128xf32, #tpu.memory_space<hbm>>
    tpu.enqueue_indirect_dma source(%dma_start3A_541 : memref<100001x128xf32, #tpu.memory_space<hbm>>) target(%dma_start3A_535 : memref<64x128xf32, #tpu.memory_space<vmem>>) offsets(%dma_start3A_538 : memref<64xi32, #tpu.memory_space<vmem>>) semaphore(%arg25 : memref<!tpu.dma_semaphore, #tpu.memory_space<semaphore_mem>>)
    %dma_wait3A_542 = arith.constant 1 : i32
    %dma_wait3A_543 = arith.constant 0 : i32
    %dma_wait3A_544 = arith.constant 0 : i32
    %dma_wait3A_545 = arith.constant 0 : i32
    %dma_wait3A_546 = tpu.memref_slice %arg18[%dma_wait3A_542, %dma_wait3A_544, %dma_wait3A_545] : memref<2x64x64xf32, #tpu.memory_space<vmem>> -> memref<1x64x64xf32, #tpu.memory_space<vmem>>
    %dma_wait3A_547 = tpu.memref_squeeze %dma_wait3A_546 : memref<1x64x64xf32, #tpu.memory_space<vmem>> -> memref<64x64xf32, #tpu.memory_space<vmem>>
    %dma_wait3A_548 = arith.constant 0 : i32
    %dma_wait3A_549 = arith.constant 0 : i32
    %dma_wait3A_550 = tpu.memref_slice %arg11[%dma_wait3A_543, %dma_wait3A_548, %dma_wait3A_549] : memref<2x10240x64xf32, #tpu.memory_space<hbm>> -> memref<1x64x64xf32, #tpu.memory_space<hbm>>
    %dma_wait3A_551 = tpu.memref_squeeze %dma_wait3A_550 : memref<1x64x64xf32, #tpu.memory_space<hbm>> -> memref<64x64xf32, #tpu.memory_space<hbm>>
    %dma_wait3A_552 = arith.constant 0 : i32
    %dma_wait3A_553 = arith.constant 0 : i32
    %dma_wait3A_554 = tpu.memref_slice %arg11[%dma_wait3A_543, %dma_wait3A_552, %dma_wait3A_553] : memref<2x10240x64xf32, #tpu.memory_space<hbm>> -> memref<1x64x64xf32, #tpu.memory_space<hbm>>
    %dma_wait3A_555 = tpu.memref_squeeze %dma_wait3A_554 : memref<1x64x64xf32, #tpu.memory_space<hbm>> -> memref<64x64xf32, #tpu.memory_space<hbm>>
    %dma_wait3A_556 = arith.constant 0 : i32
    %dma_wait3A_557 = arith.constant 0 : i32
    %dma_wait3A_558 = tpu.memref_slice %arg18[%dma_wait3A_542, %dma_wait3A_556, %dma_wait3A_557] : memref<2x64x64xf32, #tpu.memory_space<vmem>> -> memref<1x64x64xf32, #tpu.memory_space<vmem>>
    %dma_wait3A_559 = tpu.memref_squeeze %dma_wait3A_558 : memref<1x64x64xf32, #tpu.memory_space<vmem>> -> memref<64x64xf32, #tpu.memory_space<vmem>>
    tpu.wait_dma2 semaphore(%arg26 : memref<!tpu.dma_semaphore, #tpu.memory_space<semaphore_mem>>) src(%dma_wait3A_559 : memref<64x64xf32, #tpu.memory_space<vmem>>) dst(%dma_wait3A_555 : memref<64x64xf32, #tpu.memory_space<hbm>>)
    %scan3A_560 = arith.constant 0 : i32
    %scan3A_561 = arith.constant 0 : i32
    %scan3A_562 = arith.constant 64 : i32
    %scan3A_563 = arith.addi %scan3A_561, %scan3A_562 : i32
    %scan3A_564 = arith.constant 1 : i32
    scf.for %scan3A_1258 = %scan3A_561 to %scan3A_563 step %scan3A_564  : i32 {
      %add3A_1259 = arith.constant 0 : i32
      %add3A_1260 = arith.addi %mul3A_8, %add3A_1259 : i32
      %get3A = arith.constant 1 : i32
      %get3A_1261 = arith.index_cast %get3A : i32 to index
      %get3A_1262 = arith.index_cast %scan3A_1258 : i32 to index
      %get3A_1263 = arith.index_cast %add3A_1260 : i32 to index
      %get3A_1264 = tpu.vector_load %arg16[%get3A_1261, %get3A_1262, %get3A_1263] {strides = array<i32>} : memref<2x64x128xf32, #tpu.memory_space<vmem>>, vector<1x1x16xf32>,
      %get3A_1265 = vector.shape_cast %get3A_1264 : vector<1x1x16xf32> to vector<16xf32>
      %get3A_1266 = arith.constant 1 : i32
      %get3A_1267 = arith.index_cast %get3A_1266 : i32 to index
      %get3A_1268 = arith.index_cast %scan3A_1258 : i32 to index
      %get3A_1269 = arith.index_cast %add3A_1260 : i32 to index
      %get3A_1270 = tpu.vector_load %arg17[%get3A_1267, %get3A_1268, %get3A_1269] {strides = array<i32>} : memref<2x64x128xf32, #tpu.memory_space<vmem>>, vector<1x1x16xf32>,
      %get3A_1271 = vector.shape_cast %get3A_1270 : vector<1x1x16xf32> to vector<16xf32>
      %add3A_1272 = arith.addf %get3A_1265, %get3A_1271 : vector<16xf32>
      %max3A = arith.constant 0.000000e+00 : f32
      %max3A_1273 = vector.broadcast %max3A : f32 to vector<16xf32>
      %max3A_1274 = arith.maximumf %add3A_1272, %max3A_1273 : vector<16xf32>
      %swap3A = arith.constant 1 : i32
      %swap3A_1275 = arith.index_cast %swap3A : i32 to index
      %swap3A_1276 = arith.index_cast %scan3A_1258 : i32 to index
      %swap3A_1277 = arith.constant 0 : index
      %swap3A_1278 = tpu.vector_load %arg18[%swap3A_1275, %swap3A_1276, %swap3A_1277] {strides = array<i32>} : memref<2x64x64xf32, #tpu.memory_space<vmem>>, vector<1x1x16xf32>,
      %swap3A_1279 = vector.shape_cast %swap3A_1278 : vector<1x1x16xf32> to vector<16xf32>
      %swap3A_1280 = vector.shape_cast %max3A_1274 : vector<16xf32> to vector<1x1x16xf32>
      tpu.vector_store %arg18[%swap3A_1275, %swap3A_1276, %swap3A_1277], %swap3A_1280 {strides = array<i32>} : memref<2x64x64xf32, #tpu.memory_space<vmem>>, vector<1x1x16xf32>,
      %add3A_1281 = arith.constant 16 : i32
      %add3A_1282 = arith.addi %mul3A_8, %add3A_1281 : i32
      %get3A_1283 = arith.constant 1 : i32
      %get3A_1284 = arith.index_cast %get3A_1283 : i32 to index
      %get3A_1285 = arith.index_cast %scan3A_1258 : i32 to index
      %get3A_1286 = arith.index_cast %add3A_1282 : i32 to index
      %get3A_1287 = tpu.vector_load %arg16[%get3A_1284, %get3A_1285, %get3A_1286] {strides = array<i32>} : memref<2x64x128xf32, #tpu.memory_space<vmem>>, vector<1x1x16xf32>,
      %get3A_1288 = vector.shape_cast %get3A_1287 : vector<1x1x16xf32> to vector<16xf32>
      %get3A_1289 = arith.constant 1 : i32
      %get3A_1290 = arith.index_cast %get3A_1289 : i32 to index
      %get3A_1291 = arith.index_cast %scan3A_1258 : i32 to index
      %get3A_1292 = arith.index_cast %add3A_1282 : i32 to index
      %get3A_1293 = tpu.vector_load %arg17[%get3A_1290, %get3A_1291, %get3A_1292] {strides = array<i32>} : memref<2x64x128xf32, #tpu.memory_space<vmem>>, vector<1x1x16xf32>,
      %get3A_1294 = vector.shape_cast %get3A_1293 : vector<1x1x16xf32> to vector<16xf32>
      %add3A_1295 = arith.addf %get3A_1288, %get3A_1294 : vector<16xf32>
      %max3A_1296 = arith.constant 0.000000e+00 : f32
      %max3A_1297 = vector.broadcast %max3A_1296 : f32 to vector<16xf32>
      %max3A_1298 = arith.maximumf %add3A_1295, %max3A_1297 : vector<16xf32>
      %swap3A_1299 = arith.constant 1 : i32
      %swap3A_1300 = arith.index_cast %swap3A_1299 : i32 to index
      %swap3A_1301 = arith.index_cast %scan3A_1258 : i32 to index
      %swap3A_1302 = arith.constant 16 : index
      %swap3A_1303 = tpu.vector_load %arg18[%swap3A_1300, %swap3A_1301, %swap3A_1302] {strides = array<i32>} : memref<2x64x64xf32, #tpu.memory_space<vmem>>, vector<1x1x16xf32>,
      %swap3A_1304 = vector.shape_cast %swap3A_1303 : vector<1x1x16xf32> to vector<16xf32>
      %swap3A_1305 = vector.shape_cast %max3A_1298 : vector<16xf32> to vector<1x1x16xf32>
      tpu.vector_store %arg18[%swap3A_1300, %swap3A_1301, %swap3A_1302], %swap3A_1305 {strides = array<i32>} : memref<2x64x64xf32, #tpu.memory_space<vmem>>, vector<1x1x16xf32>,
      %add3A_1306 = arith.constant 32 : i32
      %add3A_1307 = arith.addi %mul3A_8, %add3A_1306 : i32
      %get3A_1308 = arith.constant 1 : i32
      %get3A_1309 = arith.index_cast %get3A_1308 : i32 to index
      %get3A_1310 = arith.index_cast %scan3A_1258 : i32 to index
      %get3A_1311 = arith.index_cast %add3A_1307 : i32 to index
      %get3A_1312 = tpu.vector_load %arg16[%get3A_1309, %get3A_1310, %get3A_1311] {strides = array<i32>} : memref<2x64x128xf32, #tpu.memory_space<vmem>>, vector<1x1x16xf32>,
      %get3A_1313 = vector.shape_cast %get3A_1312 : vector<1x1x16xf32> to vector<16xf32>
      %get3A_1314 = arith.constant 1 : i32
      %get3A_1315 = arith.index_cast %get3A_1314 : i32 to index
      %get3A_1316 = arith.index_cast %scan3A_1258 : i32 to index
      %get3A_1317 = arith.index_cast %add3A_1307 : i32 to index
      %get3A_1318 = tpu.vector_load %arg17[%get3A_1315, %get3A_1316, %get3A_1317] {strides = array<i32>} : memref<2x64x128xf32, #tpu.memory_space<vmem>>, vector<1x1x16xf32>,
      %get3A_1319 = vector.shape_cast %get3A_1318 : vector<1x1x16xf32> to vector<16xf32>
      %add3A_1320 = arith.addf %get3A_1313, %get3A_1319 : vector<16xf32>
      %max3A_1321 = arith.constant 0.000000e+00 : f32
      %max3A_1322 = vector.broadcast %max3A_1321 : f32 to vector<16xf32>
      %max3A_1323 = arith.maximumf %add3A_1320, %max3A_1322 : vector<16xf32>
      %swap3A_1324 = arith.constant 1 : i32
      %swap3A_1325 = arith.index_cast %swap3A_1324 : i32 to index
      %swap3A_1326 = arith.index_cast %scan3A_1258 : i32 to index
      %swap3A_1327 = arith.constant 32 : index
      %swap3A_1328 = tpu.vector_load %arg18[%swap3A_1325, %swap3A_1326, %swap3A_1327] {strides = array<i32>} : memref<2x64x64xf32, #tpu.memory_space<vmem>>, vector<1x1x16xf32>,
      %swap3A_1329 = vector.shape_cast %swap3A_1328 : vector<1x1x16xf32> to vector<16xf32>
      %swap3A_1330 = vector.shape_cast %max3A_1323 : vector<16xf32> to vector<1x1x16xf32>
      tpu.vector_store %arg18[%swap3A_1325, %swap3A_1326, %swap3A_1327], %swap3A_1330 {strides = array<i32>} : memref<2x64x64xf32, #tpu.memory_space<vmem>>, vector<1x1x16xf32>,
      %add3A_1331 = arith.constant 48 : i32
      %add3A_1332 = arith.addi %mul3A_8, %add3A_1331 : i32
      %get3A_1333 = arith.constant 1 : i32
      %get3A_1334 = arith.index_cast %get3A_1333 : i32 to index
      %get3A_1335 = arith.index_cast %scan3A_1258 : i32 to index
      %get3A_1336 = arith.index_cast %add3A_1332 : i32 to index
      %get3A_1337 = tpu.vector_load %arg16[%get3A_1334, %get3A_1335, %get3A_1336] {strides = array<i32>} : memref<2x64x128xf32, #tpu.memory_space<vmem>>, vector<1x1x16xf32>,
      %get3A_1338 = vector.shape_cast %get3A_1337 : vector<1x1x16xf32> to vector<16xf32>
      %get3A_1339 = arith.constant 1 : i32
      %get3A_1340 = arith.index_cast %get3A_1339 : i32 to index
      %get3A_1341 = arith.index_cast %scan3A_1258 : i32 to index
      %get3A_1342 = arith.index_cast %add3A_1332 : i32 to index
      %get3A_1343 = tpu.vector_load %arg17[%get3A_1340, %get3A_1341, %get3A_1342] {strides = array<i32>} : memref<2x64x128xf32, #tpu.memory_space<vmem>>, vector<1x1x16xf32>,
      %get3A_1344 = vector.shape_cast %get3A_1343 : vector<1x1x16xf32> to vector<16xf32>
      %add3A_1345 = arith.addf %get3A_1338, %get3A_1344 : vector<16xf32>
      %max3A_1346 = arith.constant 0.000000e+00 : f32
      %max3A_1347 = vector.broadcast %max3A_1346 : f32 to vector<16xf32>
      %max3A_1348 = arith.maximumf %add3A_1345, %max3A_1347 : vector<16xf32>
      %swap3A_1349 = arith.constant 1 : i32
      %swap3A_1350 = arith.index_cast %swap3A_1349 : i32 to index
      %swap3A_1351 = arith.index_cast %scan3A_1258 : i32 to index
      %swap3A_1352 = arith.constant 48 : index
      %swap3A_1353 = tpu.vector_load %arg18[%swap3A_1350, %swap3A_1351, %swap3A_1352] {strides = array<i32>} : memref<2x64x64xf32, #tpu.memory_space<vmem>>, vector<1x1x16xf32>,
      %swap3A_1354 = vector.shape_cast %swap3A_1353 : vector<1x1x16xf32> to vector<16xf32>
      %swap3A_1355 = vector.shape_cast %max3A_1348 : vector<16xf32> to vector<1x1x16xf32>
      tpu.vector_store %arg18[%swap3A_1350, %swap3A_1351, %swap3A_1352], %swap3A_1355 {strides = array<i32>} : memref<2x64x64xf32, #tpu.memory_space<vmem>>, vector<1x1x16xf32>,
    }
    %scan3A_565 = arith.constant 64 : i32
    %mul3A_566 = arith.constant 10 : i32
    %mul3A_567 = arith.muli %arg1, %mul3A_566 : i32
    %add3A_568 = arith.constant 5 : i32
    %add3A_569 = arith.addi %mul3A_567, %add3A_568 : i32
    %mul3A_570 = arith.constant 64 : i32
    %mul3A_571 = arith.muli %add3A_569, %mul3A_570 : i32
    %dma_start3A_572 = arith.constant 1 : i32
    %dma_start3A_573 = arith.constant 0 : i32
    %dma_start3A_574 = arith.constant 0 : i32
    %dma_start3A_575 = tpu.memref_slice %arg18[%dma_start3A_572, %dma_start3A_573, %dma_start3A_574] : memref<2x64x64xf32, #tpu.memory_space<vmem>> -> memref<1x64x64xf32, #tpu.memory_space<vmem>>
    %dma_start3A_576 = tpu.memref_squeeze %dma_start3A_575 : memref<1x64x64xf32, #tpu.memory_space<vmem>> -> memref<64x64xf32, #tpu.memory_space<vmem>>
    %dma_start3A_577 = arith.constant 0 : i32
    %dma_start3A_578 = tpu.memref_slice %arg11[%arg0, %mul3A_571, %dma_start3A_577] : memref<2x10240x64xf32, #tpu.memory_space<hbm>> -> memref<1x64x64xf32, #tpu.memory_space<hbm>>
    %dma_start3A_579 = tpu.memref_squeeze %dma_start3A_578 : memref<1x64x64xf32, #tpu.memory_space<hbm>> -> memref<64x64xf32, #tpu.memory_space<hbm>>
    %dma_start3A_580 = arith.constant 0 : i32
    %dma_start3A_581 = tpu.memref_slice %arg11[%arg0, %mul3A_571, %dma_start3A_580] : memref<2x10240x64xf32, #tpu.memory_space<hbm>> -> memref<1x64x64xf32, #tpu.memory_space<hbm>>
    %dma_start3A_582 = tpu.memref_squeeze %dma_start3A_581 : memref<1x64x64xf32, #tpu.memory_space<hbm>> -> memref<64x64xf32, #tpu.memory_space<hbm>>
    %dma_start3A_583 = arith.constant 0 : i32
    %dma_start3A_584 = arith.constant 0 : i32
    %dma_start3A_585 = tpu.memref_slice %arg18[%dma_start3A_572, %dma_start3A_583, %dma_start3A_584] : memref<2x64x64xf32, #tpu.memory_space<vmem>> -> memref<1x64x64xf32, #tpu.memory_space<vmem>>
    %dma_start3A_586 = tpu.memref_squeeze %dma_start3A_585 : memref<1x64x64xf32, #tpu.memory_space<vmem>> -> memref<64x64xf32, #tpu.memory_space<vmem>>
    tpu.enqueue_dma source(%dma_start3A_586 : memref<64x64xf32, #tpu.memory_space<vmem>>) target(%dma_start3A_582 : memref<64x64xf32, #tpu.memory_space<hbm>>) target_semaphore(%arg26 : memref<!tpu.dma_semaphore, #tpu.memory_space<semaphore_mem>>)
    %dma_wait3A_587 = arith.constant 0 : i32
    %dma_wait3A_588 = arith.constant 0 : i32
    %dma_wait3A_589 = arith.constant 0 : i32
    %dma_wait3A_590 = tpu.memref_slice %arg16[%dma_wait3A_587, %dma_wait3A_588, %dma_wait3A_589] : memref<2x64x128xf32, #tpu.memory_space<vmem>> -> memref<1x64x128xf32, #tpu.memory_space<vmem>>
    %dma_wait3A_591 = tpu.memref_squeeze %dma_wait3A_590 : memref<1x64x128xf32, #tpu.memory_space<vmem>> -> memref<64x128xf32, #tpu.memory_space<vmem>>
    %dma_wait3A_592 = arith.constant 0 : i32
    %dma_wait3A_593 = arith.constant 0 : i32
    %dma_wait3A_594 = tpu.memref_slice %arg2[%dma_wait3A_592, %dma_wait3A_593] : memref<100001x128xf32, #tpu.memory_space<hbm>> -> memref<64x128xf32, #tpu.memory_space<hbm>>
    %dma_wait3A_595 = arith.constant 0 : i32
    %dma_wait3A_596 = arith.constant 0 : i32
    %dma_wait3A_597 = tpu.memref_slice %arg16[%dma_wait3A_587, %dma_wait3A_595, %dma_wait3A_596] : memref<2x64x128xf32, #tpu.memory_space<vmem>> -> memref<1x64x128xf32, #tpu.memory_space<vmem>>
    %dma_wait3A_598 = tpu.memref_squeeze %dma_wait3A_597 : memref<1x64x128xf32, #tpu.memory_space<vmem>> -> memref<64x128xf32, #tpu.memory_space<vmem>>
    %dma_wait3A_599 = arith.constant 0 : i32
    %dma_wait3A_600 = arith.constant 0 : i32
    %dma_wait3A_601 = tpu.memref_slice %arg2[%dma_wait3A_599, %dma_wait3A_600] : memref<100001x128xf32, #tpu.memory_space<hbm>> -> memref<64x128xf32, #tpu.memory_space<hbm>>
    tpu.wait_dma2 semaphore(%arg25 : memref<!tpu.dma_semaphore, #tpu.memory_space<semaphore_mem>>) src(%dma_wait3A_601 : memref<64x128xf32, #tpu.memory_space<hbm>>) dst(%dma_wait3A_598 : memref<64x128xf32, #tpu.memory_space<vmem>>)
    %dma_wait3A_602 = arith.constant 0 : i32
    %dma_wait3A_603 = arith.constant 0 : i32
    %dma_wait3A_604 = arith.constant 0 : i32
    %dma_wait3A_605 = tpu.memref_slice %arg16[%dma_wait3A_602, %dma_wait3A_603, %dma_wait3A_604] : memref<2x64x128xf32, #tpu.memory_space<vmem>> -> memref<1x64x128xf32, #tpu.memory_space<vmem>>
    %dma_wait3A_606 = tpu.memref_squeeze %dma_wait3A_605 : memref<1x64x128xf32, #tpu.memory_space<vmem>> -> memref<64x128xf32, #tpu.memory_space<vmem>>
    %dma_wait3A_607 = arith.constant 0 : i32
    %dma_wait3A_608 = arith.constant 0 : i32
    %dma_wait3A_609 = tpu.memref_slice %arg2[%dma_wait3A_607, %dma_wait3A_608] : memref<100001x128xf32, #tpu.memory_space<hbm>> -> memref<64x128xf32, #tpu.memory_space<hbm>>
    %dma_wait3A_610 = arith.constant 0 : i32
    %dma_wait3A_611 = arith.constant 0 : i32
    %dma_wait3A_612 = tpu.memref_slice %arg16[%dma_wait3A_602, %dma_wait3A_610, %dma_wait3A_611] : memref<2x64x128xf32, #tpu.memory_space<vmem>> -> memref<1x64x128xf32, #tpu.memory_space<vmem>>
    %dma_wait3A_613 = tpu.memref_squeeze %dma_wait3A_612 : memref<1x64x128xf32, #tpu.memory_space<vmem>> -> memref<64x128xf32, #tpu.memory_space<vmem>>
    %dma_wait3A_614 = arith.constant 0 : i32
    %dma_wait3A_615 = arith.constant 0 : i32
    %dma_wait3A_616 = tpu.memref_slice %arg2[%dma_wait3A_614, %dma_wait3A_615] : memref<100001x128xf32, #tpu.memory_space<hbm>> -> memref<64x128xf32, #tpu.memory_space<hbm>>
    tpu.wait_dma2 semaphore(%arg25 : memref<!tpu.dma_semaphore, #tpu.memory_space<semaphore_mem>>) src(%dma_wait3A_616 : memref<64x128xf32, #tpu.memory_space<hbm>>) dst(%dma_wait3A_613 : memref<64x128xf32, #tpu.memory_space<vmem>>)
    %dma_start3A_617 = arith.constant 7 : i32
    %dma_start3A_618 = arith.constant 1 : i32
    %dma_start3A_619 = arith.constant 0 : i32
    %dma_start3A_620 = arith.constant 0 : i32
    %dma_start3A_621 = tpu.memref_slice %arg16[%dma_start3A_618, %dma_start3A_619, %dma_start3A_620] : memref<2x64x128xf32, #tpu.memory_space<vmem>> -> memref<1x64x128xf32, #tpu.memory_space<vmem>>
    %dma_start3A_622 = tpu.memref_squeeze %dma_start3A_621 : memref<1x64x128xf32, #tpu.memory_space<vmem>> -> memref<64x128xf32, #tpu.memory_space<vmem>>
    %dma_start3A_623 = arith.constant 0 : i32
    %dma_start3A_624 = tpu.memref_slice %arg14[%dma_start3A_617, %dma_start3A_623] : memref<10x64xi32, #tpu.memory_space<vmem>> -> memref<1x64xi32, #tpu.memory_space<vmem>>
    %dma_start3A_625 = tpu.memref_squeeze %dma_start3A_624 : memref<1x64xi32, #tpu.memory_space<vmem>> -> memref<64xi32, #tpu.memory_space<vmem>>
    %dma_start3A_626 = arith.constant 0 : i32
    %dma_start3A_627 = arith.constant 0 : i32
    %dma_start3A_628 = tpu.memref_slice %arg2[%dma_start3A_626, %dma_start3A_627] : memref<100001x128xf32, #tpu.memory_space<hbm>> -> memref<100001x128xf32, #tpu.memory_space<hbm>>
    tpu.enqueue_indirect_dma source(%dma_start3A_628 : memref<100001x128xf32, #tpu.memory_space<hbm>>) target(%dma_start3A_622 : memref<64x128xf32, #tpu.memory_space<vmem>>) offsets(%dma_start3A_625 : memref<64xi32, #tpu.memory_space<vmem>>) semaphore(%arg25 : memref<!tpu.dma_semaphore, #tpu.memory_space<semaphore_mem>>)
    %dma_start3A_629 = arith.constant 7 : i32
    %dma_start3A_630 = arith.constant 1 : i32
    %dma_start3A_631 = arith.constant 0 : i32
    %dma_start3A_632 = arith.constant 0 : i32
    %dma_start3A_633 = tpu.memref_slice %arg17[%dma_start3A_630, %dma_start3A_631, %dma_start3A_632] : memref<2x64x128xf32, #tpu.memory_space<vmem>> -> memref<1x64x128xf32, #tpu.memory_space<vmem>>
    %dma_start3A_634 = tpu.memref_squeeze %dma_start3A_633 : memref<1x64x128xf32, #tpu.memory_space<vmem>> -> memref<64x128xf32, #tpu.memory_space<vmem>>
    %dma_start3A_635 = arith.constant 0 : i32
    %dma_start3A_636 = tpu.memref_slice %arg15[%dma_start3A_629, %dma_start3A_635] : memref<10x64xi32, #tpu.memory_space<vmem>> -> memref<1x64xi32, #tpu.memory_space<vmem>>
    %dma_start3A_637 = tpu.memref_squeeze %dma_start3A_636 : memref<1x64xi32, #tpu.memory_space<vmem>> -> memref<64xi32, #tpu.memory_space<vmem>>
    %dma_start3A_638 = arith.constant 0 : i32
    %dma_start3A_639 = arith.constant 0 : i32
    %dma_start3A_640 = tpu.memref_slice %arg3[%dma_start3A_638, %dma_start3A_639] : memref<100001x128xf32, #tpu.memory_space<hbm>> -> memref<100001x128xf32, #tpu.memory_space<hbm>>
    tpu.enqueue_indirect_dma source(%dma_start3A_640 : memref<100001x128xf32, #tpu.memory_space<hbm>>) target(%dma_start3A_634 : memref<64x128xf32, #tpu.memory_space<vmem>>) offsets(%dma_start3A_637 : memref<64xi32, #tpu.memory_space<vmem>>) semaphore(%arg25 : memref<!tpu.dma_semaphore, #tpu.memory_space<semaphore_mem>>)
    %dma_wait3A_641 = arith.constant 0 : i32
    %dma_wait3A_642 = arith.constant 0 : i32
    %dma_wait3A_643 = arith.constant 0 : i32
    %dma_wait3A_644 = arith.constant 0 : i32
    %dma_wait3A_645 = tpu.memref_slice %arg18[%dma_wait3A_641, %dma_wait3A_643, %dma_wait3A_644] : memref<2x64x64xf32, #tpu.memory_space<vmem>> -> memref<1x64x64xf32, #tpu.memory_space<vmem>>
    %dma_wait3A_646 = tpu.memref_squeeze %dma_wait3A_645 : memref<1x64x64xf32, #tpu.memory_space<vmem>> -> memref<64x64xf32, #tpu.memory_space<vmem>>
    %dma_wait3A_647 = arith.constant 0 : i32
    %dma_wait3A_648 = arith.constant 0 : i32
    %dma_wait3A_649 = tpu.memref_slice %arg11[%dma_wait3A_642, %dma_wait3A_647, %dma_wait3A_648] : memref<2x10240x64xf32, #tpu.memory_space<hbm>> -> memref<1x64x64xf32, #tpu.memory_space<hbm>>
    %dma_wait3A_650 = tpu.memref_squeeze %dma_wait3A_649 : memref<1x64x64xf32, #tpu.memory_space<hbm>> -> memref<64x64xf32, #tpu.memory_space<hbm>>
    %dma_wait3A_651 = arith.constant 0 : i32
    %dma_wait3A_652 = arith.constant 0 : i32
    %dma_wait3A_653 = tpu.memref_slice %arg11[%dma_wait3A_642, %dma_wait3A_651, %dma_wait3A_652] : memref<2x10240x64xf32, #tpu.memory_space<hbm>> -> memref<1x64x64xf32, #tpu.memory_space<hbm>>
    %dma_wait3A_654 = tpu.memref_squeeze %dma_wait3A_653 : memref<1x64x64xf32, #tpu.memory_space<hbm>> -> memref<64x64xf32, #tpu.memory_space<hbm>>
    %dma_wait3A_655 = arith.constant 0 : i32
    %dma_wait3A_656 = arith.constant 0 : i32
    %dma_wait3A_657 = tpu.memref_slice %arg18[%dma_wait3A_641, %dma_wait3A_655, %dma_wait3A_656] : memref<2x64x64xf32, #tpu.memory_space<vmem>> -> memref<1x64x64xf32, #tpu.memory_space<vmem>>
    %dma_wait3A_658 = tpu.memref_squeeze %dma_wait3A_657 : memref<1x64x64xf32, #tpu.memory_space<vmem>> -> memref<64x64xf32, #tpu.memory_space<vmem>>
    tpu.wait_dma2 semaphore(%arg26 : memref<!tpu.dma_semaphore, #tpu.memory_space<semaphore_mem>>) src(%dma_wait3A_658 : memref<64x64xf32, #tpu.memory_space<vmem>>) dst(%dma_wait3A_654 : memref<64x64xf32, #tpu.memory_space<hbm>>)
    %scan3A_659 = arith.constant 0 : i32
    %scan3A_660 = arith.constant 0 : i32
    %scan3A_661 = arith.constant 64 : i32
    %scan3A_662 = arith.addi %scan3A_660, %scan3A_661 : i32
    %scan3A_663 = arith.constant 1 : i32
    scf.for %scan3A_1258 = %scan3A_660 to %scan3A_662 step %scan3A_663  : i32 {
      %add3A_1259 = arith.constant 0 : i32
      %add3A_1260 = arith.addi %mul3A_8, %add3A_1259 : i32
      %get3A = arith.constant 0 : i32
      %get3A_1261 = arith.index_cast %get3A : i32 to index
      %get3A_1262 = arith.index_cast %scan3A_1258 : i32 to index
      %get3A_1263 = arith.index_cast %add3A_1260 : i32 to index
      %get3A_1264 = tpu.vector_load %arg16[%get3A_1261, %get3A_1262, %get3A_1263] {strides = array<i32>} : memref<2x64x128xf32, #tpu.memory_space<vmem>>, vector<1x1x16xf32>,
      %get3A_1265 = vector.shape_cast %get3A_1264 : vector<1x1x16xf32> to vector<16xf32>
      %get3A_1266 = arith.constant 0 : i32
      %get3A_1267 = arith.index_cast %get3A_1266 : i32 to index
      %get3A_1268 = arith.index_cast %scan3A_1258 : i32 to index
      %get3A_1269 = arith.index_cast %add3A_1260 : i32 to index
      %get3A_1270 = tpu.vector_load %arg17[%get3A_1267, %get3A_1268, %get3A_1269] {strides = array<i32>} : memref<2x64x128xf32, #tpu.memory_space<vmem>>, vector<1x1x16xf32>,
      %get3A_1271 = vector.shape_cast %get3A_1270 : vector<1x1x16xf32> to vector<16xf32>
      %add3A_1272 = arith.addf %get3A_1265, %get3A_1271 : vector<16xf32>
      %max3A = arith.constant 0.000000e+00 : f32
      %max3A_1273 = vector.broadcast %max3A : f32 to vector<16xf32>
      %max3A_1274 = arith.maximumf %add3A_1272, %max3A_1273 : vector<16xf32>
      %swap3A = arith.constant 0 : i32
      %swap3A_1275 = arith.index_cast %swap3A : i32 to index
      %swap3A_1276 = arith.index_cast %scan3A_1258 : i32 to index
      %swap3A_1277 = arith.constant 0 : index
      %swap3A_1278 = tpu.vector_load %arg18[%swap3A_1275, %swap3A_1276, %swap3A_1277] {strides = array<i32>} : memref<2x64x64xf32, #tpu.memory_space<vmem>>, vector<1x1x16xf32>,
      %swap3A_1279 = vector.shape_cast %swap3A_1278 : vector<1x1x16xf32> to vector<16xf32>
      %swap3A_1280 = vector.shape_cast %max3A_1274 : vector<16xf32> to vector<1x1x16xf32>
      tpu.vector_store %arg18[%swap3A_1275, %swap3A_1276, %swap3A_1277], %swap3A_1280 {strides = array<i32>} : memref<2x64x64xf32, #tpu.memory_space<vmem>>, vector<1x1x16xf32>,
      %add3A_1281 = arith.constant 16 : i32
      %add3A_1282 = arith.addi %mul3A_8, %add3A_1281 : i32
      %get3A_1283 = arith.constant 0 : i32
      %get3A_1284 = arith.index_cast %get3A_1283 : i32 to index
      %get3A_1285 = arith.index_cast %scan3A_1258 : i32 to index
      %get3A_1286 = arith.index_cast %add3A_1282 : i32 to index
      %get3A_1287 = tpu.vector_load %arg16[%get3A_1284, %get3A_1285, %get3A_1286] {strides = array<i32>} : memref<2x64x128xf32, #tpu.memory_space<vmem>>, vector<1x1x16xf32>,
      %get3A_1288 = vector.shape_cast %get3A_1287 : vector<1x1x16xf32> to vector<16xf32>
      %get3A_1289 = arith.constant 0 : i32
      %get3A_1290 = arith.index_cast %get3A_1289 : i32 to index
      %get3A_1291 = arith.index_cast %scan3A_1258 : i32 to index
      %get3A_1292 = arith.index_cast %add3A_1282 : i32 to index
      %get3A_1293 = tpu.vector_load %arg17[%get3A_1290, %get3A_1291, %get3A_1292] {strides = array<i32>} : memref<2x64x128xf32, #tpu.memory_space<vmem>>, vector<1x1x16xf32>,
      %get3A_1294 = vector.shape_cast %get3A_1293 : vector<1x1x16xf32> to vector<16xf32>
      %add3A_1295 = arith.addf %get3A_1288, %get3A_1294 : vector<16xf32>
      %max3A_1296 = arith.constant 0.000000e+00 : f32
      %max3A_1297 = vector.broadcast %max3A_1296 : f32 to vector<16xf32>
      %max3A_1298 = arith.maximumf %add3A_1295, %max3A_1297 : vector<16xf32>
      %swap3A_1299 = arith.constant 0 : i32
      %swap3A_1300 = arith.index_cast %swap3A_1299 : i32 to index
      %swap3A_1301 = arith.index_cast %scan3A_1258 : i32 to index
      %swap3A_1302 = arith.constant 16 : index
      %swap3A_1303 = tpu.vector_load %arg18[%swap3A_1300, %swap3A_1301, %swap3A_1302] {strides = array<i32>} : memref<2x64x64xf32, #tpu.memory_space<vmem>>, vector<1x1x16xf32>,
      %swap3A_1304 = vector.shape_cast %swap3A_1303 : vector<1x1x16xf32> to vector<16xf32>
      %swap3A_1305 = vector.shape_cast %max3A_1298 : vector<16xf32> to vector<1x1x16xf32>
      tpu.vector_store %arg18[%swap3A_1300, %swap3A_1301, %swap3A_1302], %swap3A_1305 {strides = array<i32>} : memref<2x64x64xf32, #tpu.memory_space<vmem>>, vector<1x1x16xf32>,
      %add3A_1306 = arith.constant 32 : i32
      %add3A_1307 = arith.addi %mul3A_8, %add3A_1306 : i32
      %get3A_1308 = arith.constant 0 : i32
      %get3A_1309 = arith.index_cast %get3A_1308 : i32 to index
      %get3A_1310 = arith.index_cast %scan3A_1258 : i32 to index
      %get3A_1311 = arith.index_cast %add3A_1307 : i32 to index
      %get3A_1312 = tpu.vector_load %arg16[%get3A_1309, %get3A_1310, %get3A_1311] {strides = array<i32>} : memref<2x64x128xf32, #tpu.memory_space<vmem>>, vector<1x1x16xf32>,
      %get3A_1313 = vector.shape_cast %get3A_1312 : vector<1x1x16xf32> to vector<16xf32>
      %get3A_1314 = arith.constant 0 : i32
      %get3A_1315 = arith.index_cast %get3A_1314 : i32 to index
      %get3A_1316 = arith.index_cast %scan3A_1258 : i32 to index
      %get3A_1317 = arith.index_cast %add3A_1307 : i32 to index
      %get3A_1318 = tpu.vector_load %arg17[%get3A_1315, %get3A_1316, %get3A_1317] {strides = array<i32>} : memref<2x64x128xf32, #tpu.memory_space<vmem>>, vector<1x1x16xf32>,
      %get3A_1319 = vector.shape_cast %get3A_1318 : vector<1x1x16xf32> to vector<16xf32>
      %add3A_1320 = arith.addf %get3A_1313, %get3A_1319 : vector<16xf32>
      %max3A_1321 = arith.constant 0.000000e+00 : f32
      %max3A_1322 = vector.broadcast %max3A_1321 : f32 to vector<16xf32>
      %max3A_1323 = arith.maximumf %add3A_1320, %max3A_1322 : vector<16xf32>
      %swap3A_1324 = arith.constant 0 : i32
      %swap3A_1325 = arith.index_cast %swap3A_1324 : i32 to index
      %swap3A_1326 = arith.index_cast %scan3A_1258 : i32 to index
      %swap3A_1327 = arith.constant 32 : index
      %swap3A_1328 = tpu.vector_load %arg18[%swap3A_1325, %swap3A_1326, %swap3A_1327] {strides = array<i32>} : memref<2x64x64xf32, #tpu.memory_space<vmem>>, vector<1x1x16xf32>,
      %swap3A_1329 = vector.shape_cast %swap3A_1328 : vector<1x1x16xf32> to vector<16xf32>
      %swap3A_1330 = vector.shape_cast %max3A_1323 : vector<16xf32> to vector<1x1x16xf32>
      tpu.vector_store %arg18[%swap3A_1325, %swap3A_1326, %swap3A_1327], %swap3A_1330 {strides = array<i32>} : memref<2x64x64xf32, #tpu.memory_space<vmem>>, vector<1x1x16xf32>,
      %add3A_1331 = arith.constant 48 : i32
      %add3A_1332 = arith.addi %mul3A_8, %add3A_1331 : i32
      %get3A_1333 = arith.constant 0 : i32
      %get3A_1334 = arith.index_cast %get3A_1333 : i32 to index
      %get3A_1335 = arith.index_cast %scan3A_1258 : i32 to index
      %get3A_1336 = arith.index_cast %add3A_1332 : i32 to index
      %get3A_1337 = tpu.vector_load %arg16[%get3A_1334, %get3A_1335, %get3A_1336] {strides = array<i32>} : memref<2x64x128xf32, #tpu.memory_space<vmem>>, vector<1x1x16xf32>,
      %get3A_1338 = vector.shape_cast %get3A_1337 : vector<1x1x16xf32> to vector<16xf32>
      %get3A_1339 = arith.constant 0 : i32
      %get3A_1340 = arith.index_cast %get3A_1339 : i32 to index
      %get3A_1341 = arith.index_cast %scan3A_1258 : i32 to index
      %get3A_1342 = arith.index_cast %add3A_1332 : i32 to index
      %get3A_1343 = tpu.vector_load %arg17[%get3A_1340, %get3A_1341, %get3A_1342] {strides = array<i32>} : memref<2x64x128xf32, #tpu.memory_space<vmem>>, vector<1x1x16xf32>,
      %get3A_1344 = vector.shape_cast %get3A_1343 : vector<1x1x16xf32> to vector<16xf32>
      %add3A_1345 = arith.addf %get3A_1338, %get3A_1344 : vector<16xf32>
      %max3A_1346 = arith.constant 0.000000e+00 : f32
      %max3A_1347 = vector.broadcast %max3A_1346 : f32 to vector<16xf32>
      %max3A_1348 = arith.maximumf %add3A_1345, %max3A_1347 : vector<16xf32>
      %swap3A_1349 = arith.constant 0 : i32
      %swap3A_1350 = arith.index_cast %swap3A_1349 : i32 to index
      %swap3A_1351 = arith.index_cast %scan3A_1258 : i32 to index
      %swap3A_1352 = arith.constant 48 : index
      %swap3A_1353 = tpu.vector_load %arg18[%swap3A_1350, %swap3A_1351, %swap3A_1352] {strides = array<i32>} : memref<2x64x64xf32, #tpu.memory_space<vmem>>, vector<1x1x16xf32>,
      %swap3A_1354 = vector.shape_cast %swap3A_1353 : vector<1x1x16xf32> to vector<16xf32>
      %swap3A_1355 = vector.shape_cast %max3A_1348 : vector<16xf32> to vector<1x1x16xf32>
      tpu.vector_store %arg18[%swap3A_1350, %swap3A_1351, %swap3A_1352], %swap3A_1355 {strides = array<i32>} : memref<2x64x64xf32, #tpu.memory_space<vmem>>, vector<1x1x16xf32>,
    }
    %scan3A_664 = arith.constant 64 : i32
    %mul3A_665 = arith.constant 10 : i32
    %mul3A_666 = arith.muli %arg1, %mul3A_665 : i32
    %add3A_667 = arith.constant 6 : i32
    %add3A_668 = arith.addi %mul3A_666, %add3A_667 : i32
    %mul3A_669 = arith.constant 64 : i32
    %mul3A_670 = arith.muli %add3A_668, %mul3A_669 : i32
    %dma_start3A_671 = arith.constant 0 : i32
    %dma_start3A_672 = arith.constant 0 : i32
    %dma_start3A_673 = arith.constant 0 : i32
    %dma_start3A_674 = tpu.memref_slice %arg18[%dma_start3A_671, %dma_start3A_672, %dma_start3A_673] : memref<2x64x64xf32, #tpu.memory_space<vmem>> -> memref<1x64x64xf32, #tpu.memory_space<vmem>>
    %dma_start3A_675 = tpu.memref_squeeze %dma_start3A_674 : memref<1x64x64xf32, #tpu.memory_space<vmem>> -> memref<64x64xf32, #tpu.memory_space<vmem>>
    %dma_start3A_676 = arith.constant 0 : i32
    %dma_start3A_677 = tpu.memref_slice %arg11[%arg0, %mul3A_670, %dma_start3A_676] : memref<2x10240x64xf32, #tpu.memory_space<hbm>> -> memref<1x64x64xf32, #tpu.memory_space<hbm>>
    %dma_start3A_678 = tpu.memref_squeeze %dma_start3A_677 : memref<1x64x64xf32, #tpu.memory_space<hbm>> -> memref<64x64xf32, #tpu.memory_space<hbm>>
    %dma_start3A_679 = arith.constant 0 : i32
    %dma_start3A_680 = tpu.memref_slice %arg11[%arg0, %mul3A_670, %dma_start3A_679] : memref<2x10240x64xf32, #tpu.memory_space<hbm>> -> memref<1x64x64xf32, #tpu.memory_space<hbm>>
    %dma_start3A_681 = tpu.memref_squeeze %dma_start3A_680 : memref<1x64x64xf32, #tpu.memory_space<hbm>> -> memref<64x64xf32, #tpu.memory_space<hbm>>
    %dma_start3A_682 = arith.constant 0 : i32
    %dma_start3A_683 = arith.constant 0 : i32
    %dma_start3A_684 = tpu.memref_slice %arg18[%dma_start3A_671, %dma_start3A_682, %dma_start3A_683] : memref<2x64x64xf32, #tpu.memory_space<vmem>> -> memref<1x64x64xf32, #tpu.memory_space<vmem>>
    %dma_start3A_685 = tpu.memref_squeeze %dma_start3A_684 : memref<1x64x64xf32, #tpu.memory_space<vmem>> -> memref<64x64xf32, #tpu.memory_space<vmem>>
    tpu.enqueue_dma source(%dma_start3A_685 : memref<64x64xf32, #tpu.memory_space<vmem>>) target(%dma_start3A_681 : memref<64x64xf32, #tpu.memory_space<hbm>>) target_semaphore(%arg26 : memref<!tpu.dma_semaphore, #tpu.memory_space<semaphore_mem>>)
    %dma_wait3A_686 = arith.constant 1 : i32
    %dma_wait3A_687 = arith.constant 0 : i32
    %dma_wait3A_688 = arith.constant 0 : i32
    %dma_wait3A_689 = tpu.memref_slice %arg16[%dma_wait3A_686, %dma_wait3A_687, %dma_wait3A_688] : memref<2x64x128xf32, #tpu.memory_space<vmem>> -> memref<1x64x128xf32, #tpu.memory_space<vmem>>
    %dma_wait3A_690 = tpu.memref_squeeze %dma_wait3A_689 : memref<1x64x128xf32, #tpu.memory_space<vmem>> -> memref<64x128xf32, #tpu.memory_space<vmem>>
    %dma_wait3A_691 = arith.constant 0 : i32
    %dma_wait3A_692 = arith.constant 0 : i32
    %dma_wait3A_693 = tpu.memref_slice %arg2[%dma_wait3A_691, %dma_wait3A_692] : memref<100001x128xf32, #tpu.memory_space<hbm>> -> memref<64x128xf32, #tpu.memory_space<hbm>>
    %dma_wait3A_694 = arith.constant 0 : i32
    %dma_wait3A_695 = arith.constant 0 : i32
    %dma_wait3A_696 = tpu.memref_slice %arg16[%dma_wait3A_686, %dma_wait3A_694, %dma_wait3A_695] : memref<2x64x128xf32, #tpu.memory_space<vmem>> -> memref<1x64x128xf32, #tpu.memory_space<vmem>>
    %dma_wait3A_697 = tpu.memref_squeeze %dma_wait3A_696 : memref<1x64x128xf32, #tpu.memory_space<vmem>> -> memref<64x128xf32, #tpu.memory_space<vmem>>
    %dma_wait3A_698 = arith.constant 0 : i32
    %dma_wait3A_699 = arith.constant 0 : i32
    %dma_wait3A_700 = tpu.memref_slice %arg2[%dma_wait3A_698, %dma_wait3A_699] : memref<100001x128xf32, #tpu.memory_space<hbm>> -> memref<64x128xf32, #tpu.memory_space<hbm>>
    tpu.wait_dma2 semaphore(%arg25 : memref<!tpu.dma_semaphore, #tpu.memory_space<semaphore_mem>>) src(%dma_wait3A_700 : memref<64x128xf32, #tpu.memory_space<hbm>>) dst(%dma_wait3A_697 : memref<64x128xf32, #tpu.memory_space<vmem>>)
    %dma_wait3A_701 = arith.constant 1 : i32
    %dma_wait3A_702 = arith.constant 0 : i32
    %dma_wait3A_703 = arith.constant 0 : i32
    %dma_wait3A_704 = tpu.memref_slice %arg16[%dma_wait3A_701, %dma_wait3A_702, %dma_wait3A_703] : memref<2x64x128xf32, #tpu.memory_space<vmem>> -> memref<1x64x128xf32, #tpu.memory_space<vmem>>
    %dma_wait3A_705 = tpu.memref_squeeze %dma_wait3A_704 : memref<1x64x128xf32, #tpu.memory_space<vmem>> -> memref<64x128xf32, #tpu.memory_space<vmem>>
    %dma_wait3A_706 = arith.constant 0 : i32
    %dma_wait3A_707 = arith.constant 0 : i32
    %dma_wait3A_708 = tpu.memref_slice %arg2[%dma_wait3A_706, %dma_wait3A_707] : memref<100001x128xf32, #tpu.memory_space<hbm>> -> memref<64x128xf32, #tpu.memory_space<hbm>>
    %dma_wait3A_709 = arith.constant 0 : i32
    %dma_wait3A_710 = arith.constant 0 : i32
    %dma_wait3A_711 = tpu.memref_slice %arg16[%dma_wait3A_701, %dma_wait3A_709, %dma_wait3A_710] : memref<2x64x128xf32, #tpu.memory_space<vmem>> -> memref<1x64x128xf32, #tpu.memory_space<vmem>>
    %dma_wait3A_712 = tpu.memref_squeeze %dma_wait3A_711 : memref<1x64x128xf32, #tpu.memory_space<vmem>> -> memref<64x128xf32, #tpu.memory_space<vmem>>
    %dma_wait3A_713 = arith.constant 0 : i32
    %dma_wait3A_714 = arith.constant 0 : i32
    %dma_wait3A_715 = tpu.memref_slice %arg2[%dma_wait3A_713, %dma_wait3A_714] : memref<100001x128xf32, #tpu.memory_space<hbm>> -> memref<64x128xf32, #tpu.memory_space<hbm>>
    tpu.wait_dma2 semaphore(%arg25 : memref<!tpu.dma_semaphore, #tpu.memory_space<semaphore_mem>>) src(%dma_wait3A_715 : memref<64x128xf32, #tpu.memory_space<hbm>>) dst(%dma_wait3A_712 : memref<64x128xf32, #tpu.memory_space<vmem>>)
    %dma_start3A_716 = arith.constant 8 : i32
    %dma_start3A_717 = arith.constant 0 : i32
    %dma_start3A_718 = arith.constant 0 : i32
    %dma_start3A_719 = arith.constant 0 : i32
    %dma_start3A_720 = tpu.memref_slice %arg16[%dma_start3A_717, %dma_start3A_718, %dma_start3A_719] : memref<2x64x128xf32, #tpu.memory_space<vmem>> -> memref<1x64x128xf32, #tpu.memory_space<vmem>>
    %dma_start3A_721 = tpu.memref_squeeze %dma_start3A_720 : memref<1x64x128xf32, #tpu.memory_space<vmem>> -> memref<64x128xf32, #tpu.memory_space<vmem>>
    %dma_start3A_722 = arith.constant 0 : i32
    %dma_start3A_723 = tpu.memref_slice %arg14[%dma_start3A_716, %dma_start3A_722] : memref<10x64xi32, #tpu.memory_space<vmem>> -> memref<1x64xi32, #tpu.memory_space<vmem>>
    %dma_start3A_724 = tpu.memref_squeeze %dma_start3A_723 : memref<1x64xi32, #tpu.memory_space<vmem>> -> memref<64xi32, #tpu.memory_space<vmem>>
    %dma_start3A_725 = arith.constant 0 : i32
    %dma_start3A_726 = arith.constant 0 : i32
    %dma_start3A_727 = tpu.memref_slice %arg2[%dma_start3A_725, %dma_start3A_726] : memref<100001x128xf32, #tpu.memory_space<hbm>> -> memref<100001x128xf32, #tpu.memory_space<hbm>>
    tpu.enqueue_indirect_dma source(%dma_start3A_727 : memref<100001x128xf32, #tpu.memory_space<hbm>>) target(%dma_start3A_721 : memref<64x128xf32, #tpu.memory_space<vmem>>) offsets(%dma_start3A_724 : memref<64xi32, #tpu.memory_space<vmem>>) semaphore(%arg25 : memref<!tpu.dma_semaphore, #tpu.memory_space<semaphore_mem>>)
    %dma_start3A_728 = arith.constant 8 : i32
    %dma_start3A_729 = arith.constant 0 : i32
    %dma_start3A_730 = arith.constant 0 : i32
    %dma_start3A_731 = arith.constant 0 : i32
    %dma_start3A_732 = tpu.memref_slice %arg17[%dma_start3A_729, %dma_start3A_730, %dma_start3A_731] : memref<2x64x128xf32, #tpu.memory_space<vmem>> -> memref<1x64x128xf32, #tpu.memory_space<vmem>>
    %dma_start3A_733 = tpu.memref_squeeze %dma_start3A_732 : memref<1x64x128xf32, #tpu.memory_space<vmem>> -> memref<64x128xf32, #tpu.memory_space<vmem>>
    %dma_start3A_734 = arith.constant 0 : i32
    %dma_start3A_735 = tpu.memref_slice %arg15[%dma_start3A_728, %dma_start3A_734] : memref<10x64xi32, #tpu.memory_space<vmem>> -> memref<1x64xi32, #tpu.memory_space<vmem>>
    %dma_start3A_736 = tpu.memref_squeeze %dma_start3A_735 : memref<1x64xi32, #tpu.memory_space<vmem>> -> memref<64xi32, #tpu.memory_space<vmem>>
    %dma_start3A_737 = arith.constant 0 : i32
    %dma_start3A_738 = arith.constant 0 : i32
    %dma_start3A_739 = tpu.memref_slice %arg3[%dma_start3A_737, %dma_start3A_738] : memref<100001x128xf32, #tpu.memory_space<hbm>> -> memref<100001x128xf32, #tpu.memory_space<hbm>>
    tpu.enqueue_indirect_dma source(%dma_start3A_739 : memref<100001x128xf32, #tpu.memory_space<hbm>>) target(%dma_start3A_733 : memref<64x128xf32, #tpu.memory_space<vmem>>) offsets(%dma_start3A_736 : memref<64xi32, #tpu.memory_space<vmem>>) semaphore(%arg25 : memref<!tpu.dma_semaphore, #tpu.memory_space<semaphore_mem>>)
    %dma_wait3A_740 = arith.constant 1 : i32
    %dma_wait3A_741 = arith.constant 0 : i32
    %dma_wait3A_742 = arith.constant 0 : i32
    %dma_wait3A_743 = arith.constant 0 : i32
    %dma_wait3A_744 = tpu.memref_slice %arg18[%dma_wait3A_740, %dma_wait3A_742, %dma_wait3A_743] : memref<2x64x64xf32, #tpu.memory_space<vmem>> -> memref<1x64x64xf32, #tpu.memory_space<vmem>>
    %dma_wait3A_745 = tpu.memref_squeeze %dma_wait3A_744 : memref<1x64x64xf32, #tpu.memory_space<vmem>> -> memref<64x64xf32, #tpu.memory_space<vmem>>
    %dma_wait3A_746 = arith.constant 0 : i32
    %dma_wait3A_747 = arith.constant 0 : i32
    %dma_wait3A_748 = tpu.memref_slice %arg11[%dma_wait3A_741, %dma_wait3A_746, %dma_wait3A_747] : memref<2x10240x64xf32, #tpu.memory_space<hbm>> -> memref<1x64x64xf32, #tpu.memory_space<hbm>>
    %dma_wait3A_749 = tpu.memref_squeeze %dma_wait3A_748 : memref<1x64x64xf32, #tpu.memory_space<hbm>> -> memref<64x64xf32, #tpu.memory_space<hbm>>
    %dma_wait3A_750 = arith.constant 0 : i32
    %dma_wait3A_751 = arith.constant 0 : i32
    %dma_wait3A_752 = tpu.memref_slice %arg11[%dma_wait3A_741, %dma_wait3A_750, %dma_wait3A_751] : memref<2x10240x64xf32, #tpu.memory_space<hbm>> -> memref<1x64x64xf32, #tpu.memory_space<hbm>>
    %dma_wait3A_753 = tpu.memref_squeeze %dma_wait3A_752 : memref<1x64x64xf32, #tpu.memory_space<hbm>> -> memref<64x64xf32, #tpu.memory_space<hbm>>
    %dma_wait3A_754 = arith.constant 0 : i32
    %dma_wait3A_755 = arith.constant 0 : i32
    %dma_wait3A_756 = tpu.memref_slice %arg18[%dma_wait3A_740, %dma_wait3A_754, %dma_wait3A_755] : memref<2x64x64xf32, #tpu.memory_space<vmem>> -> memref<1x64x64xf32, #tpu.memory_space<vmem>>
    %dma_wait3A_757 = tpu.memref_squeeze %dma_wait3A_756 : memref<1x64x64xf32, #tpu.memory_space<vmem>> -> memref<64x64xf32, #tpu.memory_space<vmem>>
    tpu.wait_dma2 semaphore(%arg26 : memref<!tpu.dma_semaphore, #tpu.memory_space<semaphore_mem>>) src(%dma_wait3A_757 : memref<64x64xf32, #tpu.memory_space<vmem>>) dst(%dma_wait3A_753 : memref<64x64xf32, #tpu.memory_space<hbm>>)
    %scan3A_758 = arith.constant 0 : i32
    %scan3A_759 = arith.constant 0 : i32
    %scan3A_760 = arith.constant 64 : i32
    %scan3A_761 = arith.addi %scan3A_759, %scan3A_760 : i32
    %scan3A_762 = arith.constant 1 : i32
    scf.for %scan3A_1258 = %scan3A_759 to %scan3A_761 step %scan3A_762  : i32 {
      %add3A_1259 = arith.constant 0 : i32
      %add3A_1260 = arith.addi %mul3A_8, %add3A_1259 : i32
      %get3A = arith.constant 1 : i32
      %get3A_1261 = arith.index_cast %get3A : i32 to index
      %get3A_1262 = arith.index_cast %scan3A_1258 : i32 to index
      %get3A_1263 = arith.index_cast %add3A_1260 : i32 to index
      %get3A_1264 = tpu.vector_load %arg16[%get3A_1261, %get3A_1262, %get3A_1263] {strides = array<i32>} : memref<2x64x128xf32, #tpu.memory_space<vmem>>, vector<1x1x16xf32>,
      %get3A_1265 = vector.shape_cast %get3A_1264 : vector<1x1x16xf32> to vector<16xf32>
      %get3A_1266 = arith.constant 1 : i32
      %get3A_1267 = arith.index_cast %get3A_1266 : i32 to index
      %get3A_1268 = arith.index_cast %scan3A_1258 : i32 to index
      %get3A_1269 = arith.index_cast %add3A_1260 : i32 to index
      %get3A_1270 = tpu.vector_load %arg17[%get3A_1267, %get3A_1268, %get3A_1269] {strides = array<i32>} : memref<2x64x128xf32, #tpu.memory_space<vmem>>, vector<1x1x16xf32>,
      %get3A_1271 = vector.shape_cast %get3A_1270 : vector<1x1x16xf32> to vector<16xf32>
      %add3A_1272 = arith.addf %get3A_1265, %get3A_1271 : vector<16xf32>
      %max3A = arith.constant 0.000000e+00 : f32
      %max3A_1273 = vector.broadcast %max3A : f32 to vector<16xf32>
      %max3A_1274 = arith.maximumf %add3A_1272, %max3A_1273 : vector<16xf32>
      %swap3A = arith.constant 1 : i32
      %swap3A_1275 = arith.index_cast %swap3A : i32 to index
      %swap3A_1276 = arith.index_cast %scan3A_1258 : i32 to index
      %swap3A_1277 = arith.constant 0 : index
      %swap3A_1278 = tpu.vector_load %arg18[%swap3A_1275, %swap3A_1276, %swap3A_1277] {strides = array<i32>} : memref<2x64x64xf32, #tpu.memory_space<vmem>>, vector<1x1x16xf32>,
      %swap3A_1279 = vector.shape_cast %swap3A_1278 : vector<1x1x16xf32> to vector<16xf32>
      %swap3A_1280 = vector.shape_cast %max3A_1274 : vector<16xf32> to vector<1x1x16xf32>
      tpu.vector_store %arg18[%swap3A_1275, %swap3A_1276, %swap3A_1277], %swap3A_1280 {strides = array<i32>} : memref<2x64x64xf32, #tpu.memory_space<vmem>>, vector<1x1x16xf32>,
      %add3A_1281 = arith.constant 16 : i32
      %add3A_1282 = arith.addi %mul3A_8, %add3A_1281 : i32
      %get3A_1283 = arith.constant 1 : i32
      %get3A_1284 = arith.index_cast %get3A_1283 : i32 to index
      %get3A_1285 = arith.index_cast %scan3A_1258 : i32 to index
      %get3A_1286 = arith.index_cast %add3A_1282 : i32 to index
      %get3A_1287 = tpu.vector_load %arg16[%get3A_1284, %get3A_1285, %get3A_1286] {strides = array<i32>} : memref<2x64x128xf32, #tpu.memory_space<vmem>>, vector<1x1x16xf32>,
      %get3A_1288 = vector.shape_cast %get3A_1287 : vector<1x1x16xf32> to vector<16xf32>
      %get3A_1289 = arith.constant 1 : i32
      %get3A_1290 = arith.index_cast %get3A_1289 : i32 to index
      %get3A_1291 = arith.index_cast %scan3A_1258 : i32 to index
      %get3A_1292 = arith.index_cast %add3A_1282 : i32 to index
      %get3A_1293 = tpu.vector_load %arg17[%get3A_1290, %get3A_1291, %get3A_1292] {strides = array<i32>} : memref<2x64x128xf32, #tpu.memory_space<vmem>>, vector<1x1x16xf32>,
      %get3A_1294 = vector.shape_cast %get3A_1293 : vector<1x1x16xf32> to vector<16xf32>
      %add3A_1295 = arith.addf %get3A_1288, %get3A_1294 : vector<16xf32>
      %max3A_1296 = arith.constant 0.000000e+00 : f32
      %max3A_1297 = vector.broadcast %max3A_1296 : f32 to vector<16xf32>
      %max3A_1298 = arith.maximumf %add3A_1295, %max3A_1297 : vector<16xf32>
      %swap3A_1299 = arith.constant 1 : i32
      %swap3A_1300 = arith.index_cast %swap3A_1299 : i32 to index
      %swap3A_1301 = arith.index_cast %scan3A_1258 : i32 to index
      %swap3A_1302 = arith.constant 16 : index
      %swap3A_1303 = tpu.vector_load %arg18[%swap3A_1300, %swap3A_1301, %swap3A_1302] {strides = array<i32>} : memref<2x64x64xf32, #tpu.memory_space<vmem>>, vector<1x1x16xf32>,
      %swap3A_1304 = vector.shape_cast %swap3A_1303 : vector<1x1x16xf32> to vector<16xf32>
      %swap3A_1305 = vector.shape_cast %max3A_1298 : vector<16xf32> to vector<1x1x16xf32>
      tpu.vector_store %arg18[%swap3A_1300, %swap3A_1301, %swap3A_1302], %swap3A_1305 {strides = array<i32>} : memref<2x64x64xf32, #tpu.memory_space<vmem>>, vector<1x1x16xf32>,
      %add3A_1306 = arith.constant 32 : i32
      %add3A_1307 = arith.addi %mul3A_8, %add3A_1306 : i32
      %get3A_1308 = arith.constant 1 : i32
      %get3A_1309 = arith.index_cast %get3A_1308 : i32 to index
      %get3A_1310 = arith.index_cast %scan3A_1258 : i32 to index
      %get3A_1311 = arith.index_cast %add3A_1307 : i32 to index
      %get3A_1312 = tpu.vector_load %arg16[%get3A_1309, %get3A_1310, %get3A_1311] {strides = array<i32>} : memref<2x64x128xf32, #tpu.memory_space<vmem>>, vector<1x1x16xf32>,
      %get3A_1313 = vector.shape_cast %get3A_1312 : vector<1x1x16xf32> to vector<16xf32>
      %get3A_1314 = arith.constant 1 : i32
      %get3A_1315 = arith.index_cast %get3A_1314 : i32 to index
      %get3A_1316 = arith.index_cast %scan3A_1258 : i32 to index
      %get3A_1317 = arith.index_cast %add3A_1307 : i32 to index
      %get3A_1318 = tpu.vector_load %arg17[%get3A_1315, %get3A_1316, %get3A_1317] {strides = array<i32>} : memref<2x64x128xf32, #tpu.memory_space<vmem>>, vector<1x1x16xf32>,
      %get3A_1319 = vector.shape_cast %get3A_1318 : vector<1x1x16xf32> to vector<16xf32>
      %add3A_1320 = arith.addf %get3A_1313, %get3A_1319 : vector<16xf32>
      %max3A_1321 = arith.constant 0.000000e+00 : f32
      %max3A_1322 = vector.broadcast %max3A_1321 : f32 to vector<16xf32>
      %max3A_1323 = arith.maximumf %add3A_1320, %max3A_1322 : vector<16xf32>
      %swap3A_1324 = arith.constant 1 : i32
      %swap3A_1325 = arith.index_cast %swap3A_1324 : i32 to index
      %swap3A_1326 = arith.index_cast %scan3A_1258 : i32 to index
      %swap3A_1327 = arith.constant 32 : index
      %swap3A_1328 = tpu.vector_load %arg18[%swap3A_1325, %swap3A_1326, %swap3A_1327] {strides = array<i32>} : memref<2x64x64xf32, #tpu.memory_space<vmem>>, vector<1x1x16xf32>,
      %swap3A_1329 = vector.shape_cast %swap3A_1328 : vector<1x1x16xf32> to vector<16xf32>
      %swap3A_1330 = vector.shape_cast %max3A_1323 : vector<16xf32> to vector<1x1x16xf32>
      tpu.vector_store %arg18[%swap3A_1325, %swap3A_1326, %swap3A_1327], %swap3A_1330 {strides = array<i32>} : memref<2x64x64xf32, #tpu.memory_space<vmem>>, vector<1x1x16xf32>,
      %add3A_1331 = arith.constant 48 : i32
      %add3A_1332 = arith.addi %mul3A_8, %add3A_1331 : i32
      %get3A_1333 = arith.constant 1 : i32
      %get3A_1334 = arith.index_cast %get3A_1333 : i32 to index
      %get3A_1335 = arith.index_cast %scan3A_1258 : i32 to index
      %get3A_1336 = arith.index_cast %add3A_1332 : i32 to index
      %get3A_1337 = tpu.vector_load %arg16[%get3A_1334, %get3A_1335, %get3A_1336] {strides = array<i32>} : memref<2x64x128xf32, #tpu.memory_space<vmem>>, vector<1x1x16xf32>,
      %get3A_1338 = vector.shape_cast %get3A_1337 : vector<1x1x16xf32> to vector<16xf32>
      %get3A_1339 = arith.constant 1 : i32
      %get3A_1340 = arith.index_cast %get3A_1339 : i32 to index
      %get3A_1341 = arith.index_cast %scan3A_1258 : i32 to index
      %get3A_1342 = arith.index_cast %add3A_1332 : i32 to index
      %get3A_1343 = tpu.vector_load %arg17[%get3A_1340, %get3A_1341, %get3A_1342] {strides = array<i32>} : memref<2x64x128xf32, #tpu.memory_space<vmem>>, vector<1x1x16xf32>,
      %get3A_1344 = vector.shape_cast %get3A_1343 : vector<1x1x16xf32> to vector<16xf32>
      %add3A_1345 = arith.addf %get3A_1338, %get3A_1344 : vector<16xf32>
      %max3A_1346 = arith.constant 0.000000e+00 : f32
      %max3A_1347 = vector.broadcast %max3A_1346 : f32 to vector<16xf32>
      %max3A_1348 = arith.maximumf %add3A_1345, %max3A_1347 : vector<16xf32>
      %swap3A_1349 = arith.constant 1 : i32
      %swap3A_1350 = arith.index_cast %swap3A_1349 : i32 to index
      %swap3A_1351 = arith.index_cast %scan3A_1258 : i32 to index
      %swap3A_1352 = arith.constant 48 : index
      %swap3A_1353 = tpu.vector_load %arg18[%swap3A_1350, %swap3A_1351, %swap3A_1352] {strides = array<i32>} : memref<2x64x64xf32, #tpu.memory_space<vmem>>, vector<1x1x16xf32>,
      %swap3A_1354 = vector.shape_cast %swap3A_1353 : vector<1x1x16xf32> to vector<16xf32>
      %swap3A_1355 = vector.shape_cast %max3A_1348 : vector<16xf32> to vector<1x1x16xf32>
      tpu.vector_store %arg18[%swap3A_1350, %swap3A_1351, %swap3A_1352], %swap3A_1355 {strides = array<i32>} : memref<2x64x64xf32, #tpu.memory_space<vmem>>, vector<1x1x16xf32>,
    }
    %scan3A_763 = arith.constant 64 : i32
    %mul3A_764 = arith.constant 10 : i32
    %mul3A_765 = arith.muli %arg1, %mul3A_764 : i32
    %add3A_766 = arith.constant 7 : i32
    %add3A_767 = arith.addi %mul3A_765, %add3A_766 : i32
    %mul3A_768 = arith.constant 64 : i32
    %mul3A_769 = arith.muli %add3A_767, %mul3A_768 : i32
    %dma_start3A_770 = arith.constant 1 : i32
    %dma_start3A_771 = arith.constant 0 : i32
    %dma_start3A_772 = arith.constant 0 : i32
    %dma_start3A_773 = tpu.memref_slice %arg18[%dma_start3A_770, %dma_start3A_771, %dma_start3A_772] : memref<2x64x64xf32, #tpu.memory_space<vmem>> -> memref<1x64x64xf32, #tpu.memory_space<vmem>>
    %dma_start3A_774 = tpu.memref_squeeze %dma_start3A_773 : memref<1x64x64xf32, #tpu.memory_space<vmem>> -> memref<64x64xf32, #tpu.memory_space<vmem>>
    %dma_start3A_775 = arith.constant 0 : i32
    %dma_start3A_776 = tpu.memref_slice %arg11[%arg0, %mul3A_769, %dma_start3A_775] : memref<2x10240x64xf32, #tpu.memory_space<hbm>> -> memref<1x64x64xf32, #tpu.memory_space<hbm>>
    %dma_start3A_777 = tpu.memref_squeeze %dma_start3A_776 : memref<1x64x64xf32, #tpu.memory_space<hbm>> -> memref<64x64xf32, #tpu.memory_space<hbm>>
    %dma_start3A_778 = arith.constant 0 : i32
    %dma_start3A_779 = tpu.memref_slice %arg11[%arg0, %mul3A_769, %dma_start3A_778] : memref<2x10240x64xf32, #tpu.memory_space<hbm>> -> memref<1x64x64xf32, #tpu.memory_space<hbm>>
    %dma_start3A_780 = tpu.memref_squeeze %dma_start3A_779 : memref<1x64x64xf32, #tpu.memory_space<hbm>> -> memref<64x64xf32, #tpu.memory_space<hbm>>
    %dma_start3A_781 = arith.constant 0 : i32
    %dma_start3A_782 = arith.constant 0 : i32
    %dma_start3A_783 = tpu.memref_slice %arg18[%dma_start3A_770, %dma_start3A_781, %dma_start3A_782] : memref<2x64x64xf32, #tpu.memory_space<vmem>> -> memref<1x64x64xf32, #tpu.memory_space<vmem>>
    %dma_start3A_784 = tpu.memref_squeeze %dma_start3A_783 : memref<1x64x64xf32, #tpu.memory_space<vmem>> -> memref<64x64xf32, #tpu.memory_space<vmem>>
    tpu.enqueue_dma source(%dma_start3A_784 : memref<64x64xf32, #tpu.memory_space<vmem>>) target(%dma_start3A_780 : memref<64x64xf32, #tpu.memory_space<hbm>>) target_semaphore(%arg26 : memref<!tpu.dma_semaphore, #tpu.memory_space<semaphore_mem>>)
    %dma_wait3A_785 = arith.constant 0 : i32
    %dma_wait3A_786 = arith.constant 0 : i32
    %dma_wait3A_787 = arith.constant 0 : i32
    %dma_wait3A_788 = tpu.memref_slice %arg16[%dma_wait3A_785, %dma_wait3A_786, %dma_wait3A_787] : memref<2x64x128xf32, #tpu.memory_space<vmem>> -> memref<1x64x128xf32, #tpu.memory_space<vmem>>
    %dma_wait3A_789 = tpu.memref_squeeze %dma_wait3A_788 : memref<1x64x128xf32, #tpu.memory_space<vmem>> -> memref<64x128xf32, #tpu.memory_space<vmem>>
    %dma_wait3A_790 = arith.constant 0 : i32
    %dma_wait3A_791 = arith.constant 0 : i32
    %dma_wait3A_792 = tpu.memref_slice %arg2[%dma_wait3A_790, %dma_wait3A_791] : memref<100001x128xf32, #tpu.memory_space<hbm>> -> memref<64x128xf32, #tpu.memory_space<hbm>>
    %dma_wait3A_793 = arith.constant 0 : i32
    %dma_wait3A_794 = arith.constant 0 : i32
    %dma_wait3A_795 = tpu.memref_slice %arg16[%dma_wait3A_785, %dma_wait3A_793, %dma_wait3A_794] : memref<2x64x128xf32, #tpu.memory_space<vmem>> -> memref<1x64x128xf32, #tpu.memory_space<vmem>>
    %dma_wait3A_796 = tpu.memref_squeeze %dma_wait3A_795 : memref<1x64x128xf32, #tpu.memory_space<vmem>> -> memref<64x128xf32, #tpu.memory_space<vmem>>
    %dma_wait3A_797 = arith.constant 0 : i32
    %dma_wait3A_798 = arith.constant 0 : i32
    %dma_wait3A_799 = tpu.memref_slice %arg2[%dma_wait3A_797, %dma_wait3A_798] : memref<100001x128xf32, #tpu.memory_space<hbm>> -> memref<64x128xf32, #tpu.memory_space<hbm>>
    tpu.wait_dma2 semaphore(%arg25 : memref<!tpu.dma_semaphore, #tpu.memory_space<semaphore_mem>>) src(%dma_wait3A_799 : memref<64x128xf32, #tpu.memory_space<hbm>>) dst(%dma_wait3A_796 : memref<64x128xf32, #tpu.memory_space<vmem>>)
    %dma_wait3A_800 = arith.constant 0 : i32
    %dma_wait3A_801 = arith.constant 0 : i32
    %dma_wait3A_802 = arith.constant 0 : i32
    %dma_wait3A_803 = tpu.memref_slice %arg16[%dma_wait3A_800, %dma_wait3A_801, %dma_wait3A_802] : memref<2x64x128xf32, #tpu.memory_space<vmem>> -> memref<1x64x128xf32, #tpu.memory_space<vmem>>
    %dma_wait3A_804 = tpu.memref_squeeze %dma_wait3A_803 : memref<1x64x128xf32, #tpu.memory_space<vmem>> -> memref<64x128xf32, #tpu.memory_space<vmem>>
    %dma_wait3A_805 = arith.constant 0 : i32
    %dma_wait3A_806 = arith.constant 0 : i32
    %dma_wait3A_807 = tpu.memref_slice %arg2[%dma_wait3A_805, %dma_wait3A_806] : memref<100001x128xf32, #tpu.memory_space<hbm>> -> memref<64x128xf32, #tpu.memory_space<hbm>>
    %dma_wait3A_808 = arith.constant 0 : i32
    %dma_wait3A_809 = arith.constant 0 : i32
    %dma_wait3A_810 = tpu.memref_slice %arg16[%dma_wait3A_800, %dma_wait3A_808, %dma_wait3A_809] : memref<2x64x128xf32, #tpu.memory_space<vmem>> -> memref<1x64x128xf32, #tpu.memory_space<vmem>>
    %dma_wait3A_811 = tpu.memref_squeeze %dma_wait3A_810 : memref<1x64x128xf32, #tpu.memory_space<vmem>> -> memref<64x128xf32, #tpu.memory_space<vmem>>
    %dma_wait3A_812 = arith.constant 0 : i32
    %dma_wait3A_813 = arith.constant 0 : i32
    %dma_wait3A_814 = tpu.memref_slice %arg2[%dma_wait3A_812, %dma_wait3A_813] : memref<100001x128xf32, #tpu.memory_space<hbm>> -> memref<64x128xf32, #tpu.memory_space<hbm>>
    tpu.wait_dma2 semaphore(%arg25 : memref<!tpu.dma_semaphore, #tpu.memory_space<semaphore_mem>>) src(%dma_wait3A_814 : memref<64x128xf32, #tpu.memory_space<hbm>>) dst(%dma_wait3A_811 : memref<64x128xf32, #tpu.memory_space<vmem>>)
    %dma_start3A_815 = arith.constant 9 : i32
    %dma_start3A_816 = arith.constant 1 : i32
    %dma_start3A_817 = arith.constant 0 : i32
    %dma_start3A_818 = arith.constant 0 : i32
    %dma_start3A_819 = tpu.memref_slice %arg16[%dma_start3A_816, %dma_start3A_817, %dma_start3A_818] : memref<2x64x128xf32, #tpu.memory_space<vmem>> -> memref<1x64x128xf32, #tpu.memory_space<vmem>>
    %dma_start3A_820 = tpu.memref_squeeze %dma_start3A_819 : memref<1x64x128xf32, #tpu.memory_space<vmem>> -> memref<64x128xf32, #tpu.memory_space<vmem>>
    %dma_start3A_821 = arith.constant 0 : i32
    %dma_start3A_822 = tpu.memref_slice %arg14[%dma_start3A_815, %dma_start3A_821] : memref<10x64xi32, #tpu.memory_space<vmem>> -> memref<1x64xi32, #tpu.memory_space<vmem>>
    %dma_start3A_823 = tpu.memref_squeeze %dma_start3A_822 : memref<1x64xi32, #tpu.memory_space<vmem>> -> memref<64xi32, #tpu.memory_space<vmem>>
    %dma_start3A_824 = arith.constant 0 : i32
    %dma_start3A_825 = arith.constant 0 : i32
    %dma_start3A_826 = tpu.memref_slice %arg2[%dma_start3A_824, %dma_start3A_825] : memref<100001x128xf32, #tpu.memory_space<hbm>> -> memref<100001x128xf32, #tpu.memory_space<hbm>>
    tpu.enqueue_indirect_dma source(%dma_start3A_826 : memref<100001x128xf32, #tpu.memory_space<hbm>>) target(%dma_start3A_820 : memref<64x128xf32, #tpu.memory_space<vmem>>) offsets(%dma_start3A_823 : memref<64xi32, #tpu.memory_space<vmem>>) semaphore(%arg25 : memref<!tpu.dma_semaphore, #tpu.memory_space<semaphore_mem>>)
    %dma_start3A_827 = arith.constant 9 : i32
    %dma_start3A_828 = arith.constant 1 : i32
    %dma_start3A_829 = arith.constant 0 : i32
    %dma_start3A_830 = arith.constant 0 : i32
    %dma_start3A_831 = tpu.memref_slice %arg17[%dma_start3A_828, %dma_start3A_829, %dma_start3A_830] : memref<2x64x128xf32, #tpu.memory_space<vmem>> -> memref<1x64x128xf32, #tpu.memory_space<vmem>>
    %dma_start3A_832 = tpu.memref_squeeze %dma_start3A_831 : memref<1x64x128xf32, #tpu.memory_space<vmem>> -> memref<64x128xf32, #tpu.memory_space<vmem>>
    %dma_start3A_833 = arith.constant 0 : i32
    %dma_start3A_834 = tpu.memref_slice %arg15[%dma_start3A_827, %dma_start3A_833] : memref<10x64xi32, #tpu.memory_space<vmem>> -> memref<1x64xi32, #tpu.memory_space<vmem>>
    %dma_start3A_835 = tpu.memref_squeeze %dma_start3A_834 : memref<1x64xi32, #tpu.memory_space<vmem>> -> memref<64xi32, #tpu.memory_space<vmem>>
    %dma_start3A_836 = arith.constant 0 : i32
    %dma_start3A_837 = arith.constant 0 : i32
    %dma_start3A_838 = tpu.memref_slice %arg3[%dma_start3A_836, %dma_start3A_837] : memref<100001x128xf32, #tpu.memory_space<hbm>> -> memref<100001x128xf32, #tpu.memory_space<hbm>>
    tpu.enqueue_indirect_dma source(%dma_start3A_838 : memref<100001x128xf32, #tpu.memory_space<hbm>>) target(%dma_start3A_832 : memref<64x128xf32, #tpu.memory_space<vmem>>) offsets(%dma_start3A_835 : memref<64xi32, #tpu.memory_space<vmem>>) semaphore(%arg25 : memref<!tpu.dma_semaphore, #tpu.memory_space<semaphore_mem>>)
    %dma_wait3A_839 = arith.constant 0 : i32
    %dma_wait3A_840 = arith.constant 0 : i32
    %dma_wait3A_841 = arith.constant 0 : i32
    %dma_wait3A_842 = arith.constant 0 : i32
    %dma_wait3A_843 = tpu.memref_slice %arg18[%dma_wait3A_839, %dma_wait3A_841, %dma_wait3A_842] : memref<2x64x64xf32, #tpu.memory_space<vmem>> -> memref<1x64x64xf32, #tpu.memory_space<vmem>>
    %dma_wait3A_844 = tpu.memref_squeeze %dma_wait3A_843 : memref<1x64x64xf32, #tpu.memory_space<vmem>> -> memref<64x64xf32, #tpu.memory_space<vmem>>
    %dma_wait3A_845 = arith.constant 0 : i32
    %dma_wait3A_846 = arith.constant 0 : i32
    %dma_wait3A_847 = tpu.memref_slice %arg11[%dma_wait3A_840, %dma_wait3A_845, %dma_wait3A_846] : memref<2x10240x64xf32, #tpu.memory_space<hbm>> -> memref<1x64x64xf32, #tpu.memory_space<hbm>>
    %dma_wait3A_848 = tpu.memref_squeeze %dma_wait3A_847 : memref<1x64x64xf32, #tpu.memory_space<hbm>> -> memref<64x64xf32, #tpu.memory_space<hbm>>
    %dma_wait3A_849 = arith.constant 0 : i32
    %dma_wait3A_850 = arith.constant 0 : i32
    %dma_wait3A_851 = tpu.memref_slice %arg11[%dma_wait3A_840, %dma_wait3A_849, %dma_wait3A_850] : memref<2x10240x64xf32, #tpu.memory_space<hbm>> -> memref<1x64x64xf32, #tpu.memory_space<hbm>>
    %dma_wait3A_852 = tpu.memref_squeeze %dma_wait3A_851 : memref<1x64x64xf32, #tpu.memory_space<hbm>> -> memref<64x64xf32, #tpu.memory_space<hbm>>
    %dma_wait3A_853 = arith.constant 0 : i32
    %dma_wait3A_854 = arith.constant 0 : i32
    %dma_wait3A_855 = tpu.memref_slice %arg18[%dma_wait3A_839, %dma_wait3A_853, %dma_wait3A_854] : memref<2x64x64xf32, #tpu.memory_space<vmem>> -> memref<1x64x64xf32, #tpu.memory_space<vmem>>
    %dma_wait3A_856 = tpu.memref_squeeze %dma_wait3A_855 : memref<1x64x64xf32, #tpu.memory_space<vmem>> -> memref<64x64xf32, #tpu.memory_space<vmem>>
    tpu.wait_dma2 semaphore(%arg26 : memref<!tpu.dma_semaphore, #tpu.memory_space<semaphore_mem>>) src(%dma_wait3A_856 : memref<64x64xf32, #tpu.memory_space<vmem>>) dst(%dma_wait3A_852 : memref<64x64xf32, #tpu.memory_space<hbm>>)
    %scan3A_857 = arith.constant 0 : i32
    %scan3A_858 = arith.constant 0 : i32
    %scan3A_859 = arith.constant 64 : i32
    %scan3A_860 = arith.addi %scan3A_858, %scan3A_859 : i32
    %scan3A_861 = arith.constant 1 : i32
    scf.for %scan3A_1258 = %scan3A_858 to %scan3A_860 step %scan3A_861  : i32 {
      %add3A_1259 = arith.constant 0 : i32
      %add3A_1260 = arith.addi %mul3A_8, %add3A_1259 : i32
      %get3A = arith.constant 0 : i32
      %get3A_1261 = arith.index_cast %get3A : i32 to index
      %get3A_1262 = arith.index_cast %scan3A_1258 : i32 to index
      %get3A_1263 = arith.index_cast %add3A_1260 : i32 to index
      %get3A_1264 = tpu.vector_load %arg16[%get3A_1261, %get3A_1262, %get3A_1263] {strides = array<i32>} : memref<2x64x128xf32, #tpu.memory_space<vmem>>, vector<1x1x16xf32>,
      %get3A_1265 = vector.shape_cast %get3A_1264 : vector<1x1x16xf32> to vector<16xf32>
      %get3A_1266 = arith.constant 0 : i32
      %get3A_1267 = arith.index_cast %get3A_1266 : i32 to index
      %get3A_1268 = arith.index_cast %scan3A_1258 : i32 to index
      %get3A_1269 = arith.index_cast %add3A_1260 : i32 to index
      %get3A_1270 = tpu.vector_load %arg17[%get3A_1267, %get3A_1268, %get3A_1269] {strides = array<i32>} : memref<2x64x128xf32, #tpu.memory_space<vmem>>, vector<1x1x16xf32>,
      %get3A_1271 = vector.shape_cast %get3A_1270 : vector<1x1x16xf32> to vector<16xf32>
      %add3A_1272 = arith.addf %get3A_1265, %get3A_1271 : vector<16xf32>
      %max3A = arith.constant 0.000000e+00 : f32
      %max3A_1273 = vector.broadcast %max3A : f32 to vector<16xf32>
      %max3A_1274 = arith.maximumf %add3A_1272, %max3A_1273 : vector<16xf32>
      %swap3A = arith.constant 0 : i32
      %swap3A_1275 = arith.index_cast %swap3A : i32 to index
      %swap3A_1276 = arith.index_cast %scan3A_1258 : i32 to index
      %swap3A_1277 = arith.constant 0 : index
      %swap3A_1278 = tpu.vector_load %arg18[%swap3A_1275, %swap3A_1276, %swap3A_1277] {strides = array<i32>} : memref<2x64x64xf32, #tpu.memory_space<vmem>>, vector<1x1x16xf32>,
      %swap3A_1279 = vector.shape_cast %swap3A_1278 : vector<1x1x16xf32> to vector<16xf32>
      %swap3A_1280 = vector.shape_cast %max3A_1274 : vector<16xf32> to vector<1x1x16xf32>
      tpu.vector_store %arg18[%swap3A_1275, %swap3A_1276, %swap3A_1277], %swap3A_1280 {strides = array<i32>} : memref<2x64x64xf32, #tpu.memory_space<vmem>>, vector<1x1x16xf32>,
      %add3A_1281 = arith.constant 16 : i32
      %add3A_1282 = arith.addi %mul3A_8, %add3A_1281 : i32
      %get3A_1283 = arith.constant 0 : i32
      %get3A_1284 = arith.index_cast %get3A_1283 : i32 to index
      %get3A_1285 = arith.index_cast %scan3A_1258 : i32 to index
      %get3A_1286 = arith.index_cast %add3A_1282 : i32 to index
      %get3A_1287 = tpu.vector_load %arg16[%get3A_1284, %get3A_1285, %get3A_1286] {strides = array<i32>} : memref<2x64x128xf32, #tpu.memory_space<vmem>>, vector<1x1x16xf32>,
      %get3A_1288 = vector.shape_cast %get3A_1287 : vector<1x1x16xf32> to vector<16xf32>
      %get3A_1289 = arith.constant 0 : i32
      %get3A_1290 = arith.index_cast %get3A_1289 : i32 to index
      %get3A_1291 = arith.index_cast %scan3A_1258 : i32 to index
      %get3A_1292 = arith.index_cast %add3A_1282 : i32 to index
      %get3A_1293 = tpu.vector_load %arg17[%get3A_1290, %get3A_1291, %get3A_1292] {strides = array<i32>} : memref<2x64x128xf32, #tpu.memory_space<vmem>>, vector<1x1x16xf32>,
      %get3A_1294 = vector.shape_cast %get3A_1293 : vector<1x1x16xf32> to vector<16xf32>
      %add3A_1295 = arith.addf %get3A_1288, %get3A_1294 : vector<16xf32>
      %max3A_1296 = arith.constant 0.000000e+00 : f32
      %max3A_1297 = vector.broadcast %max3A_1296 : f32 to vector<16xf32>
      %max3A_1298 = arith.maximumf %add3A_1295, %max3A_1297 : vector<16xf32>
      %swap3A_1299 = arith.constant 0 : i32
      %swap3A_1300 = arith.index_cast %swap3A_1299 : i32 to index
      %swap3A_1301 = arith.index_cast %scan3A_1258 : i32 to index
      %swap3A_1302 = arith.constant 16 : index
      %swap3A_1303 = tpu.vector_load %arg18[%swap3A_1300, %swap3A_1301, %swap3A_1302] {strides = array<i32>} : memref<2x64x64xf32, #tpu.memory_space<vmem>>, vector<1x1x16xf32>,
      %swap3A_1304 = vector.shape_cast %swap3A_1303 : vector<1x1x16xf32> to vector<16xf32>
      %swap3A_1305 = vector.shape_cast %max3A_1298 : vector<16xf32> to vector<1x1x16xf32>
      tpu.vector_store %arg18[%swap3A_1300, %swap3A_1301, %swap3A_1302], %swap3A_1305 {strides = array<i32>} : memref<2x64x64xf32, #tpu.memory_space<vmem>>, vector<1x1x16xf32>,
      %add3A_1306 = arith.constant 32 : i32
      %add3A_1307 = arith.addi %mul3A_8, %add3A_1306 : i32
      %get3A_1308 = arith.constant 0 : i32
      %get3A_1309 = arith.index_cast %get3A_1308 : i32 to index
      %get3A_1310 = arith.index_cast %scan3A_1258 : i32 to index
      %get3A_1311 = arith.index_cast %add3A_1307 : i32 to index
      %get3A_1312 = tpu.vector_load %arg16[%get3A_1309, %get3A_1310, %get3A_1311] {strides = array<i32>} : memref<2x64x128xf32, #tpu.memory_space<vmem>>, vector<1x1x16xf32>,
      %get3A_1313 = vector.shape_cast %get3A_1312 : vector<1x1x16xf32> to vector<16xf32>
      %get3A_1314 = arith.constant 0 : i32
      %get3A_1315 = arith.index_cast %get3A_1314 : i32 to index
      %get3A_1316 = arith.index_cast %scan3A_1258 : i32 to index
      %get3A_1317 = arith.index_cast %add3A_1307 : i32 to index
      %get3A_1318 = tpu.vector_load %arg17[%get3A_1315, %get3A_1316, %get3A_1317] {strides = array<i32>} : memref<2x64x128xf32, #tpu.memory_space<vmem>>, vector<1x1x16xf32>,
      %get3A_1319 = vector.shape_cast %get3A_1318 : vector<1x1x16xf32> to vector<16xf32>
      %add3A_1320 = arith.addf %get3A_1313, %get3A_1319 : vector<16xf32>
      %max3A_1321 = arith.constant 0.000000e+00 : f32
      %max3A_1322 = vector.broadcast %max3A_1321 : f32 to vector<16xf32>
      %max3A_1323 = arith.maximumf %add3A_1320, %max3A_1322 : vector<16xf32>
      %swap3A_1324 = arith.constant 0 : i32
      %swap3A_1325 = arith.index_cast %swap3A_1324 : i32 to index
      %swap3A_1326 = arith.index_cast %scan3A_1258 : i32 to index
      %swap3A_1327 = arith.constant 32 : index
      %swap3A_1328 = tpu.vector_load %arg18[%swap3A_1325, %swap3A_1326, %swap3A_1327] {strides = array<i32>} : memref<2x64x64xf32, #tpu.memory_space<vmem>>, vector<1x1x16xf32>,
      %swap3A_1329 = vector.shape_cast %swap3A_1328 : vector<1x1x16xf32> to vector<16xf32>
      %swap3A_1330 = vector.shape_cast %max3A_1323 : vector<16xf32> to vector<1x1x16xf32>
      tpu.vector_store %arg18[%swap3A_1325, %swap3A_1326, %swap3A_1327], %swap3A_1330 {strides = array<i32>} : memref<2x64x64xf32, #tpu.memory_space<vmem>>, vector<1x1x16xf32>,
      %add3A_1331 = arith.constant 48 : i32
      %add3A_1332 = arith.addi %mul3A_8, %add3A_1331 : i32
      %get3A_1333 = arith.constant 0 : i32
      %get3A_1334 = arith.index_cast %get3A_1333 : i32 to index
      %get3A_1335 = arith.index_cast %scan3A_1258 : i32 to index
      %get3A_1336 = arith.index_cast %add3A_1332 : i32 to index
      %get3A_1337 = tpu.vector_load %arg16[%get3A_1334, %get3A_1335, %get3A_1336] {strides = array<i32>} : memref<2x64x128xf32, #tpu.memory_space<vmem>>, vector<1x1x16xf32>,
      %get3A_1338 = vector.shape_cast %get3A_1337 : vector<1x1x16xf32> to vector<16xf32>
      %get3A_1339 = arith.constant 0 : i32
      %get3A_1340 = arith.index_cast %get3A_1339 : i32 to index
      %get3A_1341 = arith.index_cast %scan3A_1258 : i32 to index
      %get3A_1342 = arith.index_cast %add3A_1332 : i32 to index
      %get3A_1343 = tpu.vector_load %arg17[%get3A_1340, %get3A_1341, %get3A_1342] {strides = array<i32>} : memref<2x64x128xf32, #tpu.memory_space<vmem>>, vector<1x1x16xf32>,
      %get3A_1344 = vector.shape_cast %get3A_1343 : vector<1x1x16xf32> to vector<16xf32>
      %add3A_1345 = arith.addf %get3A_1338, %get3A_1344 : vector<16xf32>
      %max3A_1346 = arith.constant 0.000000e+00 : f32
      %max3A_1347 = vector.broadcast %max3A_1346 : f32 to vector<16xf32>
      %max3A_1348 = arith.maximumf %add3A_1345, %max3A_1347 : vector<16xf32>
      %swap3A_1349 = arith.constant 0 : i32
      %swap3A_1350 = arith.index_cast %swap3A_1349 : i32 to index
      %swap3A_1351 = arith.index_cast %scan3A_1258 : i32 to index
      %swap3A_1352 = arith.constant 48 : index
      %swap3A_1353 = tpu.vector_load %arg18[%swap3A_1350, %swap3A_1351, %swap3A_1352] {strides = array<i32>} : memref<2x64x64xf32, #tpu.memory_space<vmem>>, vector<1x1x16xf32>,
      %swap3A_1354 = vector.shape_cast %swap3A_1353 : vector<1x1x16xf32> to vector<16xf32>
      %swap3A_1355 = vector.shape_cast %max3A_1348 : vector<16xf32> to vector<1x1x16xf32>
      tpu.vector_store %arg18[%swap3A_1350, %swap3A_1351, %swap3A_1352], %swap3A_1355 {strides = array<i32>} : memref<2x64x64xf32, #tpu.memory_space<vmem>>, vector<1x1x16xf32>,
    }
    %scan3A_862 = arith.constant 64 : i32
    %mul3A_863 = arith.constant 10 : i32
    %mul3A_864 = arith.muli %arg1, %mul3A_863 : i32
    %add3A_865 = arith.constant 8 : i32
    %add3A_866 = arith.addi %mul3A_864, %add3A_865 : i32
    %mul3A_867 = arith.constant 64 : i32
    %mul3A_868 = arith.muli %add3A_866, %mul3A_867 : i32
    %dma_start3A_869 = arith.constant 0 : i32
    %dma_start3A_870 = arith.constant 0 : i32
    %dma_start3A_871 = arith.constant 0 : i32
    %dma_start3A_872 = tpu.memref_slice %arg18[%dma_start3A_869, %dma_start3A_870, %dma_start3A_871] : memref<2x64x64xf32, #tpu.memory_space<vmem>> -> memref<1x64x64xf32, #tpu.memory_space<vmem>>
    %dma_start3A_873 = tpu.memref_squeeze %dma_start3A_872 : memref<1x64x64xf32, #tpu.memory_space<vmem>> -> memref<64x64xf32, #tpu.memory_space<vmem>>
    %dma_start3A_874 = arith.constant 0 : i32
    %dma_start3A_875 = tpu.memref_slice %arg11[%arg0, %mul3A_868, %dma_start3A_874] : memref<2x10240x64xf32, #tpu.memory_space<hbm>> -> memref<1x64x64xf32, #tpu.memory_space<hbm>>
    %dma_start3A_876 = tpu.memref_squeeze %dma_start3A_875 : memref<1x64x64xf32, #tpu.memory_space<hbm>> -> memref<64x64xf32, #tpu.memory_space<hbm>>
    %dma_start3A_877 = arith.constant 0 : i32
    %dma_start3A_878 = tpu.memref_slice %arg11[%arg0, %mul3A_868, %dma_start3A_877] : memref<2x10240x64xf32, #tpu.memory_space<hbm>> -> memref<1x64x64xf32, #tpu.memory_space<hbm>>
    %dma_start3A_879 = tpu.memref_squeeze %dma_start3A_878 : memref<1x64x64xf32, #tpu.memory_space<hbm>> -> memref<64x64xf32, #tpu.memory_space<hbm>>
    %dma_start3A_880 = arith.constant 0 : i32
    %dma_start3A_881 = arith.constant 0 : i32
    %dma_start3A_882 = tpu.memref_slice %arg18[%dma_start3A_869, %dma_start3A_880, %dma_start3A_881] : memref<2x64x64xf32, #tpu.memory_space<vmem>> -> memref<1x64x64xf32, #tpu.memory_space<vmem>>
    %dma_start3A_883 = tpu.memref_squeeze %dma_start3A_882 : memref<1x64x64xf32, #tpu.memory_space<vmem>> -> memref<64x64xf32, #tpu.memory_space<vmem>>
    tpu.enqueue_dma source(%dma_start3A_883 : memref<64x64xf32, #tpu.memory_space<vmem>>) target(%dma_start3A_879 : memref<64x64xf32, #tpu.memory_space<hbm>>) target_semaphore(%arg26 : memref<!tpu.dma_semaphore, #tpu.memory_space<semaphore_mem>>)
    %dma_wait3A_884 = arith.constant 1 : i32
    %dma_wait3A_885 = arith.constant 0 : i32
    %dma_wait3A_886 = arith.constant 0 : i32
    %dma_wait3A_887 = tpu.memref_slice %arg16[%dma_wait3A_884, %dma_wait3A_885, %dma_wait3A_886] : memref<2x64x128xf32, #tpu.memory_space<vmem>> -> memref<1x64x128xf32, #tpu.memory_space<vmem>>
    %dma_wait3A_888 = tpu.memref_squeeze %dma_wait3A_887 : memref<1x64x128xf32, #tpu.memory_space<vmem>> -> memref<64x128xf32, #tpu.memory_space<vmem>>
    %dma_wait3A_889 = arith.constant 0 : i32
    %dma_wait3A_890 = arith.constant 0 : i32
    %dma_wait3A_891 = tpu.memref_slice %arg2[%dma_wait3A_889, %dma_wait3A_890] : memref<100001x128xf32, #tpu.memory_space<hbm>> -> memref<64x128xf32, #tpu.memory_space<hbm>>
    %dma_wait3A_892 = arith.constant 0 : i32
    %dma_wait3A_893 = arith.constant 0 : i32
    %dma_wait3A_894 = tpu.memref_slice %arg16[%dma_wait3A_884, %dma_wait3A_892, %dma_wait3A_893] : memref<2x64x128xf32, #tpu.memory_space<vmem>> -> memref<1x64x128xf32, #tpu.memory_space<vmem>>
    %dma_wait3A_895 = tpu.memref_squeeze %dma_wait3A_894 : memref<1x64x128xf32, #tpu.memory_space<vmem>> -> memref<64x128xf32, #tpu.memory_space<vmem>>
    %dma_wait3A_896 = arith.constant 0 : i32
    %dma_wait3A_897 = arith.constant 0 : i32
    %dma_wait3A_898 = tpu.memref_slice %arg2[%dma_wait3A_896, %dma_wait3A_897] : memref<100001x128xf32, #tpu.memory_space<hbm>> -> memref<64x128xf32, #tpu.memory_space<hbm>>
    tpu.wait_dma2 semaphore(%arg25 : memref<!tpu.dma_semaphore, #tpu.memory_space<semaphore_mem>>) src(%dma_wait3A_898 : memref<64x128xf32, #tpu.memory_space<hbm>>) dst(%dma_wait3A_895 : memref<64x128xf32, #tpu.memory_space<vmem>>)
    %dma_wait3A_899 = arith.constant 1 : i32
    %dma_wait3A_900 = arith.constant 0 : i32
    %dma_wait3A_901 = arith.constant 0 : i32
    %dma_wait3A_902 = tpu.memref_slice %arg16[%dma_wait3A_899, %dma_wait3A_900, %dma_wait3A_901] : memref<2x64x128xf32, #tpu.memory_space<vmem>> -> memref<1x64x128xf32, #tpu.memory_space<vmem>>
    %dma_wait3A_903 = tpu.memref_squeeze %dma_wait3A_902 : memref<1x64x128xf32, #tpu.memory_space<vmem>> -> memref<64x128xf32, #tpu.memory_space<vmem>>
    %dma_wait3A_904 = arith.constant 0 : i32
    %dma_wait3A_905 = arith.constant 0 : i32
    %dma_wait3A_906 = tpu.memref_slice %arg2[%dma_wait3A_904, %dma_wait3A_905] : memref<100001x128xf32, #tpu.memory_space<hbm>> -> memref<64x128xf32, #tpu.memory_space<hbm>>
    %dma_wait3A_907 = arith.constant 0 : i32
    %dma_wait3A_908 = arith.constant 0 : i32
    %dma_wait3A_909 = tpu.memref_slice %arg16[%dma_wait3A_899, %dma_wait3A_907, %dma_wait3A_908] : memref<2x64x128xf32, #tpu.memory_space<vmem>> -> memref<1x64x128xf32, #tpu.memory_space<vmem>>
    %dma_wait3A_910 = tpu.memref_squeeze %dma_wait3A_909 : memref<1x64x128xf32, #tpu.memory_space<vmem>> -> memref<64x128xf32, #tpu.memory_space<vmem>>
    %dma_wait3A_911 = arith.constant 0 : i32
    %dma_wait3A_912 = arith.constant 0 : i32
    %dma_wait3A_913 = tpu.memref_slice %arg2[%dma_wait3A_911, %dma_wait3A_912] : memref<100001x128xf32, #tpu.memory_space<hbm>> -> memref<64x128xf32, #tpu.memory_space<hbm>>
    tpu.wait_dma2 semaphore(%arg25 : memref<!tpu.dma_semaphore, #tpu.memory_space<semaphore_mem>>) src(%dma_wait3A_913 : memref<64x128xf32, #tpu.memory_space<hbm>>) dst(%dma_wait3A_910 : memref<64x128xf32, #tpu.memory_space<vmem>>)
    %dma_wait3A_914 = arith.constant 1 : i32
    %dma_wait3A_915 = arith.constant 0 : i32
    %dma_wait3A_916 = arith.constant 0 : i32
    %dma_wait3A_917 = arith.constant 0 : i32
    %dma_wait3A_918 = tpu.memref_slice %arg18[%dma_wait3A_914, %dma_wait3A_916, %dma_wait3A_917] : memref<2x64x64xf32, #tpu.memory_space<vmem>> -> memref<1x64x64xf32, #tpu.memory_space<vmem>>
    %dma_wait3A_919 = tpu.memref_squeeze %dma_wait3A_918 : memref<1x64x64xf32, #tpu.memory_space<vmem>> -> memref<64x64xf32, #tpu.memory_space<vmem>>
    %dma_wait3A_920 = arith.constant 0 : i32
    %dma_wait3A_921 = arith.constant 0 : i32
    %dma_wait3A_922 = tpu.memref_slice %arg11[%dma_wait3A_915, %dma_wait3A_920, %dma_wait3A_921] : memref<2x10240x64xf32, #tpu.memory_space<hbm>> -> memref<1x64x64xf32, #tpu.memory_space<hbm>>
    %dma_wait3A_923 = tpu.memref_squeeze %dma_wait3A_922 : memref<1x64x64xf32, #tpu.memory_space<hbm>> -> memref<64x64xf32, #tpu.memory_space<hbm>>
    %dma_wait3A_924 = arith.constant 0 : i32
    %dma_wait3A_925 = arith.constant 0 : i32
    %dma_wait3A_926 = tpu.memref_slice %arg11[%dma_wait3A_915, %dma_wait3A_924, %dma_wait3A_925] : memref<2x10240x64xf32, #tpu.memory_space<hbm>> -> memref<1x64x64xf32, #tpu.memory_space<hbm>>
    %dma_wait3A_927 = tpu.memref_squeeze %dma_wait3A_926 : memref<1x64x64xf32, #tpu.memory_space<hbm>> -> memref<64x64xf32, #tpu.memory_space<hbm>>
    %dma_wait3A_928 = arith.constant 0 : i32
    %dma_wait3A_929 = arith.constant 0 : i32
    %dma_wait3A_930 = tpu.memref_slice %arg18[%dma_wait3A_914, %dma_wait3A_928, %dma_wait3A_929] : memref<2x64x64xf32, #tpu.memory_space<vmem>> -> memref<1x64x64xf32, #tpu.memory_space<vmem>>
    %dma_wait3A_931 = tpu.memref_squeeze %dma_wait3A_930 : memref<1x64x64xf32, #tpu.memory_space<vmem>> -> memref<64x64xf32, #tpu.memory_space<vmem>>
    tpu.wait_dma2 semaphore(%arg26 : memref<!tpu.dma_semaphore, #tpu.memory_space<semaphore_mem>>) src(%dma_wait3A_931 : memref<64x64xf32, #tpu.memory_space<vmem>>) dst(%dma_wait3A_927 : memref<64x64xf32, #tpu.memory_space<hbm>>)
    %scan3A_932 = arith.constant 0 : i32
    %scan3A_933 = arith.constant 0 : i32
    %scan3A_934 = arith.constant 64 : i32
    %scan3A_935 = arith.addi %scan3A_933, %scan3A_934 : i32
    %scan3A_936 = arith.constant 1 : i32
    scf.for %scan3A_1258 = %scan3A_933 to %scan3A_935 step %scan3A_936  : i32 {
      %add3A_1259 = arith.constant 0 : i32
      %add3A_1260 = arith.addi %mul3A_8, %add3A_1259 : i32
      %get3A = arith.constant 1 : i32
      %get3A_1261 = arith.index_cast %get3A : i32 to index
      %get3A_1262 = arith.index_cast %scan3A_1258 : i32 to index
      %get3A_1263 = arith.index_cast %add3A_1260 : i32 to index
      %get3A_1264 = tpu.vector_load %arg16[%get3A_1261, %get3A_1262, %get3A_1263] {strides = array<i32>} : memref<2x64x128xf32, #tpu.memory_space<vmem>>, vector<1x1x16xf32>,
      %get3A_1265 = vector.shape_cast %get3A_1264 : vector<1x1x16xf32> to vector<16xf32>
      %get3A_1266 = arith.constant 1 : i32
      %get3A_1267 = arith.index_cast %get3A_1266 : i32 to index
      %get3A_1268 = arith.index_cast %scan3A_1258 : i32 to index
      %get3A_1269 = arith.index_cast %add3A_1260 : i32 to index
      %get3A_1270 = tpu.vector_load %arg17[%get3A_1267, %get3A_1268, %get3A_1269] {strides = array<i32>} : memref<2x64x128xf32, #tpu.memory_space<vmem>>, vector<1x1x16xf32>,
      %get3A_1271 = vector.shape_cast %get3A_1270 : vector<1x1x16xf32> to vector<16xf32>
      %add3A_1272 = arith.addf %get3A_1265, %get3A_1271 : vector<16xf32>
      %max3A = arith.constant 0.000000e+00 : f32
      %max3A_1273 = vector.broadcast %max3A : f32 to vector<16xf32>
      %max3A_1274 = arith.maximumf %add3A_1272, %max3A_1273 : vector<16xf32>
      %swap3A = arith.constant 1 : i32
      %swap3A_1275 = arith.index_cast %swap3A : i32 to index
      %swap3A_1276 = arith.index_cast %scan3A_1258 : i32 to index
      %swap3A_1277 = arith.constant 0 : index
      %swap3A_1278 = tpu.vector_load %arg18[%swap3A_1275, %swap3A_1276, %swap3A_1277] {strides = array<i32>} : memref<2x64x64xf32, #tpu.memory_space<vmem>>, vector<1x1x16xf32>,
      %swap3A_1279 = vector.shape_cast %swap3A_1278 : vector<1x1x16xf32> to vector<16xf32>
      %swap3A_1280 = vector.shape_cast %max3A_1274 : vector<16xf32> to vector<1x1x16xf32>
      tpu.vector_store %arg18[%swap3A_1275, %swap3A_1276, %swap3A_1277], %swap3A_1280 {strides = array<i32>} : memref<2x64x64xf32, #tpu.memory_space<vmem>>, vector<1x1x16xf32>,
      %add3A_1281 = arith.constant 16 : i32
      %add3A_1282 = arith.addi %mul3A_8, %add3A_1281 : i32
      %get3A_1283 = arith.constant 1 : i32
      %get3A_1284 = arith.index_cast %get3A_1283 : i32 to index
      %get3A_1285 = arith.index_cast %scan3A_1258 : i32 to index
      %get3A_1286 = arith.index_cast %add3A_1282 : i32 to index
      %get3A_1287 = tpu.vector_load %arg16[%get3A_1284, %get3A_1285, %get3A_1286] {strides = array<i32>} : memref<2x64x128xf32, #tpu.memory_space<vmem>>, vector<1x1x16xf32>,
      %get3A_1288 = vector.shape_cast %get3A_1287 : vector<1x1x16xf32> to vector<16xf32>
      %get3A_1289 = arith.constant 1 : i32
      %get3A_1290 = arith.index_cast %get3A_1289 : i32 to index
      %get3A_1291 = arith.index_cast %scan3A_1258 : i32 to index
      %get3A_1292 = arith.index_cast %add3A_1282 : i32 to index
      %get3A_1293 = tpu.vector_load %arg17[%get3A_1290, %get3A_1291, %get3A_1292] {strides = array<i32>} : memref<2x64x128xf32, #tpu.memory_space<vmem>>, vector<1x1x16xf32>,
      %get3A_1294 = vector.shape_cast %get3A_1293 : vector<1x1x16xf32> to vector<16xf32>
      %add3A_1295 = arith.addf %get3A_1288, %get3A_1294 : vector<16xf32>
      %max3A_1296 = arith.constant 0.000000e+00 : f32
      %max3A_1297 = vector.broadcast %max3A_1296 : f32 to vector<16xf32>
      %max3A_1298 = arith.maximumf %add3A_1295, %max3A_1297 : vector<16xf32>
      %swap3A_1299 = arith.constant 1 : i32
      %swap3A_1300 = arith.index_cast %swap3A_1299 : i32 to index
      %swap3A_1301 = arith.index_cast %scan3A_1258 : i32 to index
      %swap3A_1302 = arith.constant 16 : index
      %swap3A_1303 = tpu.vector_load %arg18[%swap3A_1300, %swap3A_1301, %swap3A_1302] {strides = array<i32>} : memref<2x64x64xf32, #tpu.memory_space<vmem>>, vector<1x1x16xf32>,
      %swap3A_1304 = vector.shape_cast %swap3A_1303 : vector<1x1x16xf32> to vector<16xf32>
      %swap3A_1305 = vector.shape_cast %max3A_1298 : vector<16xf32> to vector<1x1x16xf32>
      tpu.vector_store %arg18[%swap3A_1300, %swap3A_1301, %swap3A_1302], %swap3A_1305 {strides = array<i32>} : memref<2x64x64xf32, #tpu.memory_space<vmem>>, vector<1x1x16xf32>,
      %add3A_1306 = arith.constant 32 : i32
      %add3A_1307 = arith.addi %mul3A_8, %add3A_1306 : i32
      %get3A_1308 = arith.constant 1 : i32
      %get3A_1309 = arith.index_cast %get3A_1308 : i32 to index
      %get3A_1310 = arith.index_cast %scan3A_1258 : i32 to index
      %get3A_1311 = arith.index_cast %add3A_1307 : i32 to index
      %get3A_1312 = tpu.vector_load %arg16[%get3A_1309, %get3A_1310, %get3A_1311] {strides = array<i32>} : memref<2x64x128xf32, #tpu.memory_space<vmem>>, vector<1x1x16xf32>,
      %get3A_1313 = vector.shape_cast %get3A_1312 : vector<1x1x16xf32> to vector<16xf32>
      %get3A_1314 = arith.constant 1 : i32
      %get3A_1315 = arith.index_cast %get3A_1314 : i32 to index
      %get3A_1316 = arith.index_cast %scan3A_1258 : i32 to index
      %get3A_1317 = arith.index_cast %add3A_1307 : i32 to index
      %get3A_1318 = tpu.vector_load %arg17[%get3A_1315, %get3A_1316, %get3A_1317] {strides = array<i32>} : memref<2x64x128xf32, #tpu.memory_space<vmem>>, vector<1x1x16xf32>,
      %get3A_1319 = vector.shape_cast %get3A_1318 : vector<1x1x16xf32> to vector<16xf32>
      %add3A_1320 = arith.addf %get3A_1313, %get3A_1319 : vector<16xf32>
      %max3A_1321 = arith.constant 0.000000e+00 : f32
      %max3A_1322 = vector.broadcast %max3A_1321 : f32 to vector<16xf32>
      %max3A_1323 = arith.maximumf %add3A_1320, %max3A_1322 : vector<16xf32>
      %swap3A_1324 = arith.constant 1 : i32
      %swap3A_1325 = arith.index_cast %swap3A_1324 : i32 to index
      %swap3A_1326 = arith.index_cast %scan3A_1258 : i32 to index
      %swap3A_1327 = arith.constant 32 : index
      %swap3A_1328 = tpu.vector_load %arg18[%swap3A_1325, %swap3A_1326, %swap3A_1327] {strides = array<i32>} : memref<2x64x64xf32, #tpu.memory_space<vmem>>, vector<1x1x16xf32>,
      %swap3A_1329 = vector.shape_cast %swap3A_1328 : vector<1x1x16xf32> to vector<16xf32>
      %swap3A_1330 = vector.shape_cast %max3A_1323 : vector<16xf32> to vector<1x1x16xf32>
      tpu.vector_store %arg18[%swap3A_1325, %swap3A_1326, %swap3A_1327], %swap3A_1330 {strides = array<i32>} : memref<2x64x64xf32, #tpu.memory_space<vmem>>, vector<1x1x16xf32>,
      %add3A_1331 = arith.constant 48 : i32
      %add3A_1332 = arith.addi %mul3A_8, %add3A_1331 : i32
      %get3A_1333 = arith.constant 1 : i32
      %get3A_1334 = arith.index_cast %get3A_1333 : i32 to index
      %get3A_1335 = arith.index_cast %scan3A_1258 : i32 to index
      %get3A_1336 = arith.index_cast %add3A_1332 : i32 to index
      %get3A_1337 = tpu.vector_load %arg16[%get3A_1334, %get3A_1335, %get3A_1336] {strides = array<i32>} : memref<2x64x128xf32, #tpu.memory_space<vmem>>, vector<1x1x16xf32>,
      %get3A_1338 = vector.shape_cast %get3A_1337 : vector<1x1x16xf32> to vector<16xf32>
      %get3A_1339 = arith.constant 1 : i32
      %get3A_1340 = arith.index_cast %get3A_1339 : i32 to index
      %get3A_1341 = arith.index_cast %scan3A_1258 : i32 to index
      %get3A_1342 = arith.index_cast %add3A_1332 : i32 to index
      %get3A_1343 = tpu.vector_load %arg17[%get3A_1340, %get3A_1341, %get3A_1342] {strides = array<i32>} : memref<2x64x128xf32, #tpu.memory_space<vmem>>, vector<1x1x16xf32>,
      %get3A_1344 = vector.shape_cast %get3A_1343 : vector<1x1x16xf32> to vector<16xf32>
      %add3A_1345 = arith.addf %get3A_1338, %get3A_1344 : vector<16xf32>
      %max3A_1346 = arith.constant 0.000000e+00 : f32
      %max3A_1347 = vector.broadcast %max3A_1346 : f32 to vector<16xf32>
      %max3A_1348 = arith.maximumf %add3A_1345, %max3A_1347 : vector<16xf32>
      %swap3A_1349 = arith.constant 1 : i32
      %swap3A_1350 = arith.index_cast %swap3A_1349 : i32 to index
      %swap3A_1351 = arith.index_cast %scan3A_1258 : i32 to index
      %swap3A_1352 = arith.constant 48 : index
      %swap3A_1353 = tpu.vector_load %arg18[%swap3A_1350, %swap3A_1351, %swap3A_1352] {strides = array<i32>} : memref<2x64x64xf32, #tpu.memory_space<vmem>>, vector<1x1x16xf32>,
      %swap3A_1354 = vector.shape_cast %swap3A_1353 : vector<1x1x16xf32> to vector<16xf32>
      %swap3A_1355 = vector.shape_cast %max3A_1348 : vector<16xf32> to vector<1x1x16xf32>
      tpu.vector_store %arg18[%swap3A_1350, %swap3A_1351, %swap3A_1352], %swap3A_1355 {strides = array<i32>} : memref<2x64x64xf32, #tpu.memory_space<vmem>>, vector<1x1x16xf32>,
    }
    %scan3A_937 = arith.constant 64 : i32
    %mul3A_938 = arith.constant 10 : i32
    %mul3A_939 = arith.muli %arg1, %mul3A_938 : i32
    %add3A_940 = arith.constant 9 : i32
    %add3A_941 = arith.addi %mul3A_939, %add3A_940 : i32
    %mul3A_942 = arith.constant 64 : i32
    %mul3A_943 = arith.muli %add3A_941, %mul3A_942 : i32
    %dma_start3A_944 = arith.constant 1 : i32
    %dma_start3A_945 = arith.constant 0 : i32
    %dma_start3A_946 = arith.constant 0 : i32
    %dma_start3A_947 = tpu.memref_slice %arg18[%dma_start3A_944, %dma_start3A_945, %dma_start3A_946] : memref<2x64x64xf32, #tpu.memory_space<vmem>> -> memref<1x64x64xf32, #tpu.memory_space<vmem>>
    %dma_start3A_948 = tpu.memref_squeeze %dma_start3A_947 : memref<1x64x64xf32, #tpu.memory_space<vmem>> -> memref<64x64xf32, #tpu.memory_space<vmem>>
    %dma_start3A_949 = arith.constant 0 : i32
    %dma_start3A_950 = tpu.memref_slice %arg11[%arg0, %mul3A_943, %dma_start3A_949] : memref<2x10240x64xf32, #tpu.memory_space<hbm>> -> memref<1x64x64xf32, #tpu.memory_space<hbm>>
    %dma_start3A_951 = tpu.memref_squeeze %dma_start3A_950 : memref<1x64x64xf32, #tpu.memory_space<hbm>> -> memref<64x64xf32, #tpu.memory_space<hbm>>
    %dma_start3A_952 = arith.constant 0 : i32
    %dma_start3A_953 = tpu.memref_slice %arg11[%arg0, %mul3A_943, %dma_start3A_952] : memref<2x10240x64xf32, #tpu.memory_space<hbm>> -> memref<1x64x64xf32, #tpu.memory_space<hbm>>
    %dma_start3A_954 = tpu.memref_squeeze %dma_start3A_953 : memref<1x64x64xf32, #tpu.memory_space<hbm>> -> memref<64x64xf32, #tpu.memory_space<hbm>>
    %dma_start3A_955 = arith.constant 0 : i32
    %dma_start3A_956 = arith.constant 0 : i32
    %dma_start3A_957 = tpu.memref_slice %arg18[%dma_start3A_944, %dma_start3A_955, %dma_start3A_956] : memref<2x64x64xf32, #tpu.memory_space<vmem>> -> memref<1x64x64xf32, #tpu.memory_space<vmem>>
    %dma_start3A_958 = tpu.memref_squeeze %dma_start3A_957 : memref<1x64x64xf32, #tpu.memory_space<vmem>> -> memref<64x64xf32, #tpu.memory_space<vmem>>
    tpu.enqueue_dma source(%dma_start3A_958 : memref<64x64xf32, #tpu.memory_space<vmem>>) target(%dma_start3A_954 : memref<64x64xf32, #tpu.memory_space<hbm>>) target_semaphore(%arg26 : memref<!tpu.dma_semaphore, #tpu.memory_space<semaphore_mem>>)
    %dma_wait3A_959 = arith.constant 0 : i32
    %dma_wait3A_960 = arith.constant 0 : i32
    %dma_wait3A_961 = arith.constant 0 : i32
    %dma_wait3A_962 = arith.constant 0 : i32
    %dma_wait3A_963 = tpu.memref_slice %arg18[%dma_wait3A_959, %dma_wait3A_961, %dma_wait3A_962] : memref<2x64x64xf32, #tpu.memory_space<vmem>> -> memref<1x64x64xf32, #tpu.memory_space<vmem>>
    %dma_wait3A_964 = tpu.memref_squeeze %dma_wait3A_963 : memref<1x64x64xf32, #tpu.memory_space<vmem>> -> memref<64x64xf32, #tpu.memory_space<vmem>>
    %dma_wait3A_965 = arith.constant 0 : i32
    %dma_wait3A_966 = arith.constant 0 : i32
    %dma_wait3A_967 = tpu.memref_slice %arg11[%dma_wait3A_960, %dma_wait3A_965, %dma_wait3A_966] : memref<2x10240x64xf32, #tpu.memory_space<hbm>> -> memref<1x64x64xf32, #tpu.memory_space<hbm>>
    %dma_wait3A_968 = tpu.memref_squeeze %dma_wait3A_967 : memref<1x64x64xf32, #tpu.memory_space<hbm>> -> memref<64x64xf32, #tpu.memory_space<hbm>>
    %dma_wait3A_969 = arith.constant 0 : i32
    %dma_wait3A_970 = arith.constant 0 : i32
    %dma_wait3A_971 = tpu.memref_slice %arg11[%dma_wait3A_960, %dma_wait3A_969, %dma_wait3A_970] : memref<2x10240x64xf32, #tpu.memory_space<hbm>> -> memref<1x64x64xf32, #tpu.memory_space<hbm>>
    %dma_wait3A_972 = tpu.memref_squeeze %dma_wait3A_971 : memref<1x64x64xf32, #tpu.memory_space<hbm>> -> memref<64x64xf32, #tpu.memory_space<hbm>>
    %dma_wait3A_973 = arith.constant 0 : i32
    %dma_wait3A_974 = arith.constant 0 : i32
    %dma_wait3A_975 = tpu.memref_slice %arg18[%dma_wait3A_959, %dma_wait3A_973, %dma_wait3A_974] : memref<2x64x64xf32, #tpu.memory_space<vmem>> -> memref<1x64x64xf32, #tpu.memory_space<vmem>>
    %dma_wait3A_976 = tpu.memref_squeeze %dma_wait3A_975 : memref<1x64x64xf32, #tpu.memory_space<vmem>> -> memref<64x64xf32, #tpu.memory_space<vmem>>
    tpu.wait_dma2 semaphore(%arg26 : memref<!tpu.dma_semaphore, #tpu.memory_space<semaphore_mem>>) src(%dma_wait3A_976 : memref<64x64xf32, #tpu.memory_space<vmem>>) dst(%dma_wait3A_972 : memref<64x64xf32, #tpu.memory_space<hbm>>)
    %dma_wait3A_977 = arith.constant 1 : i32
    %dma_wait3A_978 = arith.constant 0 : i32
    %dma_wait3A_979 = arith.constant 0 : i32
    %dma_wait3A_980 = arith.constant 0 : i32
    %dma_wait3A_981 = tpu.memref_slice %arg18[%dma_wait3A_977, %dma_wait3A_979, %dma_wait3A_980] : memref<2x64x64xf32, #tpu.memory_space<vmem>> -> memref<1x64x64xf32, #tpu.memory_space<vmem>>
    %dma_wait3A_982 = tpu.memref_squeeze %dma_wait3A_981 : memref<1x64x64xf32, #tpu.memory_space<vmem>> -> memref<64x64xf32, #tpu.memory_space<vmem>>
    %dma_wait3A_983 = arith.constant 0 : i32
    %dma_wait3A_984 = arith.constant 0 : i32
    %dma_wait3A_985 = tpu.memref_slice %arg11[%dma_wait3A_978, %dma_wait3A_983, %dma_wait3A_984] : memref<2x10240x64xf32, #tpu.memory_space<hbm>> -> memref<1x64x64xf32, #tpu.memory_space<hbm>>
    %dma_wait3A_986 = tpu.memref_squeeze %dma_wait3A_985 : memref<1x64x64xf32, #tpu.memory_space<hbm>> -> memref<64x64xf32, #tpu.memory_space<hbm>>
    %dma_wait3A_987 = arith.constant 0 : i32
    %dma_wait3A_988 = arith.constant 0 : i32
    %dma_wait3A_989 = tpu.memref_slice %arg11[%dma_wait3A_978, %dma_wait3A_987, %dma_wait3A_988] : memref<2x10240x64xf32, #tpu.memory_space<hbm>> -> memref<1x64x64xf32, #tpu.memory_space<hbm>>
    %dma_wait3A_990 = tpu.memref_squeeze %dma_wait3A_989 : memref<1x64x64xf32, #tpu.memory_space<hbm>> -> memref<64x64xf32, #tpu.memory_space<hbm>>
    %dma_wait3A_991 = arith.constant 0 : i32
    %dma_wait3A_992 = arith.constant 0 : i32
    %dma_wait3A_993 = tpu.memref_slice %arg18[%dma_wait3A_977, %dma_wait3A_991, %dma_wait3A_992] : memref<2x64x64xf32, #tpu.memory_space<vmem>> -> memref<1x64x64xf32, #tpu.memory_space<vmem>>
    %dma_wait3A_994 = tpu.memref_squeeze %dma_wait3A_993 : memref<1x64x64xf32, #tpu.memory_space<vmem>> -> memref<64x64xf32, #tpu.memory_space<vmem>>
    tpu.wait_dma2 semaphore(%arg26 : memref<!tpu.dma_semaphore, #tpu.memory_space<semaphore_mem>>) src(%dma_wait3A_994 : memref<64x64xf32, #tpu.memory_space<vmem>>) dst(%dma_wait3A_990 : memref<64x64xf32, #tpu.memory_space<hbm>>)
    %barrier3A = arith.constant 0 : index
    tpu.barrier barrier_id(%barrier3A)
    %rem3A = arith.constant 0 : i32
    %rem3A_995 = arith.constant 2 : i32
    %rem3A_996 = arith.remsi %rem3A, %rem3A_995 : i32
    %mul3A_997 = arith.constant 80 : i32
    %mul3A_998 = arith.muli %arg1, %mul3A_997 : i32
    %add3A_999 = arith.constant 0 : i32
    %add3A_1000 = arith.addi %mul3A_998, %add3A_999 : i32
    %dma_start3A_1001 = arith.constant 0 : i32
    %dma_start3A_1002 = arith.constant 0 : i32
    %dma_start3A_1003 = tpu.memref_slice %arg19[%rem3A_996, %dma_start3A_1001, %dma_start3A_1002] : memref<2x8x256xi32, #tpu.memory_space<vmem>> -> memref<1x8x256xi32, #tpu.memory_space<vmem>>
    %dma_start3A_1004 = tpu.memref_squeeze %dma_start3A_1003 : memref<1x8x256xi32, #tpu.memory_space<vmem>> -> memref<8x256xi32, #tpu.memory_space<vmem>>
    %dma_start3A_1005 = arith.constant 0 : i32
    %dma_start3A_1006 = tpu.memref_slice %arg6[%add3A_1000, %dma_start3A_1005] : memref<1280x256xi32, #tpu.memory_space<hbm>> -> memref<8x256xi32, #tpu.memory_space<hbm>>
    %dma_start3A_1007 = arith.constant 0 : i32
    %dma_start3A_1008 = arith.constant 0 : i32
    %dma_start3A_1009 = tpu.memref_slice %arg19[%rem3A_996, %dma_start3A_1007, %dma_start3A_1008] : memref<2x8x256xi32, #tpu.memory_space<vmem>> -> memref<1x8x256xi32, #tpu.memory_space<vmem>>
    %dma_start3A_1010 = tpu.memref_squeeze %dma_start3A_1009 : memref<1x8x256xi32, #tpu.memory_space<vmem>> -> memref<8x256xi32, #tpu.memory_space<vmem>>
    %dma_start3A_1011 = arith.constant 0 : i32
    %dma_start3A_1012 = tpu.memref_slice %arg6[%add3A_1000, %dma_start3A_1011] : memref<1280x256xi32, #tpu.memory_space<hbm>> -> memref<8x256xi32, #tpu.memory_space<hbm>>
    tpu.enqueue_dma source(%dma_start3A_1012 : memref<8x256xi32, #tpu.memory_space<hbm>>) target(%dma_start3A_1010 : memref<8x256xi32, #tpu.memory_space<vmem>>) target_semaphore(%arg27 : memref<!tpu.dma_semaphore, #tpu.memory_space<semaphore_mem>>)
    %mul3A_1013 = arith.constant 80 : i32
    %mul3A_1014 = arith.muli %arg1, %mul3A_1013 : i32
    %add3A_1015 = arith.constant 0 : i32
    %add3A_1016 = arith.addi %mul3A_1014, %add3A_1015 : i32
    %dma_start3A_1017 = arith.constant 0 : i32
    %dma_start3A_1018 = arith.constant 0 : i32
    %dma_start3A_1019 = tpu.memref_slice %arg20[%rem3A_996, %dma_start3A_1017, %dma_start3A_1018] : memref<2x8x256xi32, #tpu.memory_space<vmem>> -> memref<1x8x256xi32, #tpu.memory_space<vmem>>
    %dma_start3A_1020 = tpu.memref_squeeze %dma_start3A_1019 : memref<1x8x256xi32, #tpu.memory_space<vmem>> -> memref<8x256xi32, #tpu.memory_space<vmem>>
    %dma_start3A_1021 = arith.constant 0 : i32
    %dma_start3A_1022 = tpu.memref_slice %arg7[%add3A_1016, %dma_start3A_1021] : memref<1280x256xi32, #tpu.memory_space<hbm>> -> memref<8x256xi32, #tpu.memory_space<hbm>>
    %dma_start3A_1023 = arith.constant 0 : i32
    %dma_start3A_1024 = arith.constant 0 : i32
    %dma_start3A_1025 = tpu.memref_slice %arg20[%rem3A_996, %dma_start3A_1023, %dma_start3A_1024] : memref<2x8x256xi32, #tpu.memory_space<vmem>> -> memref<1x8x256xi32, #tpu.memory_space<vmem>>
    %dma_start3A_1026 = tpu.memref_squeeze %dma_start3A_1025 : memref<1x8x256xi32, #tpu.memory_space<vmem>> -> memref<8x256xi32, #tpu.memory_space<vmem>>
    %dma_start3A_1027 = arith.constant 0 : i32
    %dma_start3A_1028 = tpu.memref_slice %arg7[%add3A_1016, %dma_start3A_1027] : memref<1280x256xi32, #tpu.memory_space<hbm>> -> memref<8x256xi32, #tpu.memory_space<hbm>>
    tpu.enqueue_dma source(%dma_start3A_1028 : memref<8x256xi32, #tpu.memory_space<hbm>>) target(%dma_start3A_1026 : memref<8x256xi32, #tpu.memory_space<vmem>>) target_semaphore(%arg27 : memref<!tpu.dma_semaphore, #tpu.memory_space<semaphore_mem>>)
    %dma_wait3A_1029 = arith.constant 0 : i32
    %dma_wait3A_1030 = arith.constant 0 : i32
    %dma_wait3A_1031 = arith.constant 0 : i32
    %dma_wait3A_1032 = tpu.memref_slice %arg19[%dma_wait3A_1029, %dma_wait3A_1030, %dma_wait3A_1031] : memref<2x8x256xi32, #tpu.memory_space<vmem>> -> memref<1x8x256xi32, #tpu.memory_space<vmem>>
    %dma_wait3A_1033 = tpu.memref_squeeze %dma_wait3A_1032 : memref<1x8x256xi32, #tpu.memory_space<vmem>> -> memref<8x256xi32, #tpu.memory_space<vmem>>
    %dma_wait3A_1034 = arith.constant 0 : i32
    %dma_wait3A_1035 = arith.constant 0 : i32
    %dma_wait3A_1036 = tpu.memref_slice %arg6[%dma_wait3A_1034, %dma_wait3A_1035] : memref<1280x256xi32, #tpu.memory_space<hbm>> -> memref<8x256xi32, #tpu.memory_space<hbm>>
    %dma_wait3A_1037 = arith.constant 0 : i32
    %dma_wait3A_1038 = arith.constant 0 : i32
    %dma_wait3A_1039 = tpu.memref_slice %arg19[%dma_wait3A_1029, %dma_wait3A_1037, %dma_wait3A_1038] : memref<2x8x256xi32, #tpu.memory_space<vmem>> -> memref<1x8x256xi32, #tpu.memory_space<vmem>>
    %dma_wait3A_1040 = tpu.memref_squeeze %dma_wait3A_1039 : memref<1x8x256xi32, #tpu.memory_space<vmem>> -> memref<8x256xi32, #tpu.memory_space<vmem>>
    %dma_wait3A_1041 = arith.constant 0 : i32
    %dma_wait3A_1042 = arith.constant 0 : i32
    %dma_wait3A_1043 = tpu.memref_slice %arg6[%dma_wait3A_1041, %dma_wait3A_1042] : memref<1280x256xi32, #tpu.memory_space<hbm>> -> memref<8x256xi32, #tpu.memory_space<hbm>>
    tpu.wait_dma2 semaphore(%arg27 : memref<!tpu.dma_semaphore, #tpu.memory_space<semaphore_mem>>) src(%dma_wait3A_1043 : memref<8x256xi32, #tpu.memory_space<hbm>>) dst(%dma_wait3A_1040 : memref<8x256xi32, #tpu.memory_space<vmem>>)
    %dma_wait3A_1044 = arith.constant 0 : i32
    %dma_wait3A_1045 = arith.constant 0 : i32
    %dma_wait3A_1046 = arith.constant 0 : i32
    %dma_wait3A_1047 = tpu.memref_slice %arg20[%dma_wait3A_1044, %dma_wait3A_1045, %dma_wait3A_1046] : memref<2x8x256xi32, #tpu.memory_space<vmem>> -> memref<1x8x256xi32, #tpu.memory_space<vmem>>
    %dma_wait3A_1048 = tpu.memref_squeeze %dma_wait3A_1047 : memref<1x8x256xi32, #tpu.memory_space<vmem>> -> memref<8x256xi32, #tpu.memory_space<vmem>>
    %dma_wait3A_1049 = arith.constant 0 : i32
    %dma_wait3A_1050 = arith.constant 0 : i32
    %dma_wait3A_1051 = tpu.memref_slice %arg7[%dma_wait3A_1049, %dma_wait3A_1050] : memref<1280x256xi32, #tpu.memory_space<hbm>> -> memref<8x256xi32, #tpu.memory_space<hbm>>
    %dma_wait3A_1052 = arith.constant 0 : i32
    %dma_wait3A_1053 = arith.constant 0 : i32
    %dma_wait3A_1054 = tpu.memref_slice %arg20[%dma_wait3A_1044, %dma_wait3A_1052, %dma_wait3A_1053] : memref<2x8x256xi32, #tpu.memory_space<vmem>> -> memref<1x8x256xi32, #tpu.memory_space<vmem>>
    %dma_wait3A_1055 = tpu.memref_squeeze %dma_wait3A_1054 : memref<1x8x256xi32, #tpu.memory_space<vmem>> -> memref<8x256xi32, #tpu.memory_space<vmem>>
    %dma_wait3A_1056 = arith.constant 0 : i32
    %dma_wait3A_1057 = arith.constant 0 : i32
    %dma_wait3A_1058 = tpu.memref_slice %arg7[%dma_wait3A_1056, %dma_wait3A_1057] : memref<1280x256xi32, #tpu.memory_space<hbm>> -> memref<8x256xi32, #tpu.memory_space<hbm>>
    tpu.wait_dma2 semaphore(%arg27 : memref<!tpu.dma_semaphore, #tpu.memory_space<semaphore_mem>>) src(%dma_wait3A_1058 : memref<8x256xi32, #tpu.memory_space<hbm>>) dst(%dma_wait3A_1055 : memref<8x256xi32, #tpu.memory_space<vmem>>)
    %dma_start3A_1059 = arith.constant 0 : i32
    %dma_start3A_1060 = arith.constant 0 : i32
    %dma_start3A_1061 = arith.constant 0 : i32
    %dma_start3A_1062 = arith.constant 0 : i32
    %dma_start3A_1063 = arith.constant 0 : i32
    %dma_start3A_1064 = tpu.memref_slice %arg22[%dma_start3A_1061, %dma_start3A_1062, %dma_start3A_1063] : memref<2x256x64xf32, #tpu.memory_space<vmem>> -> memref<1x256x64xf32, #tpu.memory_space<vmem>>
    %dma_start3A_1065 = tpu.memref_squeeze %dma_start3A_1064 : memref<1x256x64xf32, #tpu.memory_space<vmem>> -> memref<256x64xf32, #tpu.memory_space<vmem>>
    %dma_start3A_1066 = arith.constant 0 : i32
    %dma_start3A_1067 = tpu.memref_slice %arg19[%dma_start3A_1059, %dma_start3A_1060, %dma_start3A_1066] : memref<2x8x256xi32, #tpu.memory_space<vmem>> -> memref<1x1x256xi32, #tpu.memory_space<vmem>>
    %dma_start3A_1068 = tpu.memref_squeeze %dma_start3A_1067 : memref<1x1x256xi32, #tpu.memory_space<vmem>> -> memref<256xi32, #tpu.memory_space<vmem>>
    %dma_start3A_1069 = arith.constant 0 : i32
    %dma_start3A_1070 = arith.constant 0 : i32
    %dma_start3A_1071 = tpu.memref_slice %arg11[%arg0, %dma_start3A_1069, %dma_start3A_1070] : memref<2x10240x64xf32, #tpu.memory_space<hbm>> -> memref<1x10240x64xf32, #tpu.memory_space<hbm>>
    %dma_start3A_1072 = tpu.memref_squeeze %dma_start3A_1071 : memref<1x10240x64xf32, #tpu.memory_space<hbm>> -> memref<10240x64xf32, #tpu.memory_space<hbm>>
    %dma_start3A_1073 = arith.constant 0 : i32
    %dma_start3A_1074 = arith.constant 0 : i32
    %dma_start3A_1075 = tpu.memref_slice %dma_start3A_1072[%dma_start3A_1073, %dma_start3A_1074] : memref<10240x64xf32, #tpu.memory_space<hbm>> -> memref<10240x64xf32, #tpu.memory_space<hbm>>
    tpu.enqueue_indirect_dma source(%dma_start3A_1075 : memref<10240x64xf32, #tpu.memory_space<hbm>>) target(%dma_start3A_1065 : memref<256x64xf32, #tpu.memory_space<vmem>>) offsets(%dma_start3A_1068 : memref<256xi32, #tpu.memory_space<vmem>>) semaphore(%arg28 : memref<!tpu.dma_semaphore, #tpu.memory_space<semaphore_mem>>)
    %scan3A_1076 = arith.constant 0 : i32
    %scan3A_1077 = arith.constant 0 : i32
    %scan3A_1078 = arith.constant 10 : i32
    %scan3A_1079 = arith.addi %scan3A_1077, %scan3A_1078 : i32
    %scan3A_1080 = arith.constant 1 : i32
    scf.for %scan3A_1258 = %scan3A_1077 to %scan3A_1079 step %scan3A_1080  : i32 {
      %rem3A_1259 = arith.constant 2 : i32
      %rem3A_1260 = arith.remsi %scan3A_1258, %rem3A_1259 : i32
      %mul3A_1261 = arith.constant 8 : i32
      %mul3A_1262 = arith.muli %scan3A_1258, %mul3A_1261 : i32
      %add3A_1263 = arith.constant 0 : i32
      %add3A_1264 = arith.addi %mul3A_1262, %add3A_1263 : i32
      %rem3A_1265 = arith.constant 2 : i32
      %rem3A_1266 = arith.remsi %add3A_1264, %rem3A_1265 : i32
      %dma_wait3A_1267 = arith.constant 0 : i32
      %dma_wait3A_1268 = arith.constant 0 : i32
      %dma_wait3A_1269 = tpu.memref_slice %arg22[%rem3A_1266, %dma_wait3A_1267, %dma_wait3A_1268] : memref<2x256x64xf32, #tpu.memory_space<vmem>> -> memref<1x256x64xf32, #tpu.memory_space<vmem>>
      %dma_wait3A_1270 = tpu.memref_squeeze %dma_wait3A_1269 : memref<1x256x64xf32, #tpu.memory_space<vmem>> -> memref<256x64xf32, #tpu.memory_space<vmem>>
      %dma_wait3A_1271 = arith.constant 0 : i32
      %dma_wait3A_1272 = arith.constant 0 : i32
      %dma_wait3A_1273 = tpu.memref_slice %arg11[%arg0, %dma_wait3A_1271, %dma_wait3A_1272] : memref<2x10240x64xf32, #tpu.memory_space<hbm>> -> memref<1x10240x64xf32, #tpu.memory_space<hbm>>
      %dma_wait3A_1274 = tpu.memref_squeeze %dma_wait3A_1273 : memref<1x10240x64xf32, #tpu.memory_space<hbm>> -> memref<10240x64xf32, #tpu.memory_space<hbm>>
      %dma_wait3A_1275 = arith.constant 0 : i32
      %dma_wait3A_1276 = arith.constant 0 : i32
      %dma_wait3A_1277 = tpu.memref_slice %dma_wait3A_1274[%dma_wait3A_1275, %dma_wait3A_1276] : memref<10240x64xf32, #tpu.memory_space<hbm>> -> memref<256x64xf32, #tpu.memory_space<hbm>>
      %dma_wait3A_1278 = arith.constant 0 : i32
      %dma_wait3A_1279 = arith.constant 0 : i32
      %dma_wait3A_1280 = tpu.memref_slice %arg22[%rem3A_1266, %dma_wait3A_1278, %dma_wait3A_1279] : memref<2x256x64xf32, #tpu.memory_space<vmem>> -> memref<1x256x64xf32, #tpu.memory_space<vmem>>
      %dma_wait3A_1281 = tpu.memref_squeeze %dma_wait3A_1280 : memref<1x256x64xf32, #tpu.memory_space<vmem>> -> memref<256x64xf32, #tpu.memory_space<vmem>>
      %dma_wait3A_1282 = arith.constant 0 : i32
      %dma_wait3A_1283 = arith.constant 0 : i32
      %dma_wait3A_1284 = tpu.memref_slice %arg11[%arg0, %dma_wait3A_1282, %dma_wait3A_1283] : memref<2x10240x64xf32, #tpu.memory_space<hbm>> -> memref<1x10240x64xf32, #tpu.memory_space<hbm>>
      %dma_wait3A_1285 = tpu.memref_squeeze %dma_wait3A_1284 : memref<1x10240x64xf32, #tpu.memory_space<hbm>> -> memref<10240x64xf32, #tpu.memory_space<hbm>>
      %dma_wait3A_1286 = arith.constant 0 : i32
      %dma_wait3A_1287 = arith.constant 0 : i32
      %dma_wait3A_1288 = tpu.memref_slice %dma_wait3A_1285[%dma_wait3A_1286, %dma_wait3A_1287] : memref<10240x64xf32, #tpu.memory_space<hbm>> -> memref<256x64xf32, #tpu.memory_space<hbm>>
      tpu.wait_dma2 semaphore(%arg28 : memref<!tpu.dma_semaphore, #tpu.memory_space<semaphore_mem>>) src(%dma_wait3A_1288 : memref<256x64xf32, #tpu.memory_space<hbm>>) dst(%dma_wait3A_1281 : memref<256x64xf32, #tpu.memory_space<vmem>>)
      %gt3A = arith.constant 0 : i32
      %gt3A_1289 = arith.cmpi sgt, %add3A_1264, %gt3A : i32
      %convert_element_type3A = arith.extui %gt3A_1289 : i1 to i32
      %cond3A = arith.constant 0 : i32
      %cond3A_1290 = arith.cmpi ne, %convert_element_type3A, %cond3A : i32
      scf.if %cond3A_1290 {
        %sub3A_1789 = arith.constant 1 : i32
        %sub3A_1790 = arith.subi %sub3A_1789, %rem3A_1266 : i32
        %dma_wait3A_1791 = arith.constant 0 : i32
        %dma_wait3A_1792 = arith.constant 0 : i32
        %dma_wait3A_1793 = tpu.memref_slice %arg22[%sub3A_1790, %dma_wait3A_1791, %dma_wait3A_1792] : memref<2x256x64xf32, #tpu.memory_space<vmem>> -> memref<1x256x64xf32, #tpu.memory_space<vmem>>
        %dma_wait3A_1794 = tpu.memref_squeeze %dma_wait3A_1793 : memref<1x256x64xf32, #tpu.memory_space<vmem>> -> memref<256x64xf32, #tpu.memory_space<vmem>>
        %dma_wait3A_1795 = arith.constant 0 : i32
        %dma_wait3A_1796 = arith.constant 0 : i32
        %dma_wait3A_1797 = tpu.memref_slice %arg11[%arg0, %dma_wait3A_1795, %dma_wait3A_1796] : memref<2x10240x64xf32, #tpu.memory_space<hbm>> -> memref<1x10240x64xf32, #tpu.memory_space<hbm>>
        %dma_wait3A_1798 = tpu.memref_squeeze %dma_wait3A_1797 : memref<1x10240x64xf32, #tpu.memory_space<hbm>> -> memref<10240x64xf32, #tpu.memory_space<hbm>>
        %dma_wait3A_1799 = arith.constant 0 : i32
        %dma_wait3A_1800 = arith.constant 0 : i32
        %dma_wait3A_1801 = tpu.memref_slice %dma_wait3A_1798[%dma_wait3A_1799, %dma_wait3A_1800] : memref<10240x64xf32, #tpu.memory_space<hbm>> -> memref<256x64xf32, #tpu.memory_space<hbm>>
        %dma_wait3A_1802 = arith.constant 0 : i32
        %dma_wait3A_1803 = arith.constant 0 : i32
        %dma_wait3A_1804 = tpu.memref_slice %arg22[%sub3A_1790, %dma_wait3A_1802, %dma_wait3A_1803] : memref<2x256x64xf32, #tpu.memory_space<vmem>> -> memref<1x256x64xf32, #tpu.memory_space<vmem>>
        %dma_wait3A_1805 = tpu.memref_squeeze %dma_wait3A_1804 : memref<1x256x64xf32, #tpu.memory_space<vmem>> -> memref<256x64xf32, #tpu.memory_space<vmem>>
        %dma_wait3A_1806 = arith.constant 0 : i32
        %dma_wait3A_1807 = arith.constant 0 : i32
        %dma_wait3A_1808 = tpu.memref_slice %arg11[%arg0, %dma_wait3A_1806, %dma_wait3A_1807] : memref<2x10240x64xf32, #tpu.memory_space<hbm>> -> memref<1x10240x64xf32, #tpu.memory_space<hbm>>
        %dma_wait3A_1809 = tpu.memref_squeeze %dma_wait3A_1808 : memref<1x10240x64xf32, #tpu.memory_space<hbm>> -> memref<10240x64xf32, #tpu.memory_space<hbm>>
        %dma_wait3A_1810 = arith.constant 0 : i32
        %dma_wait3A_1811 = arith.constant 0 : i32
        %dma_wait3A_1812 = tpu.memref_slice %dma_wait3A_1809[%dma_wait3A_1810, %dma_wait3A_1811] : memref<10240x64xf32, #tpu.memory_space<hbm>> -> memref<256x64xf32, #tpu.memory_space<hbm>>
        tpu.wait_dma2 semaphore(%arg29 : memref<!tpu.dma_semaphore, #tpu.memory_space<semaphore_mem>>) src(%dma_wait3A_1812 : memref<256x64xf32, #tpu.memory_space<hbm>>) dst(%dma_wait3A_1805 : memref<256x64xf32, #tpu.memory_space<vmem>>)
      } else {
      }
      %sub3A = arith.constant 1 : i32
      %sub3A_1291 = arith.subi %sub3A, %rem3A_1266 : i32
      %dma_start3A_1292 = arith.constant 1 : i32
      %dma_start3A_1293 = arith.constant 0 : i32
      %dma_start3A_1294 = arith.constant 0 : i32
      %dma_start3A_1295 = tpu.memref_slice %arg22[%sub3A_1291, %dma_start3A_1293, %dma_start3A_1294] : memref<2x256x64xf32, #tpu.memory_space<vmem>> -> memref<1x256x64xf32, #tpu.memory_space<vmem>>
      %dma_start3A_1296 = tpu.memref_squeeze %dma_start3A_1295 : memref<1x256x64xf32, #tpu.memory_space<vmem>> -> memref<256x64xf32, #tpu.memory_space<vmem>>
      %dma_start3A_1297 = arith.constant 0 : i32
      %dma_start3A_1298 = tpu.memref_slice %arg19[%rem3A_1260, %dma_start3A_1292, %dma_start3A_1297] : memref<2x8x256xi32, #tpu.memory_space<vmem>> -> memref<1x1x256xi32, #tpu.memory_space<vmem>>
      %dma_start3A_1299 = tpu.memref_squeeze %dma_start3A_1298 : memref<1x1x256xi32, #tpu.memory_space<vmem>> -> memref<256xi32, #tpu.memory_space<vmem>>
      %dma_start3A_1300 = arith.constant 0 : i32
      %dma_start3A_1301 = arith.constant 0 : i32
      %dma_start3A_1302 = tpu.memref_slice %arg11[%arg0, %dma_start3A_1300, %dma_start3A_1301] : memref<2x10240x64xf32, #tpu.memory_space<hbm>> -> memref<1x10240x64xf32, #tpu.memory_space<hbm>>
      %dma_start3A_1303 = tpu.memref_squeeze %dma_start3A_1302 : memref<1x10240x64xf32, #tpu.memory_space<hbm>> -> memref<10240x64xf32, #tpu.memory_space<hbm>>
      %dma_start3A_1304 = arith.constant 0 : i32
      %dma_start3A_1305 = arith.constant 0 : i32
      %dma_start3A_1306 = tpu.memref_slice %dma_start3A_1303[%dma_start3A_1304, %dma_start3A_1305] : memref<10240x64xf32, #tpu.memory_space<hbm>> -> memref<10240x64xf32, #tpu.memory_space<hbm>>
      tpu.enqueue_indirect_dma source(%dma_start3A_1306 : memref<10240x64xf32, #tpu.memory_space<hbm>>) target(%dma_start3A_1296 : memref<256x64xf32, #tpu.memory_space<vmem>>) offsets(%dma_start3A_1299 : memref<256xi32, #tpu.memory_space<vmem>>) semaphore(%arg28 : memref<!tpu.dma_semaphore, #tpu.memory_space<semaphore_mem>>)
      %dma_start3A_1307 = arith.constant 0 : i32
      %dma_start3A_1308 = arith.constant 0 : i32
      %dma_start3A_1309 = arith.constant 0 : i32
      %dma_start3A_1310 = tpu.memref_slice %arg22[%rem3A_1266, %dma_start3A_1308, %dma_start3A_1309] : memref<2x256x64xf32, #tpu.memory_space<vmem>> -> memref<1x256x64xf32, #tpu.memory_space<vmem>>
      %dma_start3A_1311 = tpu.memref_squeeze %dma_start3A_1310 : memref<1x256x64xf32, #tpu.memory_space<vmem>> -> memref<256x64xf32, #tpu.memory_space<vmem>>
      %dma_start3A_1312 = arith.constant 0 : i32
      %dma_start3A_1313 = tpu.memref_slice %arg20[%rem3A_1260, %dma_start3A_1307, %dma_start3A_1312] : memref<2x8x256xi32, #tpu.memory_space<vmem>> -> memref<1x1x256xi32, #tpu.memory_space<vmem>>
      %dma_start3A_1314 = tpu.memref_squeeze %dma_start3A_1313 : memref<1x1x256xi32, #tpu.memory_space<vmem>> -> memref<256xi32, #tpu.memory_space<vmem>>
      %dma_start3A_1315 = arith.constant 0 : i32
      %dma_start3A_1316 = arith.constant 0 : i32
      %dma_start3A_1317 = tpu.memref_slice %arg23[%dma_start3A_1315, %dma_start3A_1316] : memref<10112x64xf32, #tpu.memory_space<vmem_shared>> -> memref<10112x64xf32, #tpu.memory_space<vmem_shared>>
      tpu.enqueue_indirect_dma source(%dma_start3A_1311 : memref<256x64xf32, #tpu.memory_space<vmem>>) target(%dma_start3A_1317 : memref<10112x64xf32, #tpu.memory_space<vmem_shared>>) offsets(%dma_start3A_1314 : memref<256xi32, #tpu.memory_space<vmem>>) semaphore(%arg29 : memref<!tpu.dma_semaphore, #tpu.memory_space<semaphore_mem>>) {add = true}
      %dma_start3A_1318 = arith.constant 0 : i32
      %dma_start3A_1319 = arith.constant 0 : i32
      %dma_start3A_1320 = tpu.memref_slice %arg20[%rem3A_1260, %dma_start3A_1318, %dma_start3A_1319] : memref<2x8x256xi32, #tpu.memory_space<vmem>> -> memref<1x1x256xi32, #tpu.memory_space<vmem>>
      %dma_start3A_1321 = tpu.memref_squeeze %dma_start3A_1320 : memref<1x1x256xi32, #tpu.memory_space<vmem>> -> memref<256xi32, #tpu.memory_space<vmem>>
      %dma_start3A_1322 = arith.constant 0 : i32
      %dma_start3A_1323 = tpu.memref_slice %arg24[%dma_start3A_1322] : memref<10112xf32, #tpu.memory_space<vmem_shared>> -> memref<10112xf32, #tpu.memory_space<vmem_shared>>
      tpu.enqueue_indirect_dma source(%arg21 : memref<256xf32, #tpu.memory_space<vmem>>) target(%dma_start3A_1323 : memref<10112xf32, #tpu.memory_space<vmem_shared>>) offsets(%dma_start3A_1321 : memref<256xi32, #tpu.memory_space<vmem>>) semaphore(%arg30 : memref<!tpu.dma_semaphore, #tpu.memory_space<semaphore_mem>>) {add = true}
      %mul3A_1324 = arith.constant 8 : i32
      %mul3A_1325 = arith.muli %scan3A_1258, %mul3A_1324 : i32
      %add3A_1326 = arith.constant 1 : i32
      %add3A_1327 = arith.addi %mul3A_1325, %add3A_1326 : i32
      %rem3A_1328 = arith.constant 2 : i32
      %rem3A_1329 = arith.remsi %add3A_1327, %rem3A_1328 : i32
      %dma_wait3A_1330 = arith.constant 0 : i32
      %dma_wait3A_1331 = arith.constant 0 : i32
      %dma_wait3A_1332 = tpu.memref_slice %arg22[%rem3A_1329, %dma_wait3A_1330, %dma_wait3A_1331] : memref<2x256x64xf32, #tpu.memory_space<vmem>> -> memref<1x256x64xf32, #tpu.memory_space<vmem>>
      %dma_wait3A_1333 = tpu.memref_squeeze %dma_wait3A_1332 : memref<1x256x64xf32, #tpu.memory_space<vmem>> -> memref<256x64xf32, #tpu.memory_space<vmem>>
      %dma_wait3A_1334 = arith.constant 0 : i32
      %dma_wait3A_1335 = arith.constant 0 : i32
      %dma_wait3A_1336 = tpu.memref_slice %arg11[%arg0, %dma_wait3A_1334, %dma_wait3A_1335] : memref<2x10240x64xf32, #tpu.memory_space<hbm>> -> memref<1x10240x64xf32, #tpu.memory_space<hbm>>
      %dma_wait3A_1337 = tpu.memref_squeeze %dma_wait3A_1336 : memref<1x10240x64xf32, #tpu.memory_space<hbm>> -> memref<10240x64xf32, #tpu.memory_space<hbm>>
      %dma_wait3A_1338 = arith.constant 0 : i32
      %dma_wait3A_1339 = arith.constant 0 : i32
      %dma_wait3A_1340 = tpu.memref_slice %dma_wait3A_1337[%dma_wait3A_1338, %dma_wait3A_1339] : memref<10240x64xf32, #tpu.memory_space<hbm>> -> memref<256x64xf32, #tpu.memory_space<hbm>>
      %dma_wait3A_1341 = arith.constant 0 : i32
      %dma_wait3A_1342 = arith.constant 0 : i32
      %dma_wait3A_1343 = tpu.memref_slice %arg22[%rem3A_1329, %dma_wait3A_1341, %dma_wait3A_1342] : memref<2x256x64xf32, #tpu.memory_space<vmem>> -> memref<1x256x64xf32, #tpu.memory_space<vmem>>
      %dma_wait3A_1344 = tpu.memref_squeeze %dma_wait3A_1343 : memref<1x256x64xf32, #tpu.memory_space<vmem>> -> memref<256x64xf32, #tpu.memory_space<vmem>>
      %dma_wait3A_1345 = arith.constant 0 : i32
      %dma_wait3A_1346 = arith.constant 0 : i32
      %dma_wait3A_1347 = tpu.memref_slice %arg11[%arg0, %dma_wait3A_1345, %dma_wait3A_1346] : memref<2x10240x64xf32, #tpu.memory_space<hbm>> -> memref<1x10240x64xf32, #tpu.memory_space<hbm>>
      %dma_wait3A_1348 = tpu.memref_squeeze %dma_wait3A_1347 : memref<1x10240x64xf32, #tpu.memory_space<hbm>> -> memref<10240x64xf32, #tpu.memory_space<hbm>>
      %dma_wait3A_1349 = arith.constant 0 : i32
      %dma_wait3A_1350 = arith.constant 0 : i32
      %dma_wait3A_1351 = tpu.memref_slice %dma_wait3A_1348[%dma_wait3A_1349, %dma_wait3A_1350] : memref<10240x64xf32, #tpu.memory_space<hbm>> -> memref<256x64xf32, #tpu.memory_space<hbm>>
      tpu.wait_dma2 semaphore(%arg28 : memref<!tpu.dma_semaphore, #tpu.memory_space<semaphore_mem>>) src(%dma_wait3A_1351 : memref<256x64xf32, #tpu.memory_space<hbm>>) dst(%dma_wait3A_1344 : memref<256x64xf32, #tpu.memory_space<vmem>>)
      %gt3A_1352 = arith.constant 0 : i32
      %gt3A_1353 = arith.cmpi sgt, %add3A_1327, %gt3A_1352 : i32
      %convert_element_type3A_1354 = arith.extui %gt3A_1353 : i1 to i32
      %cond3A_1355 = arith.constant 0 : i32
      %cond3A_1356 = arith.cmpi ne, %convert_element_type3A_1354, %cond3A_1355 : i32
      scf.if %cond3A_1356 {
        %sub3A_1789 = arith.constant 1 : i32
        %sub3A_1790 = arith.subi %sub3A_1789, %rem3A_1329 : i32
        %dma_wait3A_1791 = arith.constant 0 : i32
        %dma_wait3A_1792 = arith.constant 0 : i32
        %dma_wait3A_1793 = tpu.memref_slice %arg22[%sub3A_1790, %dma_wait3A_1791, %dma_wait3A_1792] : memref<2x256x64xf32, #tpu.memory_space<vmem>> -> memref<1x256x64xf32, #tpu.memory_space<vmem>>
        %dma_wait3A_1794 = tpu.memref_squeeze %dma_wait3A_1793 : memref<1x256x64xf32, #tpu.memory_space<vmem>> -> memref<256x64xf32, #tpu.memory_space<vmem>>
        %dma_wait3A_1795 = arith.constant 0 : i32
        %dma_wait3A_1796 = arith.constant 0 : i32
        %dma_wait3A_1797 = tpu.memref_slice %arg11[%arg0, %dma_wait3A_1795, %dma_wait3A_1796] : memref<2x10240x64xf32, #tpu.memory_space<hbm>> -> memref<1x10240x64xf32, #tpu.memory_space<hbm>>
        %dma_wait3A_1798 = tpu.memref_squeeze %dma_wait3A_1797 : memref<1x10240x64xf32, #tpu.memory_space<hbm>> -> memref<10240x64xf32, #tpu.memory_space<hbm>>
        %dma_wait3A_1799 = arith.constant 0 : i32
        %dma_wait3A_1800 = arith.constant 0 : i32
        %dma_wait3A_1801 = tpu.memref_slice %dma_wait3A_1798[%dma_wait3A_1799, %dma_wait3A_1800] : memref<10240x64xf32, #tpu.memory_space<hbm>> -> memref<256x64xf32, #tpu.memory_space<hbm>>
        %dma_wait3A_1802 = arith.constant 0 : i32
        %dma_wait3A_1803 = arith.constant 0 : i32
        %dma_wait3A_1804 = tpu.memref_slice %arg22[%sub3A_1790, %dma_wait3A_1802, %dma_wait3A_1803] : memref<2x256x64xf32, #tpu.memory_space<vmem>> -> memref<1x256x64xf32, #tpu.memory_space<vmem>>
        %dma_wait3A_1805 = tpu.memref_squeeze %dma_wait3A_1804 : memref<1x256x64xf32, #tpu.memory_space<vmem>> -> memref<256x64xf32, #tpu.memory_space<vmem>>
        %dma_wait3A_1806 = arith.constant 0 : i32
        %dma_wait3A_1807 = arith.constant 0 : i32
        %dma_wait3A_1808 = tpu.memref_slice %arg11[%arg0, %dma_wait3A_1806, %dma_wait3A_1807] : memref<2x10240x64xf32, #tpu.memory_space<hbm>> -> memref<1x10240x64xf32, #tpu.memory_space<hbm>>
        %dma_wait3A_1809 = tpu.memref_squeeze %dma_wait3A_1808 : memref<1x10240x64xf32, #tpu.memory_space<hbm>> -> memref<10240x64xf32, #tpu.memory_space<hbm>>
        %dma_wait3A_1810 = arith.constant 0 : i32
        %dma_wait3A_1811 = arith.constant 0 : i32
        %dma_wait3A_1812 = tpu.memref_slice %dma_wait3A_1809[%dma_wait3A_1810, %dma_wait3A_1811] : memref<10240x64xf32, #tpu.memory_space<hbm>> -> memref<256x64xf32, #tpu.memory_space<hbm>>
        tpu.wait_dma2 semaphore(%arg29 : memref<!tpu.dma_semaphore, #tpu.memory_space<semaphore_mem>>) src(%dma_wait3A_1812 : memref<256x64xf32, #tpu.memory_space<hbm>>) dst(%dma_wait3A_1805 : memref<256x64xf32, #tpu.memory_space<vmem>>)
      } else {
      }
      %add3A_1357 = arith.constant 1 : i32
      %add3A_1358 = arith.addi %scan3A_1258, %add3A_1357 : i32
      %lt3A = arith.constant 10 : i32
      %lt3A_1359 = arith.cmpi slt, %add3A_1358, %lt3A : i32
      %convert_element_type3A_1360 = arith.extui %lt3A_1359 : i1 to i32
      %cond3A_1361 = arith.constant 0 : i32
      %cond3A_1362 = arith.cmpi ne, %convert_element_type3A_1360, %cond3A_1361 : i32
      scf.if %cond3A_1362 {
        %add3A_1789 = arith.constant 1 : i32
        %add3A_1790 = arith.addi %scan3A_1258, %add3A_1789 : i32
        %rem3A_1791 = arith.constant 2 : i32
        %rem3A_1792 = arith.remsi %add3A_1790, %rem3A_1791 : i32
        %mul3A_1793 = arith.constant 80 : i32
        %mul3A_1794 = arith.muli %arg1, %mul3A_1793 : i32
        %mul3A_1795 = arith.constant 8 : i32
        %mul3A_1796 = arith.muli %add3A_1790, %mul3A_1795 : i32
        %add3A_1797 = arith.addi %mul3A_1794, %mul3A_1796 : i32
        %dma_start3A_1798 = arith.constant 0 : i32
        %dma_start3A_1799 = arith.constant 0 : i32
        %dma_start3A_1800 = tpu.memref_slice %arg19[%rem3A_1792, %dma_start3A_1798, %dma_start3A_1799] : memref<2x8x256xi32, #tpu.memory_space<vmem>> -> memref<1x8x256xi32, #tpu.memory_space<vmem>>
        %dma_start3A_1801 = tpu.memref_squeeze %dma_start3A_1800 : memref<1x8x256xi32, #tpu.memory_space<vmem>> -> memref<8x256xi32, #tpu.memory_space<vmem>>
        %dma_start3A_1802 = arith.constant 0 : i32
        %dma_start3A_1803 = tpu.memref_slice %arg6[%add3A_1797, %dma_start3A_1802] : memref<1280x256xi32, #tpu.memory_space<hbm>> -> memref<8x256xi32, #tpu.memory_space<hbm>>
        %dma_start3A_1804 = arith.constant 0 : i32
        %dma_start3A_1805 = arith.constant 0 : i32
        %dma_start3A_1806 = tpu.memref_slice %arg19[%rem3A_1792, %dma_start3A_1804, %dma_start3A_1805] : memref<2x8x256xi32, #tpu.memory_space<vmem>> -> memref<1x8x256xi32, #tpu.memory_space<vmem>>
        %dma_start3A_1807 = tpu.memref_squeeze %dma_start3A_1806 : memref<1x8x256xi32, #tpu.memory_space<vmem>> -> memref<8x256xi32, #tpu.memory_space<vmem>>
        %dma_start3A_1808 = arith.constant 0 : i32
        %dma_start3A_1809 = tpu.memref_slice %arg6[%add3A_1797, %dma_start3A_1808] : memref<1280x256xi32, #tpu.memory_space<hbm>> -> memref<8x256xi32, #tpu.memory_space<hbm>>
        tpu.enqueue_dma source(%dma_start3A_1809 : memref<8x256xi32, #tpu.memory_space<hbm>>) target(%dma_start3A_1807 : memref<8x256xi32, #tpu.memory_space<vmem>>) target_semaphore(%arg27 : memref<!tpu.dma_semaphore, #tpu.memory_space<semaphore_mem>>)
        %mul3A_1810 = arith.constant 80 : i32
        %mul3A_1811 = arith.muli %arg1, %mul3A_1810 : i32
        %mul3A_1812 = arith.constant 8 : i32
        %mul3A_1813 = arith.muli %add3A_1790, %mul3A_1812 : i32
        %add3A_1814 = arith.addi %mul3A_1811, %mul3A_1813 : i32
        %dma_start3A_1815 = arith.constant 0 : i32
        %dma_start3A_1816 = arith.constant 0 : i32
        %dma_start3A_1817 = tpu.memref_slice %arg20[%rem3A_1792, %dma_start3A_1815, %dma_start3A_1816] : memref<2x8x256xi32, #tpu.memory_space<vmem>> -> memref<1x8x256xi32, #tpu.memory_space<vmem>>
        %dma_start3A_1818 = tpu.memref_squeeze %dma_start3A_1817 : memref<1x8x256xi32, #tpu.memory_space<vmem>> -> memref<8x256xi32, #tpu.memory_space<vmem>>
        %dma_start3A_1819 = arith.constant 0 : i32
        %dma_start3A_1820 = tpu.memref_slice %arg7[%add3A_1814, %dma_start3A_1819] : memref<1280x256xi32, #tpu.memory_space<hbm>> -> memref<8x256xi32, #tpu.memory_space<hbm>>
        %dma_start3A_1821 = arith.constant 0 : i32
        %dma_start3A_1822 = arith.constant 0 : i32
        %dma_start3A_1823 = tpu.memref_slice %arg20[%rem3A_1792, %dma_start3A_1821, %dma_start3A_1822] : memref<2x8x256xi32, #tpu.memory_space<vmem>> -> memref<1x8x256xi32, #tpu.memory_space<vmem>>
        %dma_start3A_1824 = tpu.memref_squeeze %dma_start3A_1823 : memref<1x8x256xi32, #tpu.memory_space<vmem>> -> memref<8x256xi32, #tpu.memory_space<vmem>>
        %dma_start3A_1825 = arith.constant 0 : i32
        %dma_start3A_1826 = tpu.memref_slice %arg7[%add3A_1814, %dma_start3A_1825] : memref<1280x256xi32, #tpu.memory_space<hbm>> -> memref<8x256xi32, #tpu.memory_space<hbm>>
        tpu.enqueue_dma source(%dma_start3A_1826 : memref<8x256xi32, #tpu.memory_space<hbm>>) target(%dma_start3A_1824 : memref<8x256xi32, #tpu.memory_space<vmem>>) target_semaphore(%arg27 : memref<!tpu.dma_semaphore, #tpu.memory_space<semaphore_mem>>)
      } else {
      }
      %sub3A_1363 = arith.constant 1 : i32
      %sub3A_1364 = arith.subi %sub3A_1363, %rem3A_1329 : i32
      %dma_start3A_1365 = arith.constant 2 : i32
      %dma_start3A_1366 = arith.constant 0 : i32
      %dma_start3A_1367 = arith.constant 0 : i32
      %dma_start3A_1368 = tpu.memref_slice %arg22[%sub3A_1364, %dma_start3A_1366, %dma_start3A_1367] : memref<2x256x64xf32, #tpu.memory_space<vmem>> -> memref<1x256x64xf32, #tpu.memory_space<vmem>>
      %dma_start3A_1369 = tpu.memref_squeeze %dma_start3A_1368 : memref<1x256x64xf32, #tpu.memory_space<vmem>> -> memref<256x64xf32, #tpu.memory_space<vmem>>
      %dma_start3A_1370 = arith.constant 0 : i32
      %dma_start3A_1371 = tpu.memref_slice %arg19[%rem3A_1260, %dma_start3A_1365, %dma_start3A_1370] : memref<2x8x256xi32, #tpu.memory_space<vmem>> -> memref<1x1x256xi32, #tpu.memory_space<vmem>>
      %dma_start3A_1372 = tpu.memref_squeeze %dma_start3A_1371 : memref<1x1x256xi32, #tpu.memory_space<vmem>> -> memref<256xi32, #tpu.memory_space<vmem>>
      %dma_start3A_1373 = arith.constant 0 : i32
      %dma_start3A_1374 = arith.constant 0 : i32
      %dma_start3A_1375 = tpu.memref_slice %arg11[%arg0, %dma_start3A_1373, %dma_start3A_1374] : memref<2x10240x64xf32, #tpu.memory_space<hbm>> -> memref<1x10240x64xf32, #tpu.memory_space<hbm>>
      %dma_start3A_1376 = tpu.memref_squeeze %dma_start3A_1375 : memref<1x10240x64xf32, #tpu.memory_space<hbm>> -> memref<10240x64xf32, #tpu.memory_space<hbm>>
      %dma_start3A_1377 = arith.constant 0 : i32
      %dma_start3A_1378 = arith.constant 0 : i32
      %dma_start3A_1379 = tpu.memref_slice %dma_start3A_1376[%dma_start3A_1377, %dma_start3A_1378] : memref<10240x64xf32, #tpu.memory_space<hbm>> -> memref<10240x64xf32, #tpu.memory_space<hbm>>
      tpu.enqueue_indirect_dma source(%dma_start3A_1379 : memref<10240x64xf32, #tpu.memory_space<hbm>>) target(%dma_start3A_1369 : memref<256x64xf32, #tpu.memory_space<vmem>>) offsets(%dma_start3A_1372 : memref<256xi32, #tpu.memory_space<vmem>>) semaphore(%arg28 : memref<!tpu.dma_semaphore, #tpu.memory_space<semaphore_mem>>)
      %dma_start3A_1380 = arith.constant 1 : i32
      %dma_start3A_1381 = arith.constant 0 : i32
      %dma_start3A_1382 = arith.constant 0 : i32
      %dma_start3A_1383 = tpu.memref_slice %arg22[%rem3A_1329, %dma_start3A_1381, %dma_start3A_1382] : memref<2x256x64xf32, #tpu.memory_space<vmem>> -> memref<1x256x64xf32, #tpu.memory_space<vmem>>
      %dma_start3A_1384 = tpu.memref_squeeze %dma_start3A_1383 : memref<1x256x64xf32, #tpu.memory_space<vmem>> -> memref<256x64xf32, #tpu.memory_space<vmem>>
      %dma_start3A_1385 = arith.constant 0 : i32
      %dma_start3A_1386 = tpu.memref_slice %arg20[%rem3A_1260, %dma_start3A_1380, %dma_start3A_1385] : memref<2x8x256xi32, #tpu.memory_space<vmem>> -> memref<1x1x256xi32, #tpu.memory_space<vmem>>
      %dma_start3A_1387 = tpu.memref_squeeze %dma_start3A_1386 : memref<1x1x256xi32, #tpu.memory_space<vmem>> -> memref<256xi32, #tpu.memory_space<vmem>>
      %dma_start3A_1388 = arith.constant 0 : i32
      %dma_start3A_1389 = arith.constant 0 : i32
      %dma_start3A_1390 = tpu.memref_slice %arg23[%dma_start3A_1388, %dma_start3A_1389] : memref<10112x64xf32, #tpu.memory_space<vmem_shared>> -> memref<10112x64xf32, #tpu.memory_space<vmem_shared>>
      tpu.enqueue_indirect_dma source(%dma_start3A_1384 : memref<256x64xf32, #tpu.memory_space<vmem>>) target(%dma_start3A_1390 : memref<10112x64xf32, #tpu.memory_space<vmem_shared>>) offsets(%dma_start3A_1387 : memref<256xi32, #tpu.memory_space<vmem>>) semaphore(%arg29 : memref<!tpu.dma_semaphore, #tpu.memory_space<semaphore_mem>>) {add = true}
      %dma_start3A_1391 = arith.constant 1 : i32
      %dma_start3A_1392 = arith.constant 0 : i32
      %dma_start3A_1393 = tpu.memref_slice %arg20[%rem3A_1260, %dma_start3A_1391, %dma_start3A_1392] : memref<2x8x256xi32, #tpu.memory_space<vmem>> -> memref<1x1x256xi32, #tpu.memory_space<vmem>>
      %dma_start3A_1394 = tpu.memref_squeeze %dma_start3A_1393 : memref<1x1x256xi32, #tpu.memory_space<vmem>> -> memref<256xi32, #tpu.memory_space<vmem>>
      %dma_start3A_1395 = arith.constant 0 : i32
      %dma_start3A_1396 = tpu.memref_slice %arg24[%dma_start3A_1395] : memref<10112xf32, #tpu.memory_space<vmem_shared>> -> memref<10112xf32, #tpu.memory_space<vmem_shared>>
      tpu.enqueue_indirect_dma source(%arg21 : memref<256xf32, #tpu.memory_space<vmem>>) target(%dma_start3A_1396 : memref<10112xf32, #tpu.memory_space<vmem_shared>>) offsets(%dma_start3A_1394 : memref<256xi32, #tpu.memory_space<vmem>>) semaphore(%arg30 : memref<!tpu.dma_semaphore, #tpu.memory_space<semaphore_mem>>) {add = true}
      %mul3A_1397 = arith.constant 8 : i32
      %mul3A_1398 = arith.muli %scan3A_1258, %mul3A_1397 : i32
      %add3A_1399 = arith.constant 2 : i32
      %add3A_1400 = arith.addi %mul3A_1398, %add3A_1399 : i32
      %rem3A_1401 = arith.constant 2 : i32
      %rem3A_1402 = arith.remsi %add3A_1400, %rem3A_1401 : i32
      %dma_wait3A_1403 = arith.constant 0 : i32
      %dma_wait3A_1404 = arith.constant 0 : i32
      %dma_wait3A_1405 = tpu.memref_slice %arg22[%rem3A_1402, %dma_wait3A_1403, %dma_wait3A_1404] : memref<2x256x64xf32, #tpu.memory_space<vmem>> -> memref<1x256x64xf32, #tpu.memory_space<vmem>>
      %dma_wait3A_1406 = tpu.memref_squeeze %dma_wait3A_1405 : memref<1x256x64xf32, #tpu.memory_space<vmem>> -> memref<256x64xf32, #tpu.memory_space<vmem>>
      %dma_wait3A_1407 = arith.constant 0 : i32
      %dma_wait3A_1408 = arith.constant 0 : i32
      %dma_wait3A_1409 = tpu.memref_slice %arg11[%arg0, %dma_wait3A_1407, %dma_wait3A_1408] : memref<2x10240x64xf32, #tpu.memory_space<hbm>> -> memref<1x10240x64xf32, #tpu.memory_space<hbm>>
      %dma_wait3A_1410 = tpu.memref_squeeze %dma_wait3A_1409 : memref<1x10240x64xf32, #tpu.memory_space<hbm>> -> memref<10240x64xf32, #tpu.memory_space<hbm>>
      %dma_wait3A_1411 = arith.constant 0 : i32
      %dma_wait3A_1412 = arith.constant 0 : i32
      %dma_wait3A_1413 = tpu.memref_slice %dma_wait3A_1410[%dma_wait3A_1411, %dma_wait3A_1412] : memref<10240x64xf32, #tpu.memory_space<hbm>> -> memref<256x64xf32, #tpu.memory_space<hbm>>
      %dma_wait3A_1414 = arith.constant 0 : i32
      %dma_wait3A_1415 = arith.constant 0 : i32
      %dma_wait3A_1416 = tpu.memref_slice %arg22[%rem3A_1402, %dma_wait3A_1414, %dma_wait3A_1415] : memref<2x256x64xf32, #tpu.memory_space<vmem>> -> memref<1x256x64xf32, #tpu.memory_space<vmem>>
      %dma_wait3A_1417 = tpu.memref_squeeze %dma_wait3A_1416 : memref<1x256x64xf32, #tpu.memory_space<vmem>> -> memref<256x64xf32, #tpu.memory_space<vmem>>
      %dma_wait3A_1418 = arith.constant 0 : i32
      %dma_wait3A_1419 = arith.constant 0 : i32
      %dma_wait3A_1420 = tpu.memref_slice %arg11[%arg0, %dma_wait3A_1418, %dma_wait3A_1419] : memref<2x10240x64xf32, #tpu.memory_space<hbm>> -> memref<1x10240x64xf32, #tpu.memory_space<hbm>>
      %dma_wait3A_1421 = tpu.memref_squeeze %dma_wait3A_1420 : memref<1x10240x64xf32, #tpu.memory_space<hbm>> -> memref<10240x64xf32, #tpu.memory_space<hbm>>
      %dma_wait3A_1422 = arith.constant 0 : i32
      %dma_wait3A_1423 = arith.constant 0 : i32
      %dma_wait3A_1424 = tpu.memref_slice %dma_wait3A_1421[%dma_wait3A_1422, %dma_wait3A_1423] : memref<10240x64xf32, #tpu.memory_space<hbm>> -> memref<256x64xf32, #tpu.memory_space<hbm>>
      tpu.wait_dma2 semaphore(%arg28 : memref<!tpu.dma_semaphore, #tpu.memory_space<semaphore_mem>>) src(%dma_wait3A_1424 : memref<256x64xf32, #tpu.memory_space<hbm>>) dst(%dma_wait3A_1417 : memref<256x64xf32, #tpu.memory_space<vmem>>)
      %gt3A_1425 = arith.constant 0 : i32
      %gt3A_1426 = arith.cmpi sgt, %add3A_1400, %gt3A_1425 : i32
      %convert_element_type3A_1427 = arith.extui %gt3A_1426 : i1 to i32
      %cond3A_1428 = arith.constant 0 : i32
      %cond3A_1429 = arith.cmpi ne, %convert_element_type3A_1427, %cond3A_1428 : i32
      scf.if %cond3A_1429 {
        %sub3A_1789 = arith.constant 1 : i32
        %sub3A_1790 = arith.subi %sub3A_1789, %rem3A_1402 : i32
        %dma_wait3A_1791 = arith.constant 0 : i32
        %dma_wait3A_1792 = arith.constant 0 : i32
        %dma_wait3A_1793 = tpu.memref_slice %arg22[%sub3A_1790, %dma_wait3A_1791, %dma_wait3A_1792] : memref<2x256x64xf32, #tpu.memory_space<vmem>> -> memref<1x256x64xf32, #tpu.memory_space<vmem>>
        %dma_wait3A_1794 = tpu.memref_squeeze %dma_wait3A_1793 : memref<1x256x64xf32, #tpu.memory_space<vmem>> -> memref<256x64xf32, #tpu.memory_space<vmem>>
        %dma_wait3A_1795 = arith.constant 0 : i32
        %dma_wait3A_1796 = arith.constant 0 : i32
        %dma_wait3A_1797 = tpu.memref_slice %arg11[%arg0, %dma_wait3A_1795, %dma_wait3A_1796] : memref<2x10240x64xf32, #tpu.memory_space<hbm>> -> memref<1x10240x64xf32, #tpu.memory_space<hbm>>
        %dma_wait3A_1798 = tpu.memref_squeeze %dma_wait3A_1797 : memref<1x10240x64xf32, #tpu.memory_space<hbm>> -> memref<10240x64xf32, #tpu.memory_space<hbm>>
        %dma_wait3A_1799 = arith.constant 0 : i32
        %dma_wait3A_1800 = arith.constant 0 : i32
        %dma_wait3A_1801 = tpu.memref_slice %dma_wait3A_1798[%dma_wait3A_1799, %dma_wait3A_1800] : memref<10240x64xf32, #tpu.memory_space<hbm>> -> memref<256x64xf32, #tpu.memory_space<hbm>>
        %dma_wait3A_1802 = arith.constant 0 : i32
        %dma_wait3A_1803 = arith.constant 0 : i32
        %dma_wait3A_1804 = tpu.memref_slice %arg22[%sub3A_1790, %dma_wait3A_1802, %dma_wait3A_1803] : memref<2x256x64xf32, #tpu.memory_space<vmem>> -> memref<1x256x64xf32, #tpu.memory_space<vmem>>
        %dma_wait3A_1805 = tpu.memref_squeeze %dma_wait3A_1804 : memref<1x256x64xf32, #tpu.memory_space<vmem>> -> memref<256x64xf32, #tpu.memory_space<vmem>>
        %dma_wait3A_1806 = arith.constant 0 : i32
        %dma_wait3A_1807 = arith.constant 0 : i32
        %dma_wait3A_1808 = tpu.memref_slice %arg11[%arg0, %dma_wait3A_1806, %dma_wait3A_1807] : memref<2x10240x64xf32, #tpu.memory_space<hbm>> -> memref<1x10240x64xf32, #tpu.memory_space<hbm>>
        %dma_wait3A_1809 = tpu.memref_squeeze %dma_wait3A_1808 : memref<1x10240x64xf32, #tpu.memory_space<hbm>> -> memref<10240x64xf32, #tpu.memory_space<hbm>>
        %dma_wait3A_1810 = arith.constant 0 : i32
        %dma_wait3A_1811 = arith.constant 0 : i32
        %dma_wait3A_1812 = tpu.memref_slice %dma_wait3A_1809[%dma_wait3A_1810, %dma_wait3A_1811] : memref<10240x64xf32, #tpu.memory_space<hbm>> -> memref<256x64xf32, #tpu.memory_space<hbm>>
        tpu.wait_dma2 semaphore(%arg29 : memref<!tpu.dma_semaphore, #tpu.memory_space<semaphore_mem>>) src(%dma_wait3A_1812 : memref<256x64xf32, #tpu.memory_space<hbm>>) dst(%dma_wait3A_1805 : memref<256x64xf32, #tpu.memory_space<vmem>>)
      } else {
      }
      %sub3A_1430 = arith.constant 1 : i32
      %sub3A_1431 = arith.subi %sub3A_1430, %rem3A_1402 : i32
      %dma_start3A_1432 = arith.constant 3 : i32
      %dma_start3A_1433 = arith.constant 0 : i32
      %dma_start3A_1434 = arith.constant 0 : i32
      %dma_start3A_1435 = tpu.memref_slice %arg22[%sub3A_1431, %dma_start3A_1433, %dma_start3A_1434] : memref<2x256x64xf32, #tpu.memory_space<vmem>> -> memref<1x256x64xf32, #tpu.memory_space<vmem>>
      %dma_start3A_1436 = tpu.memref_squeeze %dma_start3A_1435 : memref<1x256x64xf32, #tpu.memory_space<vmem>> -> memref<256x64xf32, #tpu.memory_space<vmem>>
      %dma_start3A_1437 = arith.constant 0 : i32
      %dma_start3A_1438 = tpu.memref_slice %arg19[%rem3A_1260, %dma_start3A_1432, %dma_start3A_1437] : memref<2x8x256xi32, #tpu.memory_space<vmem>> -> memref<1x1x256xi32, #tpu.memory_space<vmem>>
      %dma_start3A_1439 = tpu.memref_squeeze %dma_start3A_1438 : memref<1x1x256xi32, #tpu.memory_space<vmem>> -> memref<256xi32, #tpu.memory_space<vmem>>
      %dma_start3A_1440 = arith.constant 0 : i32
      %dma_start3A_1441 = arith.constant 0 : i32
      %dma_start3A_1442 = tpu.memref_slice %arg11[%arg0, %dma_start3A_1440, %dma_start3A_1441] : memref<2x10240x64xf32, #tpu.memory_space<hbm>> -> memref<1x10240x64xf32, #tpu.memory_space<hbm>>
      %dma_start3A_1443 = tpu.memref_squeeze %dma_start3A_1442 : memref<1x10240x64xf32, #tpu.memory_space<hbm>> -> memref<10240x64xf32, #tpu.memory_space<hbm>>
      %dma_start3A_1444 = arith.constant 0 : i32
      %dma_start3A_1445 = arith.constant 0 : i32
      %dma_start3A_1446 = tpu.memref_slice %dma_start3A_1443[%dma_start3A_1444, %dma_start3A_1445] : memref<10240x64xf32, #tpu.memory_space<hbm>> -> memref<10240x64xf32, #tpu.memory_space<hbm>>
      tpu.enqueue_indirect_dma source(%dma_start3A_1446 : memref<10240x64xf32, #tpu.memory_space<hbm>>) target(%dma_start3A_1436 : memref<256x64xf32, #tpu.memory_space<vmem>>) offsets(%dma_start3A_1439 : memref<256xi32, #tpu.memory_space<vmem>>) semaphore(%arg28 : memref<!tpu.dma_semaphore, #tpu.memory_space<semaphore_mem>>)
      %dma_start3A_1447 = arith.constant 2 : i32
      %dma_start3A_1448 = arith.constant 0 : i32
      %dma_start3A_1449 = arith.constant 0 : i32
      %dma_start3A_1450 = tpu.memref_slice %arg22[%rem3A_1402, %dma_start3A_1448, %dma_start3A_1449] : memref<2x256x64xf32, #tpu.memory_space<vmem>> -> memref<1x256x64xf32, #tpu.memory_space<vmem>>
      %dma_start3A_1451 = tpu.memref_squeeze %dma_start3A_1450 : memref<1x256x64xf32, #tpu.memory_space<vmem>> -> memref<256x64xf32, #tpu.memory_space<vmem>>
      %dma_start3A_1452 = arith.constant 0 : i32
      %dma_start3A_1453 = tpu.memref_slice %arg20[%rem3A_1260, %dma_start3A_1447, %dma_start3A_1452] : memref<2x8x256xi32, #tpu.memory_space<vmem>> -> memref<1x1x256xi32, #tpu.memory_space<vmem>>
      %dma_start3A_1454 = tpu.memref_squeeze %dma_start3A_1453 : memref<1x1x256xi32, #tpu.memory_space<vmem>> -> memref<256xi32, #tpu.memory_space<vmem>>
      %dma_start3A_1455 = arith.constant 0 : i32
      %dma_start3A_1456 = arith.constant 0 : i32
      %dma_start3A_1457 = tpu.memref_slice %arg23[%dma_start3A_1455, %dma_start3A_1456] : memref<10112x64xf32, #tpu.memory_space<vmem_shared>> -> memref<10112x64xf32, #tpu.memory_space<vmem_shared>>
      tpu.enqueue_indirect_dma source(%dma_start3A_1451 : memref<256x64xf32, #tpu.memory_space<vmem>>) target(%dma_start3A_1457 : memref<10112x64xf32, #tpu.memory_space<vmem_shared>>) offsets(%dma_start3A_1454 : memref<256xi32, #tpu.memory_space<vmem>>) semaphore(%arg29 : memref<!tpu.dma_semaphore, #tpu.memory_space<semaphore_mem>>) {add = true}
      %dma_start3A_1458 = arith.constant 2 : i32
      %dma_start3A_1459 = arith.constant 0 : i32
      %dma_start3A_1460 = tpu.memref_slice %arg20[%rem3A_1260, %dma_start3A_1458, %dma_start3A_1459] : memref<2x8x256xi32, #tpu.memory_space<vmem>> -> memref<1x1x256xi32, #tpu.memory_space<vmem>>
      %dma_start3A_1461 = tpu.memref_squeeze %dma_start3A_1460 : memref<1x1x256xi32, #tpu.memory_space<vmem>> -> memref<256xi32, #tpu.memory_space<vmem>>
      %dma_start3A_1462 = arith.constant 0 : i32
      %dma_start3A_1463 = tpu.memref_slice %arg24[%dma_start3A_1462] : memref<10112xf32, #tpu.memory_space<vmem_shared>> -> memref<10112xf32, #tpu.memory_space<vmem_shared>>
      tpu.enqueue_indirect_dma source(%arg21 : memref<256xf32, #tpu.memory_space<vmem>>) target(%dma_start3A_1463 : memref<10112xf32, #tpu.memory_space<vmem_shared>>) offsets(%dma_start3A_1461 : memref<256xi32, #tpu.memory_space<vmem>>) semaphore(%arg30 : memref<!tpu.dma_semaphore, #tpu.memory_space<semaphore_mem>>) {add = true}
      %mul3A_1464 = arith.constant 8 : i32
      %mul3A_1465 = arith.muli %scan3A_1258, %mul3A_1464 : i32
      %add3A_1466 = arith.constant 3 : i32
      %add3A_1467 = arith.addi %mul3A_1465, %add3A_1466 : i32
      %rem3A_1468 = arith.constant 2 : i32
      %rem3A_1469 = arith.remsi %add3A_1467, %rem3A_1468 : i32
      %dma_wait3A_1470 = arith.constant 0 : i32
      %dma_wait3A_1471 = arith.constant 0 : i32
      %dma_wait3A_1472 = tpu.memref_slice %arg22[%rem3A_1469, %dma_wait3A_1470, %dma_wait3A_1471] : memref<2x256x64xf32, #tpu.memory_space<vmem>> -> memref<1x256x64xf32, #tpu.memory_space<vmem>>
      %dma_wait3A_1473 = tpu.memref_squeeze %dma_wait3A_1472 : memref<1x256x64xf32, #tpu.memory_space<vmem>> -> memref<256x64xf32, #tpu.memory_space<vmem>>
      %dma_wait3A_1474 = arith.constant 0 : i32
      %dma_wait3A_1475 = arith.constant 0 : i32
      %dma_wait3A_1476 = tpu.memref_slice %arg11[%arg0, %dma_wait3A_1474, %dma_wait3A_1475] : memref<2x10240x64xf32, #tpu.memory_space<hbm>> -> memref<1x10240x64xf32, #tpu.memory_space<hbm>>
      %dma_wait3A_1477 = tpu.memref_squeeze %dma_wait3A_1476 : memref<1x10240x64xf32, #tpu.memory_space<hbm>> -> memref<10240x64xf32, #tpu.memory_space<hbm>>
      %dma_wait3A_1478 = arith.constant 0 : i32
      %dma_wait3A_1479 = arith.constant 0 : i32
      %dma_wait3A_1480 = tpu.memref_slice %dma_wait3A_1477[%dma_wait3A_1478, %dma_wait3A_1479] : memref<10240x64xf32, #tpu.memory_space<hbm>> -> memref<256x64xf32, #tpu.memory_space<hbm>>
      %dma_wait3A_1481 = arith.constant 0 : i32
      %dma_wait3A_1482 = arith.constant 0 : i32
      %dma_wait3A_1483 = tpu.memref_slice %arg22[%rem3A_1469, %dma_wait3A_1481, %dma_wait3A_1482] : memref<2x256x64xf32, #tpu.memory_space<vmem>> -> memref<1x256x64xf32, #tpu.memory_space<vmem>>
      %dma_wait3A_1484 = tpu.memref_squeeze %dma_wait3A_1483 : memref<1x256x64xf32, #tpu.memory_space<vmem>> -> memref<256x64xf32, #tpu.memory_space<vmem>>
      %dma_wait3A_1485 = arith.constant 0 : i32
      %dma_wait3A_1486 = arith.constant 0 : i32
      %dma_wait3A_1487 = tpu.memref_slice %arg11[%arg0, %dma_wait3A_1485, %dma_wait3A_1486] : memref<2x10240x64xf32, #tpu.memory_space<hbm>> -> memref<1x10240x64xf32, #tpu.memory_space<hbm>>
      %dma_wait3A_1488 = tpu.memref_squeeze %dma_wait3A_1487 : memref<1x10240x64xf32, #tpu.memory_space<hbm>> -> memref<10240x64xf32, #tpu.memory_space<hbm>>
      %dma_wait3A_1489 = arith.constant 0 : i32
      %dma_wait3A_1490 = arith.constant 0 : i32
      %dma_wait3A_1491 = tpu.memref_slice %dma_wait3A_1488[%dma_wait3A_1489, %dma_wait3A_1490] : memref<10240x64xf32, #tpu.memory_space<hbm>> -> memref<256x64xf32, #tpu.memory_space<hbm>>
      tpu.wait_dma2 semaphore(%arg28 : memref<!tpu.dma_semaphore, #tpu.memory_space<semaphore_mem>>) src(%dma_wait3A_1491 : memref<256x64xf32, #tpu.memory_space<hbm>>) dst(%dma_wait3A_1484 : memref<256x64xf32, #tpu.memory_space<vmem>>)
      %gt3A_1492 = arith.constant 0 : i32
      %gt3A_1493 = arith.cmpi sgt, %add3A_1467, %gt3A_1492 : i32
      %convert_element_type3A_1494 = arith.extui %gt3A_1493 : i1 to i32
      %cond3A_1495 = arith.constant 0 : i32
      %cond3A_1496 = arith.cmpi ne, %convert_element_type3A_1494, %cond3A_1495 : i32
      scf.if %cond3A_1496 {
        %sub3A_1789 = arith.constant 1 : i32
        %sub3A_1790 = arith.subi %sub3A_1789, %rem3A_1469 : i32
        %dma_wait3A_1791 = arith.constant 0 : i32
        %dma_wait3A_1792 = arith.constant 0 : i32
        %dma_wait3A_1793 = tpu.memref_slice %arg22[%sub3A_1790, %dma_wait3A_1791, %dma_wait3A_1792] : memref<2x256x64xf32, #tpu.memory_space<vmem>> -> memref<1x256x64xf32, #tpu.memory_space<vmem>>
        %dma_wait3A_1794 = tpu.memref_squeeze %dma_wait3A_1793 : memref<1x256x64xf32, #tpu.memory_space<vmem>> -> memref<256x64xf32, #tpu.memory_space<vmem>>
        %dma_wait3A_1795 = arith.constant 0 : i32
        %dma_wait3A_1796 = arith.constant 0 : i32
        %dma_wait3A_1797 = tpu.memref_slice %arg11[%arg0, %dma_wait3A_1795, %dma_wait3A_1796] : memref<2x10240x64xf32, #tpu.memory_space<hbm>> -> memref<1x10240x64xf32, #tpu.memory_space<hbm>>
        %dma_wait3A_1798 = tpu.memref_squeeze %dma_wait3A_1797 : memref<1x10240x64xf32, #tpu.memory_space<hbm>> -> memref<10240x64xf32, #tpu.memory_space<hbm>>
        %dma_wait3A_1799 = arith.constant 0 : i32
        %dma_wait3A_1800 = arith.constant 0 : i32
        %dma_wait3A_1801 = tpu.memref_slice %dma_wait3A_1798[%dma_wait3A_1799, %dma_wait3A_1800] : memref<10240x64xf32, #tpu.memory_space<hbm>> -> memref<256x64xf32, #tpu.memory_space<hbm>>
        %dma_wait3A_1802 = arith.constant 0 : i32
        %dma_wait3A_1803 = arith.constant 0 : i32
        %dma_wait3A_1804 = tpu.memref_slice %arg22[%sub3A_1790, %dma_wait3A_1802, %dma_wait3A_1803] : memref<2x256x64xf32, #tpu.memory_space<vmem>> -> memref<1x256x64xf32, #tpu.memory_space<vmem>>
        %dma_wait3A_1805 = tpu.memref_squeeze %dma_wait3A_1804 : memref<1x256x64xf32, #tpu.memory_space<vmem>> -> memref<256x64xf32, #tpu.memory_space<vmem>>
        %dma_wait3A_1806 = arith.constant 0 : i32
        %dma_wait3A_1807 = arith.constant 0 : i32
        %dma_wait3A_1808 = tpu.memref_slice %arg11[%arg0, %dma_wait3A_1806, %dma_wait3A_1807] : memref<2x10240x64xf32, #tpu.memory_space<hbm>> -> memref<1x10240x64xf32, #tpu.memory_space<hbm>>
        %dma_wait3A_1809 = tpu.memref_squeeze %dma_wait3A_1808 : memref<1x10240x64xf32, #tpu.memory_space<hbm>> -> memref<10240x64xf32, #tpu.memory_space<hbm>>
        %dma_wait3A_1810 = arith.constant 0 : i32
        %dma_wait3A_1811 = arith.constant 0 : i32
        %dma_wait3A_1812 = tpu.memref_slice %dma_wait3A_1809[%dma_wait3A_1810, %dma_wait3A_1811] : memref<10240x64xf32, #tpu.memory_space<hbm>> -> memref<256x64xf32, #tpu.memory_space<hbm>>
        tpu.wait_dma2 semaphore(%arg29 : memref<!tpu.dma_semaphore, #tpu.memory_space<semaphore_mem>>) src(%dma_wait3A_1812 : memref<256x64xf32, #tpu.memory_space<hbm>>) dst(%dma_wait3A_1805 : memref<256x64xf32, #tpu.memory_space<vmem>>)
      } else {
      }
      %sub3A_1497 = arith.constant 1 : i32
      %sub3A_1498 = arith.subi %sub3A_1497, %rem3A_1469 : i32
      %dma_start3A_1499 = arith.constant 4 : i32
      %dma_start3A_1500 = arith.constant 0 : i32
      %dma_start3A_1501 = arith.constant 0 : i32
      %dma_start3A_1502 = tpu.memref_slice %arg22[%sub3A_1498, %dma_start3A_1500, %dma_start3A_1501] : memref<2x256x64xf32, #tpu.memory_space<vmem>> -> memref<1x256x64xf32, #tpu.memory_space<vmem>>
      %dma_start3A_1503 = tpu.memref_squeeze %dma_start3A_1502 : memref<1x256x64xf32, #tpu.memory_space<vmem>> -> memref<256x64xf32, #tpu.memory_space<vmem>>
      %dma_start3A_1504 = arith.constant 0 : i32
      %dma_start3A_1505 = tpu.memref_slice %arg19[%rem3A_1260, %dma_start3A_1499, %dma_start3A_1504] : memref<2x8x256xi32, #tpu.memory_space<vmem>> -> memref<1x1x256xi32, #tpu.memory_space<vmem>>
      %dma_start3A_1506 = tpu.memref_squeeze %dma_start3A_1505 : memref<1x1x256xi32, #tpu.memory_space<vmem>> -> memref<256xi32, #tpu.memory_space<vmem>>
      %dma_start3A_1507 = arith.constant 0 : i32
      %dma_start3A_1508 = arith.constant 0 : i32
      %dma_start3A_1509 = tpu.memref_slice %arg11[%arg0, %dma_start3A_1507, %dma_start3A_1508] : memref<2x10240x64xf32, #tpu.memory_space<hbm>> -> memref<1x10240x64xf32, #tpu.memory_space<hbm>>
      %dma_start3A_1510 = tpu.memref_squeeze %dma_start3A_1509 : memref<1x10240x64xf32, #tpu.memory_space<hbm>> -> memref<10240x64xf32, #tpu.memory_space<hbm>>
      %dma_start3A_1511 = arith.constant 0 : i32
      %dma_start3A_1512 = arith.constant 0 : i32
      %dma_start3A_1513 = tpu.memref_slice %dma_start3A_1510[%dma_start3A_1511, %dma_start3A_1512] : memref<10240x64xf32, #tpu.memory_space<hbm>> -> memref<10240x64xf32, #tpu.memory_space<hbm>>
      tpu.enqueue_indirect_dma source(%dma_start3A_1513 : memref<10240x64xf32, #tpu.memory_space<hbm>>) target(%dma_start3A_1503 : memref<256x64xf32, #tpu.memory_space<vmem>>) offsets(%dma_start3A_1506 : memref<256xi32, #tpu.memory_space<vmem>>) semaphore(%arg28 : memref<!tpu.dma_semaphore, #tpu.memory_space<semaphore_mem>>)
      %dma_start3A_1514 = arith.constant 3 : i32
      %dma_start3A_1515 = arith.constant 0 : i32
      %dma_start3A_1516 = arith.constant 0 : i32
      %dma_start3A_1517 = tpu.memref_slice %arg22[%rem3A_1469, %dma_start3A_1515, %dma_start3A_1516] : memref<2x256x64xf32, #tpu.memory_space<vmem>> -> memref<1x256x64xf32, #tpu.memory_space<vmem>>
      %dma_start3A_1518 = tpu.memref_squeeze %dma_start3A_1517 : memref<1x256x64xf32, #tpu.memory_space<vmem>> -> memref<256x64xf32, #tpu.memory_space<vmem>>
      %dma_start3A_1519 = arith.constant 0 : i32
      %dma_start3A_1520 = tpu.memref_slice %arg20[%rem3A_1260, %dma_start3A_1514, %dma_start3A_1519] : memref<2x8x256xi32, #tpu.memory_space<vmem>> -> memref<1x1x256xi32, #tpu.memory_space<vmem>>
      %dma_start3A_1521 = tpu.memref_squeeze %dma_start3A_1520 : memref<1x1x256xi32, #tpu.memory_space<vmem>> -> memref<256xi32, #tpu.memory_space<vmem>>
      %dma_start3A_1522 = arith.constant 0 : i32
      %dma_start3A_1523 = arith.constant 0 : i32
      %dma_start3A_1524 = tpu.memref_slice %arg23[%dma_start3A_1522, %dma_start3A_1523] : memref<10112x64xf32, #tpu.memory_space<vmem_shared>> -> memref<10112x64xf32, #tpu.memory_space<vmem_shared>>
      tpu.enqueue_indirect_dma source(%dma_start3A_1518 : memref<256x64xf32, #tpu.memory_space<vmem>>) target(%dma_start3A_1524 : memref<10112x64xf32, #tpu.memory_space<vmem_shared>>) offsets(%dma_start3A_1521 : memref<256xi32, #tpu.memory_space<vmem>>) semaphore(%arg29 : memref<!tpu.dma_semaphore, #tpu.memory_space<semaphore_mem>>) {add = true}
      %dma_start3A_1525 = arith.constant 3 : i32
      %dma_start3A_1526 = arith.constant 0 : i32
      %dma_start3A_1527 = tpu.memref_slice %arg20[%rem3A_1260, %dma_start3A_1525, %dma_start3A_1526] : memref<2x8x256xi32, #tpu.memory_space<vmem>> -> memref<1x1x256xi32, #tpu.memory_space<vmem>>
      %dma_start3A_1528 = tpu.memref_squeeze %dma_start3A_1527 : memref<1x1x256xi32, #tpu.memory_space<vmem>> -> memref<256xi32, #tpu.memory_space<vmem>>
      %dma_start3A_1529 = arith.constant 0 : i32
      %dma_start3A_1530 = tpu.memref_slice %arg24[%dma_start3A_1529] : memref<10112xf32, #tpu.memory_space<vmem_shared>> -> memref<10112xf32, #tpu.memory_space<vmem_shared>>
      tpu.enqueue_indirect_dma source(%arg21 : memref<256xf32, #tpu.memory_space<vmem>>) target(%dma_start3A_1530 : memref<10112xf32, #tpu.memory_space<vmem_shared>>) offsets(%dma_start3A_1528 : memref<256xi32, #tpu.memory_space<vmem>>) semaphore(%arg30 : memref<!tpu.dma_semaphore, #tpu.memory_space<semaphore_mem>>) {add = true}
      %mul3A_1531 = arith.constant 8 : i32
      %mul3A_1532 = arith.muli %scan3A_1258, %mul3A_1531 : i32
      %add3A_1533 = arith.constant 4 : i32
      %add3A_1534 = arith.addi %mul3A_1532, %add3A_1533 : i32
      %rem3A_1535 = arith.constant 2 : i32
      %rem3A_1536 = arith.remsi %add3A_1534, %rem3A_1535 : i32
      %dma_wait3A_1537 = arith.constant 0 : i32
      %dma_wait3A_1538 = arith.constant 0 : i32
      %dma_wait3A_1539 = tpu.memref_slice %arg22[%rem3A_1536, %dma_wait3A_1537, %dma_wait3A_1538] : memref<2x256x64xf32, #tpu.memory_space<vmem>> -> memref<1x256x64xf32, #tpu.memory_space<vmem>>
      %dma_wait3A_1540 = tpu.memref_squeeze %dma_wait3A_1539 : memref<1x256x64xf32, #tpu.memory_space<vmem>> -> memref<256x64xf32, #tpu.memory_space<vmem>>
      %dma_wait3A_1541 = arith.constant 0 : i32
      %dma_wait3A_1542 = arith.constant 0 : i32
      %dma_wait3A_1543 = tpu.memref_slice %arg11[%arg0, %dma_wait3A_1541, %dma_wait3A_1542] : memref<2x10240x64xf32, #tpu.memory_space<hbm>> -> memref<1x10240x64xf32, #tpu.memory_space<hbm>>
      %dma_wait3A_1544 = tpu.memref_squeeze %dma_wait3A_1543 : memref<1x10240x64xf32, #tpu.memory_space<hbm>> -> memref<10240x64xf32, #tpu.memory_space<hbm>>
      %dma_wait3A_1545 = arith.constant 0 : i32
      %dma_wait3A_1546 = arith.constant 0 : i32
      %dma_wait3A_1547 = tpu.memref_slice %dma_wait3A_1544[%dma_wait3A_1545, %dma_wait3A_1546] : memref<10240x64xf32, #tpu.memory_space<hbm>> -> memref<256x64xf32, #tpu.memory_space<hbm>>
      %dma_wait3A_1548 = arith.constant 0 : i32
      %dma_wait3A_1549 = arith.constant 0 : i32
      %dma_wait3A_1550 = tpu.memref_slice %arg22[%rem3A_1536, %dma_wait3A_1548, %dma_wait3A_1549] : memref<2x256x64xf32, #tpu.memory_space<vmem>> -> memref<1x256x64xf32, #tpu.memory_space<vmem>>
      %dma_wait3A_1551 = tpu.memref_squeeze %dma_wait3A_1550 : memref<1x256x64xf32, #tpu.memory_space<vmem>> -> memref<256x64xf32, #tpu.memory_space<vmem>>
      %dma_wait3A_1552 = arith.constant 0 : i32
      %dma_wait3A_1553 = arith.constant 0 : i32
      %dma_wait3A_1554 = tpu.memref_slice %arg11[%arg0, %dma_wait3A_1552, %dma_wait3A_1553] : memref<2x10240x64xf32, #tpu.memory_space<hbm>> -> memref<1x10240x64xf32, #tpu.memory_space<hbm>>
      %dma_wait3A_1555 = tpu.memref_squeeze %dma_wait3A_1554 : memref<1x10240x64xf32, #tpu.memory_space<hbm>> -> memref<10240x64xf32, #tpu.memory_space<hbm>>
      %dma_wait3A_1556 = arith.constant 0 : i32
      %dma_wait3A_1557 = arith.constant 0 : i32
      %dma_wait3A_1558 = tpu.memref_slice %dma_wait3A_1555[%dma_wait3A_1556, %dma_wait3A_1557] : memref<10240x64xf32, #tpu.memory_space<hbm>> -> memref<256x64xf32, #tpu.memory_space<hbm>>
      tpu.wait_dma2 semaphore(%arg28 : memref<!tpu.dma_semaphore, #tpu.memory_space<semaphore_mem>>) src(%dma_wait3A_1558 : memref<256x64xf32, #tpu.memory_space<hbm>>) dst(%dma_wait3A_1551 : memref<256x64xf32, #tpu.memory_space<vmem>>)
      %gt3A_1559 = arith.constant 0 : i32
      %gt3A_1560 = arith.cmpi sgt, %add3A_1534, %gt3A_1559 : i32
      %convert_element_type3A_1561 = arith.extui %gt3A_1560 : i1 to i32
      %cond3A_1562 = arith.constant 0 : i32
      %cond3A_1563 = arith.cmpi ne, %convert_element_type3A_1561, %cond3A_1562 : i32
      scf.if %cond3A_1563 {
        %sub3A_1789 = arith.constant 1 : i32
        %sub3A_1790 = arith.subi %sub3A_1789, %rem3A_1536 : i32
        %dma_wait3A_1791 = arith.constant 0 : i32
        %dma_wait3A_1792 = arith.constant 0 : i32
        %dma_wait3A_1793 = tpu.memref_slice %arg22[%sub3A_1790, %dma_wait3A_1791, %dma_wait3A_1792] : memref<2x256x64xf32, #tpu.memory_space<vmem>> -> memref<1x256x64xf32, #tpu.memory_space<vmem>>
        %dma_wait3A_1794 = tpu.memref_squeeze %dma_wait3A_1793 : memref<1x256x64xf32, #tpu.memory_space<vmem>> -> memref<256x64xf32, #tpu.memory_space<vmem>>
        %dma_wait3A_1795 = arith.constant 0 : i32
        %dma_wait3A_1796 = arith.constant 0 : i32
        %dma_wait3A_1797 = tpu.memref_slice %arg11[%arg0, %dma_wait3A_1795, %dma_wait3A_1796] : memref<2x10240x64xf32, #tpu.memory_space<hbm>> -> memref<1x10240x64xf32, #tpu.memory_space<hbm>>
        %dma_wait3A_1798 = tpu.memref_squeeze %dma_wait3A_1797 : memref<1x10240x64xf32, #tpu.memory_space<hbm>> -> memref<10240x64xf32, #tpu.memory_space<hbm>>
        %dma_wait3A_1799 = arith.constant 0 : i32
        %dma_wait3A_1800 = arith.constant 0 : i32
        %dma_wait3A_1801 = tpu.memref_slice %dma_wait3A_1798[%dma_wait3A_1799, %dma_wait3A_1800] : memref<10240x64xf32, #tpu.memory_space<hbm>> -> memref<256x64xf32, #tpu.memory_space<hbm>>
        %dma_wait3A_1802 = arith.constant 0 : i32
        %dma_wait3A_1803 = arith.constant 0 : i32
        %dma_wait3A_1804 = tpu.memref_slice %arg22[%sub3A_1790, %dma_wait3A_1802, %dma_wait3A_1803] : memref<2x256x64xf32, #tpu.memory_space<vmem>> -> memref<1x256x64xf32, #tpu.memory_space<vmem>>
        %dma_wait3A_1805 = tpu.memref_squeeze %dma_wait3A_1804 : memref<1x256x64xf32, #tpu.memory_space<vmem>> -> memref<256x64xf32, #tpu.memory_space<vmem>>
        %dma_wait3A_1806 = arith.constant 0 : i32
        %dma_wait3A_1807 = arith.constant 0 : i32
        %dma_wait3A_1808 = tpu.memref_slice %arg11[%arg0, %dma_wait3A_1806, %dma_wait3A_1807] : memref<2x10240x64xf32, #tpu.memory_space<hbm>> -> memref<1x10240x64xf32, #tpu.memory_space<hbm>>
        %dma_wait3A_1809 = tpu.memref_squeeze %dma_wait3A_1808 : memref<1x10240x64xf32, #tpu.memory_space<hbm>> -> memref<10240x64xf32, #tpu.memory_space<hbm>>
        %dma_wait3A_1810 = arith.constant 0 : i32
        %dma_wait3A_1811 = arith.constant 0 : i32
        %dma_wait3A_1812 = tpu.memref_slice %dma_wait3A_1809[%dma_wait3A_1810, %dma_wait3A_1811] : memref<10240x64xf32, #tpu.memory_space<hbm>> -> memref<256x64xf32, #tpu.memory_space<hbm>>
        tpu.wait_dma2 semaphore(%arg29 : memref<!tpu.dma_semaphore, #tpu.memory_space<semaphore_mem>>) src(%dma_wait3A_1812 : memref<256x64xf32, #tpu.memory_space<hbm>>) dst(%dma_wait3A_1805 : memref<256x64xf32, #tpu.memory_space<vmem>>)
      } else {
      }
      %sub3A_1564 = arith.constant 1 : i32
      %sub3A_1565 = arith.subi %sub3A_1564, %rem3A_1536 : i32
      %dma_start3A_1566 = arith.constant 5 : i32
      %dma_start3A_1567 = arith.constant 0 : i32
      %dma_start3A_1568 = arith.constant 0 : i32
      %dma_start3A_1569 = tpu.memref_slice %arg22[%sub3A_1565, %dma_start3A_1567, %dma_start3A_1568] : memref<2x256x64xf32, #tpu.memory_space<vmem>> -> memref<1x256x64xf32, #tpu.memory_space<vmem>>
      %dma_start3A_1570 = tpu.memref_squeeze %dma_start3A_1569 : memref<1x256x64xf32, #tpu.memory_space<vmem>> -> memref<256x64xf32, #tpu.memory_space<vmem>>
      %dma_start3A_1571 = arith.constant 0 : i32
      %dma_start3A_1572 = tpu.memref_slice %arg19[%rem3A_1260, %dma_start3A_1566, %dma_start3A_1571] : memref<2x8x256xi32, #tpu.memory_space<vmem>> -> memref<1x1x256xi32, #tpu.memory_space<vmem>>
      %dma_start3A_1573 = tpu.memref_squeeze %dma_start3A_1572 : memref<1x1x256xi32, #tpu.memory_space<vmem>> -> memref<256xi32, #tpu.memory_space<vmem>>
      %dma_start3A_1574 = arith.constant 0 : i32
      %dma_start3A_1575 = arith.constant 0 : i32
      %dma_start3A_1576 = tpu.memref_slice %arg11[%arg0, %dma_start3A_1574, %dma_start3A_1575] : memref<2x10240x64xf32, #tpu.memory_space<hbm>> -> memref<1x10240x64xf32, #tpu.memory_space<hbm>>
      %dma_start3A_1577 = tpu.memref_squeeze %dma_start3A_1576 : memref<1x10240x64xf32, #tpu.memory_space<hbm>> -> memref<10240x64xf32, #tpu.memory_space<hbm>>
      %dma_start3A_1578 = arith.constant 0 : i32
      %dma_start3A_1579 = arith.constant 0 : i32
      %dma_start3A_1580 = tpu.memref_slice %dma_start3A_1577[%dma_start3A_1578, %dma_start3A_1579] : memref<10240x64xf32, #tpu.memory_space<hbm>> -> memref<10240x64xf32, #tpu.memory_space<hbm>>
      tpu.enqueue_indirect_dma source(%dma_start3A_1580 : memref<10240x64xf32, #tpu.memory_space<hbm>>) target(%dma_start3A_1570 : memref<256x64xf32, #tpu.memory_space<vmem>>) offsets(%dma_start3A_1573 : memref<256xi32, #tpu.memory_space<vmem>>) semaphore(%arg28 : memref<!tpu.dma_semaphore, #tpu.memory_space<semaphore_mem>>)
      %dma_start3A_1581 = arith.constant 4 : i32
      %dma_start3A_1582 = arith.constant 0 : i32
      %dma_start3A_1583 = arith.constant 0 : i32
      %dma_start3A_1584 = tpu.memref_slice %arg22[%rem3A_1536, %dma_start3A_1582, %dma_start3A_1583] : memref<2x256x64xf32, #tpu.memory_space<vmem>> -> memref<1x256x64xf32, #tpu.memory_space<vmem>>
      %dma_start3A_1585 = tpu.memref_squeeze %dma_start3A_1584 : memref<1x256x64xf32, #tpu.memory_space<vmem>> -> memref<256x64xf32, #tpu.memory_space<vmem>>
      %dma_start3A_1586 = arith.constant 0 : i32
      %dma_start3A_1587 = tpu.memref_slice %arg20[%rem3A_1260, %dma_start3A_1581, %dma_start3A_1586] : memref<2x8x256xi32, #tpu.memory_space<vmem>> -> memref<1x1x256xi32, #tpu.memory_space<vmem>>
      %dma_start3A_1588 = tpu.memref_squeeze %dma_start3A_1587 : memref<1x1x256xi32, #tpu.memory_space<vmem>> -> memref<256xi32, #tpu.memory_space<vmem>>
      %dma_start3A_1589 = arith.constant 0 : i32
      %dma_start3A_1590 = arith.constant 0 : i32
      %dma_start3A_1591 = tpu.memref_slice %arg23[%dma_start3A_1589, %dma_start3A_1590] : memref<10112x64xf32, #tpu.memory_space<vmem_shared>> -> memref<10112x64xf32, #tpu.memory_space<vmem_shared>>
      tpu.enqueue_indirect_dma source(%dma_start3A_1585 : memref<256x64xf32, #tpu.memory_space<vmem>>) target(%dma_start3A_1591 : memref<10112x64xf32, #tpu.memory_space<vmem_shared>>) offsets(%dma_start3A_1588 : memref<256xi32, #tpu.memory_space<vmem>>) semaphore(%arg29 : memref<!tpu.dma_semaphore, #tpu.memory_space<semaphore_mem>>) {add = true}
      %dma_start3A_1592 = arith.constant 4 : i32
      %dma_start3A_1593 = arith.constant 0 : i32
      %dma_start3A_1594 = tpu.memref_slice %arg20[%rem3A_1260, %dma_start3A_1592, %dma_start3A_1593] : memref<2x8x256xi32, #tpu.memory_space<vmem>> -> memref<1x1x256xi32, #tpu.memory_space<vmem>>
      %dma_start3A_1595 = tpu.memref_squeeze %dma_start3A_1594 : memref<1x1x256xi32, #tpu.memory_space<vmem>> -> memref<256xi32, #tpu.memory_space<vmem>>
      %dma_start3A_1596 = arith.constant 0 : i32
      %dma_start3A_1597 = tpu.memref_slice %arg24[%dma_start3A_1596] : memref<10112xf32, #tpu.memory_space<vmem_shared>> -> memref<10112xf32, #tpu.memory_space<vmem_shared>>
      tpu.enqueue_indirect_dma source(%arg21 : memref<256xf32, #tpu.memory_space<vmem>>) target(%dma_start3A_1597 : memref<10112xf32, #tpu.memory_space<vmem_shared>>) offsets(%dma_start3A_1595 : memref<256xi32, #tpu.memory_space<vmem>>) semaphore(%arg30 : memref<!tpu.dma_semaphore, #tpu.memory_space<semaphore_mem>>) {add = true}
      %mul3A_1598 = arith.constant 8 : i32
      %mul3A_1599 = arith.muli %scan3A_1258, %mul3A_1598 : i32
      %add3A_1600 = arith.constant 5 : i32
      %add3A_1601 = arith.addi %mul3A_1599, %add3A_1600 : i32
      %rem3A_1602 = arith.constant 2 : i32
      %rem3A_1603 = arith.remsi %add3A_1601, %rem3A_1602 : i32
      %dma_wait3A_1604 = arith.constant 0 : i32
      %dma_wait3A_1605 = arith.constant 0 : i32
      %dma_wait3A_1606 = tpu.memref_slice %arg22[%rem3A_1603, %dma_wait3A_1604, %dma_wait3A_1605] : memref<2x256x64xf32, #tpu.memory_space<vmem>> -> memref<1x256x64xf32, #tpu.memory_space<vmem>>
      %dma_wait3A_1607 = tpu.memref_squeeze %dma_wait3A_1606 : memref<1x256x64xf32, #tpu.memory_space<vmem>> -> memref<256x64xf32, #tpu.memory_space<vmem>>
      %dma_wait3A_1608 = arith.constant 0 : i32
      %dma_wait3A_1609 = arith.constant 0 : i32
      %dma_wait3A_1610 = tpu.memref_slice %arg11[%arg0, %dma_wait3A_1608, %dma_wait3A_1609] : memref<2x10240x64xf32, #tpu.memory_space<hbm>> -> memref<1x10240x64xf32, #tpu.memory_space<hbm>>
      %dma_wait3A_1611 = tpu.memref_squeeze %dma_wait3A_1610 : memref<1x10240x64xf32, #tpu.memory_space<hbm>> -> memref<10240x64xf32, #tpu.memory_space<hbm>>
      %dma_wait3A_1612 = arith.constant 0 : i32
      %dma_wait3A_1613 = arith.constant 0 : i32
      %dma_wait3A_1614 = tpu.memref_slice %dma_wait3A_1611[%dma_wait3A_1612, %dma_wait3A_1613] : memref<10240x64xf32, #tpu.memory_space<hbm>> -> memref<256x64xf32, #tpu.memory_space<hbm>>
      %dma_wait3A_1615 = arith.constant 0 : i32
      %dma_wait3A_1616 = arith.constant 0 : i32
      %dma_wait3A_1617 = tpu.memref_slice %arg22[%rem3A_1603, %dma_wait3A_1615, %dma_wait3A_1616] : memref<2x256x64xf32, #tpu.memory_space<vmem>> -> memref<1x256x64xf32, #tpu.memory_space<vmem>>
      %dma_wait3A_1618 = tpu.memref_squeeze %dma_wait3A_1617 : memref<1x256x64xf32, #tpu.memory_space<vmem>> -> memref<256x64xf32, #tpu.memory_space<vmem>>
      %dma_wait3A_1619 = arith.constant 0 : i32
      %dma_wait3A_1620 = arith.constant 0 : i32
      %dma_wait3A_1621 = tpu.memref_slice %arg11[%arg0, %dma_wait3A_1619, %dma_wait3A_1620] : memref<2x10240x64xf32, #tpu.memory_space<hbm>> -> memref<1x10240x64xf32, #tpu.memory_space<hbm>>
      %dma_wait3A_1622 = tpu.memref_squeeze %dma_wait3A_1621 : memref<1x10240x64xf32, #tpu.memory_space<hbm>> -> memref<10240x64xf32, #tpu.memory_space<hbm>>
      %dma_wait3A_1623 = arith.constant 0 : i32
      %dma_wait3A_1624 = arith.constant 0 : i32
      %dma_wait3A_1625 = tpu.memref_slice %dma_wait3A_1622[%dma_wait3A_1623, %dma_wait3A_1624] : memref<10240x64xf32, #tpu.memory_space<hbm>> -> memref<256x64xf32, #tpu.memory_space<hbm>>
      tpu.wait_dma2 semaphore(%arg28 : memref<!tpu.dma_semaphore, #tpu.memory_space<semaphore_mem>>) src(%dma_wait3A_1625 : memref<256x64xf32, #tpu.memory_space<hbm>>) dst(%dma_wait3A_1618 : memref<256x64xf32, #tpu.memory_space<vmem>>)
      %gt3A_1626 = arith.constant 0 : i32
      %gt3A_1627 = arith.cmpi sgt, %add3A_1601, %gt3A_1626 : i32
      %convert_element_type3A_1628 = arith.extui %gt3A_1627 : i1 to i32
      %cond3A_1629 = arith.constant 0 : i32
      %cond3A_1630 = arith.cmpi ne, %convert_element_type3A_1628, %cond3A_1629 : i32
      scf.if %cond3A_1630 {
        %sub3A_1789 = arith.constant 1 : i32
        %sub3A_1790 = arith.subi %sub3A_1789, %rem3A_1603 : i32
        %dma_wait3A_1791 = arith.constant 0 : i32
        %dma_wait3A_1792 = arith.constant 0 : i32
        %dma_wait3A_1793 = tpu.memref_slice %arg22[%sub3A_1790, %dma_wait3A_1791, %dma_wait3A_1792] : memref<2x256x64xf32, #tpu.memory_space<vmem>> -> memref<1x256x64xf32, #tpu.memory_space<vmem>>
        %dma_wait3A_1794 = tpu.memref_squeeze %dma_wait3A_1793 : memref<1x256x64xf32, #tpu.memory_space<vmem>> -> memref<256x64xf32, #tpu.memory_space<vmem>>
        %dma_wait3A_1795 = arith.constant 0 : i32
        %dma_wait3A_1796 = arith.constant 0 : i32
        %dma_wait3A_1797 = tpu.memref_slice %arg11[%arg0, %dma_wait3A_1795, %dma_wait3A_1796] : memref<2x10240x64xf32, #tpu.memory_space<hbm>> -> memref<1x10240x64xf32, #tpu.memory_space<hbm>>
        %dma_wait3A_1798 = tpu.memref_squeeze %dma_wait3A_1797 : memref<1x10240x64xf32, #tpu.memory_space<hbm>> -> memref<10240x64xf32, #tpu.memory_space<hbm>>
        %dma_wait3A_1799 = arith.constant 0 : i32
        %dma_wait3A_1800 = arith.constant 0 : i32
        %dma_wait3A_1801 = tpu.memref_slice %dma_wait3A_1798[%dma_wait3A_1799, %dma_wait3A_1800] : memref<10240x64xf32, #tpu.memory_space<hbm>> -> memref<256x64xf32, #tpu.memory_space<hbm>>
        %dma_wait3A_1802 = arith.constant 0 : i32
        %dma_wait3A_1803 = arith.constant 0 : i32
        %dma_wait3A_1804 = tpu.memref_slice %arg22[%sub3A_1790, %dma_wait3A_1802, %dma_wait3A_1803] : memref<2x256x64xf32, #tpu.memory_space<vmem>> -> memref<1x256x64xf32, #tpu.memory_space<vmem>>
        %dma_wait3A_1805 = tpu.memref_squeeze %dma_wait3A_1804 : memref<1x256x64xf32, #tpu.memory_space<vmem>> -> memref<256x64xf32, #tpu.memory_space<vmem>>
        %dma_wait3A_1806 = arith.constant 0 : i32
        %dma_wait3A_1807 = arith.constant 0 : i32
        %dma_wait3A_1808 = tpu.memref_slice %arg11[%arg0, %dma_wait3A_1806, %dma_wait3A_1807] : memref<2x10240x64xf32, #tpu.memory_space<hbm>> -> memref<1x10240x64xf32, #tpu.memory_space<hbm>>
        %dma_wait3A_1809 = tpu.memref_squeeze %dma_wait3A_1808 : memref<1x10240x64xf32, #tpu.memory_space<hbm>> -> memref<10240x64xf32, #tpu.memory_space<hbm>>
        %dma_wait3A_1810 = arith.constant 0 : i32
        %dma_wait3A_1811 = arith.constant 0 : i32
        %dma_wait3A_1812 = tpu.memref_slice %dma_wait3A_1809[%dma_wait3A_1810, %dma_wait3A_1811] : memref<10240x64xf32, #tpu.memory_space<hbm>> -> memref<256x64xf32, #tpu.memory_space<hbm>>
        tpu.wait_dma2 semaphore(%arg29 : memref<!tpu.dma_semaphore, #tpu.memory_space<semaphore_mem>>) src(%dma_wait3A_1812 : memref<256x64xf32, #tpu.memory_space<hbm>>) dst(%dma_wait3A_1805 : memref<256x64xf32, #tpu.memory_space<vmem>>)
      } else {
      }
      %sub3A_1631 = arith.constant 1 : i32
      %sub3A_1632 = arith.subi %sub3A_1631, %rem3A_1603 : i32
      %dma_start3A_1633 = arith.constant 6 : i32
      %dma_start3A_1634 = arith.constant 0 : i32
      %dma_start3A_1635 = arith.constant 0 : i32
      %dma_start3A_1636 = tpu.memref_slice %arg22[%sub3A_1632, %dma_start3A_1634, %dma_start3A_1635] : memref<2x256x64xf32, #tpu.memory_space<vmem>> -> memref<1x256x64xf32, #tpu.memory_space<vmem>>
      %dma_start3A_1637 = tpu.memref_squeeze %dma_start3A_1636 : memref<1x256x64xf32, #tpu.memory_space<vmem>> -> memref<256x64xf32, #tpu.memory_space<vmem>>
      %dma_start3A_1638 = arith.constant 0 : i32
      %dma_start3A_1639 = tpu.memref_slice %arg19[%rem3A_1260, %dma_start3A_1633, %dma_start3A_1638] : memref<2x8x256xi32, #tpu.memory_space<vmem>> -> memref<1x1x256xi32, #tpu.memory_space<vmem>>
      %dma_start3A_1640 = tpu.memref_squeeze %dma_start3A_1639 : memref<1x1x256xi32, #tpu.memory_space<vmem>> -> memref<256xi32, #tpu.memory_space<vmem>>
      %dma_start3A_1641 = arith.constant 0 : i32
      %dma_start3A_1642 = arith.constant 0 : i32
      %dma_start3A_1643 = tpu.memref_slice %arg11[%arg0, %dma_start3A_1641, %dma_start3A_1642] : memref<2x10240x64xf32, #tpu.memory_space<hbm>> -> memref<1x10240x64xf32, #tpu.memory_space<hbm>>
      %dma_start3A_1644 = tpu.memref_squeeze %dma_start3A_1643 : memref<1x10240x64xf32, #tpu.memory_space<hbm>> -> memref<10240x64xf32, #tpu.memory_space<hbm>>
      %dma_start3A_1645 = arith.constant 0 : i32
      %dma_start3A_1646 = arith.constant 0 : i32
      %dma_start3A_1647 = tpu.memref_slice %dma_start3A_1644[%dma_start3A_1645, %dma_start3A_1646] : memref<10240x64xf32, #tpu.memory_space<hbm>> -> memref<10240x64xf32, #tpu.memory_space<hbm>>
      tpu.enqueue_indirect_dma source(%dma_start3A_1647 : memref<10240x64xf32, #tpu.memory_space<hbm>>) target(%dma_start3A_1637 : memref<256x64xf32, #tpu.memory_space<vmem>>) offsets(%dma_start3A_1640 : memref<256xi32, #tpu.memory_space<vmem>>) semaphore(%arg28 : memref<!tpu.dma_semaphore, #tpu.memory_space<semaphore_mem>>)
      %dma_start3A_1648 = arith.constant 5 : i32
      %dma_start3A_1649 = arith.constant 0 : i32
      %dma_start3A_1650 = arith.constant 0 : i32
      %dma_start3A_1651 = tpu.memref_slice %arg22[%rem3A_1603, %dma_start3A_1649, %dma_start3A_1650] : memref<2x256x64xf32, #tpu.memory_space<vmem>> -> memref<1x256x64xf32, #tpu.memory_space<vmem>>
      %dma_start3A_1652 = tpu.memref_squeeze %dma_start3A_1651 : memref<1x256x64xf32, #tpu.memory_space<vmem>> -> memref<256x64xf32, #tpu.memory_space<vmem>>
      %dma_start3A_1653 = arith.constant 0 : i32
      %dma_start3A_1654 = tpu.memref_slice %arg20[%rem3A_1260, %dma_start3A_1648, %dma_start3A_1653] : memref<2x8x256xi32, #tpu.memory_space<vmem>> -> memref<1x1x256xi32, #tpu.memory_space<vmem>>
      %dma_start3A_1655 = tpu.memref_squeeze %dma_start3A_1654 : memref<1x1x256xi32, #tpu.memory_space<vmem>> -> memref<256xi32, #tpu.memory_space<vmem>>
      %dma_start3A_1656 = arith.constant 0 : i32
      %dma_start3A_1657 = arith.constant 0 : i32
      %dma_start3A_1658 = tpu.memref_slice %arg23[%dma_start3A_1656, %dma_start3A_1657] : memref<10112x64xf32, #tpu.memory_space<vmem_shared>> -> memref<10112x64xf32, #tpu.memory_space<vmem_shared>>
      tpu.enqueue_indirect_dma source(%dma_start3A_1652 : memref<256x64xf32, #tpu.memory_space<vmem>>) target(%dma_start3A_1658 : memref<10112x64xf32, #tpu.memory_space<vmem_shared>>) offsets(%dma_start3A_1655 : memref<256xi32, #tpu.memory_space<vmem>>) semaphore(%arg29 : memref<!tpu.dma_semaphore, #tpu.memory_space<semaphore_mem>>) {add = true}
      %dma_start3A_1659 = arith.constant 5 : i32
      %dma_start3A_1660 = arith.constant 0 : i32
      %dma_start3A_1661 = tpu.memref_slice %arg20[%rem3A_1260, %dma_start3A_1659, %dma_start3A_1660] : memref<2x8x256xi32, #tpu.memory_space<vmem>> -> memref<1x1x256xi32, #tpu.memory_space<vmem>>
      %dma_start3A_1662 = tpu.memref_squeeze %dma_start3A_1661 : memref<1x1x256xi32, #tpu.memory_space<vmem>> -> memref<256xi32, #tpu.memory_space<vmem>>
      %dma_start3A_1663 = arith.constant 0 : i32
      %dma_start3A_1664 = tpu.memref_slice %arg24[%dma_start3A_1663] : memref<10112xf32, #tpu.memory_space<vmem_shared>> -> memref<10112xf32, #tpu.memory_space<vmem_shared>>
      tpu.enqueue_indirect_dma source(%arg21 : memref<256xf32, #tpu.memory_space<vmem>>) target(%dma_start3A_1664 : memref<10112xf32, #tpu.memory_space<vmem_shared>>) offsets(%dma_start3A_1662 : memref<256xi32, #tpu.memory_space<vmem>>) semaphore(%arg30 : memref<!tpu.dma_semaphore, #tpu.memory_space<semaphore_mem>>) {add = true}
      %mul3A_1665 = arith.constant 8 : i32
      %mul3A_1666 = arith.muli %scan3A_1258, %mul3A_1665 : i32
      %add3A_1667 = arith.constant 6 : i32
      %add3A_1668 = arith.addi %mul3A_1666, %add3A_1667 : i32
      %rem3A_1669 = arith.constant 2 : i32
      %rem3A_1670 = arith.remsi %add3A_1668, %rem3A_1669 : i32
      %dma_wait3A_1671 = arith.constant 0 : i32
      %dma_wait3A_1672 = arith.constant 0 : i32
      %dma_wait3A_1673 = tpu.memref_slice %arg22[%rem3A_1670, %dma_wait3A_1671, %dma_wait3A_1672] : memref<2x256x64xf32, #tpu.memory_space<vmem>> -> memref<1x256x64xf32, #tpu.memory_space<vmem>>
      %dma_wait3A_1674 = tpu.memref_squeeze %dma_wait3A_1673 : memref<1x256x64xf32, #tpu.memory_space<vmem>> -> memref<256x64xf32, #tpu.memory_space<vmem>>
      %dma_wait3A_1675 = arith.constant 0 : i32
      %dma_wait3A_1676 = arith.constant 0 : i32
      %dma_wait3A_1677 = tpu.memref_slice %arg11[%arg0, %dma_wait3A_1675, %dma_wait3A_1676] : memref<2x10240x64xf32, #tpu.memory_space<hbm>> -> memref<1x10240x64xf32, #tpu.memory_space<hbm>>
      %dma_wait3A_1678 = tpu.memref_squeeze %dma_wait3A_1677 : memref<1x10240x64xf32, #tpu.memory_space<hbm>> -> memref<10240x64xf32, #tpu.memory_space<hbm>>
      %dma_wait3A_1679 = arith.constant 0 : i32
      %dma_wait3A_1680 = arith.constant 0 : i32
      %dma_wait3A_1681 = tpu.memref_slice %dma_wait3A_1678[%dma_wait3A_1679, %dma_wait3A_1680] : memref<10240x64xf32, #tpu.memory_space<hbm>> -> memref<256x64xf32, #tpu.memory_space<hbm>>
      %dma_wait3A_1682 = arith.constant 0 : i32
      %dma_wait3A_1683 = arith.constant 0 : i32
      %dma_wait3A_1684 = tpu.memref_slice %arg22[%rem3A_1670, %dma_wait3A_1682, %dma_wait3A_1683] : memref<2x256x64xf32, #tpu.memory_space<vmem>> -> memref<1x256x64xf32, #tpu.memory_space<vmem>>
      %dma_wait3A_1685 = tpu.memref_squeeze %dma_wait3A_1684 : memref<1x256x64xf32, #tpu.memory_space<vmem>> -> memref<256x64xf32, #tpu.memory_space<vmem>>
      %dma_wait3A_1686 = arith.constant 0 : i32
      %dma_wait3A_1687 = arith.constant 0 : i32
      %dma_wait3A_1688 = tpu.memref_slice %arg11[%arg0, %dma_wait3A_1686, %dma_wait3A_1687] : memref<2x10240x64xf32, #tpu.memory_space<hbm>> -> memref<1x10240x64xf32, #tpu.memory_space<hbm>>
      %dma_wait3A_1689 = tpu.memref_squeeze %dma_wait3A_1688 : memref<1x10240x64xf32, #tpu.memory_space<hbm>> -> memref<10240x64xf32, #tpu.memory_space<hbm>>
      %dma_wait3A_1690 = arith.constant 0 : i32
      %dma_wait3A_1691 = arith.constant 0 : i32
      %dma_wait3A_1692 = tpu.memref_slice %dma_wait3A_1689[%dma_wait3A_1690, %dma_wait3A_1691] : memref<10240x64xf32, #tpu.memory_space<hbm>> -> memref<256x64xf32, #tpu.memory_space<hbm>>
      tpu.wait_dma2 semaphore(%arg28 : memref<!tpu.dma_semaphore, #tpu.memory_space<semaphore_mem>>) src(%dma_wait3A_1692 : memref<256x64xf32, #tpu.memory_space<hbm>>) dst(%dma_wait3A_1685 : memref<256x64xf32, #tpu.memory_space<vmem>>)
      %gt3A_1693 = arith.constant 0 : i32
      %gt3A_1694 = arith.cmpi sgt, %add3A_1668, %gt3A_1693 : i32
      %convert_element_type3A_1695 = arith.extui %gt3A_1694 : i1 to i32
      %cond3A_1696 = arith.constant 0 : i32
      %cond3A_1697 = arith.cmpi ne, %convert_element_type3A_1695, %cond3A_1696 : i32
      scf.if %cond3A_1697 {
        %sub3A_1789 = arith.constant 1 : i32
        %sub3A_1790 = arith.subi %sub3A_1789, %rem3A_1670 : i32
        %dma_wait3A_1791 = arith.constant 0 : i32
        %dma_wait3A_1792 = arith.constant 0 : i32
        %dma_wait3A_1793 = tpu.memref_slice %arg22[%sub3A_1790, %dma_wait3A_1791, %dma_wait3A_1792] : memref<2x256x64xf32, #tpu.memory_space<vmem>> -> memref<1x256x64xf32, #tpu.memory_space<vmem>>
        %dma_wait3A_1794 = tpu.memref_squeeze %dma_wait3A_1793 : memref<1x256x64xf32, #tpu.memory_space<vmem>> -> memref<256x64xf32, #tpu.memory_space<vmem>>
        %dma_wait3A_1795 = arith.constant 0 : i32
        %dma_wait3A_1796 = arith.constant 0 : i32
        %dma_wait3A_1797 = tpu.memref_slice %arg11[%arg0, %dma_wait3A_1795, %dma_wait3A_1796] : memref<2x10240x64xf32, #tpu.memory_space<hbm>> -> memref<1x10240x64xf32, #tpu.memory_space<hbm>>
        %dma_wait3A_1798 = tpu.memref_squeeze %dma_wait3A_1797 : memref<1x10240x64xf32, #tpu.memory_space<hbm>> -> memref<10240x64xf32, #tpu.memory_space<hbm>>
        %dma_wait3A_1799 = arith.constant 0 : i32
        %dma_wait3A_1800 = arith.constant 0 : i32
        %dma_wait3A_1801 = tpu.memref_slice %dma_wait3A_1798[%dma_wait3A_1799, %dma_wait3A_1800] : memref<10240x64xf32, #tpu.memory_space<hbm>> -> memref<256x64xf32, #tpu.memory_space<hbm>>
        %dma_wait3A_1802 = arith.constant 0 : i32
        %dma_wait3A_1803 = arith.constant 0 : i32
        %dma_wait3A_1804 = tpu.memref_slice %arg22[%sub3A_1790, %dma_wait3A_1802, %dma_wait3A_1803] : memref<2x256x64xf32, #tpu.memory_space<vmem>> -> memref<1x256x64xf32, #tpu.memory_space<vmem>>
        %dma_wait3A_1805 = tpu.memref_squeeze %dma_wait3A_1804 : memref<1x256x64xf32, #tpu.memory_space<vmem>> -> memref<256x64xf32, #tpu.memory_space<vmem>>
        %dma_wait3A_1806 = arith.constant 0 : i32
        %dma_wait3A_1807 = arith.constant 0 : i32
        %dma_wait3A_1808 = tpu.memref_slice %arg11[%arg0, %dma_wait3A_1806, %dma_wait3A_1807] : memref<2x10240x64xf32, #tpu.memory_space<hbm>> -> memref<1x10240x64xf32, #tpu.memory_space<hbm>>
        %dma_wait3A_1809 = tpu.memref_squeeze %dma_wait3A_1808 : memref<1x10240x64xf32, #tpu.memory_space<hbm>> -> memref<10240x64xf32, #tpu.memory_space<hbm>>
        %dma_wait3A_1810 = arith.constant 0 : i32
        %dma_wait3A_1811 = arith.constant 0 : i32
        %dma_wait3A_1812 = tpu.memref_slice %dma_wait3A_1809[%dma_wait3A_1810, %dma_wait3A_1811] : memref<10240x64xf32, #tpu.memory_space<hbm>> -> memref<256x64xf32, #tpu.memory_space<hbm>>
        tpu.wait_dma2 semaphore(%arg29 : memref<!tpu.dma_semaphore, #tpu.memory_space<semaphore_mem>>) src(%dma_wait3A_1812 : memref<256x64xf32, #tpu.memory_space<hbm>>) dst(%dma_wait3A_1805 : memref<256x64xf32, #tpu.memory_space<vmem>>)
      } else {
      }
      %sub3A_1698 = arith.constant 1 : i32
      %sub3A_1699 = arith.subi %sub3A_1698, %rem3A_1670 : i32
      %dma_start3A_1700 = arith.constant 7 : i32
      %dma_start3A_1701 = arith.constant 0 : i32
      %dma_start3A_1702 = arith.constant 0 : i32
      %dma_start3A_1703 = tpu.memref_slice %arg22[%sub3A_1699, %dma_start3A_1701, %dma_start3A_1702] : memref<2x256x64xf32, #tpu.memory_space<vmem>> -> memref<1x256x64xf32, #tpu.memory_space<vmem>>
      %dma_start3A_1704 = tpu.memref_squeeze %dma_start3A_1703 : memref<1x256x64xf32, #tpu.memory_space<vmem>> -> memref<256x64xf32, #tpu.memory_space<vmem>>
      %dma_start3A_1705 = arith.constant 0 : i32
      %dma_start3A_1706 = tpu.memref_slice %arg19[%rem3A_1260, %dma_start3A_1700, %dma_start3A_1705] : memref<2x8x256xi32, #tpu.memory_space<vmem>> -> memref<1x1x256xi32, #tpu.memory_space<vmem>>
      %dma_start3A_1707 = tpu.memref_squeeze %dma_start3A_1706 : memref<1x1x256xi32, #tpu.memory_space<vmem>> -> memref<256xi32, #tpu.memory_space<vmem>>
      %dma_start3A_1708 = arith.constant 0 : i32
      %dma_start3A_1709 = arith.constant 0 : i32
      %dma_start3A_1710 = tpu.memref_slice %arg11[%arg0, %dma_start3A_1708, %dma_start3A_1709] : memref<2x10240x64xf32, #tpu.memory_space<hbm>> -> memref<1x10240x64xf32, #tpu.memory_space<hbm>>
      %dma_start3A_1711 = tpu.memref_squeeze %dma_start3A_1710 : memref<1x10240x64xf32, #tpu.memory_space<hbm>> -> memref<10240x64xf32, #tpu.memory_space<hbm>>
      %dma_start3A_1712 = arith.constant 0 : i32
      %dma_start3A_1713 = arith.constant 0 : i32
      %dma_start3A_1714 = tpu.memref_slice %dma_start3A_1711[%dma_start3A_1712, %dma_start3A_1713] : memref<10240x64xf32, #tpu.memory_space<hbm>> -> memref<10240x64xf32, #tpu.memory_space<hbm>>
      tpu.enqueue_indirect_dma source(%dma_start3A_1714 : memref<10240x64xf32, #tpu.memory_space<hbm>>) target(%dma_start3A_1704 : memref<256x64xf32, #tpu.memory_space<vmem>>) offsets(%dma_start3A_1707 : memref<256xi32, #tpu.memory_space<vmem>>) semaphore(%arg28 : memref<!tpu.dma_semaphore, #tpu.memory_space<semaphore_mem>>)
      %dma_start3A_1715 = arith.constant 6 : i32
      %dma_start3A_1716 = arith.constant 0 : i32
      %dma_start3A_1717 = arith.constant 0 : i32
      %dma_start3A_1718 = tpu.memref_slice %arg22[%rem3A_1670, %dma_start3A_1716, %dma_start3A_1717] : memref<2x256x64xf32, #tpu.memory_space<vmem>> -> memref<1x256x64xf32, #tpu.memory_space<vmem>>
      %dma_start3A_1719 = tpu.memref_squeeze %dma_start3A_1718 : memref<1x256x64xf32, #tpu.memory_space<vmem>> -> memref<256x64xf32, #tpu.memory_space<vmem>>
      %dma_start3A_1720 = arith.constant 0 : i32
      %dma_start3A_1721 = tpu.memref_slice %arg20[%rem3A_1260, %dma_start3A_1715, %dma_start3A_1720] : memref<2x8x256xi32, #tpu.memory_space<vmem>> -> memref<1x1x256xi32, #tpu.memory_space<vmem>>
      %dma_start3A_1722 = tpu.memref_squeeze %dma_start3A_1721 : memref<1x1x256xi32, #tpu.memory_space<vmem>> -> memref<256xi32, #tpu.memory_space<vmem>>
      %dma_start3A_1723 = arith.constant 0 : i32
      %dma_start3A_1724 = arith.constant 0 : i32
      %dma_start3A_1725 = tpu.memref_slice %arg23[%dma_start3A_1723, %dma_start3A_1724] : memref<10112x64xf32, #tpu.memory_space<vmem_shared>> -> memref<10112x64xf32, #tpu.memory_space<vmem_shared>>
      tpu.enqueue_indirect_dma source(%dma_start3A_1719 : memref<256x64xf32, #tpu.memory_space<vmem>>) target(%dma_start3A_1725 : memref<10112x64xf32, #tpu.memory_space<vmem_shared>>) offsets(%dma_start3A_1722 : memref<256xi32, #tpu.memory_space<vmem>>) semaphore(%arg29 : memref<!tpu.dma_semaphore, #tpu.memory_space<semaphore_mem>>) {add = true}
      %dma_start3A_1726 = arith.constant 6 : i32
      %dma_start3A_1727 = arith.constant 0 : i32
      %dma_start3A_1728 = tpu.memref_slice %arg20[%rem3A_1260, %dma_start3A_1726, %dma_start3A_1727] : memref<2x8x256xi32, #tpu.memory_space<vmem>> -> memref<1x1x256xi32, #tpu.memory_space<vmem>>
      %dma_start3A_1729 = tpu.memref_squeeze %dma_start3A_1728 : memref<1x1x256xi32, #tpu.memory_space<vmem>> -> memref<256xi32, #tpu.memory_space<vmem>>
      %dma_start3A_1730 = arith.constant 0 : i32
      %dma_start3A_1731 = tpu.memref_slice %arg24[%dma_start3A_1730] : memref<10112xf32, #tpu.memory_space<vmem_shared>> -> memref<10112xf32, #tpu.memory_space<vmem_shared>>
      tpu.enqueue_indirect_dma source(%arg21 : memref<256xf32, #tpu.memory_space<vmem>>) target(%dma_start3A_1731 : memref<10112xf32, #tpu.memory_space<vmem_shared>>) offsets(%dma_start3A_1729 : memref<256xi32, #tpu.memory_space<vmem>>) semaphore(%arg30 : memref<!tpu.dma_semaphore, #tpu.memory_space<semaphore_mem>>) {add = true}
      %mul3A_1732 = arith.constant 8 : i32
      %mul3A_1733 = arith.muli %scan3A_1258, %mul3A_1732 : i32
      %add3A_1734 = arith.constant 7 : i32
      %add3A_1735 = arith.addi %mul3A_1733, %add3A_1734 : i32
      %rem3A_1736 = arith.constant 2 : i32
      %rem3A_1737 = arith.remsi %add3A_1735, %rem3A_1736 : i32
      %dma_wait3A_1738 = arith.constant 0 : i32
      %dma_wait3A_1739 = arith.constant 0 : i32
      %dma_wait3A_1740 = tpu.memref_slice %arg22[%rem3A_1737, %dma_wait3A_1738, %dma_wait3A_1739] : memref<2x256x64xf32, #tpu.memory_space<vmem>> -> memref<1x256x64xf32, #tpu.memory_space<vmem>>
      %dma_wait3A_1741 = tpu.memref_squeeze %dma_wait3A_1740 : memref<1x256x64xf32, #tpu.memory_space<vmem>> -> memref<256x64xf32, #tpu.memory_space<vmem>>
      %dma_wait3A_1742 = arith.constant 0 : i32
      %dma_wait3A_1743 = arith.constant 0 : i32
      %dma_wait3A_1744 = tpu.memref_slice %arg11[%arg0, %dma_wait3A_1742, %dma_wait3A_1743] : memref<2x10240x64xf32, #tpu.memory_space<hbm>> -> memref<1x10240x64xf32, #tpu.memory_space<hbm>>
      %dma_wait3A_1745 = tpu.memref_squeeze %dma_wait3A_1744 : memref<1x10240x64xf32, #tpu.memory_space<hbm>> -> memref<10240x64xf32, #tpu.memory_space<hbm>>
      %dma_wait3A_1746 = arith.constant 0 : i32
      %dma_wait3A_1747 = arith.constant 0 : i32
      %dma_wait3A_1748 = tpu.memref_slice %dma_wait3A_1745[%dma_wait3A_1746, %dma_wait3A_1747] : memref<10240x64xf32, #tpu.memory_space<hbm>> -> memref<256x64xf32, #tpu.memory_space<hbm>>
      %dma_wait3A_1749 = arith.constant 0 : i32
      %dma_wait3A_1750 = arith.constant 0 : i32
      %dma_wait3A_1751 = tpu.memref_slice %arg22[%rem3A_1737, %dma_wait3A_1749, %dma_wait3A_1750] : memref<2x256x64xf32, #tpu.memory_space<vmem>> -> memref<1x256x64xf32, #tpu.memory_space<vmem>>
      %dma_wait3A_1752 = tpu.memref_squeeze %dma_wait3A_1751 : memref<1x256x64xf32, #tpu.memory_space<vmem>> -> memref<256x64xf32, #tpu.memory_space<vmem>>
      %dma_wait3A_1753 = arith.constant 0 : i32
      %dma_wait3A_1754 = arith.constant 0 : i32
      %dma_wait3A_1755 = tpu.memref_slice %arg11[%arg0, %dma_wait3A_1753, %dma_wait3A_1754] : memref<2x10240x64xf32, #tpu.memory_space<hbm>> -> memref<1x10240x64xf32, #tpu.memory_space<hbm>>
      %dma_wait3A_1756 = tpu.memref_squeeze %dma_wait3A_1755 : memref<1x10240x64xf32, #tpu.memory_space<hbm>> -> memref<10240x64xf32, #tpu.memory_space<hbm>>
      %dma_wait3A_1757 = arith.constant 0 : i32
      %dma_wait3A_1758 = arith.constant 0 : i32
      %dma_wait3A_1759 = tpu.memref_slice %dma_wait3A_1756[%dma_wait3A_1757, %dma_wait3A_1758] : memref<10240x64xf32, #tpu.memory_space<hbm>> -> memref<256x64xf32, #tpu.memory_space<hbm>>
      tpu.wait_dma2 semaphore(%arg28 : memref<!tpu.dma_semaphore, #tpu.memory_space<semaphore_mem>>) src(%dma_wait3A_1759 : memref<256x64xf32, #tpu.memory_space<hbm>>) dst(%dma_wait3A_1752 : memref<256x64xf32, #tpu.memory_space<vmem>>)
      %gt3A_1760 = arith.constant 0 : i32
      %gt3A_1761 = arith.cmpi sgt, %add3A_1735, %gt3A_1760 : i32
      %convert_element_type3A_1762 = arith.extui %gt3A_1761 : i1 to i32
      %cond3A_1763 = arith.constant 0 : i32
      %cond3A_1764 = arith.cmpi ne, %convert_element_type3A_1762, %cond3A_1763 : i32
      scf.if %cond3A_1764 {
        %sub3A_1789 = arith.constant 1 : i32
        %sub3A_1790 = arith.subi %sub3A_1789, %rem3A_1737 : i32
        %dma_wait3A_1791 = arith.constant 0 : i32
        %dma_wait3A_1792 = arith.constant 0 : i32
        %dma_wait3A_1793 = tpu.memref_slice %arg22[%sub3A_1790, %dma_wait3A_1791, %dma_wait3A_1792] : memref<2x256x64xf32, #tpu.memory_space<vmem>> -> memref<1x256x64xf32, #tpu.memory_space<vmem>>
        %dma_wait3A_1794 = tpu.memref_squeeze %dma_wait3A_1793 : memref<1x256x64xf32, #tpu.memory_space<vmem>> -> memref<256x64xf32, #tpu.memory_space<vmem>>
        %dma_wait3A_1795 = arith.constant 0 : i32
        %dma_wait3A_1796 = arith.constant 0 : i32
        %dma_wait3A_1797 = tpu.memref_slice %arg11[%arg0, %dma_wait3A_1795, %dma_wait3A_1796] : memref<2x10240x64xf32, #tpu.memory_space<hbm>> -> memref<1x10240x64xf32, #tpu.memory_space<hbm>>
        %dma_wait3A_1798 = tpu.memref_squeeze %dma_wait3A_1797 : memref<1x10240x64xf32, #tpu.memory_space<hbm>> -> memref<10240x64xf32, #tpu.memory_space<hbm>>
        %dma_wait3A_1799 = arith.constant 0 : i32
        %dma_wait3A_1800 = arith.constant 0 : i32
        %dma_wait3A_1801 = tpu.memref_slice %dma_wait3A_1798[%dma_wait3A_1799, %dma_wait3A_1800] : memref<10240x64xf32, #tpu.memory_space<hbm>> -> memref<256x64xf32, #tpu.memory_space<hbm>>
        %dma_wait3A_1802 = arith.constant 0 : i32
        %dma_wait3A_1803 = arith.constant 0 : i32
        %dma_wait3A_1804 = tpu.memref_slice %arg22[%sub3A_1790, %dma_wait3A_1802, %dma_wait3A_1803] : memref<2x256x64xf32, #tpu.memory_space<vmem>> -> memref<1x256x64xf32, #tpu.memory_space<vmem>>
        %dma_wait3A_1805 = tpu.memref_squeeze %dma_wait3A_1804 : memref<1x256x64xf32, #tpu.memory_space<vmem>> -> memref<256x64xf32, #tpu.memory_space<vmem>>
        %dma_wait3A_1806 = arith.constant 0 : i32
        %dma_wait3A_1807 = arith.constant 0 : i32
        %dma_wait3A_1808 = tpu.memref_slice %arg11[%arg0, %dma_wait3A_1806, %dma_wait3A_1807] : memref<2x10240x64xf32, #tpu.memory_space<hbm>> -> memref<1x10240x64xf32, #tpu.memory_space<hbm>>
        %dma_wait3A_1809 = tpu.memref_squeeze %dma_wait3A_1808 : memref<1x10240x64xf32, #tpu.memory_space<hbm>> -> memref<10240x64xf32, #tpu.memory_space<hbm>>
        %dma_wait3A_1810 = arith.constant 0 : i32
        %dma_wait3A_1811 = arith.constant 0 : i32
        %dma_wait3A_1812 = tpu.memref_slice %dma_wait3A_1809[%dma_wait3A_1810, %dma_wait3A_1811] : memref<10240x64xf32, #tpu.memory_space<hbm>> -> memref<256x64xf32, #tpu.memory_space<hbm>>
        tpu.wait_dma2 semaphore(%arg29 : memref<!tpu.dma_semaphore, #tpu.memory_space<semaphore_mem>>) src(%dma_wait3A_1812 : memref<256x64xf32, #tpu.memory_space<hbm>>) dst(%dma_wait3A_1805 : memref<256x64xf32, #tpu.memory_space<vmem>>)
      } else {
      }
      %add3A_1765 = arith.constant 1 : i32
      %add3A_1766 = arith.addi %scan3A_1258, %add3A_1765 : i32
      %lt3A_1767 = arith.constant 10 : i32
      %lt3A_1768 = arith.cmpi slt, %add3A_1766, %lt3A_1767 : i32
      %convert_element_type3A_1769 = arith.extui %lt3A_1768 : i1 to i32
      %cond3A_1770 = arith.constant 0 : i32
      %cond3A_1771 = arith.cmpi ne, %convert_element_type3A_1769, %cond3A_1770 : i32
      scf.if %cond3A_1771 {
        %dma_wait3A_1789 = arith.constant 0 : i32
        %dma_wait3A_1790 = arith.constant 0 : i32
        %dma_wait3A_1791 = arith.constant 0 : i32
        %dma_wait3A_1792 = tpu.memref_slice %arg19[%dma_wait3A_1789, %dma_wait3A_1790, %dma_wait3A_1791] : memref<2x8x256xi32, #tpu.memory_space<vmem>> -> memref<1x8x256xi32, #tpu.memory_space<vmem>>
        %dma_wait3A_1793 = tpu.memref_squeeze %dma_wait3A_1792 : memref<1x8x256xi32, #tpu.memory_space<vmem>> -> memref<8x256xi32, #tpu.memory_space<vmem>>
        %dma_wait3A_1794 = arith.constant 0 : i32
        %dma_wait3A_1795 = arith.constant 0 : i32
        %dma_wait3A_1796 = tpu.memref_slice %arg6[%dma_wait3A_1794, %dma_wait3A_1795] : memref<1280x256xi32, #tpu.memory_space<hbm>> -> memref<8x256xi32, #tpu.memory_space<hbm>>
        %dma_wait3A_1797 = arith.constant 0 : i32
        %dma_wait3A_1798 = arith.constant 0 : i32
        %dma_wait3A_1799 = tpu.memref_slice %arg19[%dma_wait3A_1789, %dma_wait3A_1797, %dma_wait3A_1798] : memref<2x8x256xi32, #tpu.memory_space<vmem>> -> memref<1x8x256xi32, #tpu.memory_space<vmem>>
        %dma_wait3A_1800 = tpu.memref_squeeze %dma_wait3A_1799 : memref<1x8x256xi32, #tpu.memory_space<vmem>> -> memref<8x256xi32, #tpu.memory_space<vmem>>
        %dma_wait3A_1801 = arith.constant 0 : i32
        %dma_wait3A_1802 = arith.constant 0 : i32
        %dma_wait3A_1803 = tpu.memref_slice %arg6[%dma_wait3A_1801, %dma_wait3A_1802] : memref<1280x256xi32, #tpu.memory_space<hbm>> -> memref<8x256xi32, #tpu.memory_space<hbm>>
        tpu.wait_dma2 semaphore(%arg27 : memref<!tpu.dma_semaphore, #tpu.memory_space<semaphore_mem>>) src(%dma_wait3A_1803 : memref<8x256xi32, #tpu.memory_space<hbm>>) dst(%dma_wait3A_1800 : memref<8x256xi32, #tpu.memory_space<vmem>>)
        %dma_wait3A_1804 = arith.constant 0 : i32
        %dma_wait3A_1805 = arith.constant 0 : i32
        %dma_wait3A_1806 = arith.constant 0 : i32
        %dma_wait3A_1807 = tpu.memref_slice %arg20[%dma_wait3A_1804, %dma_wait3A_1805, %dma_wait3A_1806] : memref<2x8x256xi32, #tpu.memory_space<vmem>> -> memref<1x8x256xi32, #tpu.memory_space<vmem>>
        %dma_wait3A_1808 = tpu.memref_squeeze %dma_wait3A_1807 : memref<1x8x256xi32, #tpu.memory_space<vmem>> -> memref<8x256xi32, #tpu.memory_space<vmem>>
        %dma_wait3A_1809 = arith.constant 0 : i32
        %dma_wait3A_1810 = arith.constant 0 : i32
        %dma_wait3A_1811 = tpu.memref_slice %arg7[%dma_wait3A_1809, %dma_wait3A_1810] : memref<1280x256xi32, #tpu.memory_space<hbm>> -> memref<8x256xi32, #tpu.memory_space<hbm>>
        %dma_wait3A_1812 = arith.constant 0 : i32
        %dma_wait3A_1813 = arith.constant 0 : i32
        %dma_wait3A_1814 = tpu.memref_slice %arg20[%dma_wait3A_1804, %dma_wait3A_1812, %dma_wait3A_1813] : memref<2x8x256xi32, #tpu.memory_space<vmem>> -> memref<1x8x256xi32, #tpu.memory_space<vmem>>
        %dma_wait3A_1815 = tpu.memref_squeeze %dma_wait3A_1814 : memref<1x8x256xi32, #tpu.memory_space<vmem>> -> memref<8x256xi32, #tpu.memory_space<vmem>>
        %dma_wait3A_1816 = arith.constant 0 : i32
        %dma_wait3A_1817 = arith.constant 0 : i32
        %dma_wait3A_1818 = tpu.memref_slice %arg7[%dma_wait3A_1816, %dma_wait3A_1817] : memref<1280x256xi32, #tpu.memory_space<hbm>> -> memref<8x256xi32, #tpu.memory_space<hbm>>
        tpu.wait_dma2 semaphore(%arg27 : memref<!tpu.dma_semaphore, #tpu.memory_space<semaphore_mem>>) src(%dma_wait3A_1818 : memref<8x256xi32, #tpu.memory_space<hbm>>) dst(%dma_wait3A_1815 : memref<8x256xi32, #tpu.memory_space<vmem>>)
        %sub3A_1819 = arith.constant 1 : i32
        %sub3A_1820 = arith.subi %sub3A_1819, %rem3A_1260 : i32
        %sub3A_1821 = arith.constant 1 : i32
        %sub3A_1822 = arith.subi %sub3A_1821, %rem3A_1737 : i32
        %dma_start3A_1823 = arith.constant 0 : i32
        %dma_start3A_1824 = arith.constant 0 : i32
        %dma_start3A_1825 = arith.constant 0 : i32
        %dma_start3A_1826 = tpu.memref_slice %arg22[%sub3A_1822, %dma_start3A_1824, %dma_start3A_1825] : memref<2x256x64xf32, #tpu.memory_space<vmem>> -> memref<1x256x64xf32, #tpu.memory_space<vmem>>
        %dma_start3A_1827 = tpu.memref_squeeze %dma_start3A_1826 : memref<1x256x64xf32, #tpu.memory_space<vmem>> -> memref<256x64xf32, #tpu.memory_space<vmem>>
        %dma_start3A_1828 = arith.constant 0 : i32
        %dma_start3A_1829 = tpu.memref_slice %arg19[%sub3A_1820, %dma_start3A_1823, %dma_start3A_1828] : memref<2x8x256xi32, #tpu.memory_space<vmem>> -> memref<1x1x256xi32, #tpu.memory_space<vmem>>
        %dma_start3A_1830 = tpu.memref_squeeze %dma_start3A_1829 : memref<1x1x256xi32, #tpu.memory_space<vmem>> -> memref<256xi32, #tpu.memory_space<vmem>>
        %dma_start3A_1831 = arith.constant 0 : i32
        %dma_start3A_1832 = arith.constant 0 : i32
        %dma_start3A_1833 = tpu.memref_slice %arg11[%arg0, %dma_start3A_1831, %dma_start3A_1832] : memref<2x10240x64xf32, #tpu.memory_space<hbm>> -> memref<1x10240x64xf32, #tpu.memory_space<hbm>>
        %dma_start3A_1834 = tpu.memref_squeeze %dma_start3A_1833 : memref<1x10240x64xf32, #tpu.memory_space<hbm>> -> memref<10240x64xf32, #tpu.memory_space<hbm>>
        %dma_start3A_1835 = arith.constant 0 : i32
        %dma_start3A_1836 = arith.constant 0 : i32
        %dma_start3A_1837 = tpu.memref_slice %dma_start3A_1834[%dma_start3A_1835, %dma_start3A_1836] : memref<10240x64xf32, #tpu.memory_space<hbm>> -> memref<10240x64xf32, #tpu.memory_space<hbm>>
        tpu.enqueue_indirect_dma source(%dma_start3A_1837 : memref<10240x64xf32, #tpu.memory_space<hbm>>) target(%dma_start3A_1827 : memref<256x64xf32, #tpu.memory_space<vmem>>) offsets(%dma_start3A_1830 : memref<256xi32, #tpu.memory_space<vmem>>) semaphore(%arg28 : memref<!tpu.dma_semaphore, #tpu.memory_space<semaphore_mem>>)
      } else {
      }
      %dma_start3A_1772 = arith.constant 7 : i32
      %dma_start3A_1773 = arith.constant 0 : i32
      %dma_start3A_1774 = arith.constant 0 : i32
      %dma_start3A_1775 = tpu.memref_slice %arg22[%rem3A_1737, %dma_start3A_1773, %dma_start3A_1774] : memref<2x256x64xf32, #tpu.memory_space<vmem>> -> memref<1x256x64xf32, #tpu.memory_space<vmem>>
      %dma_start3A_1776 = tpu.memref_squeeze %dma_start3A_1775 : memref<1x256x64xf32, #tpu.memory_space<vmem>> -> memref<256x64xf32, #tpu.memory_space<vmem>>
      %dma_start3A_1777 = arith.constant 0 : i32
      %dma_start3A_1778 = tpu.memref_slice %arg20[%rem3A_1260, %dma_start3A_1772, %dma_start3A_1777] : memref<2x8x256xi32, #tpu.memory_space<vmem>> -> memref<1x1x256xi32, #tpu.memory_space<vmem>>
      %dma_start3A_1779 = tpu.memref_squeeze %dma_start3A_1778 : memref<1x1x256xi32, #tpu.memory_space<vmem>> -> memref<256xi32, #tpu.memory_space<vmem>>
      %dma_start3A_1780 = arith.constant 0 : i32
      %dma_start3A_1781 = arith.constant 0 : i32
      %dma_start3A_1782 = tpu.memref_slice %arg23[%dma_start3A_1780, %dma_start3A_1781] : memref<10112x64xf32, #tpu.memory_space<vmem_shared>> -> memref<10112x64xf32, #tpu.memory_space<vmem_shared>>
      tpu.enqueue_indirect_dma source(%dma_start3A_1776 : memref<256x64xf32, #tpu.memory_space<vmem>>) target(%dma_start3A_1782 : memref<10112x64xf32, #tpu.memory_space<vmem_shared>>) offsets(%dma_start3A_1779 : memref<256xi32, #tpu.memory_space<vmem>>) semaphore(%arg29 : memref<!tpu.dma_semaphore, #tpu.memory_space<semaphore_mem>>) {add = true}
      %dma_start3A_1783 = arith.constant 7 : i32
      %dma_start3A_1784 = arith.constant 0 : i32
      %dma_start3A_1785 = tpu.memref_slice %arg20[%rem3A_1260, %dma_start3A_1783, %dma_start3A_1784] : memref<2x8x256xi32, #tpu.memory_space<vmem>> -> memref<1x1x256xi32, #tpu.memory_space<vmem>>
      %dma_start3A_1786 = tpu.memref_squeeze %dma_start3A_1785 : memref<1x1x256xi32, #tpu.memory_space<vmem>> -> memref<256xi32, #tpu.memory_space<vmem>>
      %dma_start3A_1787 = arith.constant 0 : i32
      %dma_start3A_1788 = tpu.memref_slice %arg24[%dma_start3A_1787] : memref<10112xf32, #tpu.memory_space<vmem_shared>> -> memref<10112xf32, #tpu.memory_space<vmem_shared>>
      tpu.enqueue_indirect_dma source(%arg21 : memref<256xf32, #tpu.memory_space<vmem>>) target(%dma_start3A_1788 : memref<10112xf32, #tpu.memory_space<vmem_shared>>) offsets(%dma_start3A_1786 : memref<256xi32, #tpu.memory_space<vmem>>) semaphore(%arg30 : memref<!tpu.dma_semaphore, #tpu.memory_space<semaphore_mem>>) {add = true}
    }
    %scan3A_1081 = arith.constant 10 : i32
    %rem3A_1082 = arith.constant 79 : i32
    %rem3A_1083 = arith.constant 2 : i32
    %rem3A_1084 = arith.remsi %rem3A_1082, %rem3A_1083 : i32
    %dma_wait3A_1085 = arith.constant 0 : i32
    %dma_wait3A_1086 = arith.constant 0 : i32
    %dma_wait3A_1087 = tpu.memref_slice %arg22[%rem3A_1084, %dma_wait3A_1085, %dma_wait3A_1086] : memref<2x256x64xf32, #tpu.memory_space<vmem>> -> memref<1x256x64xf32, #tpu.memory_space<vmem>>
    %dma_wait3A_1088 = tpu.memref_squeeze %dma_wait3A_1087 : memref<1x256x64xf32, #tpu.memory_space<vmem>> -> memref<256x64xf32, #tpu.memory_space<vmem>>
    %dma_wait3A_1089 = arith.constant 0 : i32
    %dma_wait3A_1090 = arith.constant 0 : i32
    %dma_wait3A_1091 = tpu.memref_slice %arg11[%arg0, %dma_wait3A_1089, %dma_wait3A_1090] : memref<2x10240x64xf32, #tpu.memory_space<hbm>> -> memref<1x10240x64xf32, #tpu.memory_space<hbm>>
    %dma_wait3A_1092 = tpu.memref_squeeze %dma_wait3A_1091 : memref<1x10240x64xf32, #tpu.memory_space<hbm>> -> memref<10240x64xf32, #tpu.memory_space<hbm>>
    %dma_wait3A_1093 = arith.constant 0 : i32
    %dma_wait3A_1094 = arith.constant 0 : i32
    %dma_wait3A_1095 = tpu.memref_slice %dma_wait3A_1092[%dma_wait3A_1093, %dma_wait3A_1094] : memref<10240x64xf32, #tpu.memory_space<hbm>> -> memref<256x64xf32, #tpu.memory_space<hbm>>
    %dma_wait3A_1096 = arith.constant 0 : i32
    %dma_wait3A_1097 = arith.constant 0 : i32
    %dma_wait3A_1098 = tpu.memref_slice %arg22[%rem3A_1084, %dma_wait3A_1096, %dma_wait3A_1097] : memref<2x256x64xf32, #tpu.memory_space<vmem>> -> memref<1x256x64xf32, #tpu.memory_space<vmem>>
    %dma_wait3A_1099 = tpu.memref_squeeze %dma_wait3A_1098 : memref<1x256x64xf32, #tpu.memory_space<vmem>> -> memref<256x64xf32, #tpu.memory_space<vmem>>
    %dma_wait3A_1100 = arith.constant 0 : i32
    %dma_wait3A_1101 = arith.constant 0 : i32
    %dma_wait3A_1102 = tpu.memref_slice %arg11[%arg0, %dma_wait3A_1100, %dma_wait3A_1101] : memref<2x10240x64xf32, #tpu.memory_space<hbm>> -> memref<1x10240x64xf32, #tpu.memory_space<hbm>>
    %dma_wait3A_1103 = tpu.memref_squeeze %dma_wait3A_1102 : memref<1x10240x64xf32, #tpu.memory_space<hbm>> -> memref<10240x64xf32, #tpu.memory_space<hbm>>
    %dma_wait3A_1104 = arith.constant 0 : i32
    %dma_wait3A_1105 = arith.constant 0 : i32
    %dma_wait3A_1106 = tpu.memref_slice %dma_wait3A_1103[%dma_wait3A_1104, %dma_wait3A_1105] : memref<10240x64xf32, #tpu.memory_space<hbm>> -> memref<256x64xf32, #tpu.memory_space<hbm>>
    tpu.wait_dma2 semaphore(%arg29 : memref<!tpu.dma_semaphore, #tpu.memory_space<semaphore_mem>>) src(%dma_wait3A_1106 : memref<256x64xf32, #tpu.memory_space<hbm>>) dst(%dma_wait3A_1099 : memref<256x64xf32, #tpu.memory_space<vmem>>)
    %dma_wait3A_1107 = arith.constant 0 : i32
    %dma_wait3A_1108 = arith.constant 0 : i32
    %dma_wait3A_1109 = arith.constant 0 : i32
    %dma_wait3A_1110 = tpu.memref_slice %arg20[%dma_wait3A_1107, %dma_wait3A_1108, %dma_wait3A_1109] : memref<2x8x256xi32, #tpu.memory_space<vmem>> -> memref<1x8x256xi32, #tpu.memory_space<vmem>>
    %dma_wait3A_1111 = tpu.memref_squeeze %dma_wait3A_1110 : memref<1x8x256xi32, #tpu.memory_space<vmem>> -> memref<8x256xi32, #tpu.memory_space<vmem>>
    %dma_wait3A_1112 = arith.constant 0 : i32
    %dma_wait3A_1113 = arith.constant 0 : i32
    %dma_wait3A_1114 = tpu.memref_slice %arg7[%dma_wait3A_1112, %dma_wait3A_1113] : memref<1280x256xi32, #tpu.memory_space<hbm>> -> memref<8x256xi32, #tpu.memory_space<hbm>>
    %dma_wait3A_1115 = arith.constant 0 : i32
    %dma_wait3A_1116 = arith.constant 0 : i32
    %dma_wait3A_1117 = tpu.memref_slice %arg20[%dma_wait3A_1107, %dma_wait3A_1115, %dma_wait3A_1116] : memref<2x8x256xi32, #tpu.memory_space<vmem>> -> memref<1x8x256xi32, #tpu.memory_space<vmem>>
    %dma_wait3A_1118 = tpu.memref_squeeze %dma_wait3A_1117 : memref<1x8x256xi32, #tpu.memory_space<vmem>> -> memref<8x256xi32, #tpu.memory_space<vmem>>
    %dma_wait3A_1119 = arith.constant 0 : i32
    %dma_wait3A_1120 = arith.constant 0 : i32
    %dma_wait3A_1121 = tpu.memref_slice %arg7[%dma_wait3A_1119, %dma_wait3A_1120] : memref<1280x256xi32, #tpu.memory_space<hbm>> -> memref<8x256xi32, #tpu.memory_space<hbm>>
    tpu.wait_dma2 semaphore(%arg30 : memref<!tpu.dma_semaphore, #tpu.memory_space<semaphore_mem>>) src(%dma_wait3A_1121 : memref<8x256xi32, #tpu.memory_space<hbm>>) dst(%dma_wait3A_1118 : memref<8x256xi32, #tpu.memory_space<vmem>>)
    %dma_wait3A_1122 = arith.constant 0 : i32
    %dma_wait3A_1123 = arith.constant 0 : i32
    %dma_wait3A_1124 = arith.constant 0 : i32
    %dma_wait3A_1125 = tpu.memref_slice %arg20[%dma_wait3A_1122, %dma_wait3A_1123, %dma_wait3A_1124] : memref<2x8x256xi32, #tpu.memory_space<vmem>> -> memref<1x8x256xi32, #tpu.memory_space<vmem>>
    %dma_wait3A_1126 = tpu.memref_squeeze %dma_wait3A_1125 : memref<1x8x256xi32, #tpu.memory_space<vmem>> -> memref<8x256xi32, #tpu.memory_space<vmem>>
    %dma_wait3A_1127 = arith.constant 0 : i32
    %dma_wait3A_1128 = arith.constant 0 : i32
    %dma_wait3A_1129 = tpu.memref_slice %arg7[%dma_wait3A_1127, %dma_wait3A_1128] : memref<1280x256xi32, #tpu.memory_space<hbm>> -> memref<8x256xi32, #tpu.memory_space<hbm>>
    %dma_wait3A_1130 = arith.constant 0 : i32
    %dma_wait3A_1131 = arith.constant 0 : i32
    %dma_wait3A_1132 = tpu.memref_slice %arg20[%dma_wait3A_1122, %dma_wait3A_1130, %dma_wait3A_1131] : memref<2x8x256xi32, #tpu.memory_space<vmem>> -> memref<1x8x256xi32, #tpu.memory_space<vmem>>
    %dma_wait3A_1133 = tpu.memref_squeeze %dma_wait3A_1132 : memref<1x8x256xi32, #tpu.memory_space<vmem>> -> memref<8x256xi32, #tpu.memory_space<vmem>>
    %dma_wait3A_1134 = arith.constant 0 : i32
    %dma_wait3A_1135 = arith.constant 0 : i32
    %dma_wait3A_1136 = tpu.memref_slice %arg7[%dma_wait3A_1134, %dma_wait3A_1135] : memref<1280x256xi32, #tpu.memory_space<hbm>> -> memref<8x256xi32, #tpu.memory_space<hbm>>
    tpu.wait_dma2 semaphore(%arg30 : memref<!tpu.dma_semaphore, #tpu.memory_space<semaphore_mem>>) src(%dma_wait3A_1136 : memref<8x256xi32, #tpu.memory_space<hbm>>) dst(%dma_wait3A_1133 : memref<8x256xi32, #tpu.memory_space<vmem>>)
    %dma_wait3A_1137 = arith.constant 0 : i32
    %dma_wait3A_1138 = arith.constant 0 : i32
    %dma_wait3A_1139 = arith.constant 0 : i32
    %dma_wait3A_1140 = tpu.memref_slice %arg20[%dma_wait3A_1137, %dma_wait3A_1138, %dma_wait3A_1139] : memref<2x8x256xi32, #tpu.memory_space<vmem>> -> memref<1x8x256xi32, #tpu.memory_space<vmem>>
    %dma_wait3A_1141 = tpu.memref_squeeze %dma_wait3A_1140 : memref<1x8x256xi32, #tpu.memory_space<vmem>> -> memref<8x256xi32, #tpu.memory_space<vmem>>
    %dma_wait3A_1142 = arith.constant 0 : i32
    %dma_wait3A_1143 = arith.constant 0 : i32
    %dma_wait3A_1144 = tpu.memref_slice %arg7[%dma_wait3A_1142, %dma_wait3A_1143] : memref<1280x256xi32, #tpu.memory_space<hbm>> -> memref<8x256xi32, #tpu.memory_space<hbm>>
    %dma_wait3A_1145 = arith.constant 0 : i32
    %dma_wait3A_1146 = arith.constant 0 : i32
    %dma_wait3A_1147 = tpu.memref_slice %arg20[%dma_wait3A_1137, %dma_wait3A_1145, %dma_wait3A_1146] : memref<2x8x256xi32, #tpu.memory_space<vmem>> -> memref<1x8x256xi32, #tpu.memory_space<vmem>>
    %dma_wait3A_1148 = tpu.memref_squeeze %dma_wait3A_1147 : memref<1x8x256xi32, #tpu.memory_space<vmem>> -> memref<8x256xi32, #tpu.memory_space<vmem>>
    %dma_wait3A_1149 = arith.constant 0 : i32
    %dma_wait3A_1150 = arith.constant 0 : i32
    %dma_wait3A_1151 = tpu.memref_slice %arg7[%dma_wait3A_1149, %dma_wait3A_1150] : memref<1280x256xi32, #tpu.memory_space<hbm>> -> memref<8x256xi32, #tpu.memory_space<hbm>>
    tpu.wait_dma2 semaphore(%arg30 : memref<!tpu.dma_semaphore, #tpu.memory_space<semaphore_mem>>) src(%dma_wait3A_1151 : memref<8x256xi32, #tpu.memory_space<hbm>>) dst(%dma_wait3A_1148 : memref<8x256xi32, #tpu.memory_space<vmem>>)
    %dma_wait3A_1152 = arith.constant 0 : i32
    %dma_wait3A_1153 = arith.constant 0 : i32
    %dma_wait3A_1154 = arith.constant 0 : i32
    %dma_wait3A_1155 = tpu.memref_slice %arg20[%dma_wait3A_1152, %dma_wait3A_1153, %dma_wait3A_1154] : memref<2x8x256xi32, #tpu.memory_space<vmem>> -> memref<1x8x256xi32, #tpu.memory_space<vmem>>
    %dma_wait3A_1156 = tpu.memref_squeeze %dma_wait3A_1155 : memref<1x8x256xi32, #tpu.memory_space<vmem>> -> memref<8x256xi32, #tpu.memory_space<vmem>>
    %dma_wait3A_1157 = arith.constant 0 : i32
    %dma_wait3A_1158 = arith.constant 0 : i32
    %dma_wait3A_1159 = tpu.memref_slice %arg7[%dma_wait3A_1157, %dma_wait3A_1158] : memref<1280x256xi32, #tpu.memory_space<hbm>> -> memref<8x256xi32, #tpu.memory_space<hbm>>
    %dma_wait3A_1160 = arith.constant 0 : i32
    %dma_wait3A_1161 = arith.constant 0 : i32
    %dma_wait3A_1162 = tpu.memref_slice %arg20[%dma_wait3A_1152, %dma_wait3A_1160, %dma_wait3A_1161] : memref<2x8x256xi32, #tpu.memory_space<vmem>> -> memref<1x8x256xi32, #tpu.memory_space<vmem>>
    %dma_wait3A_1163 = tpu.memref_squeeze %dma_wait3A_1162 : memref<1x8x256xi32, #tpu.memory_space<vmem>> -> memref<8x256xi32, #tpu.memory_space<vmem>>
    %dma_wait3A_1164 = arith.constant 0 : i32
    %dma_wait3A_1165 = arith.constant 0 : i32
    %dma_wait3A_1166 = tpu.memref_slice %arg7[%dma_wait3A_1164, %dma_wait3A_1165] : memref<1280x256xi32, #tpu.memory_space<hbm>> -> memref<8x256xi32, #tpu.memory_space<hbm>>
    tpu.wait_dma2 semaphore(%arg30 : memref<!tpu.dma_semaphore, #tpu.memory_space<semaphore_mem>>) src(%dma_wait3A_1166 : memref<8x256xi32, #tpu.memory_space<hbm>>) dst(%dma_wait3A_1163 : memref<8x256xi32, #tpu.memory_space<vmem>>)
    %dma_wait3A_1167 = arith.constant 0 : i32
    %dma_wait3A_1168 = arith.constant 0 : i32
    %dma_wait3A_1169 = arith.constant 0 : i32
    %dma_wait3A_1170 = tpu.memref_slice %arg20[%dma_wait3A_1167, %dma_wait3A_1168, %dma_wait3A_1169] : memref<2x8x256xi32, #tpu.memory_space<vmem>> -> memref<1x8x256xi32, #tpu.memory_space<vmem>>
    %dma_wait3A_1171 = tpu.memref_squeeze %dma_wait3A_1170 : memref<1x8x256xi32, #tpu.memory_space<vmem>> -> memref<8x256xi32, #tpu.memory_space<vmem>>
    %dma_wait3A_1172 = arith.constant 0 : i32
    %dma_wait3A_1173 = arith.constant 0 : i32
    %dma_wait3A_1174 = tpu.memref_slice %arg7[%dma_wait3A_1172, %dma_wait3A_1173] : memref<1280x256xi32, #tpu.memory_space<hbm>> -> memref<8x256xi32, #tpu.memory_space<hbm>>
    %dma_wait3A_1175 = arith.constant 0 : i32
    %dma_wait3A_1176 = arith.constant 0 : i32
    %dma_wait3A_1177 = tpu.memref_slice %arg20[%dma_wait3A_1167, %dma_wait3A_1175, %dma_wait3A_1176] : memref<2x8x256xi32, #tpu.memory_space<vmem>> -> memref<1x8x256xi32, #tpu.memory_space<vmem>>
    %dma_wait3A_1178 = tpu.memref_squeeze %dma_wait3A_1177 : memref<1x8x256xi32, #tpu.memory_space<vmem>> -> memref<8x256xi32, #tpu.memory_space<vmem>>
    %dma_wait3A_1179 = arith.constant 0 : i32
    %dma_wait3A_1180 = arith.constant 0 : i32
    %dma_wait3A_1181 = tpu.memref_slice %arg7[%dma_wait3A_1179, %dma_wait3A_1180] : memref<1280x256xi32, #tpu.memory_space<hbm>> -> memref<8x256xi32, #tpu.memory_space<hbm>>
    tpu.wait_dma2 semaphore(%arg30 : memref<!tpu.dma_semaphore, #tpu.memory_space<semaphore_mem>>) src(%dma_wait3A_1181 : memref<8x256xi32, #tpu.memory_space<hbm>>) dst(%dma_wait3A_1178 : memref<8x256xi32, #tpu.memory_space<vmem>>)
    %dma_wait3A_1182 = arith.constant 0 : i32
    %dma_wait3A_1183 = arith.constant 0 : i32
    %dma_wait3A_1184 = arith.constant 0 : i32
    %dma_wait3A_1185 = tpu.memref_slice %arg20[%dma_wait3A_1182, %dma_wait3A_1183, %dma_wait3A_1184] : memref<2x8x256xi32, #tpu.memory_space<vmem>> -> memref<1x8x256xi32, #tpu.memory_space<vmem>>
    %dma_wait3A_1186 = tpu.memref_squeeze %dma_wait3A_1185 : memref<1x8x256xi32, #tpu.memory_space<vmem>> -> memref<8x256xi32, #tpu.memory_space<vmem>>
    %dma_wait3A_1187 = arith.constant 0 : i32
    %dma_wait3A_1188 = arith.constant 0 : i32
    %dma_wait3A_1189 = tpu.memref_slice %arg7[%dma_wait3A_1187, %dma_wait3A_1188] : memref<1280x256xi32, #tpu.memory_space<hbm>> -> memref<8x256xi32, #tpu.memory_space<hbm>>
    %dma_wait3A_1190 = arith.constant 0 : i32
    %dma_wait3A_1191 = arith.constant 0 : i32
    %dma_wait3A_1192 = tpu.memref_slice %arg20[%dma_wait3A_1182, %dma_wait3A_1190, %dma_wait3A_1191] : memref<2x8x256xi32, #tpu.memory_space<vmem>> -> memref<1x8x256xi32, #tpu.memory_space<vmem>>
    %dma_wait3A_1193 = tpu.memref_squeeze %dma_wait3A_1192 : memref<1x8x256xi32, #tpu.memory_space<vmem>> -> memref<8x256xi32, #tpu.memory_space<vmem>>
    %dma_wait3A_1194 = arith.constant 0 : i32
    %dma_wait3A_1195 = arith.constant 0 : i32
    %dma_wait3A_1196 = tpu.memref_slice %arg7[%dma_wait3A_1194, %dma_wait3A_1195] : memref<1280x256xi32, #tpu.memory_space<hbm>> -> memref<8x256xi32, #tpu.memory_space<hbm>>
    tpu.wait_dma2 semaphore(%arg30 : memref<!tpu.dma_semaphore, #tpu.memory_space<semaphore_mem>>) src(%dma_wait3A_1196 : memref<8x256xi32, #tpu.memory_space<hbm>>) dst(%dma_wait3A_1193 : memref<8x256xi32, #tpu.memory_space<vmem>>)
    %dma_wait3A_1197 = arith.constant 0 : i32
    %dma_wait3A_1198 = arith.constant 0 : i32
    %dma_wait3A_1199 = arith.constant 0 : i32
    %dma_wait3A_1200 = tpu.memref_slice %arg20[%dma_wait3A_1197, %dma_wait3A_1198, %dma_wait3A_1199] : memref<2x8x256xi32, #tpu.memory_space<vmem>> -> memref<1x8x256xi32, #tpu.memory_space<vmem>>
    %dma_wait3A_1201 = tpu.memref_squeeze %dma_wait3A_1200 : memref<1x8x256xi32, #tpu.memory_space<vmem>> -> memref<8x256xi32, #tpu.memory_space<vmem>>
    %dma_wait3A_1202 = arith.constant 0 : i32
    %dma_wait3A_1203 = arith.constant 0 : i32
    %dma_wait3A_1204 = tpu.memref_slice %arg7[%dma_wait3A_1202, %dma_wait3A_1203] : memref<1280x256xi32, #tpu.memory_space<hbm>> -> memref<8x256xi32, #tpu.memory_space<hbm>>
    %dma_wait3A_1205 = arith.constant 0 : i32
    %dma_wait3A_1206 = arith.constant 0 : i32
    %dma_wait3A_1207 = tpu.memref_slice %arg20[%dma_wait3A_1197, %dma_wait3A_1205, %dma_wait3A_1206] : memref<2x8x256xi32, #tpu.memory_space<vmem>> -> memref<1x8x256xi32, #tpu.memory_space<vmem>>
    %dma_wait3A_1208 = tpu.memref_squeeze %dma_wait3A_1207 : memref<1x8x256xi32, #tpu.memory_space<vmem>> -> memref<8x256xi32, #tpu.memory_space<vmem>>
    %dma_wait3A_1209 = arith.constant 0 : i32
    %dma_wait3A_1210 = arith.constant 0 : i32
    %dma_wait3A_1211 = tpu.memref_slice %arg7[%dma_wait3A_1209, %dma_wait3A_1210] : memref<1280x256xi32, #tpu.memory_space<hbm>> -> memref<8x256xi32, #tpu.memory_space<hbm>>
    tpu.wait_dma2 semaphore(%arg30 : memref<!tpu.dma_semaphore, #tpu.memory_space<semaphore_mem>>) src(%dma_wait3A_1211 : memref<8x256xi32, #tpu.memory_space<hbm>>) dst(%dma_wait3A_1208 : memref<8x256xi32, #tpu.memory_space<vmem>>)
    %dma_wait3A_1212 = arith.constant 0 : i32
    %dma_wait3A_1213 = arith.constant 0 : i32
    %dma_wait3A_1214 = arith.constant 0 : i32
    %dma_wait3A_1215 = tpu.memref_slice %arg20[%dma_wait3A_1212, %dma_wait3A_1213, %dma_wait3A_1214] : memref<2x8x256xi32, #tpu.memory_space<vmem>> -> memref<1x8x256xi32, #tpu.memory_space<vmem>>
    %dma_wait3A_1216 = tpu.memref_squeeze %dma_wait3A_1215 : memref<1x8x256xi32, #tpu.memory_space<vmem>> -> memref<8x256xi32, #tpu.memory_space<vmem>>
    %dma_wait3A_1217 = arith.constant 0 : i32
    %dma_wait3A_1218 = arith.constant 0 : i32
    %dma_wait3A_1219 = tpu.memref_slice %arg7[%dma_wait3A_1217, %dma_wait3A_1218] : memref<1280x256xi32, #tpu.memory_space<hbm>> -> memref<8x256xi32, #tpu.memory_space<hbm>>
    %dma_wait3A_1220 = arith.constant 0 : i32
    %dma_wait3A_1221 = arith.constant 0 : i32
    %dma_wait3A_1222 = tpu.memref_slice %arg20[%dma_wait3A_1212, %dma_wait3A_1220, %dma_wait3A_1221] : memref<2x8x256xi32, #tpu.memory_space<vmem>> -> memref<1x8x256xi32, #tpu.memory_space<vmem>>
    %dma_wait3A_1223 = tpu.memref_squeeze %dma_wait3A_1222 : memref<1x8x256xi32, #tpu.memory_space<vmem>> -> memref<8x256xi32, #tpu.memory_space<vmem>>
    %dma_wait3A_1224 = arith.constant 0 : i32
    %dma_wait3A_1225 = arith.constant 0 : i32
    %dma_wait3A_1226 = tpu.memref_slice %arg7[%dma_wait3A_1224, %dma_wait3A_1225] : memref<1280x256xi32, #tpu.memory_space<hbm>> -> memref<8x256xi32, #tpu.memory_space<hbm>>
    tpu.wait_dma2 semaphore(%arg30 : memref<!tpu.dma_semaphore, #tpu.memory_space<semaphore_mem>>) src(%dma_wait3A_1226 : memref<8x256xi32, #tpu.memory_space<hbm>>) dst(%dma_wait3A_1223 : memref<8x256xi32, #tpu.memory_space<vmem>>)
    %dma_wait3A_1227 = arith.constant 0 : i32
    %dma_wait3A_1228 = arith.constant 0 : i32
    %dma_wait3A_1229 = arith.constant 0 : i32
    %dma_wait3A_1230 = tpu.memref_slice %arg20[%dma_wait3A_1227, %dma_wait3A_1228, %dma_wait3A_1229] : memref<2x8x256xi32, #tpu.memory_space<vmem>> -> memref<1x8x256xi32, #tpu.memory_space<vmem>>
    %dma_wait3A_1231 = tpu.memref_squeeze %dma_wait3A_1230 : memref<1x8x256xi32, #tpu.memory_space<vmem>> -> memref<8x256xi32, #tpu.memory_space<vmem>>
    %dma_wait3A_1232 = arith.constant 0 : i32
    %dma_wait3A_1233 = arith.constant 0 : i32
    %dma_wait3A_1234 = tpu.memref_slice %arg7[%dma_wait3A_1232, %dma_wait3A_1233] : memref<1280x256xi32, #tpu.memory_space<hbm>> -> memref<8x256xi32, #tpu.memory_space<hbm>>
    %dma_wait3A_1235 = arith.constant 0 : i32
    %dma_wait3A_1236 = arith.constant 0 : i32
    %dma_wait3A_1237 = tpu.memref_slice %arg20[%dma_wait3A_1227, %dma_wait3A_1235, %dma_wait3A_1236] : memref<2x8x256xi32, #tpu.memory_space<vmem>> -> memref<1x8x256xi32, #tpu.memory_space<vmem>>
    %dma_wait3A_1238 = tpu.memref_squeeze %dma_wait3A_1237 : memref<1x8x256xi32, #tpu.memory_space<vmem>> -> memref<8x256xi32, #tpu.memory_space<vmem>>
    %dma_wait3A_1239 = arith.constant 0 : i32
    %dma_wait3A_1240 = arith.constant 0 : i32
    %dma_wait3A_1241 = tpu.memref_slice %arg7[%dma_wait3A_1239, %dma_wait3A_1240] : memref<1280x256xi32, #tpu.memory_space<hbm>> -> memref<8x256xi32, #tpu.memory_space<hbm>>
    tpu.wait_dma2 semaphore(%arg30 : memref<!tpu.dma_semaphore, #tpu.memory_space<semaphore_mem>>) src(%dma_wait3A_1241 : memref<8x256xi32, #tpu.memory_space<hbm>>) dst(%dma_wait3A_1238 : memref<8x256xi32, #tpu.memory_space<vmem>>)
    %dma_wait3A_1242 = arith.constant 0 : i32
    %dma_wait3A_1243 = arith.constant 0 : i32
    %dma_wait3A_1244 = arith.constant 0 : i32
    %dma_wait3A_1245 = tpu.memref_slice %arg20[%dma_wait3A_1242, %dma_wait3A_1243, %dma_wait3A_1244] : memref<2x8x256xi32, #tpu.memory_space<vmem>> -> memref<1x8x256xi32, #tpu.memory_space<vmem>>
    %dma_wait3A_1246 = tpu.memref_squeeze %dma_wait3A_1245 : memref<1x8x256xi32, #tpu.memory_space<vmem>> -> memref<8x256xi32, #tpu.memory_space<vmem>>
    %dma_wait3A_1247 = arith.constant 0 : i32
    %dma_wait3A_1248 = arith.constant 0 : i32
    %dma_wait3A_1249 = tpu.memref_slice %arg7[%dma_wait3A_1247, %dma_wait3A_1248] : memref<1280x256xi32, #tpu.memory_space<hbm>> -> memref<8x256xi32, #tpu.memory_space<hbm>>
    %dma_wait3A_1250 = arith.constant 0 : i32
    %dma_wait3A_1251 = arith.constant 0 : i32
    %dma_wait3A_1252 = tpu.memref_slice %arg20[%dma_wait3A_1242, %dma_wait3A_1250, %dma_wait3A_1251] : memref<2x8x256xi32, #tpu.memory_space<vmem>> -> memref<1x8x256xi32, #tpu.memory_space<vmem>>
    %dma_wait3A_1253 = tpu.memref_squeeze %dma_wait3A_1252 : memref<1x8x256xi32, #tpu.memory_space<vmem>> -> memref<8x256xi32, #tpu.memory_space<vmem>>
    %dma_wait3A_1254 = arith.constant 0 : i32
    %dma_wait3A_1255 = arith.constant 0 : i32
    %dma_wait3A_1256 = tpu.memref_slice %arg7[%dma_wait3A_1254, %dma_wait3A_1255] : memref<1280x256xi32, #tpu.memory_space<hbm>> -> memref<8x256xi32, #tpu.memory_space<hbm>>
    tpu.wait_dma2 semaphore(%arg30 : memref<!tpu.dma_semaphore, #tpu.memory_space<semaphore_mem>>) src(%dma_wait3A_1256 : memref<8x256xi32, #tpu.memory_space<hbm>>) dst(%dma_wait3A_1253 : memref<8x256xi32, #tpu.memory_space<vmem>>)
    %barrier3A_1257 = arith.constant 0 : index
    tpu.barrier barrier_id(%barrier3A_1257)
    "tpu.region"() ({
      %run_scoped3A = tpu.sem_alloc : memref<!tpu.dma_semaphore, #tpu.memory_space<semaphore_mem>>
      %dma_start3A_1258 = arith.constant 0 : i32
      %dma_start3A_1259 = tpu.memref_slice %arg12[%arg0, %mul3A_0, %dma_start3A_1258] : memref<2x10112x64xf32, #tpu.memory_space<hbm>> -> memref<1x632x64xf32, #tpu.memory_space<hbm>>
      %dma_start3A_1260 = tpu.memref_squeeze %dma_start3A_1259 : memref<1x632x64xf32, #tpu.memory_space<hbm>> -> memref<632x64xf32, #tpu.memory_space<hbm>>
      %dma_start3A_1261 = arith.constant 0 : i32
      %dma_start3A_1262 = tpu.memref_slice %arg23[%mul3A_0, %dma_start3A_1261] : memref<10112x64xf32, #tpu.memory_space<vmem_shared>> -> memref<632x64xf32, #tpu.memory_space<vmem_shared>>
      tpu.enqueue_dma source(%dma_start3A_1262 : memref<632x64xf32, #tpu.memory_space<vmem_shared>>) target(%dma_start3A_1260 : memref<632x64xf32, #tpu.memory_space<hbm>>) target_semaphore(%run_scoped3A : memref<!tpu.dma_semaphore, #tpu.memory_space<semaphore_mem>>)
      %dma_wait3A_1263 = arith.constant 0 : i32
      %dma_wait3A_1264 = tpu.memref_slice %arg12[%arg0, %mul3A_0, %dma_wait3A_1263] : memref<2x10112x64xf32, #tpu.memory_space<hbm>> -> memref<1x632x64xf32, #tpu.memory_space<hbm>>
      %dma_wait3A_1265 = tpu.memref_squeeze %dma_wait3A_1264 : memref<1x632x64xf32, #tpu.memory_space<hbm>> -> memref<632x64xf32, #tpu.memory_space<hbm>>
      %dma_wait3A_1266 = arith.constant 0 : i32
      %dma_wait3A_1267 = tpu.memref_slice %arg23[%mul3A_0, %dma_wait3A_1266] : memref<10112x64xf32, #tpu.memory_space<vmem_shared>> -> memref<632x64xf32, #tpu.memory_space<vmem_shared>>
      tpu.wait_dma2 semaphore(%run_scoped3A : memref<!tpu.dma_semaphore, #tpu.memory_space<semaphore_mem>>) src(%dma_wait3A_1267 : memref<632x64xf32, #tpu.memory_space<vmem_shared>>) dst(%dma_wait3A_1265 : memref<632x64xf32, #tpu.memory_space<hbm>>)
      tpu.yield
    }) : () -> ()
    "tpu.region"() ({
      %run_scoped3A = tpu.sem_alloc : memref<!tpu.dma_semaphore, #tpu.memory_space<semaphore_mem>>
      %dma_start3A_1258 = tpu.memref_slice %arg13[%arg0, %mul3A_2] : memref<2x10112xf32, #tpu.memory_space<hbm>> -> memref<1x632xf32, #tpu.memory_space<hbm>>
      %dma_start3A_1259 = tpu.memref_squeeze %dma_start3A_1258 : memref<1x632xf32, #tpu.memory_space<hbm>> -> memref<632xf32, #tpu.memory_space<hbm>>
      %dma_start3A_1260 = tpu.memref_slice %arg24[%mul3A_2] : memref<10112xf32, #tpu.memory_space<vmem_shared>> -> memref<632xf32, #tpu.memory_space<vmem_shared>>
      tpu.enqueue_dma source(%dma_start3A_1260 : memref<632xf32, #tpu.memory_space<vmem_shared>>) target(%dma_start3A_1259 : memref<632xf32, #tpu.memory_space<hbm>>) target_semaphore(%run_scoped3A : memref<!tpu.dma_semaphore, #tpu.memory_space<semaphore_mem>>)
      %dma_wait3A_1261 = tpu.memref_slice %arg13[%arg0, %mul3A_2] : memref<2x10112xf32, #tpu.memory_space<hbm>> -> memref<1x632xf32, #tpu.memory_space<hbm>>
      %dma_wait3A_1262 = tpu.memref_squeeze %dma_wait3A_1261 : memref<1x632xf32, #tpu.memory_space<hbm>> -> memref<632xf32, #tpu.memory_space<hbm>>
      %dma_wait3A_1263 = tpu.memref_slice %arg24[%mul3A_2] : memref<10112xf32, #tpu.memory_space<vmem_shared>> -> memref<632xf32, #tpu.memory_space<vmem_shared>>
      tpu.wait_dma2 semaphore(%run_scoped3A : memref<!tpu.dma_semaphore, #tpu.memory_space<semaphore_mem>>) src(%dma_wait3A_1263 : memref<632xf32, #tpu.memory_space<vmem_shared>>) dst(%dma_wait3A_1262 : memref<632xf32, #tpu.memory_space<hbm>>)
      tpu.yield
    }) : () -> ()
    return
  }
}

</mosaic_0001>

<sc_bundles>
// kernel: _sc_l0.3.cloned.1.call-start
scs
__scs_entry_jumppad:
0x0: {  	(pc) =	sbr.rel $0x88, $3  }
0x1: {  	(tag) =	ssettag $0x0;
	lr =	simm.s32 $0x1  }
0x2: {  	[smem:$0x3F98] =	sst lr;
	_ =	strace $0xD0000000  }
0x3: {  	_ = 	snop  }
0x4: {  	_ = 	snop  }
0x5: {  	_ = 	snop  }
0x6: {  	_ = 	snop  }
0x7: {  	_ = 	snop  }
__scs_overlays_trampoline_lowered:
0x8: {  	[smem:$0x3FA7] =	sst s0  }
0x9: {  	[smem:$0x3FA8] =	sst s1  }
0xa: {  	[smem:$0x3FA9] =	sst s2  }
0xb: {  	[smem:$0x3FAA] =	sst s3  }
0xc: {  	[smem:$0x3FAB] =	sst s4  }
0xd: {  	[smem:$0x3FAC] =	sst s5  }
0xe: {  	[smem:$0x3FAD] =	sst s6  }
0xf: {  	[smem:$0x3FAE] =	sst s7  }
0x10: {  	[smem:$0x3FAF] =	sst s8  }
0x11: {  	[smem:$0x3FB0] =	sst s9;
	s0 =	simm.s32 @!p0 $0x0  }
0x12: {  	s1 =	sld [smem:$0x3F96];
	s0 =	simm.s32 @p0 $0x1  }
0x13: {  	[smem:$0x3FB1] =	sst s0;
	s0 =	simm.s32 @!p1 $0x0  }
0x14: {  	s2 =	sld [smem:$0x3F95];
	s0 =	simm.s32 @p1 $0x1  }
0x15: {  	[smem:$0x3FB2] =	sst s0;
	s0 =	simm.s32 @!p2 $0x0  }
0x16: {  	s3 =	sld [smem:$0x3FDB];
	s0 =	simm.s32 @p2 $0x1  }
0x17: {  	s4 =	simm.s32 $0x1BF5;
	[smem:$0x3FB4] =	sst s0  }
0x18: {  	s0 =	sld [smem:$0x3F97];
	_ =	swait.ge [sflag:s4], $0x0  }
0x19: {  	s7 =	sld [smem:$0x3F98]  }
0x1a: {  	s8 =	sadd.s32 $0xFFFFE003, lr  }
0x1b: {  	s9 =	sadd.s32 $0xFFFFFEF7, lr;
	s5 =	simm.s32 $0xFFFFFFFF;
	p2 =	slt.u32 s8, $0xFFFFF086  }
0x1c: {  	p1 =	slt.u32 s9, $0xF7A;
	s5 =	simm.s32 @!p2 $0x0  }
0x1d: {  	s5 =	simm.s32 @p1 $0x1;
	p0 =	seq.s32 s7, s2  }
0x1e: {  	s7 =	smul.u32 @!p0 $0xF7A, s2;
	p2 =	seq.s32 @!p0 s5, $0x0  }
0x1f: {  	s9 =	smul.u32 $0xF7A, s1;
	s8 =	simm.s32 @!p0 $0x1BF5;
	p2 =	por !p2, p0  }
0x20: {  	[sflag:s8] =	ssyncset.s32 @!p0 $0xFFFFF086;
	s6 =	sadd.s32 @!p0 s3, s7;
	s7 =	simm.s32 @!p0 $0x108  }
0x21: {  	s3 =	sadd.s32 s3, s9;
	s6 =	sadd.s32 @!p0 $0x88, s6;
	s7 =	simm.s32 @p2 $0x1082  }
0x22: {  	[simem:s7], [sflag:s8] =	dma.local @!p0 [hbm:s6], $0xF7A  }
0x23: {  	s9 =	sor.u32 $0xD0000000, s2;
	s6 =	simm.s32 $0x108;
	_ =	swait.ge @!p0 [sflag:s8], $0x0  }
0x24: {  	s3 =	sadd.s32 $0x88, s3;
	s6 =	simm.s32 @!p1 $0x1082;
	[sflag:s4] =	ssyncset.s32 $0xFFFFF086  }
0x25: {  	[simem:s6], [sflag:s4] =	dma.local [hbm:s3], $0xF7A  }
0x26: {  	[smem:$0x3F98] =	sst s1;
	(tag) =	ssettag s2;
	_ =	strace s9  }
0x27: {  	s1 =	sld [smem:$0x3FA8]  }
0x28: {  	s2 =	sld [smem:$0x3FA9]  }
0x29: {  	s4 =	sld [smem:$0x3FAB]  }
0x2a: {  	p0 =	seq.s32 s5, $0x0;
	s5 =	sld [smem:$0x3FAC]  }
0x2b: {  	s6 =	sld [smem:$0x3FAD]  }
0x2c: {  	s7 =	sld [smem:$0x3FAE]  }
0x2d: {  	s3 =	simm.s32 $0x108;
	s8 =	sld [smem:$0x3FAF]  }
0x2e: {  	s3 =	simm.s32 @!p0 $0x1082;
	s9 =	sld [smem:$0x3FB0]  }
0x2f: {  	lr =	sadd.s32 s0, s3;
	s0 =	sld [smem:$0x3FA7]  }
0x30: {  	s3 =	sld [smem:$0x3FAA]  }
0x31: {  	[smem:$0x3FB3] =	sst s10  }
0x32: {  	s10 =	sld [smem:$0x3FB1];
	_ =	sdelay $0x3  }
0x33: {  	p0 =	seq.s32 s10, $0x1;
	s10 =	sld [smem:$0x3FB3];
	_ =	sdelay $0x3  }
0x34: {  	[smem:$0x3FB3] =	sst s10  }
0x35: {  	s10 =	sld [smem:$0x3FB2];
	_ =	sdelay $0x3  }
0x36: {  	p1 =	seq.s32 s10, $0x1;
	s10 =	sld [smem:$0x3FB3];
	_ =	sdelay $0x3  }
0x37: {  	[smem:$0x3FB3] =	sst s10  }
0x38: {  	s10 =	sld [smem:$0x3FB4]  }
0x39: {  	_ = 	snop;
	(pc) =	sbr.ind lr, $3  }
0x3a: {  	_ = 	snop  }
0x3b: {  	_ = 	snop  }
0x3c: {  	p2 =	seq.s32 s10, $0x1;
	s10 =	sld [smem:$0x3FB3]  }
0x3d: {  	_ =	shalt  }
0x3e: {  	_ =	shalt  }
0x3f: {  	_ =	shalt  }
0x40: {  	_ =	shalt  }
0x41: {  	_ =	shalt  }
0x42: {  	_ =	shalt  }
0x43: {  	_ =	shalt  }
0x44: {  	_ =	shalt  }
0x45: {  	_ =	shalt  }
0x46: {  	_ =	shalt  }
0x47: {  	_ =	shalt  }
0x48: {  	_ =	shalt  }
0x49: {  	_ =	shalt  }
0x4a: {  	_ =	shalt  }
0x4b: {  	_ =	shalt  }
0x4c: {  	_ =	shalt  }
0x4d: {  	_ =	shalt  }
0x4e: {  	_ =	shalt  }
0x4f: {  	_ =	shalt  }
0x50: {  	_ =	shalt  }
0x51: {  	_ =	shalt  }
0x52: {  	_ =	shalt  }
0x53: {  	_ =	shalt  }
0x54: {  	_ =	shalt  }
0x55: {  	_ =	shalt  }
0x56: {  	_ =	shalt  }
0x57: {  	_ =	shalt  }
0x58: {  	_ =	shalt  }
0x59: {  	_ =	shalt  }
0x5a: {  	_ =	shalt  }
0x5b: {  	_ =	shalt  }
0x5c: {  	_ =	shalt  }
0x5d: {  	_ =	shalt  }
0x5e: {  	_ =	shalt  }
0x5f: {  	_ =	shalt  }
0x60: {  	_ =	shalt  }
0x61: {  	_ =	shalt  }
0x62: {  	_ =	shalt  }
0x63: {  	_ =	shalt  }
0x64: {  	_ =	shalt  }
0x65: {  	_ =	shalt  }
0x66: {  	_ =	shalt  }
0x67: {  	_ =	shalt  }
0x68: {  	_ =	shalt  }
0x69: {  	_ =	shalt  }
0x6a: {  	_ =	shalt  }
0x6b: {  	_ =	shalt  }
0x6c: {  	_ =	shalt  }
0x6d: {  	_ =	shalt  }
0x6e: {  	_ =	shalt  }
0x6f: {  	_ =	shalt  }
0x70: {  	_ =	shalt  }
0x71: {  	_ =	shalt  }
0x72: {  	_ =	shalt  }
0x73: {  	_ =	shalt  }
0x74: {  	_ =	shalt  }
0x75: {  	_ =	shalt  }
0x76: {  	_ =	shalt  }
0x77: {  	_ =	shalt  }
0x78: {  	_ =	shalt  }
0x79: {  	_ =	shalt  }
0x7a: {  	_ =	shalt  }
0x7b: {  	_ =	shalt  }
0x7c: {  	_ =	shalt  }
0x7d: {  	_ =	shalt  }
0x7e: {  	_ =	shalt  }
0x7f: {  	_ =	shalt  }
0x80: {  	_ =	shalt  }
0x81: {  	_ =	shalt  }
0x82: {  	_ =	shalt  }
0x83: {  	_ =	shalt  }
0x84: {  	_ =	shalt  }
0x85: {  	_ =	shalt  }
0x86: {  	_ =	shalt  }
0x87: {  	_ =	shalt  }
.Lfunc_end0:
.L_simem_size_0:
called_computation_lowered:
.L_overlay_start_0:
0x88: {  	s2 =	sld [smem:$0x3FD9]  }
0x89: {  	s3 =	sld [smem:$0x3FFE];
	_ =	sdelay $0x1  }
0x8a: {  	s1 =	srdreg.scid  }
0x8b: {  	s0 =	sand.u32 $0x1, s1  }
0x8c: {  	s14 =	sshll.u32 s0, $0xA;
	s2 =	sadd.s32 s3, s2  }
0x8d: {  	s2 =	sadd.s32 s2, s14  }
0x8e: {  	[smem:$0x3FBF] =	sst s2  }
0x8f: {  	_ = 	snop  }
0x90: {  	s2 =	sld [smem:$0x3FC9]  }
0x91: {  	s15 =	sld [smem:$0x3FD0]  }
0x92: {  	s4 =	sld [smem:$0x3FC8]  }
0x93: {  	s5 =	sld [smem:$0x3FC2]  }
0x94: {  	s7 =	simm.s32 $0xA;
	s8 =	simm.s32 $0x10;
	s6 =	sld [smem:$0x3FC1]  }
0x95: {  	[smem:s8], [sflag:s7] =	dma.local [hbm:s15], $0x1  }
0x96: {  	_ =	swait.eq [sflag:s7], $0x1  }
0x97: {  	s16 =	sld [smem:$0x10];
	[sflag:s7] =	ssyncset.done $0x0  }
0x98: {  	s17 =	sld [smem:$0x11];
	[sflag:s7] =	ssyncadd.s32 $0xFFFFFFFF  }
0x99: {  	s18 =	sld [smem:$0x12];
	(tm) =	ssettm $0x1  }
0x9a: {  	s9 =	sld [smem:$0x3FFB];
	_ =	sdelay $0x3  }
0x9b: {  	_ =	strace s9  }
0x9c: {  	s9 =	sld [smem:$0x3FFC];
	_ =	sdelay $0x3  }
0x9d: {  	_ =	strace s9  }
0x9e: {  	s9 =	sld [smem:$0x3FFD];
	_ =	sdelay $0x3  }
0x9f: {  	_ =	strace s9  }
0xa0: {  	_ =	strace $0x8FFFFFFF  }
0xa1: {  	s19 =	sld [smem:$0x3FDB];
	_ =	sdelay $0x1  }
0xa2: {  	s10 =	simm.s32 $_scs_section_size  }
0xa3: {  	s11 =	simm.s32 $_size__tile_overlayer_lowered;
	s12 =	simm.s32 $_tile_overlayer_lowered  }
0xa4: {  	s22 =	simm.s32 $0x1BFF;
	s21 =	sshll.u32 s12, $0x1;
	s9 =	sadd.s32 s10, s19  }
0xa5: {  	s13 =	simm.s32 $0x0;
	s20 =	sshll.u32 s11, $0x1;
	s11 =	sadd.s32 s21, s9  }
0xa6: {  	[timem:s13], [sflag:s22] =	dma.local [hbm:s11], s20  }
0xa7: {  	_ =	swait.ge [sflag:s22], s20  }
0xa8: {  	s10 =	ssub.s32 $0x0, s20;
	[sflag:s22] =	ssyncset.done $0x0  }
0xa9: {  	[sflag:s22] =	ssyncadd.s32 s10;
	_ =	sdelay $0x1  }
0xaa: {  	s23 =	simm.s32 $0x1B8B  }
0xab: {  	_ =	swait.ge [sflag:s23], $0x1  }
0xac: {  	[sflag:s23] =	ssyncset.done $0x0  }
0xad: {  	s25 =	simm.s32 $0x1B8E;
	s24 =	sld [smem:$0x3FFE];
	[sflag:s23] =	ssyncadd.s32 $0xFFFFFFFF  }
0xae: {  	s26 =	simm.s32 $execute0_lowered;
	[smem:$0x3FD2] =	sst s25  }
0xaf: {  	s11 =	sshll.u32 s26, $0x1;
	_ =	strace $0x80000046;
	[dreg:$0x1] =	wrdreg $0xFFFFFFFF  }
0xb0: {  	s28 =	simm.s32 $_size_execute0_lowered;
	s9 =	sadd.s32 s9, s11;
	[dreg:$0x0] =	wrdreg $0x0  }
0xb1: {  	s11 =	sshll.u32 s28, $0x1;
	[dreg:$0x2] =	wrdreg s9  }
0xb2: {  	[dreg:$0x3] =	wrdreg s11  }
0xb3: {  	[dreg:$0x4] =	wrdreg $0xC0  }
0xb4: {  	_ =	task [dreg:s13], $0x5FFFF  }
0xb5: {  	[dreg:$0x1] =	wrdreg $0xFFFFFFFF  }
0xb6: {  	[dreg:$0x0] =	wrdreg $0x60  }
0xb7: {  	[dreg:$0x2] =	wrdreg s2  }
0xb8: {  	[dreg:$0x3] =	wrdreg s4  }
0xb9: {  	[dreg:$0x4] =	wrdreg s18  }
0xba: {  	[dreg:$0x5] =	wrdreg s24  }
0xbb: {  	[dreg:$0x6] =	wrdreg s5  }
0xbc: {  	[dreg:$0x7] =	wrdreg s6  }
0xbd: {  	[dreg:$0x8] =	wrdreg s16  }
0xbe: {  	[dreg:$0x9] =	wrdreg s17  }
0xbf: {  	[dreg:$0xa] =	wrdreg $0x146000  }
0xc0: {  	[dreg:$0xb] =	wrdreg $0x1E4000  }
0xc1: {  	[dreg:$0xc] =	wrdreg $0x9  }
0xc2: {  	_ =	task.clear_ibuf [dreg:s13], $0xDFFFF;
	_ =	strace $0x90000046  }
0xc3: {  	s29 =	simm.s32 $0x9;
	_ =	strace $0x80000048  }
0xc4: {  	_ =	swait.ge [sflag:s29], $0x1  }
0xc5: {  	[sflag:s29] =	ssyncadd.s32 $0xFFFFFFFF  }
0xc6: {  	_ =	strace $0x90000048  }
0xc7: {  	_ =	sfence  }
0xc8: {  	s30 =	sld [smem:$0x0];
	_ =	sdelay $0x2  }
0xc9: {  	s31 =	sshll.u32 s1, $0xD;
	s1 =	sshrl.u32 s1, $0x2  }
0xca: {  	s3 =	sand.u32 $0x4000, s31;
	s1 =	sadd.s32 s1, s30  }
0xcb: {  	s0 =	sor.u32 s3, s0;
	s1 =	sshll.u32 s1, $0x11  }
0xcc: {  	s0 =	sor.u32 s1, s0  }
0xcd: {  	s0 =	sadd.s32 $0x8F2B, s0  }
0xce: {  	[sflag:s0] =	ssyncadd.remote.s32 $0x1  }
0xcf: {  	_ =	sfence.sel $0xFFFF  }
0xd0: {  	[dreg:$0x0] =	wrdreg $0xFFFFFFFF;
	(pc) =	sbr.abs _section_cstart, $3  }
0xd1: {  	[dreg:$0x1] =	wrdreg $0xFFFFFFFF  }
0xd2: {  	_ =	task.clear_ibuf [dreg:s13], $0x2FFFF;
	_ =	strace $0x9FFFFFFF  }
0xd3: {  	(tm) =	ssettm $0x7FFFFFFF  }
tec
execute0_lowered:
.L_overlay_start_1:
0x0: {  	(tag) =	ssettag $0x1  }
0x1: {  	s0 =	rddreg [dreg:$0x0]  }
0x2: {  	s1 =	rddreg [dreg:$0x1]  }
0x3: {  	s2 =	rddreg [dreg:$0x2]  }
0x4: {  	s3 =	rddreg [dreg:$0x3]  }
0x5: {  	s4 =	rddreg [dreg:$0x6]  }
0x6: {  	s5 =	rddreg [dreg:$0x7];
	s18 =	stileid.u32  }
0x7: {  	s6 =	rddreg [dreg:$0x8];
	s9 =	smul.u32 $0x50, s18  }
0x8: {  	s7 =	rddreg [dreg:$0x9];
	s10 =	smul.u32 $0xA00, s18  }
0x9: {  	s11 =	srdreg.scid;
	s13 =	smul.u32 $0x278, s18  }
0xa: {  	s8 =	simm.s32 $0x0;
	s28 =	simm.s32 $0x4;
	s16 =	smul.u32 $0x9E00, s18  }
0xb: {  	s12 =	sand.u32 $0x1, s11;
	s25 =	sshll.u32 s18, $0x6;
	s18 =	smul.u32 $0xA000, s18  }
0xc: {  	s29 =	simm.s32 $0x10600;
	[smem:$0x7FF] =	sst s8;
	s11 =	smul.u32 $0x2780, s12  }
0xd: {  	s15 =	sadd.s32 $0x1000, s3;
	_ =	strace $0x80000047;
	s17 =	smul.u32 $0xA0000, s12  }
0xe: {  	[dreg:$0xb] =	wrdreg s15;
	s23 =	ssub.s32 $0x2, s12;
	s26 =	smul.u32 $0x9E000, s12  }
0xf: {  	s14 =	sadd.s32 s9, s3;
	s10 =	sadd.s32 s10, s3;
	s19 =	sadd.s32 s16, s6  }
0x10: {  	s24 =	sshrl.u32 s23, $0x1;
	s2 =	sadd.s32 s2, s9;
	[dreg:$0xc] =	wrdreg s19  }
0x11: {  	s11 =	sadd.s32 s13, s11;
	s13 =	sadd.s32 s13, s7;
	[dreg:$0xe] =	wrdreg s2  }
0x12: {  	s15 =	ssub.s32 s23, s24;
	s21 =	sadd.s32 $0xA00, s14;
	[dreg:$0xd] =	wrdreg s13  }
0x13: {  	s20 =	sadd.s32 s18, s17;
	s24 =	sadd.s32 $0x2400, s10;
	[dreg:$0xf] =	wrdreg s21  }
0x14: {  	s22 =	sadd.s32 s16, s26;
	s16 =	sadd.s32 $0x2500, s10;
	[dreg:$0x11] =	wrdreg s24  }
0x15: {  	s11 =	sshrl.u32 s11, $0x3;
	s9 =	sshrl.u32 s22, $0x3;
	[dreg:$0x17] =	wrdreg s16  }
0x16: {  	s3 =	sadd.s32 s11, s3;
	s11 =	sor.u32 $0x1C07, s25;
	s25 =	sadd.s32 s5, s9  }
0x17: {  	s2 =	sshrl.u32 s20, $0x3;
	s9 =	sadd.s32 $0xC400, s10;
	[dreg:$0x12] =	wrdreg s25  }
0x18: {  	s30 =	simm.s32 $0x5;
	s14 =	sadd.s32 s4, s2;
	[dreg:$0x15] =	wrdreg s9  }
0x19: {  	s31 =	simm.s32 $0x6;
	s26 =	sadd.s32 $0x16400, s3;
	[dreg:$0x10] =	wrdreg s14  }
0x1a: {  	s23 =	sshrl.u32 s17, $0x3;
	s3 =	smax.u32 s15, $0x1;
	[dreg:$0x13] =	wrdreg s26  }
0x1b: {  	s17 =	sadd.s32 s4, s23;
	s15 =	sadd.s32 $0xC500, s10;
	[dreg:$0x14] =	wrdreg s3  }
0x1c: {  	s16 =	simm.s32 $0x500;
	s18 =	sadd.s32 $0x200, s14;
	[dreg:$0x16] =	wrdreg s15  }
0x1d: {  	s4 =	sshll.u32 s12, $0x6;
	s19 =	sadd.s32 $0x400, s14;
	[dreg:$0x18] =	wrdreg s18  }
0x1e: {  	s2 =	simm.s32 $0x7;
	s20 =	sadd.s32 $0x600, s14;
	[dreg:$0x19] =	wrdreg s19  }
0x1f: {  	s5 =	sor.u32 $0x520, s4;
	s21 =	sadd.s32 $0x800, s14;
	[dreg:$0x1a] =	wrdreg s20  }
0x20: {  	s12 =	sor.u32 $0x2500, s4;
	s22 =	sadd.s32 $0xA00, s14;
	[dreg:$0x1b] =	wrdreg s21  }
0x21: {  	s13 =	sor.u32 $0x6500, s4;
	s23 =	sadd.s32 $0xC00, s14;
	[dreg:$0x1c] =	wrdreg s22  }
0x22: {  	s24 =	sadd.s32 $0xE00, s14;
	s25 =	sadd.s32 $0x1000, s14;
	[dreg:$0x1d] =	wrdreg s23  }
0x23: {  	s10 =	simm.s32 $0x40;
	s9 =	simm.s32 $0x9500;
	[dreg:$0x1e] =	wrdreg s24  }
.Ltmp0:
0x24: {  	s3 =	sor.u32 $0x4520, s4;
	[dreg:$0x1f] =	wrdreg s25;
	(pc) =	sbr.rel .LBB2_1-.Ltmp0, $4  }
0x25: {  	s26 =	sadd.s32 $0x1200, s14;
	s4 =	simm.s32 $0xC500;
	s18 =	simm.s32 $0x4500  }
0x26: {  	s14 =	simm.s32 $0x1;
	s24 =	simm.s32 $0x2500;
	s19 =	simm.s32 $0x8500  }
0x27: {  	s20 =	simm.s32 $0x2;
	s21 =	simm.s32 $0x100;
	s25 =	simm.s32 $0x3;
	v0 =	vmov s5  }
0x28: {  	v2 =	vmov s12;
	v3 =	vmov s13;
	[smem:$0x7FD] =	sst s26;
	s26 =	simm.s32 $0xC600;
	v1 =	vmov s3;
	s3 =	simm.s32 $0x0  }
.LBB2_23:
0x29: {  	s12 =	sadd.s32 $0xB500, s13  }
0x2a: {  	[spmem:s6] =	stream.indirect.scatter.add.f32 [tilespmem:s29], [sflag:$0x5], $0x40, s12, s21, $0xb8;
	[tilespmem:$0x1E678] =	vst v63  }
0x2b: {  	_ = 	snop  }
0x2c: {  	[spmem:s7] =	stream.indirect.scatter.add.f32 [tilespmem:s4], [sflag:$0x6], $0x1, s12, s21, $0xb8;
	[tilespmem:$0x1E678] =	vst v63  }
.LBB2_25:
0x2d: {  	_ =	swait.ge [sflag:s30], $0x4000  }
0x2e: {  	[sflag:s30] =	ssyncset.done $0x0  }
0x2f: {  	[sflag:s30] =	ssyncadd.s32 $0xFFFFC000  }
0x30: {  	_ =	swait.ge [sflag:s31], $0x800  }
0x31: {  	[sflag:s31] =	ssyncset.done $0x0  }
0x32: {  	[sflag:s31] =	ssyncadd.s32 $0xFFFFF800  }
0x33: {  	_ =	swait.ge [sflag:s31], $0x800  }
0x34: {  	[sflag:s31] =	ssyncset.done $0x0  }
0x35: {  	[sflag:s31] =	ssyncadd.s32 $0xFFFFF800  }
0x36: {  	_ =	swait.ge [sflag:s31], $0x800  }
0x37: {  	[sflag:s31] =	ssyncset.done $0x0  }
0x38: {  	[sflag:s31] =	ssyncadd.s32 $0xFFFFF800  }
0x39: {  	_ =	swait.ge [sflag:s31], $0x800  }
0x3a: {  	[sflag:s31] =	ssyncset.done $0x0  }
0x3b: {  	[sflag:s31] =	ssyncadd.s32 $0xFFFFF800  }
0x3c: {  	_ =	swait.ge [sflag:s31], $0x800  }
0x3d: {  	[sflag:s31] =	ssyncset.done $0x0  }
0x3e: {  	[sflag:s31] =	ssyncadd.s32 $0xFFFFF800  }
0x3f: {  	_ =	swait.ge [sflag:s31], $0x800  }
0x40: {  	[sflag:s31] =	ssyncset.done $0x0  }
0x41: {  	[sflag:s31] =	ssyncadd.s32 $0xFFFFF800  }
0x42: {  	_ =	swait.ge [sflag:s31], $0x800  }
0x43: {  	[sflag:s31] =	ssyncset.done $0x0  }
0x44: {  	[sflag:s31] =	ssyncadd.s32 $0xFFFFF800  }
0x45: {  	_ =	swait.ge [sflag:s31], $0x800  }
0x46: {  	[sflag:s31] =	ssyncset.done $0x0  }
0x47: {  	[sflag:s31] =	ssyncadd.s32 $0xFFFFF800  }
0x48: {  	_ =	swait.ge [sflag:s31], $0x800  }
0x49: {  	[sflag:s31] =	ssyncset.done $0x0  }
0x4a: {  	[sflag:s31] =	ssyncadd.s32 $0xFFFFF800  }
0x4b: {  	_ =	swait.ge [sflag:s31], $0x800  }
0x4c: {  	[sflag:s31] =	ssyncset.done $0x0  }
0x4d: {  	[sflag:s31] =	ssyncadd.s32 $0xFFFFF800  }
0x4e: {  	[bflag:$0x0] =	sbarrier.arrive $0xFFFF  }
0x4f: {  	s12 =	rddreg [dreg:$0x12]  }
0x50: {  	[hbm:s12], [sflag:s11] =	dma.local [spmem:s5], $0x13C0  }
0x51: {  	_ =	swait.ge [sflag:s2], $0x13C0  }
0x52: {  	[sflag:s2] =	ssyncset.done $0x0  }
0x53: {  	s23 =	rddreg [dreg:$0x13];
	[sflag:s2] =	ssyncadd.s32 $0xFFFFEC40  }
0x54: {  	[hbm:s23], [sflag:s11] =	dma.local [spmem:s22], $0x4F  }
0x55: {  	_ =	swait.ge [sflag:s2], $0x4F  }
0x56: {  	s3 =	sadd.s32 $0x1, s3;
	s24 =	rddreg [dreg:$0x14]  }
0x57: {  	p0 =	sne.s32 s3, s24  }
.Ltmp1:
0x58: {  	_ = 	snop;
	(pc) =	sbr.rel @!p0 .LBB2_26-.Ltmp1, $3  }
0x59: {  	_ =	sdelay $0x1  }
0x5a: {  	s16 =	simm.s32 $0x500;
	[sflag:s2] =	ssyncset.done $0x0  }
0x5b: {  	s18 =	simm.s32 $0x4500;
	[sflag:s2] =	ssyncadd.s32 $0xFFFFFFB1;
	s24 =	simm.s32 $0x2500  }
.LBB2_1:
0x5c: {  	s5 =	rddreg [dreg:$0xc]  }
0x5d: {  	s12 =	rddreg [dreg:$0xb];
	s5 =	sshrl.u32 s5, $0x3  }
0x5e: {  	[spmem:s5], [sflag:s11] =	dma.local [hbm:s12], $0x13C0  }
0x5f: {  	_ =	swait.ge [sflag:s2], $0x13C0  }
0x60: {  	[sflag:s2] =	ssyncset.done $0x0  }
0x61: {  	s22 =	rddreg [dreg:$0xd];
	[sflag:s2] =	ssyncadd.s32 $0xFFFFEC40  }
0x62: {  	s22 =	sshrl.u32 s22, $0x3;
	s23 =	rddreg [dreg:$0x4]  }
0x63: {  	[spmem:s22], [sflag:s11] =	dma.local [hbm:s23], $0x4F  }
0x64: {  	_ =	swait.ge [sflag:s2], $0x4F  }
0x65: {  	[sflag:s2] =	ssyncset.done $0x0  }
0x66: {  	[sflag:s2] =	ssyncadd.s32 $0xFFFFFFB1  }
0x67: {  	s13 =	rddreg [dreg:$0x5]  }
0x68: {  	[tilespmem:s4], [sflag:$0x7] =	stream.linear.gather [hbm4b:s13+s8], $0x100, $0x38;
	[tilespmem:$0x1E678] =	vst v63  }
0x69: {  	_ =	swait.ge [sflag:s2], $0x100  }
0x6a: {  	[sflag:s2] =	ssyncset.done $0x0  }
0x6b: {  	s15 =	rddreg [dreg:$0xe];
	[sflag:s2] =	ssyncadd.s32 $0xFFFFFF00  }
0x6c: {  	[tilespmem:s8], [sflag:$0x7] =	stream.linear.gather [hbm4b:s15+s8], $0x280, $0x38;
	[tilespmem:$0x1E678] =	vst v63  }
0x6d: {  	_ =	swait.ge [sflag:s2], $0x280  }
0x6e: {  	[sflag:s2] =	ssyncset.done $0x0  }
0x6f: {  	s13 =	simm.s32 $0x280;
	s23 =	rddreg [dreg:$0xf];
	[sflag:s2] =	ssyncadd.s32 $0xFFFFFD80  }
0x70: {  	[tilespmem:s13], [sflag:$0x7] =	stream.linear.gather [hbm4b:s23+s8], $0x280, $0x38;
	[tilespmem:$0x1E678] =	vst v63  }
0x71: {  	_ =	swait.ge [sflag:s2], $0x280  }
0x72: {  	[sflag:s2] =	ssyncset.done $0x0  }
0x73: {  	[sflag:s2] =	ssyncadd.s32 $0xFFFFFD80  }
0x74: {  	[tilespmem:s16], [sflag:$0x1] =	stream.indirect.gather [hbm4b:s0+s10], $0x80, s8, s10, $0xb8;
	[tilespmem:$0x1E678] =	vst v63  }
0x75: {  	_ = 	snop  }
0x76: {  	[tilespmem:s18], [sflag:$0x1] =	stream.indirect.gather [hbm4b:s1+s10], $0x80, s13, s10, $0xb8;
	[tilespmem:$0x1E678] =	vst v63  }
0x77: {  	_ =	swait.ge [sflag:s14], $0x2000  }
0x78: {  	[sflag:s14] =	ssyncset.done $0x0  }
0x79: {  	[sflag:s14] =	ssyncadd.s32 $0xFFFFE000  }
0x7a: {  	_ =	swait.ge [sflag:s14], $0x2000  }
0x7b: {  	[sflag:s14] =	ssyncset.done $0x0  }
0x7c: {  	[sflag:s14] =	ssyncadd.s32 $0xFFFFE000  }
0x7d: {  	[tilespmem:s24], [sflag:$0x1] =	stream.indirect.gather [hbm4b:s0+s10], $0x80, s10, s10, $0xb8;
	[tilespmem:$0x1E678] =	vst v63  }
0x7e: {  	s15 =	simm.s32 $0x2C0;
	s23 =	simm.s32 $0x6500  }
0x7f: {  	[tilespmem:s23], [sflag:$0x1] =	stream.indirect.gather [hbm4b:s1+s10], $0x80, s15, s10, $0xb8;
	[tilespmem:$0x1E678] =	vst v63  }
0x80: {  	s15 =	simm.s32 $0x0  }
0x81: {  	v4 =	vld.idx.msk [tilespmem:v0+s15+$0xFFFFFFE0 ss:$0x1], $0xffff  }
0x82: {  	v5 =	vld.idx.msk [tilespmem:v1+s15+$0xFFFFFFE0 ss:$0x1], $0xffff;
	_ =	sdelay $0x4  }
0x83: {  	v4 =	vadd.f32 v5, v4;
	_ =	sdelay $0x1  }
0x84: {  	s12 =	simm.s32 $0x8520;
	v4 =	vmax.f32 v4, $0.0e+00  }
0x85: {  	[tilespmem:s12+$0xFFFFFFE0] =	vst v4  }
0x86: {  	v4 =	vld.idx.msk [tilespmem:v0+s15+$0xFFFFFFF0 ss:$0x1], $0xffff  }
0x87: {  	v5 =	vld.idx.msk [tilespmem:v1+s15+$0xFFFFFFF0 ss:$0x1], $0xffff;
	_ =	sdelay $0x4  }
0x88: {  	v4 =	vadd.f32 v5, v4;
	_ =	sdelay $0x1  }
0x89: {  	v4 =	vmax.f32 v4, $0.0e+00  }
0x8a: {  	[tilespmem:s12+$0xFFFFFFF0] =	vst v4  }
0x8b: {  	v4 =	vld.idx.msk [tilespmem:v0+s15+$0x0 ss:$0x1], $0xffff  }
0x8c: {  	v5 =	vld.idx.msk [tilespmem:v1+s15+$0x0 ss:$0x1], $0xffff;
	_ =	sdelay $0x4  }
0x8d: {  	v4 =	vadd.f32 v5, v4;
	_ =	sdelay $0x1  }
0x8e: {  	v4 =	vmax.f32 v4, $0.0e+00  }
0x8f: {  	[tilespmem:s12+$0x0] =	vst v4  }
0x90: {  	v4 =	vld.idx.msk [tilespmem:v0+s15+$0x10 ss:$0x1], $0xffff  }
0x91: {  	s23 =	simm.s32 $0x200;
	v5 =	vld.idx.msk [tilespmem:v1+s15+$0x10 ss:$0x1], $0xffff;
	s15 =	simm.s32 $0x8520  }
.LBB2_2:
0x92: {  	_ =	sdelay $0x1  }
0x93: {  	p0 =	sne.s32 s23, $0x7E00  }
0x94: {  	s12 =	sadd.s32 $0x40, s12;
	s13 =	smov.u32 s23;
	s23 =	sadd.s32 $0x200, s23  }
0x95: {  	v4 =	vadd.f32 v5, v4;
	_ =	sdelay $0x1  }
0x96: {  	v4 =	vmax.f32 v4, $0.0e+00  }
0x97: {  	s13 =	sshra.s32 s13, $0x2;
	[tilespmem:s15+$0x10] =	vst v4;
	s15 =	smov.u32 s12  }
0x98: {  	v4 =	vld.idx.msk [tilespmem:v0+s13+$0xFFFFFFE0 ss:$0x1], $0xffff  }
0x99: {  	v5 =	vld.idx.msk [tilespmem:v1+s13+$0xFFFFFFE0 ss:$0x1], $0xffff;
	_ =	sdelay $0x5  }
0x9a: {  	v4 =	vadd.f32 v5, v4;
	_ =	sdelay $0x1  }
0x9b: {  	v4 =	vmax.f32 v4, $0.0e+00  }
0x9c: {  	[tilespmem:s12+$0xFFFFFFE0] =	vst v4  }
0x9d: {  	v4 =	vld.idx.msk [tilespmem:v0+s13+$0xFFFFFFF0 ss:$0x1], $0xffff  }
0x9e: {  	v5 =	vld.idx.msk [tilespmem:v1+s13+$0xFFFFFFF0 ss:$0x1], $0xffff;
	_ =	sdelay $0x5  }
0x9f: {  	v4 =	vadd.f32 v5, v4;
	_ =	sdelay $0x1  }
0xa0: {  	v4 =	vmax.f32 v4, $0.0e+00  }
0xa1: {  	[tilespmem:s12+$0xFFFFFFF0] =	vst v4  }
0xa2: {  	v4 =	vld.idx.msk [tilespmem:v0+s13+$0x0 ss:$0x1], $0xffff  }
0xa3: {  	v5 =	vld.idx.msk [tilespmem:v1+s13+$0x0 ss:$0x1], $0xffff;
	_ =	sdelay $0x5  }
0xa4: {  	v4 =	vadd.f32 v5, v4  }
.Ltmp2:
0xa5: {  	(pc) =	sbr.rel @p0 .LBB2_2-.Ltmp2, $4  }
0xa6: {  	v4 =	vmax.f32 v4, $0.0e+00  }
0xa7: {  	[tilespmem:s12+$0x0] =	vst v4  }
0xa8: {  	v4 =	vld.idx.msk [tilespmem:v0+s13+$0x10 ss:$0x1], $0xffff  }
0xa9: {  	v5 =	vld.idx.msk [tilespmem:v1+s13+$0x10 ss:$0x1], $0xffff  }
0xaa: {  	_ =	sdelay $0x3  }
0xab: {  	v4 =	vadd.f32 v5, v4;
	_ =	sdelay $0x1  }
0xac: {  	v4 =	vmax.f32 v4, $0.0e+00  }
0xad: {  	s12 =	simm.s32 $0x0;
	s13 =	rddreg [dreg:$0x10];
	[tilespmem:s15+$0x10] =	vst v4  }
0xae: {  	[hbm4b:s13+s12] =	stream.linear.scatter [tilespmem:s19], [sflag:$0x2], $0x1000, $0x38;
	[tilespmem:$0x1E678] =	vst v63  }
0xaf: {  	_ =	swait.ge [sflag:s14], $0x2000  }
0xb0: {  	[sflag:s14] =	ssyncset.done $0x0  }
0xb1: {  	[sflag:s14] =	ssyncadd.s32 $0xFFFFE000  }
0xb2: {  	_ =	swait.ge [sflag:s14], $0x2000  }
0xb3: {  	[sflag:s14] =	ssyncset.done $0x0  }
0xb4: {  	s23 =	simm.s32 $0x80;
	[sflag:s14] =	ssyncadd.s32 $0xFFFFE000  }
0xb5: {  	[tilespmem:s16], [sflag:$0x1] =	stream.indirect.gather [hbm4b:s0+s10], $0x80, s23, s10, $0xb8;
	[tilespmem:$0x1E678] =	vst v63  }
0xb6: {  	s15 =	simm.s32 $0x0;
	s13 =	simm.s32 $0x300  }
0xb7: {  	[tilespmem:s18], [sflag:$0x1] =	stream.indirect.gather [hbm4b:s1+s10], $0x80, s13, s10, $0xb8;
	[tilespmem:$0x1E678] =	vst v63  }
0xb8: {  	v4 =	vld.idx.msk [tilespmem:v2+s15+$0x0 ss:$0x1], $0xffff  }
0xb9: {  	v5 =	vld.idx.msk [tilespmem:v3+s15+$0x0 ss:$0x1], $0xffff;
	_ =	sdelay $0x4  }
0xba: {  	v4 =	vadd.f32 v5, v4;
	_ =	sdelay $0x1  }
0xbb: {  	s12 =	simm.s32 $0x9530;
	v4 =	vmax.f32 v4, $0.0e+00  }
0xbc: {  	[tilespmem:s12+$0xFFFFFFD0] =	vst v4  }
0xbd: {  	v4 =	vld.idx.msk [tilespmem:v2+s15+$0x10 ss:$0x1], $0xffff  }
0xbe: {  	v5 =	vld.idx.msk [tilespmem:v3+s15+$0x10 ss:$0x1], $0xffff;
	_ =	sdelay $0x4  }
0xbf: {  	v4 =	vadd.f32 v5, v4;
	_ =	sdelay $0x1  }
0xc0: {  	v4 =	vmax.f32 v4, $0.0e+00  }
0xc1: {  	[tilespmem:s12+$0xFFFFFFE0] =	vst v4  }
0xc2: {  	v4 =	vld.idx.msk [tilespmem:v2+s15+$0x20 ss:$0x1], $0xffff  }
0xc3: {  	v5 =	vld.idx.msk [tilespmem:v3+s15+$0x20 ss:$0x1], $0xffff;
	_ =	sdelay $0x4  }
0xc4: {  	v4 =	vadd.f32 v5, v4;
	_ =	sdelay $0x1  }
0xc5: {  	v4 =	vmax.f32 v4, $0.0e+00  }
0xc6: {  	[tilespmem:s12+$0xFFFFFFF0] =	vst v4  }
0xc7: {  	v4 =	vld.idx.msk [tilespmem:v2+s15+$0x30 ss:$0x1], $0xffff  }
0xc8: {  	s23 =	simm.s32 $0x200;
	v5 =	vld.idx.msk [tilespmem:v3+s15+$0x30 ss:$0x1], $0xffff;
	s15 =	simm.s32 $0x9530  }
.LBB2_4:
0xc9: {  	_ =	sdelay $0x1  }
0xca: {  	p0 =	sne.s32 s23, $0x7E00  }
0xcb: {  	s12 =	sadd.s32 $0x40, s12;
	s13 =	smov.u32 s23;
	s23 =	sadd.s32 $0x200, s23  }
0xcc: {  	v4 =	vadd.f32 v5, v4;
	_ =	sdelay $0x1  }
0xcd: {  	v4 =	vmax.f32 v4, $0.0e+00  }
0xce: {  	s13 =	sshra.s32 s13, $0x2;
	[tilespmem:s15+$0x0] =	vst v4;
	s15 =	smov.u32 s12  }
0xcf: {  	v4 =	vld.idx.msk [tilespmem:v2+s13+$0x0 ss:$0x1], $0xffff  }
0xd0: {  	v5 =	vld.idx.msk [tilespmem:v3+s13+$0x0 ss:$0x1], $0xffff;
	_ =	sdelay $0x5  }
0xd1: {  	v4 =	vadd.f32 v5, v4;
	_ =	sdelay $0x1  }
0xd2: {  	v4 =	vmax.f32 v4, $0.0e+00  }
0xd3: {  	[tilespmem:s12+$0xFFFFFFD0] =	vst v4  }
0xd4: {  	v4 =	vld.idx.msk [tilespmem:v2+s13+$0x10 ss:$0x1], $0xffff  }
0xd5: {  	v5 =	vld.idx.msk [tilespmem:v3+s13+$0x10 ss:$0x1], $0xffff;
	_ =	sdelay $0x5  }
0xd6: {  	v4 =	vadd.f32 v5, v4;
	_ =	sdelay $0x1  }
0xd7: {  	v4 =	vmax.f32 v4, $0.0e+00  }
0xd8: {  	[tilespmem:s12+$0xFFFFFFE0] =	vst v4  }
0xd9: {  	v4 =	vld.idx.msk [tilespmem:v2+s13+$0x20 ss:$0x1], $0xffff  }
0xda: {  	v5 =	vld.idx.msk [tilespmem:v3+s13+$0x20 ss:$0x1], $0xffff;
	_ =	sdelay $0x5  }
0xdb: {  	v4 =	vadd.f32 v5, v4  }
.Ltmp3:
0xdc: {  	(pc) =	sbr.rel @p0 .LBB2_4-.Ltmp3, $4  }
0xdd: {  	v4 =	vmax.f32 v4, $0.0e+00  }
0xde: {  	[tilespmem:s12+$0xFFFFFFF0] =	vst v4  }
0xdf: {  	v4 =	vld.idx.msk [tilespmem:v2+s13+$0x30 ss:$0x1], $0xffff  }
0xe0: {  	v5 =	vld.idx.msk [tilespmem:v3+s13+$0x30 ss:$0x1], $0xffff  }
0xe1: {  	_ =	sdelay $0x3  }
0xe2: {  	v4 =	vadd.f32 v5, v4;
	_ =	sdelay $0x1  }
0xe3: {  	v4 =	vmax.f32 v4, $0.0e+00  }
0xe4: {  	s12 =	simm.s32 $0x0;
	s13 =	rddreg [dreg:$0x18];
	[tilespmem:s15+$0x0] =	vst v4  }
0xe5: {  	[hbm4b:s13+s12] =	stream.linear.scatter [tilespmem:s9], [sflag:$0x2], $0x1000, $0x38;
	[tilespmem:$0x1E678] =	vst v63  }
0xe6: {  	_ =	swait.ge [sflag:s14], $0x2000  }
0xe7: {  	[sflag:s14] =	ssyncset.done $0x0  }
0xe8: {  	[sflag:s14] =	ssyncadd.s32 $0xFFFFE000  }
0xe9: {  	_ =	swait.ge [sflag:s14], $0x2000  }
0xea: {  	[sflag:s14] =	ssyncset.done $0x0  }
0xeb: {  	s13 =	simm.s32 $0xC0;
	[sflag:s14] =	ssyncadd.s32 $0xFFFFE000  }
0xec: {  	[tilespmem:s24], [sflag:$0x1] =	stream.indirect.gather [hbm4b:s0+s10], $0x80, s13, s10, $0xb8;
	[tilespmem:$0x1E678] =	vst v63  }
0xed: {  	s23 =	simm.s32 $0x340;
	s15 =	simm.s32 $0x6500  }
0xee: {  	[tilespmem:s15], [sflag:$0x1] =	stream.indirect.gather [hbm4b:s1+s10], $0x80, s23, s10, $0xb8;
	[tilespmem:$0x1E678] =	vst v63  }
0xef: {  	_ =	swait.ge [sflag:s20], $0x1000  }
0xf0: {  	[sflag:s20] =	ssyncset.done $0x0  }
0xf1: {  	s15 =	simm.s32 $0x0;
	[sflag:s20] =	ssyncadd.s32 $0xFFFFF000  }
0xf2: {  	v4 =	vld.idx.msk [tilespmem:v0+s15+$0xFFFFFFE0 ss:$0x1], $0xffff  }
0xf3: {  	v5 =	vld.idx.msk [tilespmem:v1+s15+$0xFFFFFFE0 ss:$0x1], $0xffff;
	_ =	sdelay $0x4  }
0xf4: {  	v4 =	vadd.f32 v5, v4;
	_ =	sdelay $0x1  }
0xf5: {  	s12 =	simm.s32 $0x8520;
	v4 =	vmax.f32 v4, $0.0e+00  }
0xf6: {  	[tilespmem:s12+$0xFFFFFFE0] =	vst v4  }
0xf7: {  	v4 =	vld.idx.msk [tilespmem:v0+s15+$0xFFFFFFF0 ss:$0x1], $0xffff  }
0xf8: {  	v5 =	vld.idx.msk [tilespmem:v1+s15+$0xFFFFFFF0 ss:$0x1], $0xffff;
	_ =	sdelay $0x4  }
0xf9: {  	v4 =	vadd.f32 v5, v4;
	_ =	sdelay $0x1  }
0xfa: {  	v4 =	vmax.f32 v4, $0.0e+00  }
0xfb: {  	[tilespmem:s12+$0xFFFFFFF0] =	vst v4  }
0xfc: {  	v4 =	vld.idx.msk [tilespmem:v0+s15+$0x0 ss:$0x1], $0xffff  }
0xfd: {  	v5 =	vld.idx.msk [tilespmem:v1+s15+$0x0 ss:$0x1], $0xffff;
	_ =	sdelay $0x4  }
0xfe: {  	v4 =	vadd.f32 v5, v4;
	_ =	sdelay $0x1  }
0xff: {  	v4 =	vmax.f32 v4, $0.0e+00  }
0x100: {  	[tilespmem:s12+$0x0] =	vst v4  }
0x101: {  	v4 =	vld.idx.msk [tilespmem:v0+s15+$0x10 ss:$0x1], $0xffff  }
0x102: {  	s23 =	simm.s32 $0x200;
	v5 =	vld.idx.msk [tilespmem:v1+s15+$0x10 ss:$0x1], $0xffff;
	s15 =	simm.s32 $0x8520  }
.LBB2_6:
0x103: {  	_ =	sdelay $0x1  }
0x104: {  	p0 =	sne.s32 s23, $0x7E00  }
0x105: {  	s12 =	sadd.s32 $0x40, s12;
	s13 =	smov.u32 s23;
	s23 =	sadd.s32 $0x200, s23  }
0x106: {  	v4 =	vadd.f32 v5, v4;
	_ =	sdelay $0x1  }
0x107: {  	v4 =	vmax.f32 v4, $0.0e+00  }
0x108: {  	s13 =	sshra.s32 s13, $0x2;
	[tilespmem:s15+$0x10] =	vst v4;
	s15 =	smov.u32 s12  }
0x109: {  	v4 =	vld.idx.msk [tilespmem:v0+s13+$0xFFFFFFE0 ss:$0x1], $0xffff  }
0x10a: {  	v5 =	vld.idx.msk [tilespmem:v1+s13+$0xFFFFFFE0 ss:$0x1], $0xffff;
	_ =	sdelay $0x5  }
0x10b: {  	v4 =	vadd.f32 v5, v4;
	_ =	sdelay $0x1  }
0x10c: {  	v4 =	vmax.f32 v4, $0.0e+00  }
0x10d: {  	[tilespmem:s12+$0xFFFFFFE0] =	vst v4  }
0x10e: {  	v4 =	vld.idx.msk [tilespmem:v0+s13+$0xFFFFFFF0 ss:$0x1], $0xffff  }
0x10f: {  	v5 =	vld.idx.msk [tilespmem:v1+s13+$0xFFFFFFF0 ss:$0x1], $0xffff;
	_ =	sdelay $0x5  }
0x110: {  	v4 =	vadd.f32 v5, v4;
	_ =	sdelay $0x1  }
0x111: {  	v4 =	vmax.f32 v4, $0.0e+00  }
0x112: {  	[tilespmem:s12+$0xFFFFFFF0] =	vst v4  }
0x113: {  	v4 =	vld.idx.msk [tilespmem:v0+s13+$0x0 ss:$0x1], $0xffff  }
0x114: {  	v5 =	vld.idx.msk [tilespmem:v1+s13+$0x0 ss:$0x1], $0xffff;
	_ =	sdelay $0x5  }
0x115: {  	v4 =	vadd.f32 v5, v4  }
.Ltmp4:
0x116: {  	(pc) =	sbr.rel @p0 .LBB2_6-.Ltmp4, $4  }
0x117: {  	v4 =	vmax.f32 v4, $0.0e+00  }
0x118: {  	[tilespmem:s12+$0x0] =	vst v4  }
0x119: {  	v4 =	vld.idx.msk [tilespmem:v0+s13+$0x10 ss:$0x1], $0xffff  }
0x11a: {  	v5 =	vld.idx.msk [tilespmem:v1+s13+$0x10 ss:$0x1], $0xffff  }
0x11b: {  	_ =	sdelay $0x3  }
0x11c: {  	v4 =	vadd.f32 v5, v4;
	_ =	sdelay $0x1  }
0x11d: {  	v4 =	vmax.f32 v4, $0.0e+00  }
0x11e: {  	s12 =	simm.s32 $0x0;
	s13 =	rddreg [dreg:$0x19];
	[tilespmem:s15+$0x10] =	vst v4  }
0x11f: {  	[hbm4b:s13+s12] =	stream.linear.scatter [tilespmem:s19], [sflag:$0x2], $0x1000, $0x38;
	[tilespmem:$0x1E678] =	vst v63  }
0x120: {  	_ =	swait.ge [sflag:s14], $0x2000  }
0x121: {  	[sflag:s14] =	ssyncset.done $0x0  }
0x122: {  	[sflag:s14] =	ssyncadd.s32 $0xFFFFE000  }
0x123: {  	_ =	swait.ge [sflag:s14], $0x2000  }
0x124: {  	[sflag:s14] =	ssyncset.done $0x0  }
0x125: {  	[sflag:s14] =	ssyncadd.s32 $0xFFFFE000  }
0x126: {  	[tilespmem:s16], [sflag:$0x1] =	stream.indirect.gather [hbm4b:s0+s10], $0x80, s21, s10, $0xb8;
	[tilespmem:$0x1E678] =	vst v63  }
0x127: {  	s13 =	simm.s32 $0x380  }
0x128: {  	[tilespmem:s18], [sflag:$0x1] =	stream.indirect.gather [hbm4b:s1+s10], $0x80, s13, s10, $0xb8;
	[tilespmem:$0x1E678] =	vst v63  }
0x129: {  	_ =	swait.ge [sflag:s20], $0x1000  }
0x12a: {  	[sflag:s20] =	ssyncset.done $0x0  }
0x12b: {  	s15 =	simm.s32 $0x0;
	[sflag:s20] =	ssyncadd.s32 $0xFFFFF000  }
0x12c: {  	v4 =	vld.idx.msk [tilespmem:v2+s15+$0x0 ss:$0x1], $0xffff  }
0x12d: {  	v5 =	vld.idx.msk [tilespmem:v3+s15+$0x0 ss:$0x1], $0xffff;
	_ =	sdelay $0x4  }
0x12e: {  	v4 =	vadd.f32 v5, v4;
	_ =	sdelay $0x1  }
0x12f: {  	s12 =	simm.s32 $0x9530;
	v4 =	vmax.f32 v4, $0.0e+00  }
0x130: {  	[tilespmem:s12+$0xFFFFFFD0] =	vst v4  }
0x131: {  	v4 =	vld.idx.msk [tilespmem:v2+s15+$0x10 ss:$0x1], $0xffff  }
0x132: {  	v5 =	vld.idx.msk [tilespmem:v3+s15+$0x10 ss:$0x1], $0xffff;
	_ =	sdelay $0x4  }
0x133: {  	v4 =	vadd.f32 v5, v4;
	_ =	sdelay $0x1  }
0x134: {  	v4 =	vmax.f32 v4, $0.0e+00  }
0x135: {  	[tilespmem:s12+$0xFFFFFFE0] =	vst v4  }
0x136: {  	v4 =	vld.idx.msk [tilespmem:v2+s15+$0x20 ss:$0x1], $0xffff  }
0x137: {  	v5 =	vld.idx.msk [tilespmem:v3+s15+$0x20 ss:$0x1], $0xffff;
	_ =	sdelay $0x4  }
0x138: {  	v4 =	vadd.f32 v5, v4;
	_ =	sdelay $0x1  }
0x139: {  	v4 =	vmax.f32 v4, $0.0e+00  }
0x13a: {  	[tilespmem:s12+$0xFFFFFFF0] =	vst v4  }
0x13b: {  	v4 =	vld.idx.msk [tilespmem:v2+s15+$0x30 ss:$0x1], $0xffff  }
0x13c: {  	s23 =	simm.s32 $0x200;
	v5 =	vld.idx.msk [tilespmem:v3+s15+$0x30 ss:$0x1], $0xffff;
	s15 =	simm.s32 $0x9530  }
.LBB2_8:
0x13d: {  	_ =	sdelay $0x1  }
0x13e: {  	p0 =	sne.s32 s23, $0x7E00  }
0x13f: {  	s12 =	sadd.s32 $0x40, s12;
	s13 =	smov.u32 s23;
	s23 =	sadd.s32 $0x200, s23  }
0x140: {  	v4 =	vadd.f32 v5, v4;
	_ =	sdelay $0x1  }
0x141: {  	v4 =	vmax.f32 v4, $0.0e+00  }
0x142: {  	s13 =	sshra.s32 s13, $0x2;
	[tilespmem:s15+$0x0] =	vst v4;
	s15 =	smov.u32 s12  }
0x143: {  	v4 =	vld.idx.msk [tilespmem:v2+s13+$0x0 ss:$0x1], $0xffff  }
0x144: {  	v5 =	vld.idx.msk [tilespmem:v3+s13+$0x0 ss:$0x1], $0xffff;
	_ =	sdelay $0x5  }
0x145: {  	v4 =	vadd.f32 v5, v4;
	_ =	sdelay $0x1  }
0x146: {  	v4 =	vmax.f32 v4, $0.0e+00  }
0x147: {  	[tilespmem:s12+$0xFFFFFFD0] =	vst v4  }
0x148: {  	v4 =	vld.idx.msk [tilespmem:v2+s13+$0x10 ss:$0x1], $0xffff  }
0x149: {  	v5 =	vld.idx.msk [tilespmem:v3+s13+$0x10 ss:$0x1], $0xffff;
	_ =	sdelay $0x5  }
0x14a: {  	v4 =	vadd.f32 v5, v4;
	_ =	sdelay $0x1  }
0x14b: {  	v4 =	vmax.f32 v4, $0.0e+00  }
0x14c: {  	[tilespmem:s12+$0xFFFFFFE0] =	vst v4  }
0x14d: {  	v4 =	vld.idx.msk [tilespmem:v2+s13+$0x20 ss:$0x1], $0xffff  }
0x14e: {  	v5 =	vld.idx.msk [tilespmem:v3+s13+$0x20 ss:$0x1], $0xffff;
	_ =	sdelay $0x5  }
0x14f: {  	v4 =	vadd.f32 v5, v4  }
.Ltmp5:
0x150: {  	(pc) =	sbr.rel @p0 .LBB2_8-.Ltmp5, $4  }
0x151: {  	v4 =	vmax.f32 v4, $0.0e+00  }
0x152: {  	[tilespmem:s12+$0xFFFFFFF0] =	vst v4  }
0x153: {  	v4 =	vld.idx.msk [tilespmem:v2+s13+$0x30 ss:$0x1], $0xffff  }
0x154: {  	v5 =	vld.idx.msk [tilespmem:v3+s13+$0x30 ss:$0x1], $0xffff  }
0x155: {  	_ =	sdelay $0x3  }
0x156: {  	v4 =	vadd.f32 v5, v4;
	_ =	sdelay $0x1  }
0x157: {  	v4 =	vmax.f32 v4, $0.0e+00  }
0x158: {  	s12 =	simm.s32 $0x0;
	s13 =	rddreg [dreg:$0x1a];
	[tilespmem:s15+$0x0] =	vst v4  }
0x159: {  	[hbm4b:s13+s12] =	stream.linear.scatter [tilespmem:s9], [sflag:$0x2], $0x1000, $0x38;
	[tilespmem:$0x1E678] =	vst v63  }
0x15a: {  	_ =	swait.ge [sflag:s14], $0x2000  }
0x15b: {  	[sflag:s14] =	ssyncset.done $0x0  }
0x15c: {  	[sflag:s14] =	ssyncadd.s32 $0xFFFFE000  }
0x15d: {  	_ =	swait.ge [sflag:s14], $0x2000  }
0x15e: {  	[sflag:s14] =	ssyncset.done $0x0  }
0x15f: {  	s13 =	simm.s32 $0x140;
	[sflag:s14] =	ssyncadd.s32 $0xFFFFE000  }
0x160: {  	[tilespmem:s24], [sflag:$0x1] =	stream.indirect.gather [hbm4b:s0+s10], $0x80, s13, s10, $0xb8;
	[tilespmem:$0x1E678] =	vst v63  }
0x161: {  	s23 =	simm.s32 $0x3C0;
	s15 =	simm.s32 $0x6500  }
0x162: {  	[tilespmem:s15], [sflag:$0x1] =	stream.indirect.gather [hbm4b:s1+s10], $0x80, s23, s10, $0xb8;
	[tilespmem:$0x1E678] =	vst v63  }
0x163: {  	_ =	swait.ge [sflag:s20], $0x1000  }
0x164: {  	[sflag:s20] =	ssyncset.done $0x0  }
0x165: {  	s15 =	simm.s32 $0x0;
	[sflag:s20] =	ssyncadd.s32 $0xFFFFF000  }
0x166: {  	v4 =	vld.idx.msk [tilespmem:v0+s15+$0xFFFFFFE0 ss:$0x1], $0xffff  }
0x167: {  	v5 =	vld.idx.msk [tilespmem:v1+s15+$0xFFFFFFE0 ss:$0x1], $0xffff;
	_ =	sdelay $0x4  }
0x168: {  	v4 =	vadd.f32 v5, v4;
	_ =	sdelay $0x1  }
0x169: {  	s12 =	simm.s32 $0x8520;
	v4 =	vmax.f32 v4, $0.0e+00  }
0x16a: {  	[tilespmem:s12+$0xFFFFFFE0] =	vst v4  }
0x16b: {  	v4 =	vld.idx.msk [tilespmem:v0+s15+$0xFFFFFFF0 ss:$0x1], $0xffff  }
0x16c: {  	v5 =	vld.idx.msk [tilespmem:v1+s15+$0xFFFFFFF0 ss:$0x1], $0xffff;
	_ =	sdelay $0x4  }
0x16d: {  	v4 =	vadd.f32 v5, v4;
	_ =	sdelay $0x1  }
0x16e: {  	v4 =	vmax.f32 v4, $0.0e+00  }
0x16f: {  	[tilespmem:s12+$0xFFFFFFF0] =	vst v4  }
0x170: {  	v4 =	vld.idx.msk [tilespmem:v0+s15+$0x0 ss:$0x1], $0xffff  }
0x171: {  	v5 =	vld.idx.msk [tilespmem:v1+s15+$0x0 ss:$0x1], $0xffff;
	_ =	sdelay $0x4  }
0x172: {  	v4 =	vadd.f32 v5, v4;
	_ =	sdelay $0x1  }
0x173: {  	v4 =	vmax.f32 v4, $0.0e+00  }
0x174: {  	[tilespmem:s12+$0x0] =	vst v4  }
0x175: {  	v4 =	vld.idx.msk [tilespmem:v0+s15+$0x10 ss:$0x1], $0xffff  }
0x176: {  	s23 =	simm.s32 $0x200;
	v5 =	vld.idx.msk [tilespmem:v1+s15+$0x10 ss:$0x1], $0xffff;
	s15 =	simm.s32 $0x8520  }
.LBB2_10:
0x177: {  	_ =	sdelay $0x1  }
0x178: {  	p0 =	sne.s32 s23, $0x7E00  }
0x179: {  	s12 =	sadd.s32 $0x40, s12;
	s13 =	smov.u32 s23;
	s23 =	sadd.s32 $0x200, s23  }
0x17a: {  	v4 =	vadd.f32 v5, v4;
	_ =	sdelay $0x1  }
0x17b: {  	v4 =	vmax.f32 v4, $0.0e+00  }
0x17c: {  	s13 =	sshra.s32 s13, $0x2;
	[tilespmem:s15+$0x10] =	vst v4;
	s15 =	smov.u32 s12  }
0x17d: {  	v4 =	vld.idx.msk [tilespmem:v0+s13+$0xFFFFFFE0 ss:$0x1], $0xffff  }
0x17e: {  	v5 =	vld.idx.msk [tilespmem:v1+s13+$0xFFFFFFE0 ss:$0x1], $0xffff;
	_ =	sdelay $0x5  }
0x17f: {  	v4 =	vadd.f32 v5, v4;
	_ =	sdelay $0x1  }
0x180: {  	v4 =	vmax.f32 v4, $0.0e+00  }
0x181: {  	[tilespmem:s12+$0xFFFFFFE0] =	vst v4  }
0x182: {  	v4 =	vld.idx.msk [tilespmem:v0+s13+$0xFFFFFFF0 ss:$0x1], $0xffff  }
0x183: {  	v5 =	vld.idx.msk [tilespmem:v1+s13+$0xFFFFFFF0 ss:$0x1], $0xffff;
	_ =	sdelay $0x5  }
0x184: {  	v4 =	vadd.f32 v5, v4;
	_ =	sdelay $0x1  }
0x185: {  	v4 =	vmax.f32 v4, $0.0e+00  }
0x186: {  	[tilespmem:s12+$0xFFFFFFF0] =	vst v4  }
0x187: {  	v4 =	vld.idx.msk [tilespmem:v0+s13+$0x0 ss:$0x1], $0xffff  }
0x188: {  	v5 =	vld.idx.msk [tilespmem:v1+s13+$0x0 ss:$0x1], $0xffff;
	_ =	sdelay $0x5  }
0x189: {  	v4 =	vadd.f32 v5, v4  }
.Ltmp6:
0x18a: {  	(pc) =	sbr.rel @p0 .LBB2_10-.Ltmp6, $4  }
0x18b: {  	v4 =	vmax.f32 v4, $0.0e+00  }
0x18c: {  	[tilespmem:s12+$0x0] =	vst v4  }
0x18d: {  	v4 =	vld.idx.msk [tilespmem:v0+s13+$0x10 ss:$0x1], $0xffff  }
0x18e: {  	v5 =	vld.idx.msk [tilespmem:v1+s13+$0x10 ss:$0x1], $0xffff  }
0x18f: {  	_ =	sdelay $0x3  }
0x190: {  	v4 =	vadd.f32 v5, v4;
	_ =	sdelay $0x1  }
0x191: {  	v4 =	vmax.f32 v4, $0.0e+00  }
0x192: {  	s12 =	simm.s32 $0x0;
	s13 =	rddreg [dreg:$0x1b];
	[tilespmem:s15+$0x10] =	vst v4  }
0x193: {  	[hbm4b:s13+s12] =	stream.linear.scatter [tilespmem:s19], [sflag:$0x2], $0x1000, $0x38;
	[tilespmem:$0x1E678] =	vst v63  }
0x194: {  	_ =	swait.ge [sflag:s14], $0x2000  }
0x195: {  	[sflag:s14] =	ssyncset.done $0x0  }
0x196: {  	[sflag:s14] =	ssyncadd.s32 $0xFFFFE000  }
0x197: {  	_ =	swait.ge [sflag:s14], $0x2000  }
0x198: {  	[sflag:s14] =	ssyncset.done $0x0  }
0x199: {  	s23 =	simm.s32 $0x180;
	[sflag:s14] =	ssyncadd.s32 $0xFFFFE000  }
0x19a: {  	[tilespmem:s16], [sflag:$0x1] =	stream.indirect.gather [hbm4b:s0+s10], $0x80, s23, s10, $0xb8;
	[tilespmem:$0x1E678] =	vst v63  }
0x19b: {  	s13 =	simm.s32 $0x400  }
0x19c: {  	[tilespmem:s18], [sflag:$0x1] =	stream.indirect.gather [hbm4b:s1+s10], $0x80, s13, s10, $0xb8;
	[tilespmem:$0x1E678] =	vst v63  }
0x19d: {  	_ =	swait.ge [sflag:s20], $0x1000  }
0x19e: {  	[sflag:s20] =	ssyncset.done $0x0  }
0x19f: {  	s15 =	simm.s32 $0x0;
	[sflag:s20] =	ssyncadd.s32 $0xFFFFF000  }
0x1a0: {  	v4 =	vld.idx.msk [tilespmem:v2+s15+$0x0 ss:$0x1], $0xffff  }
0x1a1: {  	v5 =	vld.idx.msk [tilespmem:v3+s15+$0x0 ss:$0x1], $0xffff;
	_ =	sdelay $0x4  }
0x1a2: {  	v4 =	vadd.f32 v5, v4;
	_ =	sdelay $0x1  }
0x1a3: {  	s12 =	simm.s32 $0x9530;
	v4 =	vmax.f32 v4, $0.0e+00  }
0x1a4: {  	[tilespmem:s12+$0xFFFFFFD0] =	vst v4  }
0x1a5: {  	v4 =	vld.idx.msk [tilespmem:v2+s15+$0x10 ss:$0x1], $0xffff  }
0x1a6: {  	v5 =	vld.idx.msk [tilespmem:v3+s15+$0x10 ss:$0x1], $0xffff;
	_ =	sdelay $0x4  }
0x1a7: {  	v4 =	vadd.f32 v5, v4;
	_ =	sdelay $0x1  }
0x1a8: {  	v4 =	vmax.f32 v4, $0.0e+00  }
0x1a9: {  	[tilespmem:s12+$0xFFFFFFE0] =	vst v4  }
0x1aa: {  	v4 =	vld.idx.msk [tilespmem:v2+s15+$0x20 ss:$0x1], $0xffff  }
0x1ab: {  	v5 =	vld.idx.msk [tilespmem:v3+s15+$0x20 ss:$0x1], $0xffff;
	_ =	sdelay $0x4  }
0x1ac: {  	v4 =	vadd.f32 v5, v4;
	_ =	sdelay $0x1  }
0x1ad: {  	v4 =	vmax.f32 v4, $0.0e+00  }
0x1ae: {  	[tilespmem:s12+$0xFFFFFFF0] =	vst v4  }
0x1af: {  	v4 =	vld.idx.msk [tilespmem:v2+s15+$0x30 ss:$0x1], $0xffff  }
0x1b0: {  	s23 =	simm.s32 $0x200;
	v5 =	vld.idx.msk [tilespmem:v3+s15+$0x30 ss:$0x1], $0xffff;
	s15 =	simm.s32 $0x9530  }
.LBB2_12:
0x1b1: {  	_ =	sdelay $0x1  }
0x1b2: {  	p0 =	sne.s32 s23, $0x7E00  }
0x1b3: {  	s12 =	sadd.s32 $0x40, s12;
	s13 =	smov.u32 s23;
	s23 =	sadd.s32 $0x200, s23  }
0x1b4: {  	v4 =	vadd.f32 v5, v4;
	_ =	sdelay $0x1  }
0x1b5: {  	v4 =	vmax.f32 v4, $0.0e+00  }
0x1b6: {  	s13 =	sshra.s32 s13, $0x2;
	[tilespmem:s15+$0x0] =	vst v4;
	s15 =	smov.u32 s12  }
0x1b7: {  	v4 =	vld.idx.msk [tilespmem:v2+s13+$0x0 ss:$0x1], $0xffff  }
0x1b8: {  	v5 =	vld.idx.msk [tilespmem:v3+s13+$0x0 ss:$0x1], $0xffff;
	_ =	sdelay $0x5  }
0x1b9: {  	v4 =	vadd.f32 v5, v4;
	_ =	sdelay $0x1  }
0x1ba: {  	v4 =	vmax.f32 v4, $0.0e+00  }
0x1bb: {  	[tilespmem:s12+$0xFFFFFFD0] =	vst v4  }
0x1bc: {  	v4 =	vld.idx.msk [tilespmem:v2+s13+$0x10 ss:$0x1], $0xffff  }
0x1bd: {  	v5 =	vld.idx.msk [tilespmem:v3+s13+$0x10 ss:$0x1], $0xffff;
	_ =	sdelay $0x5  }
0x1be: {  	v4 =	vadd.f32 v5, v4;
	_ =	sdelay $0x1  }
0x1bf: {  	v4 =	vmax.f32 v4, $0.0e+00  }
0x1c0: {  	[tilespmem:s12+$0xFFFFFFE0] =	vst v4  }
0x1c1: {  	v4 =	vld.idx.msk [tilespmem:v2+s13+$0x20 ss:$0x1], $0xffff  }
0x1c2: {  	v5 =	vld.idx.msk [tilespmem:v3+s13+$0x20 ss:$0x1], $0xffff;
	_ =	sdelay $0x5  }
0x1c3: {  	v4 =	vadd.f32 v5, v4  }
.Ltmp7:
0x1c4: {  	(pc) =	sbr.rel @p0 .LBB2_12-.Ltmp7, $4  }
0x1c5: {  	v4 =	vmax.f32 v4, $0.0e+00  }
0x1c6: {  	[tilespmem:s12+$0xFFFFFFF0] =	vst v4  }
0x1c7: {  	v4 =	vld.idx.msk [tilespmem:v2+s13+$0x30 ss:$0x1], $0xffff  }
0x1c8: {  	v5 =	vld.idx.msk [tilespmem:v3+s13+$0x30 ss:$0x1], $0xffff  }
0x1c9: {  	_ =	sdelay $0x3  }
0x1ca: {  	v4 =	vadd.f32 v5, v4;
	_ =	sdelay $0x1  }
0x1cb: {  	v4 =	vmax.f32 v4, $0.0e+00  }
0x1cc: {  	s12 =	simm.s32 $0x0;
	s13 =	rddreg [dreg:$0x1c];
	[tilespmem:s15+$0x0] =	vst v4  }
0x1cd: {  	[hbm4b:s13+s12] =	stream.linear.scatter [tilespmem:s9], [sflag:$0x2], $0x1000, $0x38;
	[tilespmem:$0x1E678] =	vst v63  }
0x1ce: {  	_ =	swait.ge [sflag:s14], $0x2000  }
0x1cf: {  	[sflag:s14] =	ssyncset.done $0x0  }
0x1d0: {  	[sflag:s14] =	ssyncadd.s32 $0xFFFFE000  }
0x1d1: {  	_ =	swait.ge [sflag:s14], $0x2000  }
0x1d2: {  	[sflag:s14] =	ssyncset.done $0x0  }
0x1d3: {  	s13 =	simm.s32 $0x1C0;
	[sflag:s14] =	ssyncadd.s32 $0xFFFFE000  }
0x1d4: {  	[tilespmem:s24], [sflag:$0x1] =	stream.indirect.gather [hbm4b:s0+s10], $0x80, s13, s10, $0xb8;
	[tilespmem:$0x1E678] =	vst v63  }
0x1d5: {  	s23 =	simm.s32 $0x440;
	s15 =	simm.s32 $0x6500  }
0x1d6: {  	[tilespmem:s15], [sflag:$0x1] =	stream.indirect.gather [hbm4b:s1+s10], $0x80, s23, s10, $0xb8;
	[tilespmem:$0x1E678] =	vst v63  }
0x1d7: {  	_ =	swait.ge [sflag:s20], $0x1000  }
0x1d8: {  	[sflag:s20] =	ssyncset.done $0x0  }
0x1d9: {  	s15 =	simm.s32 $0x0;
	[sflag:s20] =	ssyncadd.s32 $0xFFFFF000  }
0x1da: {  	v4 =	vld.idx.msk [tilespmem:v0+s15+$0xFFFFFFE0 ss:$0x1], $0xffff  }
0x1db: {  	v5 =	vld.idx.msk [tilespmem:v1+s15+$0xFFFFFFE0 ss:$0x1], $0xffff;
	_ =	sdelay $0x4  }
0x1dc: {  	v4 =	vadd.f32 v5, v4;
	_ =	sdelay $0x1  }
0x1dd: {  	s12 =	simm.s32 $0x8520;
	v4 =	vmax.f32 v4, $0.0e+00  }
0x1de: {  	[tilespmem:s12+$0xFFFFFFE0] =	vst v4  }
0x1df: {  	v4 =	vld.idx.msk [tilespmem:v0+s15+$0xFFFFFFF0 ss:$0x1], $0xffff  }
0x1e0: {  	v5 =	vld.idx.msk [tilespmem:v1+s15+$0xFFFFFFF0 ss:$0x1], $0xffff;
	_ =	sdelay $0x4  }
0x1e1: {  	v4 =	vadd.f32 v5, v4;
	_ =	sdelay $0x1  }
0x1e2: {  	v4 =	vmax.f32 v4, $0.0e+00  }
0x1e3: {  	[tilespmem:s12+$0xFFFFFFF0] =	vst v4  }
0x1e4: {  	v4 =	vld.idx.msk [tilespmem:v0+s15+$0x0 ss:$0x1], $0xffff  }
0x1e5: {  	v5 =	vld.idx.msk [tilespmem:v1+s15+$0x0 ss:$0x1], $0xffff;
	_ =	sdelay $0x4  }
0x1e6: {  	v4 =	vadd.f32 v5, v4;
	_ =	sdelay $0x1  }
0x1e7: {  	v4 =	vmax.f32 v4, $0.0e+00  }
0x1e8: {  	[tilespmem:s12+$0x0] =	vst v4  }
0x1e9: {  	v4 =	vld.idx.msk [tilespmem:v0+s15+$0x10 ss:$0x1], $0xffff  }
0x1ea: {  	s23 =	simm.s32 $0x200;
	v5 =	vld.idx.msk [tilespmem:v1+s15+$0x10 ss:$0x1], $0xffff;
	s15 =	simm.s32 $0x8520  }
.LBB2_14:
0x1eb: {  	_ =	sdelay $0x1  }
0x1ec: {  	p0 =	sne.s32 s23, $0x7E00  }
0x1ed: {  	s12 =	sadd.s32 $0x40, s12;
	s13 =	smov.u32 s23;
	s23 =	sadd.s32 $0x200, s23  }
0x1ee: {  	v4 =	vadd.f32 v5, v4;
	_ =	sdelay $0x1  }
0x1ef: {  	v4 =	vmax.f32 v4, $0.0e+00  }
0x1f0: {  	s13 =	sshra.s32 s13, $0x2;
	[tilespmem:s15+$0x10] =	vst v4;
	s15 =	smov.u32 s12  }
0x1f1: {  	v4 =	vld.idx.msk [tilespmem:v0+s13+$0xFFFFFFE0 ss:$0x1], $0xffff  }
0x1f2: {  	v5 =	vld.idx.msk [tilespmem:v1+s13+$0xFFFFFFE0 ss:$0x1], $0xffff;
	_ =	sdelay $0x5  }
0x1f3: {  	v4 =	vadd.f32 v5, v4;
	_ =	sdelay $0x1  }
0x1f4: {  	v4 =	vmax.f32 v4, $0.0e+00  }
0x1f5: {  	[tilespmem:s12+$0xFFFFFFE0] =	vst v4  }
0x1f6: {  	v4 =	vld.idx.msk [tilespmem:v0+s13+$0xFFFFFFF0 ss:$0x1], $0xffff  }
0x1f7: {  	v5 =	vld.idx.msk [tilespmem:v1+s13+$0xFFFFFFF0 ss:$0x1], $0xffff;
	_ =	sdelay $0x5  }
0x1f8: {  	v4 =	vadd.f32 v5, v4;
	_ =	sdelay $0x1  }
0x1f9: {  	v4 =	vmax.f32 v4, $0.0e+00  }
0x1fa: {  	[tilespmem:s12+$0xFFFFFFF0] =	vst v4  }
0x1fb: {  	v4 =	vld.idx.msk [tilespmem:v0+s13+$0x0 ss:$0x1], $0xffff  }
0x1fc: {  	v5 =	vld.idx.msk [tilespmem:v1+s13+$0x0 ss:$0x1], $0xffff;
	_ =	sdelay $0x5  }
0x1fd: {  	v4 =	vadd.f32 v5, v4  }
.Ltmp8:
0x1fe: {  	(pc) =	sbr.rel @p0 .LBB2_14-.Ltmp8, $4  }
0x1ff: {  	v4 =	vmax.f32 v4, $0.0e+00  }
0x200: {  	[tilespmem:s12+$0x0] =	vst v4  }
0x201: {  	v4 =	vld.idx.msk [tilespmem:v0+s13+$0x10 ss:$0x1], $0xffff  }
0x202: {  	v5 =	vld.idx.msk [tilespmem:v1+s13+$0x10 ss:$0x1], $0xffff  }
0x203: {  	_ =	sdelay $0x3  }
0x204: {  	v4 =	vadd.f32 v5, v4;
	_ =	sdelay $0x1  }
0x205: {  	v4 =	vmax.f32 v4, $0.0e+00  }
0x206: {  	s12 =	simm.s32 $0x0;
	s13 =	rddreg [dreg:$0x1d];
	[tilespmem:s15+$0x10] =	vst v4  }
0x207: {  	[hbm4b:s13+s12] =	stream.linear.scatter [tilespmem:s19], [sflag:$0x2], $0x1000, $0x38;
	[tilespmem:$0x1E678] =	vst v63  }
0x208: {  	_ =	swait.ge [sflag:s14], $0x2000  }
0x209: {  	[sflag:s14] =	ssyncset.done $0x0  }
0x20a: {  	[sflag:s14] =	ssyncadd.s32 $0xFFFFE000  }
0x20b: {  	_ =	swait.ge [sflag:s14], $0x2000  }
0x20c: {  	[sflag:s14] =	ssyncset.done $0x0  }
0x20d: {  	s15 =	simm.s32 $0x200;
	[sflag:s14] =	ssyncadd.s32 $0xFFFFE000  }
0x20e: {  	[tilespmem:s16], [sflag:$0x1] =	stream.indirect.gather [hbm4b:s0+s10], $0x80, s15, s10, $0xb8;
	[tilespmem:$0x1E678] =	vst v63  }
0x20f: {  	s16 =	simm.s32 $0x480  }
0x210: {  	[tilespmem:s18], [sflag:$0x1] =	stream.indirect.gather [hbm4b:s1+s10], $0x80, s16, s10, $0xb8;
	[tilespmem:$0x1E678] =	vst v63  }
0x211: {  	_ =	swait.ge [sflag:s20], $0x1000  }
0x212: {  	[sflag:s20] =	ssyncset.done $0x0  }
0x213: {  	s18 =	simm.s32 $0x0;
	[sflag:s20] =	ssyncadd.s32 $0xFFFFF000  }
0x214: {  	v4 =	vld.idx.msk [tilespmem:v2+s18+$0x0 ss:$0x1], $0xffff  }
0x215: {  	v5 =	vld.idx.msk [tilespmem:v3+s18+$0x0 ss:$0x1], $0xffff;
	_ =	sdelay $0x4  }
0x216: {  	v4 =	vadd.f32 v5, v4;
	_ =	sdelay $0x1  }
0x217: {  	s12 =	simm.s32 $0x9530;
	v4 =	vmax.f32 v4, $0.0e+00  }
0x218: {  	[tilespmem:s12+$0xFFFFFFD0] =	vst v4  }
0x219: {  	v4 =	vld.idx.msk [tilespmem:v2+s18+$0x10 ss:$0x1], $0xffff  }
0x21a: {  	v5 =	vld.idx.msk [tilespmem:v3+s18+$0x10 ss:$0x1], $0xffff;
	_ =	sdelay $0x4  }
0x21b: {  	v4 =	vadd.f32 v5, v4;
	_ =	sdelay $0x1  }
0x21c: {  	v4 =	vmax.f32 v4, $0.0e+00  }
0x21d: {  	[tilespmem:s12+$0xFFFFFFE0] =	vst v4  }
0x21e: {  	v4 =	vld.idx.msk [tilespmem:v2+s18+$0x20 ss:$0x1], $0xffff  }
0x21f: {  	v5 =	vld.idx.msk [tilespmem:v3+s18+$0x20 ss:$0x1], $0xffff;
	_ =	sdelay $0x4  }
0x220: {  	v4 =	vadd.f32 v5, v4;
	_ =	sdelay $0x1  }
0x221: {  	v4 =	vmax.f32 v4, $0.0e+00  }
0x222: {  	[tilespmem:s12+$0xFFFFFFF0] =	vst v4  }
0x223: {  	v4 =	vld.idx.msk [tilespmem:v2+s18+$0x30 ss:$0x1], $0xffff  }
0x224: {  	s23 =	simm.s32 $0x200;
	s15 =	simm.s32 $0x9530;
	v5 =	vld.idx.msk [tilespmem:v3+s18+$0x30 ss:$0x1], $0xffff  }
.LBB2_16:
0x225: {  	_ =	sdelay $0x1  }
0x226: {  	p0 =	sne.s32 s23, $0x7E00  }
0x227: {  	s12 =	sadd.s32 $0x40, s12;
	s13 =	smov.u32 s23;
	s23 =	sadd.s32 $0x200, s23  }
0x228: {  	v4 =	vadd.f32 v5, v4;
	_ =	sdelay $0x1  }
0x229: {  	v4 =	vmax.f32 v4, $0.0e+00  }
0x22a: {  	s13 =	sshra.s32 s13, $0x2;
	[tilespmem:s15+$0x0] =	vst v4;
	s15 =	smov.u32 s12  }
0x22b: {  	v4 =	vld.idx.msk [tilespmem:v2+s13+$0x0 ss:$0x1], $0xffff  }
0x22c: {  	v5 =	vld.idx.msk [tilespmem:v3+s13+$0x0 ss:$0x1], $0xffff;
	_ =	sdelay $0x5  }
0x22d: {  	v4 =	vadd.f32 v5, v4;
	_ =	sdelay $0x1  }
0x22e: {  	v4 =	vmax.f32 v4, $0.0e+00  }
0x22f: {  	[tilespmem:s12+$0xFFFFFFD0] =	vst v4  }
0x230: {  	v4 =	vld.idx.msk [tilespmem:v2+s13+$0x10 ss:$0x1], $0xffff  }
0x231: {  	v5 =	vld.idx.msk [tilespmem:v3+s13+$0x10 ss:$0x1], $0xffff;
	_ =	sdelay $0x5  }
0x232: {  	v4 =	vadd.f32 v5, v4;
	_ =	sdelay $0x1  }
0x233: {  	v4 =	vmax.f32 v4, $0.0e+00  }
0x234: {  	[tilespmem:s12+$0xFFFFFFE0] =	vst v4  }
0x235: {  	v4 =	vld.idx.msk [tilespmem:v2+s13+$0x20 ss:$0x1], $0xffff  }
0x236: {  	v5 =	vld.idx.msk [tilespmem:v3+s13+$0x20 ss:$0x1], $0xffff;
	_ =	sdelay $0x5  }
0x237: {  	v4 =	vadd.f32 v5, v4  }
.Ltmp9:
0x238: {  	(pc) =	sbr.rel @p0 .LBB2_16-.Ltmp9, $4  }
0x239: {  	v4 =	vmax.f32 v4, $0.0e+00  }
0x23a: {  	[tilespmem:s12+$0xFFFFFFF0] =	vst v4  }
0x23b: {  	v4 =	vld.idx.msk [tilespmem:v2+s13+$0x30 ss:$0x1], $0xffff  }
0x23c: {  	v5 =	vld.idx.msk [tilespmem:v3+s13+$0x30 ss:$0x1], $0xffff  }
0x23d: {  	_ =	sdelay $0x3  }
0x23e: {  	v4 =	vadd.f32 v5, v4;
	_ =	sdelay $0x1  }
0x23f: {  	v4 =	vmax.f32 v4, $0.0e+00  }
0x240: {  	s12 =	simm.s32 $0x0;
	s13 =	rddreg [dreg:$0x1e];
	[tilespmem:s15+$0x0] =	vst v4  }
0x241: {  	[hbm4b:s13+s12] =	stream.linear.scatter [tilespmem:s9], [sflag:$0x2], $0x1000, $0x38;
	[tilespmem:$0x1E678] =	vst v63  }
0x242: {  	_ =	swait.ge [sflag:s14], $0x2000  }
0x243: {  	[sflag:s14] =	ssyncset.done $0x0  }
0x244: {  	[sflag:s14] =	ssyncadd.s32 $0xFFFFE000  }
0x245: {  	_ =	swait.ge [sflag:s14], $0x2000  }
0x246: {  	[sflag:s14] =	ssyncset.done $0x0  }
0x247: {  	s16 =	simm.s32 $0x240;
	[sflag:s14] =	ssyncadd.s32 $0xFFFFE000  }
0x248: {  	[tilespmem:s24], [sflag:$0x1] =	stream.indirect.gather [hbm4b:s0+s10], $0x80, s16, s10, $0xb8;
	[tilespmem:$0x1E678] =	vst v63  }
0x249: {  	s18 =	simm.s32 $0x6500;
	s23 =	simm.s32 $0x4C0  }
0x24a: {  	[tilespmem:s18], [sflag:$0x1] =	stream.indirect.gather [hbm4b:s1+s10], $0x80, s23, s10, $0xb8;
	[tilespmem:$0x1E678] =	vst v63  }
0x24b: {  	_ =	swait.ge [sflag:s20], $0x1000  }
0x24c: {  	[sflag:s20] =	ssyncset.done $0x0  }
0x24d: {  	s24 =	simm.s32 $0x0;
	[sflag:s20] =	ssyncadd.s32 $0xFFFFF000  }
0x24e: {  	v4 =	vld.idx.msk [tilespmem:v0+s24+$0xFFFFFFE0 ss:$0x1], $0xffff  }
0x24f: {  	v5 =	vld.idx.msk [tilespmem:v1+s24+$0xFFFFFFE0 ss:$0x1], $0xffff;
	_ =	sdelay $0x4  }
0x250: {  	v4 =	vadd.f32 v5, v4;
	_ =	sdelay $0x1  }
0x251: {  	s12 =	simm.s32 $0x8520;
	v4 =	vmax.f32 v4, $0.0e+00  }
0x252: {  	[tilespmem:s12+$0xFFFFFFE0] =	vst v4  }
0x253: {  	v4 =	vld.idx.msk [tilespmem:v0+s24+$0xFFFFFFF0 ss:$0x1], $0xffff  }
0x254: {  	v5 =	vld.idx.msk [tilespmem:v1+s24+$0xFFFFFFF0 ss:$0x1], $0xffff;
	_ =	sdelay $0x4  }
0x255: {  	v4 =	vadd.f32 v5, v4;
	_ =	sdelay $0x1  }
0x256: {  	v4 =	vmax.f32 v4, $0.0e+00  }
0x257: {  	[tilespmem:s12+$0xFFFFFFF0] =	vst v4  }
0x258: {  	v4 =	vld.idx.msk [tilespmem:v0+s24+$0x0 ss:$0x1], $0xffff  }
0x259: {  	v5 =	vld.idx.msk [tilespmem:v1+s24+$0x0 ss:$0x1], $0xffff;
	_ =	sdelay $0x4  }
0x25a: {  	v4 =	vadd.f32 v5, v4;
	_ =	sdelay $0x1  }
0x25b: {  	v4 =	vmax.f32 v4, $0.0e+00  }
0x25c: {  	[tilespmem:s12+$0x0] =	vst v4  }
0x25d: {  	v4 =	vld.idx.msk [tilespmem:v0+s24+$0x10 ss:$0x1], $0xffff  }
0x25e: {  	s15 =	simm.s32 $0x8520;
	s23 =	simm.s32 $0x200;
	v5 =	vld.idx.msk [tilespmem:v1+s24+$0x10 ss:$0x1], $0xffff  }
.LBB2_18:
0x25f: {  	_ =	sdelay $0x1  }
0x260: {  	p0 =	sne.s32 s23, $0x7E00  }
0x261: {  	s12 =	sadd.s32 $0x40, s12;
	s13 =	smov.u32 s23;
	s23 =	sadd.s32 $0x200, s23  }
0x262: {  	v4 =	vadd.f32 v5, v4;
	_ =	sdelay $0x1  }
0x263: {  	v4 =	vmax.f32 v4, $0.0e+00  }
0x264: {  	s13 =	sshra.s32 s13, $0x2;
	[tilespmem:s15+$0x10] =	vst v4;
	s15 =	smov.u32 s12  }
0x265: {  	v4 =	vld.idx.msk [tilespmem:v0+s13+$0xFFFFFFE0 ss:$0x1], $0xffff  }
0x266: {  	v5 =	vld.idx.msk [tilespmem:v1+s13+$0xFFFFFFE0 ss:$0x1], $0xffff;
	_ =	sdelay $0x5  }
0x267: {  	v4 =	vadd.f32 v5, v4;
	_ =	sdelay $0x1  }
0x268: {  	v4 =	vmax.f32 v4, $0.0e+00  }
0x269: {  	[tilespmem:s12+$0xFFFFFFE0] =	vst v4  }
0x26a: {  	v4 =	vld.idx.msk [tilespmem:v0+s13+$0xFFFFFFF0 ss:$0x1], $0xffff  }
0x26b: {  	v5 =	vld.idx.msk [tilespmem:v1+s13+$0xFFFFFFF0 ss:$0x1], $0xffff;
	_ =	sdelay $0x5  }
0x26c: {  	v4 =	vadd.f32 v5, v4;
	_ =	sdelay $0x1  }
0x26d: {  	v4 =	vmax.f32 v4, $0.0e+00  }
0x26e: {  	[tilespmem:s12+$0xFFFFFFF0] =	vst v4  }
0x26f: {  	v4 =	vld.idx.msk [tilespmem:v0+s13+$0x0 ss:$0x1], $0xffff  }
0x270: {  	v5 =	vld.idx.msk [tilespmem:v1+s13+$0x0 ss:$0x1], $0xffff;
	_ =	sdelay $0x5  }
0x271: {  	v4 =	vadd.f32 v5, v4  }
.Ltmp10:
0x272: {  	(pc) =	sbr.rel @p0 .LBB2_18-.Ltmp10, $4  }
0x273: {  	v4 =	vmax.f32 v4, $0.0e+00  }
0x274: {  	[tilespmem:s12+$0x0] =	vst v4  }
0x275: {  	v4 =	vld.idx.msk [tilespmem:v0+s13+$0x10 ss:$0x1], $0xffff  }
0x276: {  	v5 =	vld.idx.msk [tilespmem:v1+s13+$0x10 ss:$0x1], $0xffff  }
0x277: {  	_ =	sdelay $0x3  }
0x278: {  	v4 =	vadd.f32 v5, v4;
	_ =	sdelay $0x1  }
0x279: {  	v4 =	vmax.f32 v4, $0.0e+00  }
0x27a: {  	s12 =	simm.s32 $0x0;
	s13 =	rddreg [dreg:$0x1f];
	[tilespmem:s15+$0x10] =	vst v4  }
0x27b: {  	[hbm4b:s13+s12] =	stream.linear.scatter [tilespmem:s19], [sflag:$0x2], $0x1000, $0x38;
	[tilespmem:$0x1E678] =	vst v63  }
0x27c: {  	_ =	swait.ge [sflag:s14], $0x2000  }
0x27d: {  	[sflag:s14] =	ssyncset.done $0x0  }
0x27e: {  	[sflag:s14] =	ssyncadd.s32 $0xFFFFE000  }
0x27f: {  	_ =	swait.ge [sflag:s14], $0x2000  }
0x280: {  	[sflag:s14] =	ssyncset.done $0x0  }
0x281: {  	[sflag:s14] =	ssyncadd.s32 $0xFFFFE000  }
0x282: {  	_ =	swait.ge [sflag:s20], $0x1000  }
0x283: {  	[sflag:s20] =	ssyncset.done $0x0  }
0x284: {  	s24 =	simm.s32 $0x0;
	[sflag:s20] =	ssyncadd.s32 $0xFFFFF000  }
0x285: {  	v4 =	vld.idx.msk [tilespmem:v2+s24+$0x0 ss:$0x1], $0xffff  }
0x286: {  	v5 =	vld.idx.msk [tilespmem:v3+s24+$0x0 ss:$0x1], $0xffff;
	_ =	sdelay $0x4  }
0x287: {  	v4 =	vadd.f32 v5, v4;
	_ =	sdelay $0x1  }
0x288: {  	s12 =	simm.s32 $0x9530;
	v4 =	vmax.f32 v4, $0.0e+00  }
0x289: {  	[tilespmem:s12+$0xFFFFFFD0] =	vst v4  }
0x28a: {  	v4 =	vld.idx.msk [tilespmem:v2+s24+$0x10 ss:$0x1], $0xffff  }
0x28b: {  	v5 =	vld.idx.msk [tilespmem:v3+s24+$0x10 ss:$0x1], $0xffff;
	_ =	sdelay $0x4  }
0x28c: {  	v4 =	vadd.f32 v5, v4;
	_ =	sdelay $0x1  }
0x28d: {  	v4 =	vmax.f32 v4, $0.0e+00  }
0x28e: {  	[tilespmem:s12+$0xFFFFFFE0] =	vst v4  }
0x28f: {  	v4 =	vld.idx.msk [tilespmem:v2+s24+$0x20 ss:$0x1], $0xffff  }
0x290: {  	v5 =	vld.idx.msk [tilespmem:v3+s24+$0x20 ss:$0x1], $0xffff;
	_ =	sdelay $0x4  }
0x291: {  	v4 =	vadd.f32 v5, v4;
	_ =	sdelay $0x1  }
0x292: {  	v4 =	vmax.f32 v4, $0.0e+00  }
0x293: {  	[tilespmem:s12+$0xFFFFFFF0] =	vst v4  }
0x294: {  	v4 =	vld.idx.msk [tilespmem:v2+s24+$0x30 ss:$0x1], $0xffff  }
0x295: {  	s23 =	simm.s32 $0x200;
	s15 =	simm.s32 $0x9530;
	v5 =	vld.idx.msk [tilespmem:v3+s24+$0x30 ss:$0x1], $0xffff  }
.LBB2_20:
0x296: {  	_ =	sdelay $0x1  }
0x297: {  	p0 =	sne.s32 s23, $0x7E00  }
0x298: {  	s12 =	sadd.s32 $0x40, s12;
	s13 =	smov.u32 s23;
	s23 =	sadd.s32 $0x200, s23  }
0x299: {  	v4 =	vadd.f32 v5, v4;
	_ =	sdelay $0x1  }
0x29a: {  	v4 =	vmax.f32 v4, $0.0e+00  }
0x29b: {  	s13 =	sshra.s32 s13, $0x2;
	[tilespmem:s15+$0x0] =	vst v4;
	s15 =	smov.u32 s12  }
0x29c: {  	v4 =	vld.idx.msk [tilespmem:v2+s13+$0x0 ss:$0x1], $0xffff  }
0x29d: {  	v5 =	vld.idx.msk [tilespmem:v3+s13+$0x0 ss:$0x1], $0xffff;
	_ =	sdelay $0x5  }
0x29e: {  	v4 =	vadd.f32 v5, v4;
	_ =	sdelay $0x1  }
0x29f: {  	v4 =	vmax.f32 v4, $0.0e+00  }
0x2a0: {  	[tilespmem:s12+$0xFFFFFFD0] =	vst v4  }
0x2a1: {  	v4 =	vld.idx.msk [tilespmem:v2+s13+$0x10 ss:$0x1], $0xffff  }
0x2a2: {  	v5 =	vld.idx.msk [tilespmem:v3+s13+$0x10 ss:$0x1], $0xffff;
	_ =	sdelay $0x5  }
0x2a3: {  	v4 =	vadd.f32 v5, v4;
	_ =	sdelay $0x1  }
0x2a4: {  	v4 =	vmax.f32 v4, $0.0e+00  }
0x2a5: {  	[tilespmem:s12+$0xFFFFFFE0] =	vst v4  }
0x2a6: {  	v4 =	vld.idx.msk [tilespmem:v2+s13+$0x20 ss:$0x1], $0xffff  }
0x2a7: {  	v5 =	vld.idx.msk [tilespmem:v3+s13+$0x20 ss:$0x1], $0xffff;
	_ =	sdelay $0x5  }
0x2a8: {  	v4 =	vadd.f32 v5, v4  }
.Ltmp11:
0x2a9: {  	(pc) =	sbr.rel @p0 .LBB2_20-.Ltmp11, $4  }
0x2aa: {  	v4 =	vmax.f32 v4, $0.0e+00  }
0x2ab: {  	[tilespmem:s12+$0xFFFFFFF0] =	vst v4  }
0x2ac: {  	v4 =	vld.idx.msk [tilespmem:v2+s13+$0x30 ss:$0x1], $0xffff  }
0x2ad: {  	v5 =	vld.idx.msk [tilespmem:v3+s13+$0x30 ss:$0x1], $0xffff  }
0x2ae: {  	_ =	sdelay $0x3  }
0x2af: {  	v4 =	vadd.f32 v5, v4  }
0x2b0: {  	s12 =	sld [smem:$0x7FD]  }
0x2b1: {  	v4 =	vmax.f32 v4, $0.0e+00  }
0x2b2: {  	[tilespmem:s15+$0x0] =	vst v4  }
0x2b3: {  	[hbm4b:s12+s8] =	stream.linear.scatter [tilespmem:s9], [sflag:$0x2], $0x1000, $0x38;
	[tilespmem:$0x1E678] =	vst v63  }
0x2b4: {  	_ =	swait.ge [sflag:s20], $0x1000  }
0x2b5: {  	[sflag:s20] =	ssyncset.done $0x0  }
0x2b6: {  	[sflag:s20] =	ssyncadd.s32 $0xFFFFF000  }
0x2b7: {  	_ =	swait.ge [sflag:s20], $0x1000  }
0x2b8: {  	[sflag:s20] =	ssyncset.done $0x0  }
0x2b9: {  	[sflag:s20] =	ssyncadd.s32 $0xFFFFF000  }
0x2ba: {  	[bflag:$0x0] =	sbarrier.arrive $0xFFFF  }
0x2bb: {  	s13 =	simm.s32 $0xA500;
	s18 =	rddreg [dreg:$0x11]  }
0x2bc: {  	[tilespmem:s13], [sflag:$0x3] =	stream.linear.gather [hbm4b:s18+s8], $0x800, $0x38;
	[tilespmem:$0x1E678] =	vst v63  }
0x2bd: {  	s24 =	simm.s32 $0xB500;
	s23 =	rddreg [dreg:$0x15]  }
0x2be: {  	[tilespmem:s24], [sflag:$0x3] =	stream.linear.gather [hbm4b:s23+s8], $0x800, $0x38;
	[tilespmem:$0x1E678] =	vst v63  }
0x2bf: {  	_ =	swait.ge [sflag:s25], $0x800  }
0x2c0: {  	[sflag:s25] =	ssyncset.done $0x0  }
0x2c1: {  	[sflag:s25] =	ssyncadd.s32 $0xFFFFF800  }
0x2c2: {  	_ =	swait.ge [sflag:s25], $0x800  }
0x2c3: {  	[sflag:s25] =	ssyncset.done $0x0;
	s24 =	rddreg [dreg:$0x17]  }
0x2c4: {  	s23 =	simm.s32 $0x800;
	s15 =	rddreg [dreg:$0x16];
	[sflag:s25] =	ssyncadd.s32 $0xFFFFF800  }
0x2c5: {  	[tilespmem:s26], [sflag:$0x4] =	stream.indirect.gather [hbm4b:s17+s21], $0x40, s13, s21, $0xb8;
	[tilespmem:$0x1E678] =	vst v63  }
.LBB2_22:
0x2c6: {  	_ =	swait.ge [sflag:s28], $0x4000  }
0x2c7: {  	p0 =	seq.s32 s23, $0x800;
	[sflag:s28] =	ssyncset.done $0x0  }
0x2c8: {  	s13 =	simm.s32 @!p0 $0x5;
	[sflag:s28] =	ssyncadd.s32 $0xFFFFC000  }
0x2c9: {  	s12 =	sadd.s32 $0xFFFFF800, s23;
	_ =	swait.ge @!p0 [sflag:s13], $0x4000  }
0x2ca: {  	s12 =	sand.u32 $0x800, s12;
	[sflag:s13] =	ssyncset.done @!p0 $0x0  }
0x2cb: {  	s18 =	sor.u32 $0xA600, s12;
	[sflag:s13] =	ssyncadd.s32 @!p0 $0xFFFFC000  }
0x2cc: {  	[tilespmem:s29], [sflag:$0x4] =	stream.indirect.gather [hbm4b:s17+s21], $0x40, s18, s21, $0xb8;
	[tilespmem:$0x1E678] =	vst v63  }
0x2cd: {  	s16 =	sor.u32 $0xB500, s12  }
0x2ce: {  	[spmem:s6] =	stream.indirect.scatter.add.f32 [tilespmem:s26], [sflag:$0x5], $0x40, s16, s21, $0xb8;
	[tilespmem:$0x1E678] =	vst v63  }
0x2cf: {  	_ = 	snop  }
0x2d0: {  	[spmem:s7] =	stream.indirect.scatter.add.f32 [tilespmem:s4], [sflag:$0x6], $0x1, s16, s21, $0xb8;
	[tilespmem:$0x1E678] =	vst v63  }
0x2d1: {  	_ =	swait.ge [sflag:s28], $0x4000  }
0x2d2: {  	[sflag:s28] =	ssyncset.done $0x0  }
0x2d3: {  	[sflag:s28] =	ssyncadd.s32 $0xFFFFC000  }
0x2d4: {  	p0 =	seq.s32 s23, $0x5000;
	_ =	swait.ge [sflag:s30], $0x4000  }
0x2d5: {  	s13 =	sand.u32 @!p0 $0x800, s23;
	[sflag:s30] =	ssyncset.done $0x0  }
0x2d6: {  	s18 =	simm.s32 @!p0 $0x0;
	s16 =	sor.u32 @!p0 $0xA500, s13;
	[sflag:s30] =	ssyncadd.s32 $0xFFFFC000  }
0x2d7: {  	[tilespmem:s16], [sflag:$0x3] =	stream.linear.gather @!p0 [hbm4b:s24+s18], $0x800, $0x38;
	[tilespmem:$0x1E678] =	vst v63  }
0x2d8: {  	s13 =	sor.u32 @!p0 $0xB500, s13  }
0x2d9: {  	[tilespmem:s13], [sflag:$0x3] =	stream.linear.gather @!p0 [hbm4b:s15+s18], $0x800, $0x38;
	[tilespmem:$0x1E678] =	vst v63  }
0x2da: {  	s13 =	sor.u32 $0x100, s12;
	s18 =	sadd.s32 $0xA700, s12  }
0x2db: {  	[tilespmem:s26], [sflag:$0x4] =	stream.indirect.gather [hbm4b:s17+s21], $0x40, s18, s21, $0xb8;
	[tilespmem:$0x1E678] =	vst v63  }
0x2dc: {  	s13 =	sadd.s32 $0xB500, s13  }
0x2dd: {  	[spmem:s6] =	stream.indirect.scatter.add.f32 [tilespmem:s29], [sflag:$0x5], $0x40, s13, s21, $0xb8;
	[tilespmem:$0x1E678] =	vst v63  }
0x2de: {  	_ = 	snop  }
0x2df: {  	[spmem:s7] =	stream.indirect.scatter.add.f32 [tilespmem:s4], [sflag:$0x6], $0x1, s13, s21, $0xb8;
	[tilespmem:$0x1E678] =	vst v63  }
0x2e0: {  	_ =	swait.ge [sflag:s28], $0x4000  }
0x2e1: {  	[sflag:s28] =	ssyncset.done $0x0  }
0x2e2: {  	[sflag:s28] =	ssyncadd.s32 $0xFFFFC000  }
0x2e3: {  	_ =	swait.ge [sflag:s30], $0x4000  }
0x2e4: {  	[sflag:s30] =	ssyncset.done $0x0  }
0x2e5: {  	s16 =	sadd.s32 $0xA800, s12;
	[sflag:s30] =	ssyncadd.s32 $0xFFFFC000  }
0x2e6: {  	[tilespmem:s29], [sflag:$0x4] =	stream.indirect.gather [hbm4b:s17+s21], $0x40, s16, s21, $0xb8;
	[tilespmem:$0x1E678] =	vst v63  }
0x2e7: {  	s18 =	sadd.s32 $0xB700, s12  }
0x2e8: {  	[spmem:s6] =	stream.indirect.scatter.add.f32 [tilespmem:s26], [sflag:$0x5], $0x40, s18, s21, $0xb8;
	[tilespmem:$0x1E678] =	vst v63  }
0x2e9: {  	_ = 	snop  }
0x2ea: {  	[spmem:s7] =	stream.indirect.scatter.add.f32 [tilespmem:s4], [sflag:$0x6], $0x1, s18, s21, $0xb8;
	[tilespmem:$0x1E678] =	vst v63  }
0x2eb: {  	_ =	swait.ge [sflag:s28], $0x4000  }
0x2ec: {  	[sflag:s28] =	ssyncset.done $0x0  }
0x2ed: {  	[sflag:s28] =	ssyncadd.s32 $0xFFFFC000  }
0x2ee: {  	_ =	swait.ge [sflag:s30], $0x4000  }
0x2ef: {  	[sflag:s30] =	ssyncset.done $0x0  }
0x2f0: {  	s16 =	sadd.s32 $0xA900, s12;
	[sflag:s30] =	ssyncadd.s32 $0xFFFFC000  }
0x2f1: {  	[tilespmem:s26], [sflag:$0x4] =	stream.indirect.gather [hbm4b:s17+s21], $0x40, s16, s21, $0xb8;
	[tilespmem:$0x1E678] =	vst v63  }
0x2f2: {  	s18 =	sadd.s32 $0xB800, s12  }
0x2f3: {  	[spmem:s6] =	stream.indirect.scatter.add.f32 [tilespmem:s29], [sflag:$0x5], $0x40, s18, s21, $0xb8;
	[tilespmem:$0x1E678] =	vst v63  }
0x2f4: {  	_ = 	snop  }
0x2f5: {  	[spmem:s7] =	stream.indirect.scatter.add.f32 [tilespmem:s4], [sflag:$0x6], $0x1, s18, s21, $0xb8;
	[tilespmem:$0x1E678] =	vst v63  }
0x2f6: {  	_ =	swait.ge [sflag:s28], $0x4000  }
0x2f7: {  	[sflag:s28] =	ssyncset.done $0x0  }
0x2f8: {  	[sflag:s28] =	ssyncadd.s32 $0xFFFFC000  }
0x2f9: {  	_ =	swait.ge [sflag:s30], $0x4000  }
0x2fa: {  	[sflag:s30] =	ssyncset.done $0x0  }
0x2fb: {  	s16 =	sadd.s32 $0xAA00, s12;
	[sflag:s30] =	ssyncadd.s32 $0xFFFFC000  }
0x2fc: {  	[tilespmem:s29], [sflag:$0x4] =	stream.indirect.gather [hbm4b:s17+s21], $0x40, s16, s21, $0xb8;
	[tilespmem:$0x1E678] =	vst v63  }
0x2fd: {  	s18 =	sadd.s32 $0xB900, s12  }
0x2fe: {  	[spmem:s6] =	stream.indirect.scatter.add.f32 [tilespmem:s26], [sflag:$0x5], $0x40, s18, s21, $0xb8;
	[tilespmem:$0x1E678] =	vst v63  }
0x2ff: {  	_ = 	snop  }
0x300: {  	[spmem:s7] =	stream.indirect.scatter.add.f32 [tilespmem:s4], [sflag:$0x6], $0x1, s18, s21, $0xb8;
	[tilespmem:$0x1E678] =	vst v63  }
0x301: {  	_ =	swait.ge [sflag:s28], $0x4000  }
0x302: {  	[sflag:s28] =	ssyncset.done $0x0  }
0x303: {  	[sflag:s28] =	ssyncadd.s32 $0xFFFFC000  }
0x304: {  	_ =	swait.ge [sflag:s30], $0x4000  }
0x305: {  	[sflag:s30] =	ssyncset.done $0x0  }
0x306: {  	s16 =	sadd.s32 $0xAB00, s12;
	[sflag:s30] =	ssyncadd.s32 $0xFFFFC000  }
0x307: {  	[tilespmem:s26], [sflag:$0x4] =	stream.indirect.gather [hbm4b:s17+s21], $0x40, s16, s21, $0xb8;
	[tilespmem:$0x1E678] =	vst v63  }
0x308: {  	s18 =	sadd.s32 $0xBA00, s12  }
0x309: {  	[spmem:s6] =	stream.indirect.scatter.add.f32 [tilespmem:s29], [sflag:$0x5], $0x40, s18, s21, $0xb8;
	[tilespmem:$0x1E678] =	vst v63  }
0x30a: {  	_ = 	snop  }
0x30b: {  	[spmem:s7] =	stream.indirect.scatter.add.f32 [tilespmem:s4], [sflag:$0x6], $0x1, s18, s21, $0xb8;
	[tilespmem:$0x1E678] =	vst v63  }
0x30c: {  	_ =	swait.ge [sflag:s28], $0x4000  }
0x30d: {  	[sflag:s28] =	ssyncset.done $0x0  }
0x30e: {  	[sflag:s28] =	ssyncadd.s32 $0xFFFFC000  }
0x30f: {  	_ =	swait.ge [sflag:s30], $0x4000  }
0x310: {  	[sflag:s30] =	ssyncset.done $0x0  }
0x311: {  	s16 =	sadd.s32 $0xAC00, s12;
	[sflag:s30] =	ssyncadd.s32 $0xFFFFC000  }
0x312: {  	[tilespmem:s29], [sflag:$0x4] =	stream.indirect.gather [hbm4b:s17+s21], $0x40, s16, s21, $0xb8;
	[tilespmem:$0x1E678] =	vst v63  }
0x313: {  	s18 =	sadd.s32 $0xBB00, s12  }
0x314: {  	[spmem:s6] =	stream.indirect.scatter.add.f32 [tilespmem:s26], [sflag:$0x5], $0x40, s18, s21, $0xb8;
	[tilespmem:$0x1E678] =	vst v63  }
0x315: {  	_ = 	snop  }
0x316: {  	[spmem:s7] =	stream.indirect.scatter.add.f32 [tilespmem:s4], [sflag:$0x6], $0x1, s18, s21, $0xb8;
	[tilespmem:$0x1E678] =	vst v63  }
0x317: {  	p0 =	sne.s32 s23, $0x5000;
	_ =	swait.ge [sflag:s28], $0x4000  }
.Ltmp12:
0x318: {  	[sflag:s28] =	ssyncset.done $0x0;
	(pc) =	sbr.rel @!p0 .LBB2_23-.Ltmp12, $4  }
0x319: {  	[sflag:s28] =	ssyncadd.s32 $0xFFFFC000  }
0x31a: {  	_ =	swait.ge [sflag:s30], $0x4000  }
0x31b: {  	[sflag:s30] =	ssyncset.done $0x0  }
0x31c: {  	s13 =	sor.u32 $0x700, s12;
	[sflag:s30] =	ssyncadd.s32 $0xFFFFC000  }
0x31d: {  	_ =	swait.ge [sflag:s25], $0x800  }
0x31e: {  	[sflag:s25] =	ssyncset.done $0x0  }
0x31f: {  	[sflag:s25] =	ssyncadd.s32 $0xFFFFF800  }
0x320: {  	_ =	swait.ge [sflag:s25], $0x800  }
0x321: {  	s23 =	sadd.s32 $0x800, s23;
	[sflag:s25] =	ssyncset.done $0x0  }
0x322: {  	s12 =	ssub.s32 $0xAD00, s12;
	p0 =	sne.s32 s23, $0x5800;
	[sflag:s25] =	ssyncadd.s32 $0xFFFFF800  }
0x323: {  	[tilespmem:s26], [sflag:$0x4] =	stream.indirect.gather [hbm4b:s17+s21], $0x40, s12, s21, $0xb8;
	[tilespmem:$0x1E678] =	vst v63  }
.Ltmp13:
0x324: {  	_ = 	snop;
	(pc) =	sbr.rel @p0 .LBB2_22-.Ltmp13, $4  }
.Ltmp14:
0x325: {  	s18 =	sadd.s32 $0xB500, s13;
	(pc) =	sbr.rel @!p0 .LBB2_25-.Ltmp14, $4  }
0x326: {  	[spmem:s6] =	stream.indirect.scatter.add.f32 [tilespmem:s29], [sflag:$0x5], $0x40, s18, s21, $0xb8;
	[tilespmem:$0x1E678] =	vst v63  }
0x327: {  	s15 =	sadd.s32 $0x100, s15;
	s24 =	sadd.s32 $0x100, s24  }
0x328: {  	[spmem:s7] =	stream.indirect.scatter.add.f32 [tilespmem:s4], [sflag:$0x6], $0x1, s18, s21, $0xb8;
	[tilespmem:$0x1E678] =	vst v63  }
0x329: {  	_ = 	snop  }
.LBB2_26:
0x32a: {  	_ =	sfence.sel $0x180000  }
0x32b: {  	[bflag:$0x0] =	sbarrier.arrive $0xFFFF  }
0x32c: {  	_ =	strace $0x90000047  }
0x32d: {  	s0 =	stileid.u32;
	[bflag:$0x2] =	sbarrier.arrive $0xFFFF  }
0x32e: {  	p0 =	sne.s32 s0, $0x0;
	s0 =	rddreg [dreg:$0xa]  }
0x32f: {  	s0 =	sadd.s32 @!p0 $0x100000, s0  }
0x330: {  	[sflag:s0] =	ssyncadd.tile.s32 @!p0 $0x1;
	_ =	shalt  }
.Lfunc_end2:
_tile_overlayer_lowered:
.L_overlay_start_2:
0x331: {  	(tag) =	ssettag $0x2  }
0x332: {  	s0 =	rddreg [dreg:$0x0];
	s2 =	stileid.u32  }
0x333: {  	s1 =	rddreg [dreg:$0x1];
	p0 =	sne.s32 s2, $0x0  }
0x334: {  	s3 =	rddreg [dreg:$0x2];
	[bflag:$0x3] =	sbarrier.arrive $0xFFFF;
	s2 =	simm.s32 @!p0 $0x1C07  }
0x335: {  	[timem:s3], [sflag:s2] =	dma.local @!p0 [hbm:s0], s1  }
0x336: {  	s0 =	simm.s32 @!p0 $0x7  }
0x337: {  	_ =	swait.ge @!p0 [sflag:s0], s1  }
0x338: {  	s1 =	ssub.s32 @!p0 $0x0, s1;
	[sflag:s0] =	ssyncset.done @!p0 $0x0  }
0x339: {  	[sflag:s0] =	ssyncadd.s32 @!p0 s1  }
0x33a: {  	[bflag:$0x3] =	sbarrier.arrive $0xFFFF  }
0x33b: {  	_ =	shalt  }

</sc_bundles>
